<compile_context>
chip_gen: v7x
topology: tpu7x:2x2x1
jax: 0.10.2.dev20260603
libtpu: 0.0.44.dev20260713+nightly
codegen_flags: <defaults>
</compile_context>

<pallas_src>
import functools

import jax
import jax.numpy as jnp
from jax import lax
from jax.experimental import pallas as pl
from jax.experimental.pallas import tpu as pltpu
from jax.experimental.pallas import tpu_sc as plsc

N_CORES = 2
N_SUBCORES = 16
NW = N_CORES * N_SUBCORES
LANES = 16
BATCH = 16384
EMB_D = 32
RPW = BATCH // NW
CHUNK = 128
NCH = RPW // CHUNK
MARGIN = 0.5
ALPHA = 0.1
GROUPS = RPW // LANES
NB = BATCH // CHUNK


def _sc_loss_body(user_emb, item_emb, un4, pn4, nn4,
                  uid_hbm, pid_hbm, nid_hbm, out_hbm,
                  uidx_v, pidx_v, nidx_v,
                  u_v, p_v, n_v, un_v, pn_v, nn_v, out_v, sem):
    w = lax.axis_index("s") * N_CORES + lax.axis_index("c")

    pltpu.sync_copy(uid_hbm.at[w], uidx_v)
    pltpu.sync_copy(pid_hbm.at[w], pidx_v)
    pltpu.sync_copy(nid_hbm.at[w], nidx_v)

    cblocks = RPW // CHUNK
    copies = []
    for j in range(NCH):
        sl = pl.ds(j * CHUNK, CHUNK)
        copies.append(pltpu.async_copy(user_emb.at[uidx_v.at[j]], u_v.at[sl], sem))
        copies.append(pltpu.async_copy(item_emb.at[pidx_v.at[j]], p_v.at[sl], sem))
        copies.append(pltpu.async_copy(item_emb.at[nidx_v.at[j]], n_v.at[sl], sem))
    nsl = pl.ds(w * cblocks, cblocks)
    copies.append(pltpu.async_copy(un4.at[:, nsl], un_v, sem))
    copies.append(pltpu.async_copy(pn4.at[:, nsl], pn_v, sem))
    copies.append(pltpu.async_copy(nn4.at[:, nsl], nn_v, sem))
    for c in copies:
        c.wait()

    iota = lax.iota(jnp.int32, LANES)
    zero = jnp.zeros((LANES,), jnp.float32)
    gpb = CHUNK // LANES

    def group(g, carry):
        hingeacc, regacc, pdacc = carry
        row = g * LANES + iota
        cb = g // gpb
        c0 = (g % gpb) * LANES
        hacc = zero
        for d in range(EMB_D):
            dr, dc = d // 8, d % 8
            col = jnp.full((LANES,), d, jnp.int32)
            u = plsc.load_gather(u_v, [row, col])
            p = plsc.load_gather(p_v, [row, col])
            n = plsc.load_gather(n_v, [row, col])
            un = un_v[dr, cb, dc, pl.ds(c0, LANES)]
            pn = pn_v[dr, cb, dc, pl.ds(c0, LANES)]
            nn = nn_v[dr, cb, dc, pl.ds(c0, LANES)]
            dp = u + pn * un - p
            dn = u + nn * un - n
            dp2 = dp * dp
            hacc = hacc + dp2 - dn * dn
            pdacc = pdacc + dp2
            du = u - un
            regacc = regacc + du * du
            dpp = p - pn
            regacc = regacc + dpp * dpp
            dnn = n - nn
            regacc = regacc + dnn * dnn
        hingeacc = hingeacc + jnp.maximum(hacc + MARGIN, 0.0)
        return hingeacc, regacc, pdacc

    hingeacc, regacc, pdacc = lax.fori_loop(0, GROUPS, group, (zero, zero, zero))
    out_v[...] = hingeacc + ALPHA * (regacc + pdacc)
    pltpu.sync_copy(out_v, out_hbm.at[w])


@functools.partial(
    pl.kernel,
    out_type=jax.ShapeDtypeStruct((NW, LANES), jnp.float32),
    mesh=plsc.VectorSubcoreMesh(core_axis_name="c", subcore_axis_name="s"),
    scratch_types=[
        pltpu.VMEM((NCH, CHUNK), jnp.int32),
        pltpu.VMEM((NCH, CHUNK), jnp.int32),
        pltpu.VMEM((NCH, CHUNK), jnp.int32),
        pltpu.VMEM((RPW, EMB_D), jnp.float32),
        pltpu.VMEM((RPW, EMB_D), jnp.float32),
        pltpu.VMEM((RPW, EMB_D), jnp.float32),
        pltpu.VMEM((4, RPW // CHUNK, 8, CHUNK), jnp.float32),
        pltpu.VMEM((4, RPW // CHUNK, 8, CHUNK), jnp.float32),
        pltpu.VMEM((4, RPW // CHUNK, 8, CHUNK), jnp.float32),
        pltpu.VMEM((LANES,), jnp.float32),
        pltpu.SemaphoreType.DMA,
    ],
    compiler_params=pltpu.CompilerParams(
        needs_layout_passes=False, use_tc_tiling_on_sc=False),
)
def _sc_loss(user_emb, item_emb, un4, pn4, nn4,
             uid_hbm, pid_hbm, nid_hbm, out_hbm, *scratch):
    _sc_loss_body(user_emb, item_emb, un4, pn4, nn4,
                  uid_hbm, pid_hbm, nid_hbm, out_hbm, *scratch)


def kernel(user_embeddings, item_embeddings, user_neighbors, pos_neighbors,
           neg_neighbors, user_ids, pos_ids, neg_ids):
    un4 = user_neighbors.T.reshape(4, 8, NB, CHUNK).transpose(0, 2, 1, 3)
    pn4 = pos_neighbors.T.reshape(4, 8, NB, CHUNK).transpose(0, 2, 1, 3)
    nn4 = neg_neighbors.T.reshape(4, 8, NB, CHUNK).transpose(0, 2, 1, 3)
    uid3 = user_ids.astype(jnp.int32).reshape(NW, NCH, CHUNK)
    pid3 = pos_ids.astype(jnp.int32).reshape(NW, NCH, CHUNK)
    nid3 = neg_ids.astype(jnp.int32).reshape(NW, NCH, CHUNK)
    partials = _sc_loss(user_embeddings, item_embeddings, un4, pn4, nn4,
                        uid3, pid3, nid3)
    return jnp.sum(partials)

# --- scband reference (transcript-rebuilt; emitter-appended) ---
"""Pipeline reference for scband-trans-cf-87969520157218 (READ-ONLY COPY).

The authoritative reference and input builder live on the scoring server;
editing this copy changes nothing except your own understanding.
"""

import jax, jax.numpy as jnp
import numpy as np

N_USERS = 1000000
N_ITEMS = 1000000
EMBED_DIM = 32
BATCH = 16384
ALPHA_REG_NBR = 0.1
ALPHA_REG_DIST = 0.1
MARGIN = 0.5


def setup_inputs(seed: int = 0) -> dict:
    key = jax.random.key(seed)
    ks = [jax.random.fold_in(key, i) for i in range(8)]
    user_ids = jax.random.randint(ks[0], (BATCH,), 0, N_USERS, dtype=jnp.int64 if jax.config.jax_enable_x64 else jnp.int32)
    pos_ids = jax.random.randint(ks[1], (BATCH,), 0, N_ITEMS, dtype=jnp.int64 if jax.config.jax_enable_x64 else jnp.int32)
    neg_ids = jax.random.randint(ks[2], (BATCH,), 0, N_ITEMS, dtype=jnp.int64 if jax.config.jax_enable_x64 else jnp.int32)
    user_neighbors = jax.random.normal(ks[3], (BATCH, EMBED_DIM), dtype=jnp.float32)
    pos_neighbors = jax.random.normal(ks[4], (BATCH, EMBED_DIM), dtype=jnp.float32)
    neg_neighbors = jax.random.normal(ks[5], (BATCH, EMBED_DIM), dtype=jnp.float32)
    user_embeddings = jax.random.normal(ks[6], (N_USERS, EMBED_DIM), dtype=jnp.float32) * 0.05
    item_embeddings = jax.random.normal(ks[7], (N_ITEMS, EMBED_DIM), dtype=jnp.float32) * 0.05
    return {
        'user_embeddings': user_embeddings,
        'item_embeddings': item_embeddings,
        'user_neighbors': user_neighbors,
        'pos_neighbors': pos_neighbors,
        'neg_neighbors': neg_neighbors,
        'user_ids': user_ids,
        'pos_ids': pos_ids,
        'neg_ids': neg_ids,
    }


def reference(user_embeddings, item_embeddings, user_neighbors, pos_neighbors, neg_neighbors, user_ids, pos_ids, neg_ids):
    # embedding lookups (gather)
    u_vectors = jnp.take(user_embeddings, user_ids, axis=0)
    p_vectors = jnp.take(item_embeddings, pos_ids, axis=0)
    n_vectors = jnp.take(item_embeddings, neg_ids, axis=0)

    # _create_inference: translation relations
    pos_relations = pos_neighbors * user_neighbors
    neg_relations = neg_neighbors * user_neighbors

    # _pos_distances / _neg_distances
    pos_distances = jnp.sum(jnp.square(u_vectors + pos_relations - p_vectors), axis=1)
    neg_distances = jnp.sum(jnp.square(u_vectors + neg_relations - n_vectors), axis=1)

    # base metric-learning hinge loss
    hinge = jnp.sum(jnp.maximum(MARGIN + pos_distances - neg_distances, 0.0))

    # _neighbor_regularization
    user_nbr_reg = jnp.sum(jnp.square(u_vectors - user_neighbors), axis=1)
    item_nbr_reg = jnp.sum(jnp.square(p_vectors - pos_neighbors), axis=1) + jnp.sum(jnp.square(n_vectors - neg_neighbors), axis=1)
    reg_nbr = ALPHA_REG_NBR * jnp.sum(user_nbr_reg + item_nbr_reg)

    # _dist_regularization
    reg_dist = ALPHA_REG_DIST * jnp.sum(pos_distances)

    loss = hinge + reg_nbr + reg_dist
    return loss

if __name__ == "__main__":
    import jax
    _d = setup_inputs()
    print(jax.jit(kernel)(*tuple(_d.values())))

</pallas_src>

<mosaic_0001>
#map = affine_map<(d0, d1) -> (0, 0)>
#map1 = affine_map<(d0, d1) -> (0, 0, 0, 0)>
#map2 = affine_map<(d0, d1) -> (0, 0, 0)>
module attributes {stable_mosaic.version = 14 : i64} {
  func.func @_sc_loss(%arg0: i32, %arg1: i32, %arg2: memref<1000000x32xf32, #tpu.memory_space<hbm>>, %arg3: memref<1000000x32xf32, #tpu.memory_space<hbm>>, %arg4: memref<4x128x8x128xf32, #tpu.memory_space<hbm>>, %arg5: memref<4x128x8x128xf32, #tpu.memory_space<hbm>>, %arg6: memref<4x128x8x128xf32, #tpu.memory_space<hbm>>, %arg7: memref<32x4x128xi32, #tpu.memory_space<hbm>>, %arg8: memref<32x4x128xi32, #tpu.memory_space<hbm>>, %arg9: memref<32x4x128xi32, #tpu.memory_space<hbm>>, %arg10: memref<32x16xf32, #tpu.memory_space<hbm>>, %arg11: memref<4x128xi32, #tpu.memory_space<vmem>>, %arg12: memref<4x128xi32, #tpu.memory_space<vmem>>, %arg13: memref<4x128xi32, #tpu.memory_space<vmem>>, %arg14: memref<512x32xf32, #tpu.memory_space<vmem>>, %arg15: memref<512x32xf32, #tpu.memory_space<vmem>>, %arg16: memref<512x32xf32, #tpu.memory_space<vmem>>, %arg17: memref<4x4x8x128xf32, #tpu.memory_space<vmem>>, %arg18: memref<4x4x8x128xf32, #tpu.memory_space<vmem>>, %arg19: memref<4x4x8x128xf32, #tpu.memory_space<vmem>>, %arg20: memref<16xf32, #tpu.memory_space<vmem>>, %arg21: memref<!tpu.dma_semaphore, #tpu.memory_space<semaphore_mem>>) attributes {dimension_semantics = [#tpu.dimension_semantics<core_parallel>, #tpu.dimension_semantics<subcore_parallel>], iteration_bounds = array<i64: 2, 16>, scalar_prefetch = 0 : i64, scratch_operands = 11 : i64, tpu.core_type = #tpu.core_type<sc_vector_subcore>, window_params = [{transform_indices = #map}, {transform_indices = #map}, {transform_indices = #map1}, {transform_indices = #map1}, {transform_indices = #map1}, {transform_indices = #map2}, {transform_indices = #map2}, {transform_indices = #map2}, {transform_indices = #map}]} {
    %mul3A = arith.constant 2 : i32
    %mul3A_0 = arith.muli %arg1, %mul3A : i32
    %add3A = arith.addi %mul3A_0, %arg0 : i32
    "tpu.region"() ({
      %run_scoped3A = tpu.sem_alloc : memref<!tpu.dma_semaphore, #tpu.memory_space<semaphore_mem>>
      %dma_start3A_301 = arith.constant 0 : i32
      %dma_start3A_302 = arith.constant 0 : i32
      %dma_start3A_303 = tpu.memref_slice %arg7[%add3A, %dma_start3A_301, %dma_start3A_302] : memref<32x4x128xi32, #tpu.memory_space<hbm>> -> memref<1x4x128xi32, #tpu.memory_space<hbm>>
      %dma_start3A_304 = tpu.memref_squeeze %dma_start3A_303 : memref<1x4x128xi32, #tpu.memory_space<hbm>> -> memref<4x128xi32, #tpu.memory_space<hbm>>
      %dma_start3A_305 = arith.constant 0 : i32
      %dma_start3A_306 = arith.constant 0 : i32
      %dma_start3A_307 = tpu.memref_slice %arg7[%add3A, %dma_start3A_305, %dma_start3A_306] : memref<32x4x128xi32, #tpu.memory_space<hbm>> -> memref<1x4x128xi32, #tpu.memory_space<hbm>>
      %dma_start3A_308 = tpu.memref_squeeze %dma_start3A_307 : memref<1x4x128xi32, #tpu.memory_space<hbm>> -> memref<4x128xi32, #tpu.memory_space<hbm>>
      tpu.enqueue_dma source(%dma_start3A_308 : memref<4x128xi32, #tpu.memory_space<hbm>>) target(%arg11 : memref<4x128xi32, #tpu.memory_space<vmem>>) target_semaphore(%run_scoped3A : memref<!tpu.dma_semaphore, #tpu.memory_space<semaphore_mem>>)
      %dma_wait3A_309 = arith.constant 0 : i32
      %dma_wait3A_310 = arith.constant 0 : i32
      %dma_wait3A_311 = tpu.memref_slice %arg7[%add3A, %dma_wait3A_309, %dma_wait3A_310] : memref<32x4x128xi32, #tpu.memory_space<hbm>> -> memref<1x4x128xi32, #tpu.memory_space<hbm>>
      %dma_wait3A_312 = tpu.memref_squeeze %dma_wait3A_311 : memref<1x4x128xi32, #tpu.memory_space<hbm>> -> memref<4x128xi32, #tpu.memory_space<hbm>>
      %dma_wait3A_313 = arith.constant 0 : i32
      %dma_wait3A_314 = arith.constant 0 : i32
      %dma_wait3A_315 = tpu.memref_slice %arg7[%add3A, %dma_wait3A_313, %dma_wait3A_314] : memref<32x4x128xi32, #tpu.memory_space<hbm>> -> memref<1x4x128xi32, #tpu.memory_space<hbm>>
      %dma_wait3A_316 = tpu.memref_squeeze %dma_wait3A_315 : memref<1x4x128xi32, #tpu.memory_space<hbm>> -> memref<4x128xi32, #tpu.memory_space<hbm>>
      tpu.wait_dma2 semaphore(%run_scoped3A : memref<!tpu.dma_semaphore, #tpu.memory_space<semaphore_mem>>) src(%dma_wait3A_316 : memref<4x128xi32, #tpu.memory_space<hbm>>) dst(%arg11 : memref<4x128xi32, #tpu.memory_space<vmem>>)
      tpu.yield
    }) : () -> ()
    "tpu.region"() ({
      %run_scoped3A = tpu.sem_alloc : memref<!tpu.dma_semaphore, #tpu.memory_space<semaphore_mem>>
      %dma_start3A_301 = arith.constant 0 : i32
      %dma_start3A_302 = arith.constant 0 : i32
      %dma_start3A_303 = tpu.memref_slice %arg8[%add3A, %dma_start3A_301, %dma_start3A_302] : memref<32x4x128xi32, #tpu.memory_space<hbm>> -> memref<1x4x128xi32, #tpu.memory_space<hbm>>
      %dma_start3A_304 = tpu.memref_squeeze %dma_start3A_303 : memref<1x4x128xi32, #tpu.memory_space<hbm>> -> memref<4x128xi32, #tpu.memory_space<hbm>>
      %dma_start3A_305 = arith.constant 0 : i32
      %dma_start3A_306 = arith.constant 0 : i32
      %dma_start3A_307 = tpu.memref_slice %arg8[%add3A, %dma_start3A_305, %dma_start3A_306] : memref<32x4x128xi32, #tpu.memory_space<hbm>> -> memref<1x4x128xi32, #tpu.memory_space<hbm>>
      %dma_start3A_308 = tpu.memref_squeeze %dma_start3A_307 : memref<1x4x128xi32, #tpu.memory_space<hbm>> -> memref<4x128xi32, #tpu.memory_space<hbm>>
      tpu.enqueue_dma source(%dma_start3A_308 : memref<4x128xi32, #tpu.memory_space<hbm>>) target(%arg12 : memref<4x128xi32, #tpu.memory_space<vmem>>) target_semaphore(%run_scoped3A : memref<!tpu.dma_semaphore, #tpu.memory_space<semaphore_mem>>)
      %dma_wait3A_309 = arith.constant 0 : i32
      %dma_wait3A_310 = arith.constant 0 : i32
      %dma_wait3A_311 = tpu.memref_slice %arg8[%add3A, %dma_wait3A_309, %dma_wait3A_310] : memref<32x4x128xi32, #tpu.memory_space<hbm>> -> memref<1x4x128xi32, #tpu.memory_space<hbm>>
      %dma_wait3A_312 = tpu.memref_squeeze %dma_wait3A_311 : memref<1x4x128xi32, #tpu.memory_space<hbm>> -> memref<4x128xi32, #tpu.memory_space<hbm>>
      %dma_wait3A_313 = arith.constant 0 : i32
      %dma_wait3A_314 = arith.constant 0 : i32
      %dma_wait3A_315 = tpu.memref_slice %arg8[%add3A, %dma_wait3A_313, %dma_wait3A_314] : memref<32x4x128xi32, #tpu.memory_space<hbm>> -> memref<1x4x128xi32, #tpu.memory_space<hbm>>
      %dma_wait3A_316 = tpu.memref_squeeze %dma_wait3A_315 : memref<1x4x128xi32, #tpu.memory_space<hbm>> -> memref<4x128xi32, #tpu.memory_space<hbm>>
      tpu.wait_dma2 semaphore(%run_scoped3A : memref<!tpu.dma_semaphore, #tpu.memory_space<semaphore_mem>>) src(%dma_wait3A_316 : memref<4x128xi32, #tpu.memory_space<hbm>>) dst(%arg12 : memref<4x128xi32, #tpu.memory_space<vmem>>)
      tpu.yield
    }) : () -> ()
    "tpu.region"() ({
      %run_scoped3A = tpu.sem_alloc : memref<!tpu.dma_semaphore, #tpu.memory_space<semaphore_mem>>
      %dma_start3A_301 = arith.constant 0 : i32
      %dma_start3A_302 = arith.constant 0 : i32
      %dma_start3A_303 = tpu.memref_slice %arg9[%add3A, %dma_start3A_301, %dma_start3A_302] : memref<32x4x128xi32, #tpu.memory_space<hbm>> -> memref<1x4x128xi32, #tpu.memory_space<hbm>>
      %dma_start3A_304 = tpu.memref_squeeze %dma_start3A_303 : memref<1x4x128xi32, #tpu.memory_space<hbm>> -> memref<4x128xi32, #tpu.memory_space<hbm>>
      %dma_start3A_305 = arith.constant 0 : i32
      %dma_start3A_306 = arith.constant 0 : i32
      %dma_start3A_307 = tpu.memref_slice %arg9[%add3A, %dma_start3A_305, %dma_start3A_306] : memref<32x4x128xi32, #tpu.memory_space<hbm>> -> memref<1x4x128xi32, #tpu.memory_space<hbm>>
      %dma_start3A_308 = tpu.memref_squeeze %dma_start3A_307 : memref<1x4x128xi32, #tpu.memory_space<hbm>> -> memref<4x128xi32, #tpu.memory_space<hbm>>
      tpu.enqueue_dma source(%dma_start3A_308 : memref<4x128xi32, #tpu.memory_space<hbm>>) target(%arg13 : memref<4x128xi32, #tpu.memory_space<vmem>>) target_semaphore(%run_scoped3A : memref<!tpu.dma_semaphore, #tpu.memory_space<semaphore_mem>>)
      %dma_wait3A_309 = arith.constant 0 : i32
      %dma_wait3A_310 = arith.constant 0 : i32
      %dma_wait3A_311 = tpu.memref_slice %arg9[%add3A, %dma_wait3A_309, %dma_wait3A_310] : memref<32x4x128xi32, #tpu.memory_space<hbm>> -> memref<1x4x128xi32, #tpu.memory_space<hbm>>
      %dma_wait3A_312 = tpu.memref_squeeze %dma_wait3A_311 : memref<1x4x128xi32, #tpu.memory_space<hbm>> -> memref<4x128xi32, #tpu.memory_space<hbm>>
      %dma_wait3A_313 = arith.constant 0 : i32
      %dma_wait3A_314 = arith.constant 0 : i32
      %dma_wait3A_315 = tpu.memref_slice %arg9[%add3A, %dma_wait3A_313, %dma_wait3A_314] : memref<32x4x128xi32, #tpu.memory_space<hbm>> -> memref<1x4x128xi32, #tpu.memory_space<hbm>>
      %dma_wait3A_316 = tpu.memref_squeeze %dma_wait3A_315 : memref<1x4x128xi32, #tpu.memory_space<hbm>> -> memref<4x128xi32, #tpu.memory_space<hbm>>
      tpu.wait_dma2 semaphore(%run_scoped3A : memref<!tpu.dma_semaphore, #tpu.memory_space<semaphore_mem>>) src(%dma_wait3A_316 : memref<4x128xi32, #tpu.memory_space<hbm>>) dst(%arg13 : memref<4x128xi32, #tpu.memory_space<vmem>>)
      tpu.yield
    }) : () -> ()
    %dma_start3A = arith.constant 0 : i32
    %dma_start3A_1 = arith.constant 0 : i32
    %dma_start3A_2 = arith.constant 0 : i32
    %dma_start3A_3 = tpu.memref_slice %arg14[%dma_start3A_1, %dma_start3A_2] : memref<512x32xf32, #tpu.memory_space<vmem>> -> memref<128x32xf32, #tpu.memory_space<vmem>>
    %dma_start3A_4 = arith.constant 0 : i32
    %dma_start3A_5 = tpu.memref_slice %arg11[%dma_start3A, %dma_start3A_4] : memref<4x128xi32, #tpu.memory_space<vmem>> -> memref<1x128xi32, #tpu.memory_space<vmem>>
    %dma_start3A_6 = tpu.memref_squeeze %dma_start3A_5 : memref<1x128xi32, #tpu.memory_space<vmem>> -> memref<128xi32, #tpu.memory_space<vmem>>
    %dma_start3A_7 = arith.constant 0 : i32
    %dma_start3A_8 = arith.constant 0 : i32
    %dma_start3A_9 = tpu.memref_slice %arg2[%dma_start3A_7, %dma_start3A_8] : memref<1000000x32xf32, #tpu.memory_space<hbm>> -> memref<1000000x32xf32, #tpu.memory_space<hbm>>
    tpu.enqueue_indirect_dma source(%dma_start3A_9 : memref<1000000x32xf32, #tpu.memory_space<hbm>>) target(%dma_start3A_3 : memref<128x32xf32, #tpu.memory_space<vmem>>) offsets(%dma_start3A_6 : memref<128xi32, #tpu.memory_space<vmem>>) semaphore(%arg21 : memref<!tpu.dma_semaphore, #tpu.memory_space<semaphore_mem>>)
    %dma_start3A_10 = arith.constant 0 : i32
    %dma_start3A_11 = arith.constant 0 : i32
    %dma_start3A_12 = arith.constant 0 : i32
    %dma_start3A_13 = tpu.memref_slice %arg15[%dma_start3A_11, %dma_start3A_12] : memref<512x32xf32, #tpu.memory_space<vmem>> -> memref<128x32xf32, #tpu.memory_space<vmem>>
    %dma_start3A_14 = arith.constant 0 : i32
    %dma_start3A_15 = tpu.memref_slice %arg12[%dma_start3A_10, %dma_start3A_14] : memref<4x128xi32, #tpu.memory_space<vmem>> -> memref<1x128xi32, #tpu.memory_space<vmem>>
    %dma_start3A_16 = tpu.memref_squeeze %dma_start3A_15 : memref<1x128xi32, #tpu.memory_space<vmem>> -> memref<128xi32, #tpu.memory_space<vmem>>
    %dma_start3A_17 = arith.constant 0 : i32
    %dma_start3A_18 = arith.constant 0 : i32
    %dma_start3A_19 = tpu.memref_slice %arg3[%dma_start3A_17, %dma_start3A_18] : memref<1000000x32xf32, #tpu.memory_space<hbm>> -> memref<1000000x32xf32, #tpu.memory_space<hbm>>
    tpu.enqueue_indirect_dma source(%dma_start3A_19 : memref<1000000x32xf32, #tpu.memory_space<hbm>>) target(%dma_start3A_13 : memref<128x32xf32, #tpu.memory_space<vmem>>) offsets(%dma_start3A_16 : memref<128xi32, #tpu.memory_space<vmem>>) semaphore(%arg21 : memref<!tpu.dma_semaphore, #tpu.memory_space<semaphore_mem>>)
    %dma_start3A_20 = arith.constant 0 : i32
    %dma_start3A_21 = arith.constant 0 : i32
    %dma_start3A_22 = arith.constant 0 : i32
    %dma_start3A_23 = tpu.memref_slice %arg16[%dma_start3A_21, %dma_start3A_22] : memref<512x32xf32, #tpu.memory_space<vmem>> -> memref<128x32xf32, #tpu.memory_space<vmem>>
    %dma_start3A_24 = arith.constant 0 : i32
    %dma_start3A_25 = tpu.memref_slice %arg13[%dma_start3A_20, %dma_start3A_24] : memref<4x128xi32, #tpu.memory_space<vmem>> -> memref<1x128xi32, #tpu.memory_space<vmem>>
    %dma_start3A_26 = tpu.memref_squeeze %dma_start3A_25 : memref<1x128xi32, #tpu.memory_space<vmem>> -> memref<128xi32, #tpu.memory_space<vmem>>
    %dma_start3A_27 = arith.constant 0 : i32
    %dma_start3A_28 = arith.constant 0 : i32
    %dma_start3A_29 = tpu.memref_slice %arg3[%dma_start3A_27, %dma_start3A_28] : memref<1000000x32xf32, #tpu.memory_space<hbm>> -> memref<1000000x32xf32, #tpu.memory_space<hbm>>
    tpu.enqueue_indirect_dma source(%dma_start3A_29 : memref<1000000x32xf32, #tpu.memory_space<hbm>>) target(%dma_start3A_23 : memref<128x32xf32, #tpu.memory_space<vmem>>) offsets(%dma_start3A_26 : memref<128xi32, #tpu.memory_space<vmem>>) semaphore(%arg21 : memref<!tpu.dma_semaphore, #tpu.memory_space<semaphore_mem>>)
    %dma_start3A_30 = arith.constant 1 : i32
    %dma_start3A_31 = arith.constant 128 : i32
    %dma_start3A_32 = arith.constant 0 : i32
    %dma_start3A_33 = tpu.memref_slice %arg14[%dma_start3A_31, %dma_start3A_32] : memref<512x32xf32, #tpu.memory_space<vmem>> -> memref<128x32xf32, #tpu.memory_space<vmem>>
    %dma_start3A_34 = arith.constant 0 : i32
    %dma_start3A_35 = tpu.memref_slice %arg11[%dma_start3A_30, %dma_start3A_34] : memref<4x128xi32, #tpu.memory_space<vmem>> -> memref<1x128xi32, #tpu.memory_space<vmem>>
    %dma_start3A_36 = tpu.memref_squeeze %dma_start3A_35 : memref<1x128xi32, #tpu.memory_space<vmem>> -> memref<128xi32, #tpu.memory_space<vmem>>
    %dma_start3A_37 = arith.constant 0 : i32
    %dma_start3A_38 = arith.constant 0 : i32
    %dma_start3A_39 = tpu.memref_slice %arg2[%dma_start3A_37, %dma_start3A_38] : memref<1000000x32xf32, #tpu.memory_space<hbm>> -> memref<1000000x32xf32, #tpu.memory_space<hbm>>
    tpu.enqueue_indirect_dma source(%dma_start3A_39 : memref<1000000x32xf32, #tpu.memory_space<hbm>>) target(%dma_start3A_33 : memref<128x32xf32, #tpu.memory_space<vmem>>) offsets(%dma_start3A_36 : memref<128xi32, #tpu.memory_space<vmem>>) semaphore(%arg21 : memref<!tpu.dma_semaphore, #tpu.memory_space<semaphore_mem>>)
    %dma_start3A_40 = arith.constant 1 : i32
    %dma_start3A_41 = arith.constant 128 : i32
    %dma_start3A_42 = arith.constant 0 : i32
    %dma_start3A_43 = tpu.memref_slice %arg15[%dma_start3A_41, %dma_start3A_42] : memref<512x32xf32, #tpu.memory_space<vmem>> -> memref<128x32xf32, #tpu.memory_space<vmem>>
    %dma_start3A_44 = arith.constant 0 : i32
    %dma_start3A_45 = tpu.memref_slice %arg12[%dma_start3A_40, %dma_start3A_44] : memref<4x128xi32, #tpu.memory_space<vmem>> -> memref<1x128xi32, #tpu.memory_space<vmem>>
    %dma_start3A_46 = tpu.memref_squeeze %dma_start3A_45 : memref<1x128xi32, #tpu.memory_space<vmem>> -> memref<128xi32, #tpu.memory_space<vmem>>
    %dma_start3A_47 = arith.constant 0 : i32
    %dma_start3A_48 = arith.constant 0 : i32
    %dma_start3A_49 = tpu.memref_slice %arg3[%dma_start3A_47, %dma_start3A_48] : memref<1000000x32xf32, #tpu.memory_space<hbm>> -> memref<1000000x32xf32, #tpu.memory_space<hbm>>
    tpu.enqueue_indirect_dma source(%dma_start3A_49 : memref<1000000x32xf32, #tpu.memory_space<hbm>>) target(%dma_start3A_43 : memref<128x32xf32, #tpu.memory_space<vmem>>) offsets(%dma_start3A_46 : memref<128xi32, #tpu.memory_space<vmem>>) semaphore(%arg21 : memref<!tpu.dma_semaphore, #tpu.memory_space<semaphore_mem>>)
    %dma_start3A_50 = arith.constant 1 : i32
    %dma_start3A_51 = arith.constant 128 : i32
    %dma_start3A_52 = arith.constant 0 : i32
    %dma_start3A_53 = tpu.memref_slice %arg16[%dma_start3A_51, %dma_start3A_52] : memref<512x32xf32, #tpu.memory_space<vmem>> -> memref<128x32xf32, #tpu.memory_space<vmem>>
    %dma_start3A_54 = arith.constant 0 : i32
    %dma_start3A_55 = tpu.memref_slice %arg13[%dma_start3A_50, %dma_start3A_54] : memref<4x128xi32, #tpu.memory_space<vmem>> -> memref<1x128xi32, #tpu.memory_space<vmem>>
    %dma_start3A_56 = tpu.memref_squeeze %dma_start3A_55 : memref<1x128xi32, #tpu.memory_space<vmem>> -> memref<128xi32, #tpu.memory_space<vmem>>
    %dma_start3A_57 = arith.constant 0 : i32
    %dma_start3A_58 = arith.constant 0 : i32
    %dma_start3A_59 = tpu.memref_slice %arg3[%dma_start3A_57, %dma_start3A_58] : memref<1000000x32xf32, #tpu.memory_space<hbm>> -> memref<1000000x32xf32, #tpu.memory_space<hbm>>
    tpu.enqueue_indirect_dma source(%dma_start3A_59 : memref<1000000x32xf32, #tpu.memory_space<hbm>>) target(%dma_start3A_53 : memref<128x32xf32, #tpu.memory_space<vmem>>) offsets(%dma_start3A_56 : memref<128xi32, #tpu.memory_space<vmem>>) semaphore(%arg21 : memref<!tpu.dma_semaphore, #tpu.memory_space<semaphore_mem>>)
    %dma_start3A_60 = arith.constant 2 : i32
    %dma_start3A_61 = arith.constant 256 : i32
    %dma_start3A_62 = arith.constant 0 : i32
    %dma_start3A_63 = tpu.memref_slice %arg14[%dma_start3A_61, %dma_start3A_62] : memref<512x32xf32, #tpu.memory_space<vmem>> -> memref<128x32xf32, #tpu.memory_space<vmem>>
    %dma_start3A_64 = arith.constant 0 : i32
    %dma_start3A_65 = tpu.memref_slice %arg11[%dma_start3A_60, %dma_start3A_64] : memref<4x128xi32, #tpu.memory_space<vmem>> -> memref<1x128xi32, #tpu.memory_space<vmem>>
    %dma_start3A_66 = tpu.memref_squeeze %dma_start3A_65 : memref<1x128xi32, #tpu.memory_space<vmem>> -> memref<128xi32, #tpu.memory_space<vmem>>
    %dma_start3A_67 = arith.constant 0 : i32
    %dma_start3A_68 = arith.constant 0 : i32
    %dma_start3A_69 = tpu.memref_slice %arg2[%dma_start3A_67, %dma_start3A_68] : memref<1000000x32xf32, #tpu.memory_space<hbm>> -> memref<1000000x32xf32, #tpu.memory_space<hbm>>
    tpu.enqueue_indirect_dma source(%dma_start3A_69 : memref<1000000x32xf32, #tpu.memory_space<hbm>>) target(%dma_start3A_63 : memref<128x32xf32, #tpu.memory_space<vmem>>) offsets(%dma_start3A_66 : memref<128xi32, #tpu.memory_space<vmem>>) semaphore(%arg21 : memref<!tpu.dma_semaphore, #tpu.memory_space<semaphore_mem>>)
    %dma_start3A_70 = arith.constant 2 : i32
    %dma_start3A_71 = arith.constant 256 : i32
    %dma_start3A_72 = arith.constant 0 : i32
    %dma_start3A_73 = tpu.memref_slice %arg15[%dma_start3A_71, %dma_start3A_72] : memref<512x32xf32, #tpu.memory_space<vmem>> -> memref<128x32xf32, #tpu.memory_space<vmem>>
    %dma_start3A_74 = arith.constant 0 : i32
    %dma_start3A_75 = tpu.memref_slice %arg12[%dma_start3A_70, %dma_start3A_74] : memref<4x128xi32, #tpu.memory_space<vmem>> -> memref<1x128xi32, #tpu.memory_space<vmem>>
    %dma_start3A_76 = tpu.memref_squeeze %dma_start3A_75 : memref<1x128xi32, #tpu.memory_space<vmem>> -> memref<128xi32, #tpu.memory_space<vmem>>
    %dma_start3A_77 = arith.constant 0 : i32
    %dma_start3A_78 = arith.constant 0 : i32
    %dma_start3A_79 = tpu.memref_slice %arg3[%dma_start3A_77, %dma_start3A_78] : memref<1000000x32xf32, #tpu.memory_space<hbm>> -> memref<1000000x32xf32, #tpu.memory_space<hbm>>
    tpu.enqueue_indirect_dma source(%dma_start3A_79 : memref<1000000x32xf32, #tpu.memory_space<hbm>>) target(%dma_start3A_73 : memref<128x32xf32, #tpu.memory_space<vmem>>) offsets(%dma_start3A_76 : memref<128xi32, #tpu.memory_space<vmem>>) semaphore(%arg21 : memref<!tpu.dma_semaphore, #tpu.memory_space<semaphore_mem>>)
    %dma_start3A_80 = arith.constant 2 : i32
    %dma_start3A_81 = arith.constant 256 : i32
    %dma_start3A_82 = arith.constant 0 : i32
    %dma_start3A_83 = tpu.memref_slice %arg16[%dma_start3A_81, %dma_start3A_82] : memref<512x32xf32, #tpu.memory_space<vmem>> -> memref<128x32xf32, #tpu.memory_space<vmem>>
    %dma_start3A_84 = arith.constant 0 : i32
    %dma_start3A_85 = tpu.memref_slice %arg13[%dma_start3A_80, %dma_start3A_84] : memref<4x128xi32, #tpu.memory_space<vmem>> -> memref<1x128xi32, #tpu.memory_space<vmem>>
    %dma_start3A_86 = tpu.memref_squeeze %dma_start3A_85 : memref<1x128xi32, #tpu.memory_space<vmem>> -> memref<128xi32, #tpu.memory_space<vmem>>
    %dma_start3A_87 = arith.constant 0 : i32
    %dma_start3A_88 = arith.constant 0 : i32
    %dma_start3A_89 = tpu.memref_slice %arg3[%dma_start3A_87, %dma_start3A_88] : memref<1000000x32xf32, #tpu.memory_space<hbm>> -> memref<1000000x32xf32, #tpu.memory_space<hbm>>
    tpu.enqueue_indirect_dma source(%dma_start3A_89 : memref<1000000x32xf32, #tpu.memory_space<hbm>>) target(%dma_start3A_83 : memref<128x32xf32, #tpu.memory_space<vmem>>) offsets(%dma_start3A_86 : memref<128xi32, #tpu.memory_space<vmem>>) semaphore(%arg21 : memref<!tpu.dma_semaphore, #tpu.memory_space<semaphore_mem>>)
    %dma_start3A_90 = arith.constant 3 : i32
    %dma_start3A_91 = arith.constant 384 : i32
    %dma_start3A_92 = arith.constant 0 : i32
    %dma_start3A_93 = tpu.memref_slice %arg14[%dma_start3A_91, %dma_start3A_92] : memref<512x32xf32, #tpu.memory_space<vmem>> -> memref<128x32xf32, #tpu.memory_space<vmem>>
    %dma_start3A_94 = arith.constant 0 : i32
    %dma_start3A_95 = tpu.memref_slice %arg11[%dma_start3A_90, %dma_start3A_94] : memref<4x128xi32, #tpu.memory_space<vmem>> -> memref<1x128xi32, #tpu.memory_space<vmem>>
    %dma_start3A_96 = tpu.memref_squeeze %dma_start3A_95 : memref<1x128xi32, #tpu.memory_space<vmem>> -> memref<128xi32, #tpu.memory_space<vmem>>
    %dma_start3A_97 = arith.constant 0 : i32
    %dma_start3A_98 = arith.constant 0 : i32
    %dma_start3A_99 = tpu.memref_slice %arg2[%dma_start3A_97, %dma_start3A_98] : memref<1000000x32xf32, #tpu.memory_space<hbm>> -> memref<1000000x32xf32, #tpu.memory_space<hbm>>
    tpu.enqueue_indirect_dma source(%dma_start3A_99 : memref<1000000x32xf32, #tpu.memory_space<hbm>>) target(%dma_start3A_93 : memref<128x32xf32, #tpu.memory_space<vmem>>) offsets(%dma_start3A_96 : memref<128xi32, #tpu.memory_space<vmem>>) semaphore(%arg21 : memref<!tpu.dma_semaphore, #tpu.memory_space<semaphore_mem>>)
    %dma_start3A_100 = arith.constant 3 : i32
    %dma_start3A_101 = arith.constant 384 : i32
    %dma_start3A_102 = arith.constant 0 : i32
    %dma_start3A_103 = tpu.memref_slice %arg15[%dma_start3A_101, %dma_start3A_102] : memref<512x32xf32, #tpu.memory_space<vmem>> -> memref<128x32xf32, #tpu.memory_space<vmem>>
    %dma_start3A_104 = arith.constant 0 : i32
    %dma_start3A_105 = tpu.memref_slice %arg12[%dma_start3A_100, %dma_start3A_104] : memref<4x128xi32, #tpu.memory_space<vmem>> -> memref<1x128xi32, #tpu.memory_space<vmem>>
    %dma_start3A_106 = tpu.memref_squeeze %dma_start3A_105 : memref<1x128xi32, #tpu.memory_space<vmem>> -> memref<128xi32, #tpu.memory_space<vmem>>
    %dma_start3A_107 = arith.constant 0 : i32
    %dma_start3A_108 = arith.constant 0 : i32
    %dma_start3A_109 = tpu.memref_slice %arg3[%dma_start3A_107, %dma_start3A_108] : memref<1000000x32xf32, #tpu.memory_space<hbm>> -> memref<1000000x32xf32, #tpu.memory_space<hbm>>
    tpu.enqueue_indirect_dma source(%dma_start3A_109 : memref<1000000x32xf32, #tpu.memory_space<hbm>>) target(%dma_start3A_103 : memref<128x32xf32, #tpu.memory_space<vmem>>) offsets(%dma_start3A_106 : memref<128xi32, #tpu.memory_space<vmem>>) semaphore(%arg21 : memref<!tpu.dma_semaphore, #tpu.memory_space<semaphore_mem>>)
    %dma_start3A_110 = arith.constant 3 : i32
    %dma_start3A_111 = arith.constant 384 : i32
    %dma_start3A_112 = arith.constant 0 : i32
    %dma_start3A_113 = tpu.memref_slice %arg16[%dma_start3A_111, %dma_start3A_112] : memref<512x32xf32, #tpu.memory_space<vmem>> -> memref<128x32xf32, #tpu.memory_space<vmem>>
    %dma_start3A_114 = arith.constant 0 : i32
    %dma_start3A_115 = tpu.memref_slice %arg13[%dma_start3A_110, %dma_start3A_114] : memref<4x128xi32, #tpu.memory_space<vmem>> -> memref<1x128xi32, #tpu.memory_space<vmem>>
    %dma_start3A_116 = tpu.memref_squeeze %dma_start3A_115 : memref<1x128xi32, #tpu.memory_space<vmem>> -> memref<128xi32, #tpu.memory_space<vmem>>
    %dma_start3A_117 = arith.constant 0 : i32
    %dma_start3A_118 = arith.constant 0 : i32
    %dma_start3A_119 = tpu.memref_slice %arg3[%dma_start3A_117, %dma_start3A_118] : memref<1000000x32xf32, #tpu.memory_space<hbm>> -> memref<1000000x32xf32, #tpu.memory_space<hbm>>
    tpu.enqueue_indirect_dma source(%dma_start3A_119 : memref<1000000x32xf32, #tpu.memory_space<hbm>>) target(%dma_start3A_113 : memref<128x32xf32, #tpu.memory_space<vmem>>) offsets(%dma_start3A_116 : memref<128xi32, #tpu.memory_space<vmem>>) semaphore(%arg21 : memref<!tpu.dma_semaphore, #tpu.memory_space<semaphore_mem>>)
    %mul3A_120 = arith.constant 4 : i32
    %mul3A_121 = arith.muli %add3A, %mul3A_120 : i32
    %dma_start3A_122 = arith.constant 0 : i32
    %dma_start3A_123 = arith.constant 0 : i32
    %dma_start3A_124 = arith.constant 0 : i32
    %dma_start3A_125 = tpu.memref_slice %arg4[%dma_start3A_122, %mul3A_121, %dma_start3A_123, %dma_start3A_124] : memref<4x128x8x128xf32, #tpu.memory_space<hbm>> -> memref<4x4x8x128xf32, #tpu.memory_space<hbm>>
    %dma_start3A_126 = arith.constant 0 : i32
    %dma_start3A_127 = arith.constant 0 : i32
    %dma_start3A_128 = arith.constant 0 : i32
    %dma_start3A_129 = tpu.memref_slice %arg4[%dma_start3A_126, %mul3A_121, %dma_start3A_127, %dma_start3A_128] : memref<4x128x8x128xf32, #tpu.memory_space<hbm>> -> memref<4x4x8x128xf32, #tpu.memory_space<hbm>>
    tpu.enqueue_dma source(%dma_start3A_129 : memref<4x4x8x128xf32, #tpu.memory_space<hbm>>) target(%arg17 : memref<4x4x8x128xf32, #tpu.memory_space<vmem>>) target_semaphore(%arg21 : memref<!tpu.dma_semaphore, #tpu.memory_space<semaphore_mem>>)
    %dma_start3A_130 = arith.constant 0 : i32
    %dma_start3A_131 = arith.constant 0 : i32
    %dma_start3A_132 = arith.constant 0 : i32
    %dma_start3A_133 = tpu.memref_slice %arg5[%dma_start3A_130, %mul3A_121, %dma_start3A_131, %dma_start3A_132] : memref<4x128x8x128xf32, #tpu.memory_space<hbm>> -> memref<4x4x8x128xf32, #tpu.memory_space<hbm>>
    %dma_start3A_134 = arith.constant 0 : i32
    %dma_start3A_135 = arith.constant 0 : i32
    %dma_start3A_136 = arith.constant 0 : i32
    %dma_start3A_137 = tpu.memref_slice %arg5[%dma_start3A_134, %mul3A_121, %dma_start3A_135, %dma_start3A_136] : memref<4x128x8x128xf32, #tpu.memory_space<hbm>> -> memref<4x4x8x128xf32, #tpu.memory_space<hbm>>
    tpu.enqueue_dma source(%dma_start3A_137 : memref<4x4x8x128xf32, #tpu.memory_space<hbm>>) target(%arg18 : memref<4x4x8x128xf32, #tpu.memory_space<vmem>>) target_semaphore(%arg21 : memref<!tpu.dma_semaphore, #tpu.memory_space<semaphore_mem>>)
    %dma_start3A_138 = arith.constant 0 : i32
    %dma_start3A_139 = arith.constant 0 : i32
    %dma_start3A_140 = arith.constant 0 : i32
    %dma_start3A_141 = tpu.memref_slice %arg6[%dma_start3A_138, %mul3A_121, %dma_start3A_139, %dma_start3A_140] : memref<4x128x8x128xf32, #tpu.memory_space<hbm>> -> memref<4x4x8x128xf32, #tpu.memory_space<hbm>>
    %dma_start3A_142 = arith.constant 0 : i32
    %dma_start3A_143 = arith.constant 0 : i32
    %dma_start3A_144 = arith.constant 0 : i32
    %dma_start3A_145 = tpu.memref_slice %arg6[%dma_start3A_142, %mul3A_121, %dma_start3A_143, %dma_start3A_144] : memref<4x128x8x128xf32, #tpu.memory_space<hbm>> -> memref<4x4x8x128xf32, #tpu.memory_space<hbm>>
    tpu.enqueue_dma source(%dma_start3A_145 : memref<4x4x8x128xf32, #tpu.memory_space<hbm>>) target(%arg19 : memref<4x4x8x128xf32, #tpu.memory_space<vmem>>) target_semaphore(%arg21 : memref<!tpu.dma_semaphore, #tpu.memory_space<semaphore_mem>>)
    %dma_wait3A = arith.constant 0 : i32
    %dma_wait3A_146 = arith.constant 0 : i32
    %dma_wait3A_147 = arith.constant 0 : i32
    %dma_wait3A_148 = tpu.memref_slice %arg14[%dma_wait3A_146, %dma_wait3A_147] : memref<512x32xf32, #tpu.memory_space<vmem>> -> memref<128x32xf32, #tpu.memory_space<vmem>>
    %dma_wait3A_149 = arith.constant 0 : i32
    %dma_wait3A_150 = tpu.memref_slice %arg11[%dma_wait3A, %dma_wait3A_149] : memref<4x128xi32, #tpu.memory_space<vmem>> -> memref<1x128xi32, #tpu.memory_space<vmem>>
    %dma_wait3A_151 = tpu.memref_squeeze %dma_wait3A_150 : memref<1x128xi32, #tpu.memory_space<vmem>> -> memref<128xi32, #tpu.memory_space<vmem>>
    %dma_wait3A_152 = arith.constant 0 : i32
    %dma_wait3A_153 = arith.constant 0 : i32
    %dma_wait3A_154 = tpu.memref_slice %arg2[%dma_wait3A_152, %dma_wait3A_153] : memref<1000000x32xf32, #tpu.memory_space<hbm>> -> memref<1000000x32xf32, #tpu.memory_space<hbm>>
    tpu.wait_indirect_dma semaphore(%arg21 : memref<!tpu.dma_semaphore, #tpu.memory_space<semaphore_mem>>) src(%dma_wait3A_154 : memref<1000000x32xf32, #tpu.memory_space<hbm>>) dst(%dma_wait3A_148 : memref<128x32xf32, #tpu.memory_space<vmem>>)
    %dma_wait3A_155 = arith.constant 0 : i32
    %dma_wait3A_156 = arith.constant 0 : i32
    %dma_wait3A_157 = arith.constant 0 : i32
    %dma_wait3A_158 = tpu.memref_slice %arg15[%dma_wait3A_156, %dma_wait3A_157] : memref<512x32xf32, #tpu.memory_space<vmem>> -> memref<128x32xf32, #tpu.memory_space<vmem>>
    %dma_wait3A_159 = arith.constant 0 : i32
    %dma_wait3A_160 = tpu.memref_slice %arg12[%dma_wait3A_155, %dma_wait3A_159] : memref<4x128xi32, #tpu.memory_space<vmem>> -> memref<1x128xi32, #tpu.memory_space<vmem>>
    %dma_wait3A_161 = tpu.memref_squeeze %dma_wait3A_160 : memref<1x128xi32, #tpu.memory_space<vmem>> -> memref<128xi32, #tpu.memory_space<vmem>>
    %dma_wait3A_162 = arith.constant 0 : i32
    %dma_wait3A_163 = arith.constant 0 : i32
    %dma_wait3A_164 = tpu.memref_slice %arg3[%dma_wait3A_162, %dma_wait3A_163] : memref<1000000x32xf32, #tpu.memory_space<hbm>> -> memref<1000000x32xf32, #tpu.memory_space<hbm>>
    tpu.wait_indirect_dma semaphore(%arg21 : memref<!tpu.dma_semaphore, #tpu.memory_space<semaphore_mem>>) src(%dma_wait3A_164 : memref<1000000x32xf32, #tpu.memory_space<hbm>>) dst(%dma_wait3A_158 : memref<128x32xf32, #tpu.memory_space<vmem>>)
    %dma_wait3A_165 = arith.constant 0 : i32
    %dma_wait3A_166 = arith.constant 0 : i32
    %dma_wait3A_167 = arith.constant 0 : i32
    %dma_wait3A_168 = tpu.memref_slice %arg16[%dma_wait3A_166, %dma_wait3A_167] : memref<512x32xf32, #tpu.memory_space<vmem>> -> memref<128x32xf32, #tpu.memory_space<vmem>>
    %dma_wait3A_169 = arith.constant 0 : i32
    %dma_wait3A_170 = tpu.memref_slice %arg13[%dma_wait3A_165, %dma_wait3A_169] : memref<4x128xi32, #tpu.memory_space<vmem>> -> memref<1x128xi32, #tpu.memory_space<vmem>>
    %dma_wait3A_171 = tpu.memref_squeeze %dma_wait3A_170 : memref<1x128xi32, #tpu.memory_space<vmem>> -> memref<128xi32, #tpu.memory_space<vmem>>
    %dma_wait3A_172 = arith.constant 0 : i32
    %dma_wait3A_173 = arith.constant 0 : i32
    %dma_wait3A_174 = tpu.memref_slice %arg3[%dma_wait3A_172, %dma_wait3A_173] : memref<1000000x32xf32, #tpu.memory_space<hbm>> -> memref<1000000x32xf32, #tpu.memory_space<hbm>>
    tpu.wait_indirect_dma semaphore(%arg21 : memref<!tpu.dma_semaphore, #tpu.memory_space<semaphore_mem>>) src(%dma_wait3A_174 : memref<1000000x32xf32, #tpu.memory_space<hbm>>) dst(%dma_wait3A_168 : memref<128x32xf32, #tpu.memory_space<vmem>>)
    %dma_wait3A_175 = arith.constant 1 : i32
    %dma_wait3A_176 = arith.constant 128 : i32
    %dma_wait3A_177 = arith.constant 0 : i32
    %dma_wait3A_178 = tpu.memref_slice %arg14[%dma_wait3A_176, %dma_wait3A_177] : memref<512x32xf32, #tpu.memory_space<vmem>> -> memref<128x32xf32, #tpu.memory_space<vmem>>
    %dma_wait3A_179 = arith.constant 0 : i32
    %dma_wait3A_180 = tpu.memref_slice %arg11[%dma_wait3A_175, %dma_wait3A_179] : memref<4x128xi32, #tpu.memory_space<vmem>> -> memref<1x128xi32, #tpu.memory_space<vmem>>
    %dma_wait3A_181 = tpu.memref_squeeze %dma_wait3A_180 : memref<1x128xi32, #tpu.memory_space<vmem>> -> memref<128xi32, #tpu.memory_space<vmem>>
    %dma_wait3A_182 = arith.constant 0 : i32
    %dma_wait3A_183 = arith.constant 0 : i32
    %dma_wait3A_184 = tpu.memref_slice %arg2[%dma_wait3A_182, %dma_wait3A_183] : memref<1000000x32xf32, #tpu.memory_space<hbm>> -> memref<1000000x32xf32, #tpu.memory_space<hbm>>
    tpu.wait_indirect_dma semaphore(%arg21 : memref<!tpu.dma_semaphore, #tpu.memory_space<semaphore_mem>>) src(%dma_wait3A_184 : memref<1000000x32xf32, #tpu.memory_space<hbm>>) dst(%dma_wait3A_178 : memref<128x32xf32, #tpu.memory_space<vmem>>)
    %dma_wait3A_185 = arith.constant 1 : i32
    %dma_wait3A_186 = arith.constant 128 : i32
    %dma_wait3A_187 = arith.constant 0 : i32
    %dma_wait3A_188 = tpu.memref_slice %arg15[%dma_wait3A_186, %dma_wait3A_187] : memref<512x32xf32, #tpu.memory_space<vmem>> -> memref<128x32xf32, #tpu.memory_space<vmem>>
    %dma_wait3A_189 = arith.constant 0 : i32
    %dma_wait3A_190 = tpu.memref_slice %arg12[%dma_wait3A_185, %dma_wait3A_189] : memref<4x128xi32, #tpu.memory_space<vmem>> -> memref<1x128xi32, #tpu.memory_space<vmem>>
    %dma_wait3A_191 = tpu.memref_squeeze %dma_wait3A_190 : memref<1x128xi32, #tpu.memory_space<vmem>> -> memref<128xi32, #tpu.memory_space<vmem>>
    %dma_wait3A_192 = arith.constant 0 : i32
    %dma_wait3A_193 = arith.constant 0 : i32
    %dma_wait3A_194 = tpu.memref_slice %arg3[%dma_wait3A_192, %dma_wait3A_193] : memref<1000000x32xf32, #tpu.memory_space<hbm>> -> memref<1000000x32xf32, #tpu.memory_space<hbm>>
    tpu.wait_indirect_dma semaphore(%arg21 : memref<!tpu.dma_semaphore, #tpu.memory_space<semaphore_mem>>) src(%dma_wait3A_194 : memref<1000000x32xf32, #tpu.memory_space<hbm>>) dst(%dma_wait3A_188 : memref<128x32xf32, #tpu.memory_space<vmem>>)
    %dma_wait3A_195 = arith.constant 1 : i32
    %dma_wait3A_196 = arith.constant 128 : i32
    %dma_wait3A_197 = arith.constant 0 : i32
    %dma_wait3A_198 = tpu.memref_slice %arg16[%dma_wait3A_196, %dma_wait3A_197] : memref<512x32xf32, #tpu.memory_space<vmem>> -> memref<128x32xf32, #tpu.memory_space<vmem>>
    %dma_wait3A_199 = arith.constant 0 : i32
    %dma_wait3A_200 = tpu.memref_slice %arg13[%dma_wait3A_195, %dma_wait3A_199] : memref<4x128xi32, #tpu.memory_space<vmem>> -> memref<1x128xi32, #tpu.memory_space<vmem>>
    %dma_wait3A_201 = tpu.memref_squeeze %dma_wait3A_200 : memref<1x128xi32, #tpu.memory_space<vmem>> -> memref<128xi32, #tpu.memory_space<vmem>>
    %dma_wait3A_202 = arith.constant 0 : i32
    %dma_wait3A_203 = arith.constant 0 : i32
    %dma_wait3A_204 = tpu.memref_slice %arg3[%dma_wait3A_202, %dma_wait3A_203] : memref<1000000x32xf32, #tpu.memory_space<hbm>> -> memref<1000000x32xf32, #tpu.memory_space<hbm>>
    tpu.wait_indirect_dma semaphore(%arg21 : memref<!tpu.dma_semaphore, #tpu.memory_space<semaphore_mem>>) src(%dma_wait3A_204 : memref<1000000x32xf32, #tpu.memory_space<hbm>>) dst(%dma_wait3A_198 : memref<128x32xf32, #tpu.memory_space<vmem>>)
    %dma_wait3A_205 = arith.constant 2 : i32
    %dma_wait3A_206 = arith.constant 256 : i32
    %dma_wait3A_207 = arith.constant 0 : i32
    %dma_wait3A_208 = tpu.memref_slice %arg14[%dma_wait3A_206, %dma_wait3A_207] : memref<512x32xf32, #tpu.memory_space<vmem>> -> memref<128x32xf32, #tpu.memory_space<vmem>>
    %dma_wait3A_209 = arith.constant 0 : i32
    %dma_wait3A_210 = tpu.memref_slice %arg11[%dma_wait3A_205, %dma_wait3A_209] : memref<4x128xi32, #tpu.memory_space<vmem>> -> memref<1x128xi32, #tpu.memory_space<vmem>>
    %dma_wait3A_211 = tpu.memref_squeeze %dma_wait3A_210 : memref<1x128xi32, #tpu.memory_space<vmem>> -> memref<128xi32, #tpu.memory_space<vmem>>
    %dma_wait3A_212 = arith.constant 0 : i32
    %dma_wait3A_213 = arith.constant 0 : i32
    %dma_wait3A_214 = tpu.memref_slice %arg2[%dma_wait3A_212, %dma_wait3A_213] : memref<1000000x32xf32, #tpu.memory_space<hbm>> -> memref<1000000x32xf32, #tpu.memory_space<hbm>>
    tpu.wait_indirect_dma semaphore(%arg21 : memref<!tpu.dma_semaphore, #tpu.memory_space<semaphore_mem>>) src(%dma_wait3A_214 : memref<1000000x32xf32, #tpu.memory_space<hbm>>) dst(%dma_wait3A_208 : memref<128x32xf32, #tpu.memory_space<vmem>>)
    %dma_wait3A_215 = arith.constant 2 : i32
    %dma_wait3A_216 = arith.constant 256 : i32
    %dma_wait3A_217 = arith.constant 0 : i32
    %dma_wait3A_218 = tpu.memref_slice %arg15[%dma_wait3A_216, %dma_wait3A_217] : memref<512x32xf32, #tpu.memory_space<vmem>> -> memref<128x32xf32, #tpu.memory_space<vmem>>
    %dma_wait3A_219 = arith.constant 0 : i32
    %dma_wait3A_220 = tpu.memref_slice %arg12[%dma_wait3A_215, %dma_wait3A_219] : memref<4x128xi32, #tpu.memory_space<vmem>> -> memref<1x128xi32, #tpu.memory_space<vmem>>
    %dma_wait3A_221 = tpu.memref_squeeze %dma_wait3A_220 : memref<1x128xi32, #tpu.memory_space<vmem>> -> memref<128xi32, #tpu.memory_space<vmem>>
    %dma_wait3A_222 = arith.constant 0 : i32
    %dma_wait3A_223 = arith.constant 0 : i32
    %dma_wait3A_224 = tpu.memref_slice %arg3[%dma_wait3A_222, %dma_wait3A_223] : memref<1000000x32xf32, #tpu.memory_space<hbm>> -> memref<1000000x32xf32, #tpu.memory_space<hbm>>
    tpu.wait_indirect_dma semaphore(%arg21 : memref<!tpu.dma_semaphore, #tpu.memory_space<semaphore_mem>>) src(%dma_wait3A_224 : memref<1000000x32xf32, #tpu.memory_space<hbm>>) dst(%dma_wait3A_218 : memref<128x32xf32, #tpu.memory_space<vmem>>)
    %dma_wait3A_225 = arith.constant 2 : i32
    %dma_wait3A_226 = arith.constant 256 : i32
    %dma_wait3A_227 = arith.constant 0 : i32
    %dma_wait3A_228 = tpu.memref_slice %arg16[%dma_wait3A_226, %dma_wait3A_227] : memref<512x32xf32, #tpu.memory_space<vmem>> -> memref<128x32xf32, #tpu.memory_space<vmem>>
    %dma_wait3A_229 = arith.constant 0 : i32
    %dma_wait3A_230 = tpu.memref_slice %arg13[%dma_wait3A_225, %dma_wait3A_229] : memref<4x128xi32, #tpu.memory_space<vmem>> -> memref<1x128xi32, #tpu.memory_space<vmem>>
    %dma_wait3A_231 = tpu.memref_squeeze %dma_wait3A_230 : memref<1x128xi32, #tpu.memory_space<vmem>> -> memref<128xi32, #tpu.memory_space<vmem>>
    %dma_wait3A_232 = arith.constant 0 : i32
    %dma_wait3A_233 = arith.constant 0 : i32
    %dma_wait3A_234 = tpu.memref_slice %arg3[%dma_wait3A_232, %dma_wait3A_233] : memref<1000000x32xf32, #tpu.memory_space<hbm>> -> memref<1000000x32xf32, #tpu.memory_space<hbm>>
    tpu.wait_indirect_dma semaphore(%arg21 : memref<!tpu.dma_semaphore, #tpu.memory_space<semaphore_mem>>) src(%dma_wait3A_234 : memref<1000000x32xf32, #tpu.memory_space<hbm>>) dst(%dma_wait3A_228 : memref<128x32xf32, #tpu.memory_space<vmem>>)
    %dma_wait3A_235 = arith.constant 3 : i32
    %dma_wait3A_236 = arith.constant 384 : i32
    %dma_wait3A_237 = arith.constant 0 : i32
    %dma_wait3A_238 = tpu.memref_slice %arg14[%dma_wait3A_236, %dma_wait3A_237] : memref<512x32xf32, #tpu.memory_space<vmem>> -> memref<128x32xf32, #tpu.memory_space<vmem>>
    %dma_wait3A_239 = arith.constant 0 : i32
    %dma_wait3A_240 = tpu.memref_slice %arg11[%dma_wait3A_235, %dma_wait3A_239] : memref<4x128xi32, #tpu.memory_space<vmem>> -> memref<1x128xi32, #tpu.memory_space<vmem>>
    %dma_wait3A_241 = tpu.memref_squeeze %dma_wait3A_240 : memref<1x128xi32, #tpu.memory_space<vmem>> -> memref<128xi32, #tpu.memory_space<vmem>>
    %dma_wait3A_242 = arith.constant 0 : i32
    %dma_wait3A_243 = arith.constant 0 : i32
    %dma_wait3A_244 = tpu.memref_slice %arg2[%dma_wait3A_242, %dma_wait3A_243] : memref<1000000x32xf32, #tpu.memory_space<hbm>> -> memref<1000000x32xf32, #tpu.memory_space<hbm>>
    tpu.wait_indirect_dma semaphore(%arg21 : memref<!tpu.dma_semaphore, #tpu.memory_space<semaphore_mem>>) src(%dma_wait3A_244 : memref<1000000x32xf32, #tpu.memory_space<hbm>>) dst(%dma_wait3A_238 : memref<128x32xf32, #tpu.memory_space<vmem>>)
    %dma_wait3A_245 = arith.constant 3 : i32
    %dma_wait3A_246 = arith.constant 384 : i32
    %dma_wait3A_247 = arith.constant 0 : i32
    %dma_wait3A_248 = tpu.memref_slice %arg15[%dma_wait3A_246, %dma_wait3A_247] : memref<512x32xf32, #tpu.memory_space<vmem>> -> memref<128x32xf32, #tpu.memory_space<vmem>>
    %dma_wait3A_249 = arith.constant 0 : i32
    %dma_wait3A_250 = tpu.memref_slice %arg12[%dma_wait3A_245, %dma_wait3A_249] : memref<4x128xi32, #tpu.memory_space<vmem>> -> memref<1x128xi32, #tpu.memory_space<vmem>>
    %dma_wait3A_251 = tpu.memref_squeeze %dma_wait3A_250 : memref<1x128xi32, #tpu.memory_space<vmem>> -> memref<128xi32, #tpu.memory_space<vmem>>
    %dma_wait3A_252 = arith.constant 0 : i32
    %dma_wait3A_253 = arith.constant 0 : i32
    %dma_wait3A_254 = tpu.memref_slice %arg3[%dma_wait3A_252, %dma_wait3A_253] : memref<1000000x32xf32, #tpu.memory_space<hbm>> -> memref<1000000x32xf32, #tpu.memory_space<hbm>>
    tpu.wait_indirect_dma semaphore(%arg21 : memref<!tpu.dma_semaphore, #tpu.memory_space<semaphore_mem>>) src(%dma_wait3A_254 : memref<1000000x32xf32, #tpu.memory_space<hbm>>) dst(%dma_wait3A_248 : memref<128x32xf32, #tpu.memory_space<vmem>>)
    %dma_wait3A_255 = arith.constant 3 : i32
    %dma_wait3A_256 = arith.constant 384 : i32
    %dma_wait3A_257 = arith.constant 0 : i32
    %dma_wait3A_258 = tpu.memref_slice %arg16[%dma_wait3A_256, %dma_wait3A_257] : memref<512x32xf32, #tpu.memory_space<vmem>> -> memref<128x32xf32, #tpu.memory_space<vmem>>
    %dma_wait3A_259 = arith.constant 0 : i32
    %dma_wait3A_260 = tpu.memref_slice %arg13[%dma_wait3A_255, %dma_wait3A_259] : memref<4x128xi32, #tpu.memory_space<vmem>> -> memref<1x128xi32, #tpu.memory_space<vmem>>
    %dma_wait3A_261 = tpu.memref_squeeze %dma_wait3A_260 : memref<1x128xi32, #tpu.memory_space<vmem>> -> memref<128xi32, #tpu.memory_space<vmem>>
    %dma_wait3A_262 = arith.constant 0 : i32
    %dma_wait3A_263 = arith.constant 0 : i32
    %dma_wait3A_264 = tpu.memref_slice %arg3[%dma_wait3A_262, %dma_wait3A_263] : memref<1000000x32xf32, #tpu.memory_space<hbm>> -> memref<1000000x32xf32, #tpu.memory_space<hbm>>
    tpu.wait_indirect_dma semaphore(%arg21 : memref<!tpu.dma_semaphore, #tpu.memory_space<semaphore_mem>>) src(%dma_wait3A_264 : memref<1000000x32xf32, #tpu.memory_space<hbm>>) dst(%dma_wait3A_258 : memref<128x32xf32, #tpu.memory_space<vmem>>)
    %dma_wait3A_265 = arith.constant 0 : i32
    %dma_wait3A_266 = arith.constant 0 : i32
    %dma_wait3A_267 = arith.constant 0 : i32
    %dma_wait3A_268 = tpu.memref_slice %arg4[%dma_wait3A_265, %mul3A_121, %dma_wait3A_266, %dma_wait3A_267] : memref<4x128x8x128xf32, #tpu.memory_space<hbm>> -> memref<4x4x8x128xf32, #tpu.memory_space<hbm>>
    %dma_wait3A_269 = arith.constant 0 : i32
    %dma_wait3A_270 = arith.constant 0 : i32
    %dma_wait3A_271 = arith.constant 0 : i32
    %dma_wait3A_272 = tpu.memref_slice %arg4[%dma_wait3A_269, %mul3A_121, %dma_wait3A_270, %dma_wait3A_271] : memref<4x128x8x128xf32, #tpu.memory_space<hbm>> -> memref<4x4x8x128xf32, #tpu.memory_space<hbm>>
    tpu.wait_dma2 semaphore(%arg21 : memref<!tpu.dma_semaphore, #tpu.memory_space<semaphore_mem>>) src(%dma_wait3A_272 : memref<4x4x8x128xf32, #tpu.memory_space<hbm>>) dst(%arg17 : memref<4x4x8x128xf32, #tpu.memory_space<vmem>>)
    %dma_wait3A_273 = arith.constant 0 : i32
    %dma_wait3A_274 = arith.constant 0 : i32
    %dma_wait3A_275 = arith.constant 0 : i32
    %dma_wait3A_276 = tpu.memref_slice %arg5[%dma_wait3A_273, %mul3A_121, %dma_wait3A_274, %dma_wait3A_275] : memref<4x128x8x128xf32, #tpu.memory_space<hbm>> -> memref<4x4x8x128xf32, #tpu.memory_space<hbm>>
    %dma_wait3A_277 = arith.constant 0 : i32
    %dma_wait3A_278 = arith.constant 0 : i32
    %dma_wait3A_279 = arith.constant 0 : i32
    %dma_wait3A_280 = tpu.memref_slice %arg5[%dma_wait3A_277, %mul3A_121, %dma_wait3A_278, %dma_wait3A_279] : memref<4x128x8x128xf32, #tpu.memory_space<hbm>> -> memref<4x4x8x128xf32, #tpu.memory_space<hbm>>
    tpu.wait_dma2 semaphore(%arg21 : memref<!tpu.dma_semaphore, #tpu.memory_space<semaphore_mem>>) src(%dma_wait3A_280 : memref<4x4x8x128xf32, #tpu.memory_space<hbm>>) dst(%arg18 : memref<4x4x8x128xf32, #tpu.memory_space<vmem>>)
    %dma_wait3A_281 = arith.constant 0 : i32
    %dma_wait3A_282 = arith.constant 0 : i32
    %dma_wait3A_283 = arith.constant 0 : i32
    %dma_wait3A_284 = tpu.memref_slice %arg6[%dma_wait3A_281, %mul3A_121, %dma_wait3A_282, %dma_wait3A_283] : memref<4x128x8x128xf32, #tpu.memory_space<hbm>> -> memref<4x4x8x128xf32, #tpu.memory_space<hbm>>
    %dma_wait3A_285 = arith.constant 0 : i32
    %dma_wait3A_286 = arith.constant 0 : i32
    %dma_wait3A_287 = arith.constant 0 : i32
    %dma_wait3A_288 = tpu.memref_slice %arg6[%dma_wait3A_285, %mul3A_121, %dma_wait3A_286, %dma_wait3A_287] : memref<4x128x8x128xf32, #tpu.memory_space<hbm>> -> memref<4x4x8x128xf32, #tpu.memory_space<hbm>>
    tpu.wait_dma2 semaphore(%arg21 : memref<!tpu.dma_semaphore, #tpu.memory_space<semaphore_mem>>) src(%dma_wait3A_288 : memref<4x4x8x128xf32, #tpu.memory_space<hbm>>) dst(%arg19 : memref<4x4x8x128xf32, #tpu.memory_space<vmem>>)
    %iota3A = tpu.iota {dimensions = array<i32: 0>} : vector<16xi32>
    %broadcast_in_dim3A = arith.constant 0.000000e+00 : f32
    %broadcast_in_dim3A_289 = vector.broadcast %broadcast_in_dim3A : f32 to vector<16xf32>
    %scan3A = arith.constant 0 : i32
    %scan3A_290 = arith.constant 32 : i32
    %scan3A_291 = arith.addi %scan3A, %scan3A_290 : i32
    %scan3A_292 = arith.constant 1 : i32
    %scan3A_293:3 = scf.for %scan3A_301 = %scan3A to %scan3A_291 step %scan3A_292 iter_args(%scan3A_302 = %broadcast_in_dim3A_289, %scan3A_303 = %broadcast_in_dim3A_289, %scan3A_304 = %broadcast_in_dim3A_289) -> (vector<16xf32>, vector<16xf32>, vector<16xf32>)  : i32 {
      %mul3A_305 = arith.constant 16 : i32
      %mul3A_306 = arith.muli %scan3A_301, %mul3A_305 : i32
      %add3A_307 = vector.broadcast %mul3A_306 : i32 to vector<16xi32>
      %add3A_308 = arith.addi %add3A_307, %iota3A : vector<16xi32>
      %jit3A = arith.constant 8 : i32
      %div3A = arith.divsi %scan3A_301, %jit3A : i32
      %sign3A = arith.constant 0 : i32
      %sign3A_309 = arith.cmpi sgt, %scan3A_301, %sign3A : i32
      %sign3A_310 = arith.extui %sign3A_309 : i1 to i32
      %sign3A_311 = arith.constant 0 : i32
      %sign3A_312 = arith.cmpi slt, %scan3A_301, %sign3A_311 : i32
      %sign3A_313 = arith.extui %sign3A_312 : i1 to i32
      %sign3A_314 = arith.subi %sign3A_310, %sign3A_313 : i32
      %sign3A_315 = arith.constant 0 : i32
      %sign3A_316 = arith.cmpi sgt, %jit3A, %sign3A_315 : i32
      %sign3A_317 = arith.extui %sign3A_316 : i1 to i32
      %sign3A_318 = arith.constant 0 : i32
      %sign3A_319 = arith.cmpi slt, %jit3A, %sign3A_318 : i32
      %sign3A_320 = arith.extui %sign3A_319 : i1 to i32
      %sign3A_321 = arith.subi %sign3A_317, %sign3A_320 : i32
      %ne3A = arith.cmpi ne, %sign3A_314, %sign3A_321 : i32
      %rem3A = arith.remsi %scan3A_301, %jit3A : i32
      %ne3A_322 = arith.constant 0 : i32
      %ne3A_323 = arith.cmpi ne, %rem3A, %ne3A_322 : i32
      %and3A = arith.andi %ne3A, %ne3A_323 : i1
      %sub3A = arith.constant 1 : i32
      %sub3A_324 = arith.subi %div3A, %sub3A : i32
      %select_n3A = arith.select %and3A, %sub3A_324, %div3A : i32
      %jit3A_325 = arith.constant 8 : i32
      %eq3A = arith.constant 0 : i32
      %eq3A_326 = arith.cmpi eq, %jit3A_325, %eq3A : i32
      %jit3A_327 = arith.constant 1 : i32
      %select_n3A_328 = arith.select %eq3A_326, %jit3A_327, %jit3A_325 : i32
      %rem3A_329 = arith.remsi %scan3A_301, %select_n3A_328 : i32
      %ne3A_330 = arith.constant 0 : i32
      %ne3A_331 = arith.cmpi ne, %rem3A_329, %ne3A_330 : i32
      %lt3A = arith.constant 0 : i32
      %lt3A_332 = arith.cmpi slt, %rem3A_329, %lt3A : i32
      %lt3A_333 = arith.constant 0 : i32
      %lt3A_334 = arith.cmpi slt, %select_n3A_328, %lt3A_333 : i32
      %ne3A_335 = arith.xori %lt3A_332, %lt3A_334 : i1
      %and3A_336 = arith.andi %ne3A_335, %ne3A_331 : i1
      %add3A_337 = arith.addi %rem3A_329, %select_n3A_328 : i32
      %select_n3A_338 = arith.select %and3A_336, %add3A_337, %rem3A_329 : i32
      %mul3A_339 = arith.constant 16 : i32
      %mul3A_340 = arith.muli %select_n3A_338, %mul3A_339 : i32
      %broadcast_in_dim3A_341 = arith.constant 0 : i32
      %broadcast_in_dim3A_342 = vector.broadcast %broadcast_in_dim3A_341 : i32 to vector<16xi32>
      %gather3A = tpu.vector_load_idx %arg14[%add3A_308, %broadcast_in_dim3A_342] : memref<512x32xf32, #tpu.memory_space<vmem>>[vector<16xi32>, vector<16xi32>], vector<16xf32>,
      %gather3A_343 = tpu.vector_load_idx %arg15[%add3A_308, %broadcast_in_dim3A_342] : memref<512x32xf32, #tpu.memory_space<vmem>>[vector<16xi32>, vector<16xi32>], vector<16xf32>,
      %gather3A_344 = tpu.vector_load_idx %arg16[%add3A_308, %broadcast_in_dim3A_342] : memref<512x32xf32, #tpu.memory_space<vmem>>[vector<16xi32>, vector<16xi32>], vector<16xf32>,
      %get3A = arith.constant 0 : i32
      %get3A_345 = arith.constant 0 : i32
      %get3A_346 = arith.index_cast %get3A : i32 to index
      %get3A_347 = arith.index_cast %select_n3A : i32 to index
      %get3A_348 = arith.index_cast %get3A_345 : i32 to index
      %get3A_349 = arith.index_cast %mul3A_340 : i32 to index
      %get3A_350 = tpu.vector_load %arg17[%get3A_346, %get3A_347, %get3A_348, %get3A_349] {strides = array<i32>} : memref<4x4x8x128xf32, #tpu.memory_space<vmem>>, vector<16xf32>,
      %get3A_351 = arith.constant 0 : i32
      %get3A_352 = arith.constant 0 : i32
      %get3A_353 = arith.index_cast %get3A_351 : i32 to index
      %get3A_354 = arith.index_cast %select_n3A : i32 to index
      %get3A_355 = arith.index_cast %get3A_352 : i32 to index
      %get3A_356 = arith.index_cast %mul3A_340 : i32 to index
      %get3A_357 = tpu.vector_load %arg18[%get3A_353, %get3A_354, %get3A_355, %get3A_356] {strides = array<i32>} : memref<4x4x8x128xf32, #tpu.memory_space<vmem>>, vector<16xf32>,
      %get3A_358 = arith.constant 0 : i32
      %get3A_359 = arith.constant 0 : i32
      %get3A_360 = arith.index_cast %get3A_358 : i32 to index
      %get3A_361 = arith.index_cast %select_n3A : i32 to index
      %get3A_362 = arith.index_cast %get3A_359 : i32 to index
      %get3A_363 = arith.index_cast %mul3A_340 : i32 to index
      %get3A_364 = tpu.vector_load %arg19[%get3A_360, %get3A_361, %get3A_362, %get3A_363] {strides = array<i32>} : memref<4x4x8x128xf32, #tpu.memory_space<vmem>>, vector<16xf32>,
      %mul3A_365 = arith.mulf %get3A_357, %get3A_350 : vector<16xf32>
      %add3A_366 = arith.addf %gather3A, %mul3A_365 : vector<16xf32>
      %sub3A_367 = arith.subf %add3A_366, %gather3A_343 : vector<16xf32>
      %mul3A_368 = arith.mulf %get3A_364, %get3A_350 : vector<16xf32>
      %add3A_369 = arith.addf %gather3A, %mul3A_368 : vector<16xf32>
      %sub3A_370 = arith.subf %add3A_369, %gather3A_344 : vector<16xf32>
      %mul3A_371 = arith.mulf %sub3A_367, %sub3A_367 : vector<16xf32>
      %add3A_372 = arith.addf %broadcast_in_dim3A_289, %mul3A_371 : vector<16xf32>
      %mul3A_373 = arith.mulf %sub3A_370, %sub3A_370 : vector<16xf32>
      %sub3A_374 = arith.subf %add3A_372, %mul3A_373 : vector<16xf32>
      %add3A_375 = arith.addf %scan3A_304, %mul3A_371 : vector<16xf32>
      %sub3A_376 = arith.subf %gather3A, %get3A_350 : vector<16xf32>
      %mul3A_377 = arith.mulf %sub3A_376, %sub3A_376 : vector<16xf32>
      %add3A_378 = arith.addf %scan3A_303, %mul3A_377 : vector<16xf32>
      %sub3A_379 = arith.subf %gather3A_343, %get3A_357 : vector<16xf32>
      %mul3A_380 = arith.mulf %sub3A_379, %sub3A_379 : vector<16xf32>
      %add3A_381 = arith.addf %add3A_378, %mul3A_380 : vector<16xf32>
      %sub3A_382 = arith.subf %gather3A_344, %get3A_364 : vector<16xf32>
      %mul3A_383 = arith.mulf %sub3A_382, %sub3A_382 : vector<16xf32>
      %add3A_384 = arith.addf %add3A_381, %mul3A_383 : vector<16xf32>
      %broadcast_in_dim3A_385 = arith.constant 1 : i32
      %broadcast_in_dim3A_386 = vector.broadcast %broadcast_in_dim3A_385 : i32 to vector<16xi32>
      %gather3A_387 = tpu.vector_load_idx %arg14[%add3A_308, %broadcast_in_dim3A_386] : memref<512x32xf32, #tpu.memory_space<vmem>>[vector<16xi32>, vector<16xi32>], vector<16xf32>,
      %gather3A_388 = tpu.vector_load_idx %arg15[%add3A_308, %broadcast_in_dim3A_386] : memref<512x32xf32, #tpu.memory_space<vmem>>[vector<16xi32>, vector<16xi32>], vector<16xf32>,
      %gather3A_389 = tpu.vector_load_idx %arg16[%add3A_308, %broadcast_in_dim3A_386] : memref<512x32xf32, #tpu.memory_space<vmem>>[vector<16xi32>, vector<16xi32>], vector<16xf32>,
      %get3A_390 = arith.constant 0 : i32
      %get3A_391 = arith.constant 1 : i32
      %get3A_392 = arith.index_cast %get3A_390 : i32 to index
      %get3A_393 = arith.index_cast %select_n3A : i32 to index
      %get3A_394 = arith.index_cast %get3A_391 : i32 to index
      %get3A_395 = arith.index_cast %mul3A_340 : i32 to index
      %get3A_396 = tpu.vector_load %arg17[%get3A_392, %get3A_393, %get3A_394, %get3A_395] {strides = array<i32>} : memref<4x4x8x128xf32, #tpu.memory_space<vmem>>, vector<16xf32>,
      %get3A_397 = arith.constant 0 : i32
      %get3A_398 = arith.constant 1 : i32
      %get3A_399 = arith.index_cast %get3A_397 : i32 to index
      %get3A_400 = arith.index_cast %select_n3A : i32 to index
      %get3A_401 = arith.index_cast %get3A_398 : i32 to index
      %get3A_402 = arith.index_cast %mul3A_340 : i32 to index
      %get3A_403 = tpu.vector_load %arg18[%get3A_399, %get3A_400, %get3A_401, %get3A_402] {strides = array<i32>} : memref<4x4x8x128xf32, #tpu.memory_space<vmem>>, vector<16xf32>,
      %get3A_404 = arith.constant 0 : i32
      %get3A_405 = arith.constant 1 : i32
      %get3A_406 = arith.index_cast %get3A_404 : i32 to index
      %get3A_407 = arith.index_cast %select_n3A : i32 to index
      %get3A_408 = arith.index_cast %get3A_405 : i32 to index
      %get3A_409 = arith.index_cast %mul3A_340 : i32 to index
      %get3A_410 = tpu.vector_load %arg19[%get3A_406, %get3A_407, %get3A_408, %get3A_409] {strides = array<i32>} : memref<4x4x8x128xf32, #tpu.memory_space<vmem>>, vector<16xf32>,
      %mul3A_411 = arith.mulf %get3A_403, %get3A_396 : vector<16xf32>
      %add3A_412 = arith.addf %gather3A_387, %mul3A_411 : vector<16xf32>
      %sub3A_413 = arith.subf %add3A_412, %gather3A_388 : vector<16xf32>
      %mul3A_414 = arith.mulf %get3A_410, %get3A_396 : vector<16xf32>
      %add3A_415 = arith.addf %gather3A_387, %mul3A_414 : vector<16xf32>
      %sub3A_416 = arith.subf %add3A_415, %gather3A_389 : vector<16xf32>
      %mul3A_417 = arith.mulf %sub3A_413, %sub3A_413 : vector<16xf32>
      %add3A_418 = arith.addf %sub3A_374, %mul3A_417 : vector<16xf32>
      %mul3A_419 = arith.mulf %sub3A_416, %sub3A_416 : vector<16xf32>
      %sub3A_420 = arith.subf %add3A_418, %mul3A_419 : vector<16xf32>
      %add3A_421 = arith.addf %add3A_375, %mul3A_417 : vector<16xf32>
      %sub3A_422 = arith.subf %gather3A_387, %get3A_396 : vector<16xf32>
      %mul3A_423 = arith.mulf %sub3A_422, %sub3A_422 : vector<16xf32>
      %add3A_424 = arith.addf %add3A_384, %mul3A_423 : vector<16xf32>
      %sub3A_425 = arith.subf %gather3A_388, %get3A_403 : vector<16xf32>
      %mul3A_426 = arith.mulf %sub3A_425, %sub3A_425 : vector<16xf32>
      %add3A_427 = arith.addf %add3A_424, %mul3A_426 : vector<16xf32>
      %sub3A_428 = arith.subf %gather3A_389, %get3A_410 : vector<16xf32>
      %mul3A_429 = arith.mulf %sub3A_428, %sub3A_428 : vector<16xf32>
      %add3A_430 = arith.addf %add3A_427, %mul3A_429 : vector<16xf32>
      %broadcast_in_dim3A_431 = arith.constant 2 : i32
      %broadcast_in_dim3A_432 = vector.broadcast %broadcast_in_dim3A_431 : i32 to vector<16xi32>
      %gather3A_433 = tpu.vector_load_idx %arg14[%add3A_308, %broadcast_in_dim3A_432] : memref<512x32xf32, #tpu.memory_space<vmem>>[vector<16xi32>, vector<16xi32>], vector<16xf32>,
      %gather3A_434 = tpu.vector_load_idx %arg15[%add3A_308, %broadcast_in_dim3A_432] : memref<512x32xf32, #tpu.memory_space<vmem>>[vector<16xi32>, vector<16xi32>], vector<16xf32>,
      %gather3A_435 = tpu.vector_load_idx %arg16[%add3A_308, %broadcast_in_dim3A_432] : memref<512x32xf32, #tpu.memory_space<vmem>>[vector<16xi32>, vector<16xi32>], vector<16xf32>,
      %get3A_436 = arith.constant 0 : i32
      %get3A_437 = arith.constant 2 : i32
      %get3A_438 = arith.index_cast %get3A_436 : i32 to index
      %get3A_439 = arith.index_cast %select_n3A : i32 to index
      %get3A_440 = arith.index_cast %get3A_437 : i32 to index
      %get3A_441 = arith.index_cast %mul3A_340 : i32 to index
      %get3A_442 = tpu.vector_load %arg17[%get3A_438, %get3A_439, %get3A_440, %get3A_441] {strides = array<i32>} : memref<4x4x8x128xf32, #tpu.memory_space<vmem>>, vector<16xf32>,
      %get3A_443 = arith.constant 0 : i32
      %get3A_444 = arith.constant 2 : i32
      %get3A_445 = arith.index_cast %get3A_443 : i32 to index
      %get3A_446 = arith.index_cast %select_n3A : i32 to index
      %get3A_447 = arith.index_cast %get3A_444 : i32 to index
      %get3A_448 = arith.index_cast %mul3A_340 : i32 to index
      %get3A_449 = tpu.vector_load %arg18[%get3A_445, %get3A_446, %get3A_447, %get3A_448] {strides = array<i32>} : memref<4x4x8x128xf32, #tpu.memory_space<vmem>>, vector<16xf32>,
      %get3A_450 = arith.constant 0 : i32
      %get3A_451 = arith.constant 2 : i32
      %get3A_452 = arith.index_cast %get3A_450 : i32 to index
      %get3A_453 = arith.index_cast %select_n3A : i32 to index
      %get3A_454 = arith.index_cast %get3A_451 : i32 to index
      %get3A_455 = arith.index_cast %mul3A_340 : i32 to index
      %get3A_456 = tpu.vector_load %arg19[%get3A_452, %get3A_453, %get3A_454, %get3A_455] {strides = array<i32>} : memref<4x4x8x128xf32, #tpu.memory_space<vmem>>, vector<16xf32>,
      %mul3A_457 = arith.mulf %get3A_449, %get3A_442 : vector<16xf32>
      %add3A_458 = arith.addf %gather3A_433, %mul3A_457 : vector<16xf32>
      %sub3A_459 = arith.subf %add3A_458, %gather3A_434 : vector<16xf32>
      %mul3A_460 = arith.mulf %get3A_456, %get3A_442 : vector<16xf32>
      %add3A_461 = arith.addf %gather3A_433, %mul3A_460 : vector<16xf32>
      %sub3A_462 = arith.subf %add3A_461, %gather3A_435 : vector<16xf32>
      %mul3A_463 = arith.mulf %sub3A_459, %sub3A_459 : vector<16xf32>
      %add3A_464 = arith.addf %sub3A_420, %mul3A_463 : vector<16xf32>
      %mul3A_465 = arith.mulf %sub3A_462, %sub3A_462 : vector<16xf32>
      %sub3A_466 = arith.subf %add3A_464, %mul3A_465 : vector<16xf32>
      %add3A_467 = arith.addf %add3A_421, %mul3A_463 : vector<16xf32>
      %sub3A_468 = arith.subf %gather3A_433, %get3A_442 : vector<16xf32>
      %mul3A_469 = arith.mulf %sub3A_468, %sub3A_468 : vector<16xf32>
      %add3A_470 = arith.addf %add3A_430, %mul3A_469 : vector<16xf32>
      %sub3A_471 = arith.subf %gather3A_434, %get3A_449 : vector<16xf32>
      %mul3A_472 = arith.mulf %sub3A_471, %sub3A_471 : vector<16xf32>
      %add3A_473 = arith.addf %add3A_470, %mul3A_472 : vector<16xf32>
      %sub3A_474 = arith.subf %gather3A_435, %get3A_456 : vector<16xf32>
      %mul3A_475 = arith.mulf %sub3A_474, %sub3A_474 : vector<16xf32>
      %add3A_476 = arith.addf %add3A_473, %mul3A_475 : vector<16xf32>
      %broadcast_in_dim3A_477 = arith.constant 3 : i32
      %broadcast_in_dim3A_478 = vector.broadcast %broadcast_in_dim3A_477 : i32 to vector<16xi32>
      %gather3A_479 = tpu.vector_load_idx %arg14[%add3A_308, %broadcast_in_dim3A_478] : memref<512x32xf32, #tpu.memory_space<vmem>>[vector<16xi32>, vector<16xi32>], vector<16xf32>,
      %gather3A_480 = tpu.vector_load_idx %arg15[%add3A_308, %broadcast_in_dim3A_478] : memref<512x32xf32, #tpu.memory_space<vmem>>[vector<16xi32>, vector<16xi32>], vector<16xf32>,
      %gather3A_481 = tpu.vector_load_idx %arg16[%add3A_308, %broadcast_in_dim3A_478] : memref<512x32xf32, #tpu.memory_space<vmem>>[vector<16xi32>, vector<16xi32>], vector<16xf32>,
      %get3A_482 = arith.constant 0 : i32
      %get3A_483 = arith.constant 3 : i32
      %get3A_484 = arith.index_cast %get3A_482 : i32 to index
      %get3A_485 = arith.index_cast %select_n3A : i32 to index
      %get3A_486 = arith.index_cast %get3A_483 : i32 to index
      %get3A_487 = arith.index_cast %mul3A_340 : i32 to index
      %get3A_488 = tpu.vector_load %arg17[%get3A_484, %get3A_485, %get3A_486, %get3A_487] {strides = array<i32>} : memref<4x4x8x128xf32, #tpu.memory_space<vmem>>, vector<16xf32>,
      %get3A_489 = arith.constant 0 : i32
      %get3A_490 = arith.constant 3 : i32
      %get3A_491 = arith.index_cast %get3A_489 : i32 to index
      %get3A_492 = arith.index_cast %select_n3A : i32 to index
      %get3A_493 = arith.index_cast %get3A_490 : i32 to index
      %get3A_494 = arith.index_cast %mul3A_340 : i32 to index
      %get3A_495 = tpu.vector_load %arg18[%get3A_491, %get3A_492, %get3A_493, %get3A_494] {strides = array<i32>} : memref<4x4x8x128xf32, #tpu.memory_space<vmem>>, vector<16xf32>,
      %get3A_496 = arith.constant 0 : i32
      %get3A_497 = arith.constant 3 : i32
      %get3A_498 = arith.index_cast %get3A_496 : i32 to index
      %get3A_499 = arith.index_cast %select_n3A : i32 to index
      %get3A_500 = arith.index_cast %get3A_497 : i32 to index
      %get3A_501 = arith.index_cast %mul3A_340 : i32 to index
      %get3A_502 = tpu.vector_load %arg19[%get3A_498, %get3A_499, %get3A_500, %get3A_501] {strides = array<i32>} : memref<4x4x8x128xf32, #tpu.memory_space<vmem>>, vector<16xf32>,
      %mul3A_503 = arith.mulf %get3A_495, %get3A_488 : vector<16xf32>
      %add3A_504 = arith.addf %gather3A_479, %mul3A_503 : vector<16xf32>
      %sub3A_505 = arith.subf %add3A_504, %gather3A_480 : vector<16xf32>
      %mul3A_506 = arith.mulf %get3A_502, %get3A_488 : vector<16xf32>
      %add3A_507 = arith.addf %gather3A_479, %mul3A_506 : vector<16xf32>
      %sub3A_508 = arith.subf %add3A_507, %gather3A_481 : vector<16xf32>
      %mul3A_509 = arith.mulf %sub3A_505, %sub3A_505 : vector<16xf32>
      %add3A_510 = arith.addf %sub3A_466, %mul3A_509 : vector<16xf32>
      %mul3A_511 = arith.mulf %sub3A_508, %sub3A_508 : vector<16xf32>
      %sub3A_512 = arith.subf %add3A_510, %mul3A_511 : vector<16xf32>
      %add3A_513 = arith.addf %add3A_467, %mul3A_509 : vector<16xf32>
      %sub3A_514 = arith.subf %gather3A_479, %get3A_488 : vector<16xf32>
      %mul3A_515 = arith.mulf %sub3A_514, %sub3A_514 : vector<16xf32>
      %add3A_516 = arith.addf %add3A_476, %mul3A_515 : vector<16xf32>
      %sub3A_517 = arith.subf %gather3A_480, %get3A_495 : vector<16xf32>
      %mul3A_518 = arith.mulf %sub3A_517, %sub3A_517 : vector<16xf32>
      %add3A_519 = arith.addf %add3A_516, %mul3A_518 : vector<16xf32>
      %sub3A_520 = arith.subf %gather3A_481, %get3A_502 : vector<16xf32>
      %mul3A_521 = arith.mulf %sub3A_520, %sub3A_520 : vector<16xf32>
      %add3A_522 = arith.addf %add3A_519, %mul3A_521 : vector<16xf32>
      %broadcast_in_dim3A_523 = arith.constant 4 : i32
      %broadcast_in_dim3A_524 = vector.broadcast %broadcast_in_dim3A_523 : i32 to vector<16xi32>
      %gather3A_525 = tpu.vector_load_idx %arg14[%add3A_308, %broadcast_in_dim3A_524] : memref<512x32xf32, #tpu.memory_space<vmem>>[vector<16xi32>, vector<16xi32>], vector<16xf32>,
      %gather3A_526 = tpu.vector_load_idx %arg15[%add3A_308, %broadcast_in_dim3A_524] : memref<512x32xf32, #tpu.memory_space<vmem>>[vector<16xi32>, vector<16xi32>], vector<16xf32>,
      %gather3A_527 = tpu.vector_load_idx %arg16[%add3A_308, %broadcast_in_dim3A_524] : memref<512x32xf32, #tpu.memory_space<vmem>>[vector<16xi32>, vector<16xi32>], vector<16xf32>,
      %get3A_528 = arith.constant 0 : i32
      %get3A_529 = arith.constant 4 : i32
      %get3A_530 = arith.index_cast %get3A_528 : i32 to index
      %get3A_531 = arith.index_cast %select_n3A : i32 to index
      %get3A_532 = arith.index_cast %get3A_529 : i32 to index
      %get3A_533 = arith.index_cast %mul3A_340 : i32 to index
      %get3A_534 = tpu.vector_load %arg17[%get3A_530, %get3A_531, %get3A_532, %get3A_533] {strides = array<i32>} : memref<4x4x8x128xf32, #tpu.memory_space<vmem>>, vector<16xf32>,
      %get3A_535 = arith.constant 0 : i32
      %get3A_536 = arith.constant 4 : i32
      %get3A_537 = arith.index_cast %get3A_535 : i32 to index
      %get3A_538 = arith.index_cast %select_n3A : i32 to index
      %get3A_539 = arith.index_cast %get3A_536 : i32 to index
      %get3A_540 = arith.index_cast %mul3A_340 : i32 to index
      %get3A_541 = tpu.vector_load %arg18[%get3A_537, %get3A_538, %get3A_539, %get3A_540] {strides = array<i32>} : memref<4x4x8x128xf32, #tpu.memory_space<vmem>>, vector<16xf32>,
      %get3A_542 = arith.constant 0 : i32
      %get3A_543 = arith.constant 4 : i32
      %get3A_544 = arith.index_cast %get3A_542 : i32 to index
      %get3A_545 = arith.index_cast %select_n3A : i32 to index
      %get3A_546 = arith.index_cast %get3A_543 : i32 to index
      %get3A_547 = arith.index_cast %mul3A_340 : i32 to index
      %get3A_548 = tpu.vector_load %arg19[%get3A_544, %get3A_545, %get3A_546, %get3A_547] {strides = array<i32>} : memref<4x4x8x128xf32, #tpu.memory_space<vmem>>, vector<16xf32>,
      %mul3A_549 = arith.mulf %get3A_541, %get3A_534 : vector<16xf32>
      %add3A_550 = arith.addf %gather3A_525, %mul3A_549 : vector<16xf32>
      %sub3A_551 = arith.subf %add3A_550, %gather3A_526 : vector<16xf32>
      %mul3A_552 = arith.mulf %get3A_548, %get3A_534 : vector<16xf32>
      %add3A_553 = arith.addf %gather3A_525, %mul3A_552 : vector<16xf32>
      %sub3A_554 = arith.subf %add3A_553, %gather3A_527 : vector<16xf32>
      %mul3A_555 = arith.mulf %sub3A_551, %sub3A_551 : vector<16xf32>
      %add3A_556 = arith.addf %sub3A_512, %mul3A_555 : vector<16xf32>
      %mul3A_557 = arith.mulf %sub3A_554, %sub3A_554 : vector<16xf32>
      %sub3A_558 = arith.subf %add3A_556, %mul3A_557 : vector<16xf32>
      %add3A_559 = arith.addf %add3A_513, %mul3A_555 : vector<16xf32>
      %sub3A_560 = arith.subf %gather3A_525, %get3A_534 : vector<16xf32>
      %mul3A_561 = arith.mulf %sub3A_560, %sub3A_560 : vector<16xf32>
      %add3A_562 = arith.addf %add3A_522, %mul3A_561 : vector<16xf32>
      %sub3A_563 = arith.subf %gather3A_526, %get3A_541 : vector<16xf32>
      %mul3A_564 = arith.mulf %sub3A_563, %sub3A_563 : vector<16xf32>
      %add3A_565 = arith.addf %add3A_562, %mul3A_564 : vector<16xf32>
      %sub3A_566 = arith.subf %gather3A_527, %get3A_548 : vector<16xf32>
      %mul3A_567 = arith.mulf %sub3A_566, %sub3A_566 : vector<16xf32>
      %add3A_568 = arith.addf %add3A_565, %mul3A_567 : vector<16xf32>
      %broadcast_in_dim3A_569 = arith.constant 5 : i32
      %broadcast_in_dim3A_570 = vector.broadcast %broadcast_in_dim3A_569 : i32 to vector<16xi32>
      %gather3A_571 = tpu.vector_load_idx %arg14[%add3A_308, %broadcast_in_dim3A_570] : memref<512x32xf32, #tpu.memory_space<vmem>>[vector<16xi32>, vector<16xi32>], vector<16xf32>,
      %gather3A_572 = tpu.vector_load_idx %arg15[%add3A_308, %broadcast_in_dim3A_570] : memref<512x32xf32, #tpu.memory_space<vmem>>[vector<16xi32>, vector<16xi32>], vector<16xf32>,
      %gather3A_573 = tpu.vector_load_idx %arg16[%add3A_308, %broadcast_in_dim3A_570] : memref<512x32xf32, #tpu.memory_space<vmem>>[vector<16xi32>, vector<16xi32>], vector<16xf32>,
      %get3A_574 = arith.constant 0 : i32
      %get3A_575 = arith.constant 5 : i32
      %get3A_576 = arith.index_cast %get3A_574 : i32 to index
      %get3A_577 = arith.index_cast %select_n3A : i32 to index
      %get3A_578 = arith.index_cast %get3A_575 : i32 to index
      %get3A_579 = arith.index_cast %mul3A_340 : i32 to index
      %get3A_580 = tpu.vector_load %arg17[%get3A_576, %get3A_577, %get3A_578, %get3A_579] {strides = array<i32>} : memref<4x4x8x128xf32, #tpu.memory_space<vmem>>, vector<16xf32>,
      %get3A_581 = arith.constant 0 : i32
      %get3A_582 = arith.constant 5 : i32
      %get3A_583 = arith.index_cast %get3A_581 : i32 to index
      %get3A_584 = arith.index_cast %select_n3A : i32 to index
      %get3A_585 = arith.index_cast %get3A_582 : i32 to index
      %get3A_586 = arith.index_cast %mul3A_340 : i32 to index
      %get3A_587 = tpu.vector_load %arg18[%get3A_583, %get3A_584, %get3A_585, %get3A_586] {strides = array<i32>} : memref<4x4x8x128xf32, #tpu.memory_space<vmem>>, vector<16xf32>,
      %get3A_588 = arith.constant 0 : i32
      %get3A_589 = arith.constant 5 : i32
      %get3A_590 = arith.index_cast %get3A_588 : i32 to index
      %get3A_591 = arith.index_cast %select_n3A : i32 to index
      %get3A_592 = arith.index_cast %get3A_589 : i32 to index
      %get3A_593 = arith.index_cast %mul3A_340 : i32 to index
      %get3A_594 = tpu.vector_load %arg19[%get3A_590, %get3A_591, %get3A_592, %get3A_593] {strides = array<i32>} : memref<4x4x8x128xf32, #tpu.memory_space<vmem>>, vector<16xf32>,
      %mul3A_595 = arith.mulf %get3A_587, %get3A_580 : vector<16xf32>
      %add3A_596 = arith.addf %gather3A_571, %mul3A_595 : vector<16xf32>
      %sub3A_597 = arith.subf %add3A_596, %gather3A_572 : vector<16xf32>
      %mul3A_598 = arith.mulf %get3A_594, %get3A_580 : vector<16xf32>
      %add3A_599 = arith.addf %gather3A_571, %mul3A_598 : vector<16xf32>
      %sub3A_600 = arith.subf %add3A_599, %gather3A_573 : vector<16xf32>
      %mul3A_601 = arith.mulf %sub3A_597, %sub3A_597 : vector<16xf32>
      %add3A_602 = arith.addf %sub3A_558, %mul3A_601 : vector<16xf32>
      %mul3A_603 = arith.mulf %sub3A_600, %sub3A_600 : vector<16xf32>
      %sub3A_604 = arith.subf %add3A_602, %mul3A_603 : vector<16xf32>
      %add3A_605 = arith.addf %add3A_559, %mul3A_601 : vector<16xf32>
      %sub3A_606 = arith.subf %gather3A_571, %get3A_580 : vector<16xf32>
      %mul3A_607 = arith.mulf %sub3A_606, %sub3A_606 : vector<16xf32>
      %add3A_608 = arith.addf %add3A_568, %mul3A_607 : vector<16xf32>
      %sub3A_609 = arith.subf %gather3A_572, %get3A_587 : vector<16xf32>
      %mul3A_610 = arith.mulf %sub3A_609, %sub3A_609 : vector<16xf32>
      %add3A_611 = arith.addf %add3A_608, %mul3A_610 : vector<16xf32>
      %sub3A_612 = arith.subf %gather3A_573, %get3A_594 : vector<16xf32>
      %mul3A_613 = arith.mulf %sub3A_612, %sub3A_612 : vector<16xf32>
      %add3A_614 = arith.addf %add3A_611, %mul3A_613 : vector<16xf32>
      %broadcast_in_dim3A_615 = arith.constant 6 : i32
      %broadcast_in_dim3A_616 = vector.broadcast %broadcast_in_dim3A_615 : i32 to vector<16xi32>
      %gather3A_617 = tpu.vector_load_idx %arg14[%add3A_308, %broadcast_in_dim3A_616] : memref<512x32xf32, #tpu.memory_space<vmem>>[vector<16xi32>, vector<16xi32>], vector<16xf32>,
      %gather3A_618 = tpu.vector_load_idx %arg15[%add3A_308, %broadcast_in_dim3A_616] : memref<512x32xf32, #tpu.memory_space<vmem>>[vector<16xi32>, vector<16xi32>], vector<16xf32>,
      %gather3A_619 = tpu.vector_load_idx %arg16[%add3A_308, %broadcast_in_dim3A_616] : memref<512x32xf32, #tpu.memory_space<vmem>>[vector<16xi32>, vector<16xi32>], vector<16xf32>,
      %get3A_620 = arith.constant 0 : i32
      %get3A_621 = arith.constant 6 : i32
      %get3A_622 = arith.index_cast %get3A_620 : i32 to index
      %get3A_623 = arith.index_cast %select_n3A : i32 to index
      %get3A_624 = arith.index_cast %get3A_621 : i32 to index
      %get3A_625 = arith.index_cast %mul3A_340 : i32 to index
      %get3A_626 = tpu.vector_load %arg17[%get3A_622, %get3A_623, %get3A_624, %get3A_625] {strides = array<i32>} : memref<4x4x8x128xf32, #tpu.memory_space<vmem>>, vector<16xf32>,
      %get3A_627 = arith.constant 0 : i32
      %get3A_628 = arith.constant 6 : i32
      %get3A_629 = arith.index_cast %get3A_627 : i32 to index
      %get3A_630 = arith.index_cast %select_n3A : i32 to index
      %get3A_631 = arith.index_cast %get3A_628 : i32 to index
      %get3A_632 = arith.index_cast %mul3A_340 : i32 to index
      %get3A_633 = tpu.vector_load %arg18[%get3A_629, %get3A_630, %get3A_631, %get3A_632] {strides = array<i32>} : memref<4x4x8x128xf32, #tpu.memory_space<vmem>>, vector<16xf32>,
      %get3A_634 = arith.constant 0 : i32
      %get3A_635 = arith.constant 6 : i32
      %get3A_636 = arith.index_cast %get3A_634 : i32 to index
      %get3A_637 = arith.index_cast %select_n3A : i32 to index
      %get3A_638 = arith.index_cast %get3A_635 : i32 to index
      %get3A_639 = arith.index_cast %mul3A_340 : i32 to index
      %get3A_640 = tpu.vector_load %arg19[%get3A_636, %get3A_637, %get3A_638, %get3A_639] {strides = array<i32>} : memref<4x4x8x128xf32, #tpu.memory_space<vmem>>, vector<16xf32>,
      %mul3A_641 = arith.mulf %get3A_633, %get3A_626 : vector<16xf32>
      %add3A_642 = arith.addf %gather3A_617, %mul3A_641 : vector<16xf32>
      %sub3A_643 = arith.subf %add3A_642, %gather3A_618 : vector<16xf32>
      %mul3A_644 = arith.mulf %get3A_640, %get3A_626 : vector<16xf32>
      %add3A_645 = arith.addf %gather3A_617, %mul3A_644 : vector<16xf32>
      %sub3A_646 = arith.subf %add3A_645, %gather3A_619 : vector<16xf32>
      %mul3A_647 = arith.mulf %sub3A_643, %sub3A_643 : vector<16xf32>
      %add3A_648 = arith.addf %sub3A_604, %mul3A_647 : vector<16xf32>
      %mul3A_649 = arith.mulf %sub3A_646, %sub3A_646 : vector<16xf32>
      %sub3A_650 = arith.subf %add3A_648, %mul3A_649 : vector<16xf32>
      %add3A_651 = arith.addf %add3A_605, %mul3A_647 : vector<16xf32>
      %sub3A_652 = arith.subf %gather3A_617, %get3A_626 : vector<16xf32>
      %mul3A_653 = arith.mulf %sub3A_652, %sub3A_652 : vector<16xf32>
      %add3A_654 = arith.addf %add3A_614, %mul3A_653 : vector<16xf32>
      %sub3A_655 = arith.subf %gather3A_618, %get3A_633 : vector<16xf32>
      %mul3A_656 = arith.mulf %sub3A_655, %sub3A_655 : vector<16xf32>
      %add3A_657 = arith.addf %add3A_654, %mul3A_656 : vector<16xf32>
      %sub3A_658 = arith.subf %gather3A_619, %get3A_640 : vector<16xf32>
      %mul3A_659 = arith.mulf %sub3A_658, %sub3A_658 : vector<16xf32>
      %add3A_660 = arith.addf %add3A_657, %mul3A_659 : vector<16xf32>
      %broadcast_in_dim3A_661 = arith.constant 7 : i32
      %broadcast_in_dim3A_662 = vector.broadcast %broadcast_in_dim3A_661 : i32 to vector<16xi32>
      %gather3A_663 = tpu.vector_load_idx %arg14[%add3A_308, %broadcast_in_dim3A_662] : memref<512x32xf32, #tpu.memory_space<vmem>>[vector<16xi32>, vector<16xi32>], vector<16xf32>,
      %gather3A_664 = tpu.vector_load_idx %arg15[%add3A_308, %broadcast_in_dim3A_662] : memref<512x32xf32, #tpu.memory_space<vmem>>[vector<16xi32>, vector<16xi32>], vector<16xf32>,
      %gather3A_665 = tpu.vector_load_idx %arg16[%add3A_308, %broadcast_in_dim3A_662] : memref<512x32xf32, #tpu.memory_space<vmem>>[vector<16xi32>, vector<16xi32>], vector<16xf32>,
      %get3A_666 = arith.constant 0 : i32
      %get3A_667 = arith.constant 7 : i32
      %get3A_668 = arith.index_cast %get3A_666 : i32 to index
      %get3A_669 = arith.index_cast %select_n3A : i32 to index
      %get3A_670 = arith.index_cast %get3A_667 : i32 to index
      %get3A_671 = arith.index_cast %mul3A_340 : i32 to index
      %get3A_672 = tpu.vector_load %arg17[%get3A_668, %get3A_669, %get3A_670, %get3A_671] {strides = array<i32>} : memref<4x4x8x128xf32, #tpu.memory_space<vmem>>, vector<16xf32>,
      %get3A_673 = arith.constant 0 : i32
      %get3A_674 = arith.constant 7 : i32
      %get3A_675 = arith.index_cast %get3A_673 : i32 to index
      %get3A_676 = arith.index_cast %select_n3A : i32 to index
      %get3A_677 = arith.index_cast %get3A_674 : i32 to index
      %get3A_678 = arith.index_cast %mul3A_340 : i32 to index
      %get3A_679 = tpu.vector_load %arg18[%get3A_675, %get3A_676, %get3A_677, %get3A_678] {strides = array<i32>} : memref<4x4x8x128xf32, #tpu.memory_space<vmem>>, vector<16xf32>,
      %get3A_680 = arith.constant 0 : i32
      %get3A_681 = arith.constant 7 : i32
      %get3A_682 = arith.index_cast %get3A_680 : i32 to index
      %get3A_683 = arith.index_cast %select_n3A : i32 to index
      %get3A_684 = arith.index_cast %get3A_681 : i32 to index
      %get3A_685 = arith.index_cast %mul3A_340 : i32 to index
      %get3A_686 = tpu.vector_load %arg19[%get3A_682, %get3A_683, %get3A_684, %get3A_685] {strides = array<i32>} : memref<4x4x8x128xf32, #tpu.memory_space<vmem>>, vector<16xf32>,
      %mul3A_687 = arith.mulf %get3A_679, %get3A_672 : vector<16xf32>
      %add3A_688 = arith.addf %gather3A_663, %mul3A_687 : vector<16xf32>
      %sub3A_689 = arith.subf %add3A_688, %gather3A_664 : vector<16xf32>
      %mul3A_690 = arith.mulf %get3A_686, %get3A_672 : vector<16xf32>
      %add3A_691 = arith.addf %gather3A_663, %mul3A_690 : vector<16xf32>
      %sub3A_692 = arith.subf %add3A_691, %gather3A_665 : vector<16xf32>
      %mul3A_693 = arith.mulf %sub3A_689, %sub3A_689 : vector<16xf32>
      %add3A_694 = arith.addf %sub3A_650, %mul3A_693 : vector<16xf32>
      %mul3A_695 = arith.mulf %sub3A_692, %sub3A_692 : vector<16xf32>
      %sub3A_696 = arith.subf %add3A_694, %mul3A_695 : vector<16xf32>
      %add3A_697 = arith.addf %add3A_651, %mul3A_693 : vector<16xf32>
      %sub3A_698 = arith.subf %gather3A_663, %get3A_672 : vector<16xf32>
      %mul3A_699 = arith.mulf %sub3A_698, %sub3A_698 : vector<16xf32>
      %add3A_700 = arith.addf %add3A_660, %mul3A_699 : vector<16xf32>
      %sub3A_701 = arith.subf %gather3A_664, %get3A_679 : vector<16xf32>
      %mul3A_702 = arith.mulf %sub3A_701, %sub3A_701 : vector<16xf32>
      %add3A_703 = arith.addf %add3A_700, %mul3A_702 : vector<16xf32>
      %sub3A_704 = arith.subf %gather3A_665, %get3A_686 : vector<16xf32>
      %mul3A_705 = arith.mulf %sub3A_704, %sub3A_704 : vector<16xf32>
      %add3A_706 = arith.addf %add3A_703, %mul3A_705 : vector<16xf32>
      %broadcast_in_dim3A_707 = arith.constant 8 : i32
      %broadcast_in_dim3A_708 = vector.broadcast %broadcast_in_dim3A_707 : i32 to vector<16xi32>
      %gather3A_709 = tpu.vector_load_idx %arg14[%add3A_308, %broadcast_in_dim3A_708] : memref<512x32xf32, #tpu.memory_space<vmem>>[vector<16xi32>, vector<16xi32>], vector<16xf32>,
      %gather3A_710 = tpu.vector_load_idx %arg15[%add3A_308, %broadcast_in_dim3A_708] : memref<512x32xf32, #tpu.memory_space<vmem>>[vector<16xi32>, vector<16xi32>], vector<16xf32>,
      %gather3A_711 = tpu.vector_load_idx %arg16[%add3A_308, %broadcast_in_dim3A_708] : memref<512x32xf32, #tpu.memory_space<vmem>>[vector<16xi32>, vector<16xi32>], vector<16xf32>,
      %get3A_712 = arith.constant 1 : i32
      %get3A_713 = arith.constant 0 : i32
      %get3A_714 = arith.index_cast %get3A_712 : i32 to index
      %get3A_715 = arith.index_cast %select_n3A : i32 to index
      %get3A_716 = arith.index_cast %get3A_713 : i32 to index
      %get3A_717 = arith.index_cast %mul3A_340 : i32 to index
      %get3A_718 = tpu.vector_load %arg17[%get3A_714, %get3A_715, %get3A_716, %get3A_717] {strides = array<i32>} : memref<4x4x8x128xf32, #tpu.memory_space<vmem>>, vector<16xf32>,
      %get3A_719 = arith.constant 1 : i32
      %get3A_720 = arith.constant 0 : i32
      %get3A_721 = arith.index_cast %get3A_719 : i32 to index
      %get3A_722 = arith.index_cast %select_n3A : i32 to index
      %get3A_723 = arith.index_cast %get3A_720 : i32 to index
      %get3A_724 = arith.index_cast %mul3A_340 : i32 to index
      %get3A_725 = tpu.vector_load %arg18[%get3A_721, %get3A_722, %get3A_723, %get3A_724] {strides = array<i32>} : memref<4x4x8x128xf32, #tpu.memory_space<vmem>>, vector<16xf32>,
      %get3A_726 = arith.constant 1 : i32
      %get3A_727 = arith.constant 0 : i32
      %get3A_728 = arith.index_cast %get3A_726 : i32 to index
      %get3A_729 = arith.index_cast %select_n3A : i32 to index
      %get3A_730 = arith.index_cast %get3A_727 : i32 to index
      %get3A_731 = arith.index_cast %mul3A_340 : i32 to index
      %get3A_732 = tpu.vector_load %arg19[%get3A_728, %get3A_729, %get3A_730, %get3A_731] {strides = array<i32>} : memref<4x4x8x128xf32, #tpu.memory_space<vmem>>, vector<16xf32>,
      %mul3A_733 = arith.mulf %get3A_725, %get3A_718 : vector<16xf32>
      %add3A_734 = arith.addf %gather3A_709, %mul3A_733 : vector<16xf32>
      %sub3A_735 = arith.subf %add3A_734, %gather3A_710 : vector<16xf32>
      %mul3A_736 = arith.mulf %get3A_732, %get3A_718 : vector<16xf32>
      %add3A_737 = arith.addf %gather3A_709, %mul3A_736 : vector<16xf32>
      %sub3A_738 = arith.subf %add3A_737, %gather3A_711 : vector<16xf32>
      %mul3A_739 = arith.mulf %sub3A_735, %sub3A_735 : vector<16xf32>
      %add3A_740 = arith.addf %sub3A_696, %mul3A_739 : vector<16xf32>
      %mul3A_741 = arith.mulf %sub3A_738, %sub3A_738 : vector<16xf32>
      %sub3A_742 = arith.subf %add3A_740, %mul3A_741 : vector<16xf32>
      %add3A_743 = arith.addf %add3A_697, %mul3A_739 : vector<16xf32>
      %sub3A_744 = arith.subf %gather3A_709, %get3A_718 : vector<16xf32>
      %mul3A_745 = arith.mulf %sub3A_744, %sub3A_744 : vector<16xf32>
      %add3A_746 = arith.addf %add3A_706, %mul3A_745 : vector<16xf32>
      %sub3A_747 = arith.subf %gather3A_710, %get3A_725 : vector<16xf32>
      %mul3A_748 = arith.mulf %sub3A_747, %sub3A_747 : vector<16xf32>
      %add3A_749 = arith.addf %add3A_746, %mul3A_748 : vector<16xf32>
      %sub3A_750 = arith.subf %gather3A_711, %get3A_732 : vector<16xf32>
      %mul3A_751 = arith.mulf %sub3A_750, %sub3A_750 : vector<16xf32>
      %add3A_752 = arith.addf %add3A_749, %mul3A_751 : vector<16xf32>
      %broadcast_in_dim3A_753 = arith.constant 9 : i32
      %broadcast_in_dim3A_754 = vector.broadcast %broadcast_in_dim3A_753 : i32 to vector<16xi32>
      %gather3A_755 = tpu.vector_load_idx %arg14[%add3A_308, %broadcast_in_dim3A_754] : memref<512x32xf32, #tpu.memory_space<vmem>>[vector<16xi32>, vector<16xi32>], vector<16xf32>,
      %gather3A_756 = tpu.vector_load_idx %arg15[%add3A_308, %broadcast_in_dim3A_754] : memref<512x32xf32, #tpu.memory_space<vmem>>[vector<16xi32>, vector<16xi32>], vector<16xf32>,
      %gather3A_757 = tpu.vector_load_idx %arg16[%add3A_308, %broadcast_in_dim3A_754] : memref<512x32xf32, #tpu.memory_space<vmem>>[vector<16xi32>, vector<16xi32>], vector<16xf32>,
      %get3A_758 = arith.constant 1 : i32
      %get3A_759 = arith.constant 1 : i32
      %get3A_760 = arith.index_cast %get3A_758 : i32 to index
      %get3A_761 = arith.index_cast %select_n3A : i32 to index
      %get3A_762 = arith.index_cast %get3A_759 : i32 to index
      %get3A_763 = arith.index_cast %mul3A_340 : i32 to index
      %get3A_764 = tpu.vector_load %arg17[%get3A_760, %get3A_761, %get3A_762, %get3A_763] {strides = array<i32>} : memref<4x4x8x128xf32, #tpu.memory_space<vmem>>, vector<16xf32>,
      %get3A_765 = arith.constant 1 : i32
      %get3A_766 = arith.constant 1 : i32
      %get3A_767 = arith.index_cast %get3A_765 : i32 to index
      %get3A_768 = arith.index_cast %select_n3A : i32 to index
      %get3A_769 = arith.index_cast %get3A_766 : i32 to index
      %get3A_770 = arith.index_cast %mul3A_340 : i32 to index
      %get3A_771 = tpu.vector_load %arg18[%get3A_767, %get3A_768, %get3A_769, %get3A_770] {strides = array<i32>} : memref<4x4x8x128xf32, #tpu.memory_space<vmem>>, vector<16xf32>,
      %get3A_772 = arith.constant 1 : i32
      %get3A_773 = arith.constant 1 : i32
      %get3A_774 = arith.index_cast %get3A_772 : i32 to index
      %get3A_775 = arith.index_cast %select_n3A : i32 to index
      %get3A_776 = arith.index_cast %get3A_773 : i32 to index
      %get3A_777 = arith.index_cast %mul3A_340 : i32 to index
      %get3A_778 = tpu.vector_load %arg19[%get3A_774, %get3A_775, %get3A_776, %get3A_777] {strides = array<i32>} : memref<4x4x8x128xf32, #tpu.memory_space<vmem>>, vector<16xf32>,
      %mul3A_779 = arith.mulf %get3A_771, %get3A_764 : vector<16xf32>
      %add3A_780 = arith.addf %gather3A_755, %mul3A_779 : vector<16xf32>
      %sub3A_781 = arith.subf %add3A_780, %gather3A_756 : vector<16xf32>
      %mul3A_782 = arith.mulf %get3A_778, %get3A_764 : vector<16xf32>
      %add3A_783 = arith.addf %gather3A_755, %mul3A_782 : vector<16xf32>
      %sub3A_784 = arith.subf %add3A_783, %gather3A_757 : vector<16xf32>
      %mul3A_785 = arith.mulf %sub3A_781, %sub3A_781 : vector<16xf32>
      %add3A_786 = arith.addf %sub3A_742, %mul3A_785 : vector<16xf32>
      %mul3A_787 = arith.mulf %sub3A_784, %sub3A_784 : vector<16xf32>
      %sub3A_788 = arith.subf %add3A_786, %mul3A_787 : vector<16xf32>
      %add3A_789 = arith.addf %add3A_743, %mul3A_785 : vector<16xf32>
      %sub3A_790 = arith.subf %gather3A_755, %get3A_764 : vector<16xf32>
      %mul3A_791 = arith.mulf %sub3A_790, %sub3A_790 : vector<16xf32>
      %add3A_792 = arith.addf %add3A_752, %mul3A_791 : vector<16xf32>
      %sub3A_793 = arith.subf %gather3A_756, %get3A_771 : vector<16xf32>
      %mul3A_794 = arith.mulf %sub3A_793, %sub3A_793 : vector<16xf32>
      %add3A_795 = arith.addf %add3A_792, %mul3A_794 : vector<16xf32>
      %sub3A_796 = arith.subf %gather3A_757, %get3A_778 : vector<16xf32>
      %mul3A_797 = arith.mulf %sub3A_796, %sub3A_796 : vector<16xf32>
      %add3A_798 = arith.addf %add3A_795, %mul3A_797 : vector<16xf32>
      %broadcast_in_dim3A_799 = arith.constant 10 : i32
      %broadcast_in_dim3A_800 = vector.broadcast %broadcast_in_dim3A_799 : i32 to vector<16xi32>
      %gather3A_801 = tpu.vector_load_idx %arg14[%add3A_308, %broadcast_in_dim3A_800] : memref<512x32xf32, #tpu.memory_space<vmem>>[vector<16xi32>, vector<16xi32>], vector<16xf32>,
      %gather3A_802 = tpu.vector_load_idx %arg15[%add3A_308, %broadcast_in_dim3A_800] : memref<512x32xf32, #tpu.memory_space<vmem>>[vector<16xi32>, vector<16xi32>], vector<16xf32>,
      %gather3A_803 = tpu.vector_load_idx %arg16[%add3A_308, %broadcast_in_dim3A_800] : memref<512x32xf32, #tpu.memory_space<vmem>>[vector<16xi32>, vector<16xi32>], vector<16xf32>,
      %get3A_804 = arith.constant 1 : i32
      %get3A_805 = arith.constant 2 : i32
      %get3A_806 = arith.index_cast %get3A_804 : i32 to index
      %get3A_807 = arith.index_cast %select_n3A : i32 to index
      %get3A_808 = arith.index_cast %get3A_805 : i32 to index
      %get3A_809 = arith.index_cast %mul3A_340 : i32 to index
      %get3A_810 = tpu.vector_load %arg17[%get3A_806, %get3A_807, %get3A_808, %get3A_809] {strides = array<i32>} : memref<4x4x8x128xf32, #tpu.memory_space<vmem>>, vector<16xf32>,
      %get3A_811 = arith.constant 1 : i32
      %get3A_812 = arith.constant 2 : i32
      %get3A_813 = arith.index_cast %get3A_811 : i32 to index
      %get3A_814 = arith.index_cast %select_n3A : i32 to index
      %get3A_815 = arith.index_cast %get3A_812 : i32 to index
      %get3A_816 = arith.index_cast %mul3A_340 : i32 to index
      %get3A_817 = tpu.vector_load %arg18[%get3A_813, %get3A_814, %get3A_815, %get3A_816] {strides = array<i32>} : memref<4x4x8x128xf32, #tpu.memory_space<vmem>>, vector<16xf32>,
      %get3A_818 = arith.constant 1 : i32
      %get3A_819 = arith.constant 2 : i32
      %get3A_820 = arith.index_cast %get3A_818 : i32 to index
      %get3A_821 = arith.index_cast %select_n3A : i32 to index
      %get3A_822 = arith.index_cast %get3A_819 : i32 to index
      %get3A_823 = arith.index_cast %mul3A_340 : i32 to index
      %get3A_824 = tpu.vector_load %arg19[%get3A_820, %get3A_821, %get3A_822, %get3A_823] {strides = array<i32>} : memref<4x4x8x128xf32, #tpu.memory_space<vmem>>, vector<16xf32>,
      %mul3A_825 = arith.mulf %get3A_817, %get3A_810 : vector<16xf32>
      %add3A_826 = arith.addf %gather3A_801, %mul3A_825 : vector<16xf32>
      %sub3A_827 = arith.subf %add3A_826, %gather3A_802 : vector<16xf32>
      %mul3A_828 = arith.mulf %get3A_824, %get3A_810 : vector<16xf32>
      %add3A_829 = arith.addf %gather3A_801, %mul3A_828 : vector<16xf32>
      %sub3A_830 = arith.subf %add3A_829, %gather3A_803 : vector<16xf32>
      %mul3A_831 = arith.mulf %sub3A_827, %sub3A_827 : vector<16xf32>
      %add3A_832 = arith.addf %sub3A_788, %mul3A_831 : vector<16xf32>
      %mul3A_833 = arith.mulf %sub3A_830, %sub3A_830 : vector<16xf32>
      %sub3A_834 = arith.subf %add3A_832, %mul3A_833 : vector<16xf32>
      %add3A_835 = arith.addf %add3A_789, %mul3A_831 : vector<16xf32>
      %sub3A_836 = arith.subf %gather3A_801, %get3A_810 : vector<16xf32>
      %mul3A_837 = arith.mulf %sub3A_836, %sub3A_836 : vector<16xf32>
      %add3A_838 = arith.addf %add3A_798, %mul3A_837 : vector<16xf32>
      %sub3A_839 = arith.subf %gather3A_802, %get3A_817 : vector<16xf32>
      %mul3A_840 = arith.mulf %sub3A_839, %sub3A_839 : vector<16xf32>
      %add3A_841 = arith.addf %add3A_838, %mul3A_840 : vector<16xf32>
      %sub3A_842 = arith.subf %gather3A_803, %get3A_824 : vector<16xf32>
      %mul3A_843 = arith.mulf %sub3A_842, %sub3A_842 : vector<16xf32>
      %add3A_844 = arith.addf %add3A_841, %mul3A_843 : vector<16xf32>
      %broadcast_in_dim3A_845 = arith.constant 11 : i32
      %broadcast_in_dim3A_846 = vector.broadcast %broadcast_in_dim3A_845 : i32 to vector<16xi32>
      %gather3A_847 = tpu.vector_load_idx %arg14[%add3A_308, %broadcast_in_dim3A_846] : memref<512x32xf32, #tpu.memory_space<vmem>>[vector<16xi32>, vector<16xi32>], vector<16xf32>,
      %gather3A_848 = tpu.vector_load_idx %arg15[%add3A_308, %broadcast_in_dim3A_846] : memref<512x32xf32, #tpu.memory_space<vmem>>[vector<16xi32>, vector<16xi32>], vector<16xf32>,
      %gather3A_849 = tpu.vector_load_idx %arg16[%add3A_308, %broadcast_in_dim3A_846] : memref<512x32xf32, #tpu.memory_space<vmem>>[vector<16xi32>, vector<16xi32>], vector<16xf32>,
      %get3A_850 = arith.constant 1 : i32
      %get3A_851 = arith.constant 3 : i32
      %get3A_852 = arith.index_cast %get3A_850 : i32 to index
      %get3A_853 = arith.index_cast %select_n3A : i32 to index
      %get3A_854 = arith.index_cast %get3A_851 : i32 to index
      %get3A_855 = arith.index_cast %mul3A_340 : i32 to index
      %get3A_856 = tpu.vector_load %arg17[%get3A_852, %get3A_853, %get3A_854, %get3A_855] {strides = array<i32>} : memref<4x4x8x128xf32, #tpu.memory_space<vmem>>, vector<16xf32>,
      %get3A_857 = arith.constant 1 : i32
      %get3A_858 = arith.constant 3 : i32
      %get3A_859 = arith.index_cast %get3A_857 : i32 to index
      %get3A_860 = arith.index_cast %select_n3A : i32 to index
      %get3A_861 = arith.index_cast %get3A_858 : i32 to index
      %get3A_862 = arith.index_cast %mul3A_340 : i32 to index
      %get3A_863 = tpu.vector_load %arg18[%get3A_859, %get3A_860, %get3A_861, %get3A_862] {strides = array<i32>} : memref<4x4x8x128xf32, #tpu.memory_space<vmem>>, vector<16xf32>,
      %get3A_864 = arith.constant 1 : i32
      %get3A_865 = arith.constant 3 : i32
      %get3A_866 = arith.index_cast %get3A_864 : i32 to index
      %get3A_867 = arith.index_cast %select_n3A : i32 to index
      %get3A_868 = arith.index_cast %get3A_865 : i32 to index
      %get3A_869 = arith.index_cast %mul3A_340 : i32 to index
      %get3A_870 = tpu.vector_load %arg19[%get3A_866, %get3A_867, %get3A_868, %get3A_869] {strides = array<i32>} : memref<4x4x8x128xf32, #tpu.memory_space<vmem>>, vector<16xf32>,
      %mul3A_871 = arith.mulf %get3A_863, %get3A_856 : vector<16xf32>
      %add3A_872 = arith.addf %gather3A_847, %mul3A_871 : vector<16xf32>
      %sub3A_873 = arith.subf %add3A_872, %gather3A_848 : vector<16xf32>
      %mul3A_874 = arith.mulf %get3A_870, %get3A_856 : vector<16xf32>
      %add3A_875 = arith.addf %gather3A_847, %mul3A_874 : vector<16xf32>
      %sub3A_876 = arith.subf %add3A_875, %gather3A_849 : vector<16xf32>
      %mul3A_877 = arith.mulf %sub3A_873, %sub3A_873 : vector<16xf32>
      %add3A_878 = arith.addf %sub3A_834, %mul3A_877 : vector<16xf32>
      %mul3A_879 = arith.mulf %sub3A_876, %sub3A_876 : vector<16xf32>
      %sub3A_880 = arith.subf %add3A_878, %mul3A_879 : vector<16xf32>
      %add3A_881 = arith.addf %add3A_835, %mul3A_877 : vector<16xf32>
      %sub3A_882 = arith.subf %gather3A_847, %get3A_856 : vector<16xf32>
      %mul3A_883 = arith.mulf %sub3A_882, %sub3A_882 : vector<16xf32>
      %add3A_884 = arith.addf %add3A_844, %mul3A_883 : vector<16xf32>
      %sub3A_885 = arith.subf %gather3A_848, %get3A_863 : vector<16xf32>
      %mul3A_886 = arith.mulf %sub3A_885, %sub3A_885 : vector<16xf32>
      %add3A_887 = arith.addf %add3A_884, %mul3A_886 : vector<16xf32>
      %sub3A_888 = arith.subf %gather3A_849, %get3A_870 : vector<16xf32>
      %mul3A_889 = arith.mulf %sub3A_888, %sub3A_888 : vector<16xf32>
      %add3A_890 = arith.addf %add3A_887, %mul3A_889 : vector<16xf32>
      %broadcast_in_dim3A_891 = arith.constant 12 : i32
      %broadcast_in_dim3A_892 = vector.broadcast %broadcast_in_dim3A_891 : i32 to vector<16xi32>
      %gather3A_893 = tpu.vector_load_idx %arg14[%add3A_308, %broadcast_in_dim3A_892] : memref<512x32xf32, #tpu.memory_space<vmem>>[vector<16xi32>, vector<16xi32>], vector<16xf32>,
      %gather3A_894 = tpu.vector_load_idx %arg15[%add3A_308, %broadcast_in_dim3A_892] : memref<512x32xf32, #tpu.memory_space<vmem>>[vector<16xi32>, vector<16xi32>], vector<16xf32>,
      %gather3A_895 = tpu.vector_load_idx %arg16[%add3A_308, %broadcast_in_dim3A_892] : memref<512x32xf32, #tpu.memory_space<vmem>>[vector<16xi32>, vector<16xi32>], vector<16xf32>,
      %get3A_896 = arith.constant 1 : i32
      %get3A_897 = arith.constant 4 : i32
      %get3A_898 = arith.index_cast %get3A_896 : i32 to index
      %get3A_899 = arith.index_cast %select_n3A : i32 to index
      %get3A_900 = arith.index_cast %get3A_897 : i32 to index
      %get3A_901 = arith.index_cast %mul3A_340 : i32 to index
      %get3A_902 = tpu.vector_load %arg17[%get3A_898, %get3A_899, %get3A_900, %get3A_901] {strides = array<i32>} : memref<4x4x8x128xf32, #tpu.memory_space<vmem>>, vector<16xf32>,
      %get3A_903 = arith.constant 1 : i32
      %get3A_904 = arith.constant 4 : i32
      %get3A_905 = arith.index_cast %get3A_903 : i32 to index
      %get3A_906 = arith.index_cast %select_n3A : i32 to index
      %get3A_907 = arith.index_cast %get3A_904 : i32 to index
      %get3A_908 = arith.index_cast %mul3A_340 : i32 to index
      %get3A_909 = tpu.vector_load %arg18[%get3A_905, %get3A_906, %get3A_907, %get3A_908] {strides = array<i32>} : memref<4x4x8x128xf32, #tpu.memory_space<vmem>>, vector<16xf32>,
      %get3A_910 = arith.constant 1 : i32
      %get3A_911 = arith.constant 4 : i32
      %get3A_912 = arith.index_cast %get3A_910 : i32 to index
      %get3A_913 = arith.index_cast %select_n3A : i32 to index
      %get3A_914 = arith.index_cast %get3A_911 : i32 to index
      %get3A_915 = arith.index_cast %mul3A_340 : i32 to index
      %get3A_916 = tpu.vector_load %arg19[%get3A_912, %get3A_913, %get3A_914, %get3A_915] {strides = array<i32>} : memref<4x4x8x128xf32, #tpu.memory_space<vmem>>, vector<16xf32>,
      %mul3A_917 = arith.mulf %get3A_909, %get3A_902 : vector<16xf32>
      %add3A_918 = arith.addf %gather3A_893, %mul3A_917 : vector<16xf32>
      %sub3A_919 = arith.subf %add3A_918, %gather3A_894 : vector<16xf32>
      %mul3A_920 = arith.mulf %get3A_916, %get3A_902 : vector<16xf32>
      %add3A_921 = arith.addf %gather3A_893, %mul3A_920 : vector<16xf32>
      %sub3A_922 = arith.subf %add3A_921, %gather3A_895 : vector<16xf32>
      %mul3A_923 = arith.mulf %sub3A_919, %sub3A_919 : vector<16xf32>
      %add3A_924 = arith.addf %sub3A_880, %mul3A_923 : vector<16xf32>
      %mul3A_925 = arith.mulf %sub3A_922, %sub3A_922 : vector<16xf32>
      %sub3A_926 = arith.subf %add3A_924, %mul3A_925 : vector<16xf32>
      %add3A_927 = arith.addf %add3A_881, %mul3A_923 : vector<16xf32>
      %sub3A_928 = arith.subf %gather3A_893, %get3A_902 : vector<16xf32>
      %mul3A_929 = arith.mulf %sub3A_928, %sub3A_928 : vector<16xf32>
      %add3A_930 = arith.addf %add3A_890, %mul3A_929 : vector<16xf32>
      %sub3A_931 = arith.subf %gather3A_894, %get3A_909 : vector<16xf32>
      %mul3A_932 = arith.mulf %sub3A_931, %sub3A_931 : vector<16xf32>
      %add3A_933 = arith.addf %add3A_930, %mul3A_932 : vector<16xf32>
      %sub3A_934 = arith.subf %gather3A_895, %get3A_916 : vector<16xf32>
      %mul3A_935 = arith.mulf %sub3A_934, %sub3A_934 : vector<16xf32>
      %add3A_936 = arith.addf %add3A_933, %mul3A_935 : vector<16xf32>
      %broadcast_in_dim3A_937 = arith.constant 13 : i32
      %broadcast_in_dim3A_938 = vector.broadcast %broadcast_in_dim3A_937 : i32 to vector<16xi32>
      %gather3A_939 = tpu.vector_load_idx %arg14[%add3A_308, %broadcast_in_dim3A_938] : memref<512x32xf32, #tpu.memory_space<vmem>>[vector<16xi32>, vector<16xi32>], vector<16xf32>,
      %gather3A_940 = tpu.vector_load_idx %arg15[%add3A_308, %broadcast_in_dim3A_938] : memref<512x32xf32, #tpu.memory_space<vmem>>[vector<16xi32>, vector<16xi32>], vector<16xf32>,
      %gather3A_941 = tpu.vector_load_idx %arg16[%add3A_308, %broadcast_in_dim3A_938] : memref<512x32xf32, #tpu.memory_space<vmem>>[vector<16xi32>, vector<16xi32>], vector<16xf32>,
      %get3A_942 = arith.constant 1 : i32
      %get3A_943 = arith.constant 5 : i32
      %get3A_944 = arith.index_cast %get3A_942 : i32 to index
      %get3A_945 = arith.index_cast %select_n3A : i32 to index
      %get3A_946 = arith.index_cast %get3A_943 : i32 to index
      %get3A_947 = arith.index_cast %mul3A_340 : i32 to index
      %get3A_948 = tpu.vector_load %arg17[%get3A_944, %get3A_945, %get3A_946, %get3A_947] {strides = array<i32>} : memref<4x4x8x128xf32, #tpu.memory_space<vmem>>, vector<16xf32>,
      %get3A_949 = arith.constant 1 : i32
      %get3A_950 = arith.constant 5 : i32
      %get3A_951 = arith.index_cast %get3A_949 : i32 to index
      %get3A_952 = arith.index_cast %select_n3A : i32 to index
      %get3A_953 = arith.index_cast %get3A_950 : i32 to index
      %get3A_954 = arith.index_cast %mul3A_340 : i32 to index
      %get3A_955 = tpu.vector_load %arg18[%get3A_951, %get3A_952, %get3A_953, %get3A_954] {strides = array<i32>} : memref<4x4x8x128xf32, #tpu.memory_space<vmem>>, vector<16xf32>,
      %get3A_956 = arith.constant 1 : i32
      %get3A_957 = arith.constant 5 : i32
      %get3A_958 = arith.index_cast %get3A_956 : i32 to index
      %get3A_959 = arith.index_cast %select_n3A : i32 to index
      %get3A_960 = arith.index_cast %get3A_957 : i32 to index
      %get3A_961 = arith.index_cast %mul3A_340 : i32 to index
      %get3A_962 = tpu.vector_load %arg19[%get3A_958, %get3A_959, %get3A_960, %get3A_961] {strides = array<i32>} : memref<4x4x8x128xf32, #tpu.memory_space<vmem>>, vector<16xf32>,
      %mul3A_963 = arith.mulf %get3A_955, %get3A_948 : vector<16xf32>
      %add3A_964 = arith.addf %gather3A_939, %mul3A_963 : vector<16xf32>
      %sub3A_965 = arith.subf %add3A_964, %gather3A_940 : vector<16xf32>
      %mul3A_966 = arith.mulf %get3A_962, %get3A_948 : vector<16xf32>
      %add3A_967 = arith.addf %gather3A_939, %mul3A_966 : vector<16xf32>
      %sub3A_968 = arith.subf %add3A_967, %gather3A_941 : vector<16xf32>
      %mul3A_969 = arith.mulf %sub3A_965, %sub3A_965 : vector<16xf32>
      %add3A_970 = arith.addf %sub3A_926, %mul3A_969 : vector<16xf32>
      %mul3A_971 = arith.mulf %sub3A_968, %sub3A_968 : vector<16xf32>
      %sub3A_972 = arith.subf %add3A_970, %mul3A_971 : vector<16xf32>
      %add3A_973 = arith.addf %add3A_927, %mul3A_969 : vector<16xf32>
      %sub3A_974 = arith.subf %gather3A_939, %get3A_948 : vector<16xf32>
      %mul3A_975 = arith.mulf %sub3A_974, %sub3A_974 : vector<16xf32>
      %add3A_976 = arith.addf %add3A_936, %mul3A_975 : vector<16xf32>
      %sub3A_977 = arith.subf %gather3A_940, %get3A_955 : vector<16xf32>
      %mul3A_978 = arith.mulf %sub3A_977, %sub3A_977 : vector<16xf32>
      %add3A_979 = arith.addf %add3A_976, %mul3A_978 : vector<16xf32>
      %sub3A_980 = arith.subf %gather3A_941, %get3A_962 : vector<16xf32>
      %mul3A_981 = arith.mulf %sub3A_980, %sub3A_980 : vector<16xf32>
      %add3A_982 = arith.addf %add3A_979, %mul3A_981 : vector<16xf32>
      %broadcast_in_dim3A_983 = arith.constant 14 : i32
      %broadcast_in_dim3A_984 = vector.broadcast %broadcast_in_dim3A_983 : i32 to vector<16xi32>
      %gather3A_985 = tpu.vector_load_idx %arg14[%add3A_308, %broadcast_in_dim3A_984] : memref<512x32xf32, #tpu.memory_space<vmem>>[vector<16xi32>, vector<16xi32>], vector<16xf32>,
      %gather3A_986 = tpu.vector_load_idx %arg15[%add3A_308, %broadcast_in_dim3A_984] : memref<512x32xf32, #tpu.memory_space<vmem>>[vector<16xi32>, vector<16xi32>], vector<16xf32>,
      %gather3A_987 = tpu.vector_load_idx %arg16[%add3A_308, %broadcast_in_dim3A_984] : memref<512x32xf32, #tpu.memory_space<vmem>>[vector<16xi32>, vector<16xi32>], vector<16xf32>,
      %get3A_988 = arith.constant 1 : i32
      %get3A_989 = arith.constant 6 : i32
      %get3A_990 = arith.index_cast %get3A_988 : i32 to index
      %get3A_991 = arith.index_cast %select_n3A : i32 to index
      %get3A_992 = arith.index_cast %get3A_989 : i32 to index
      %get3A_993 = arith.index_cast %mul3A_340 : i32 to index
      %get3A_994 = tpu.vector_load %arg17[%get3A_990, %get3A_991, %get3A_992, %get3A_993] {strides = array<i32>} : memref<4x4x8x128xf32, #tpu.memory_space<vmem>>, vector<16xf32>,
      %get3A_995 = arith.constant 1 : i32
      %get3A_996 = arith.constant 6 : i32
      %get3A_997 = arith.index_cast %get3A_995 : i32 to index
      %get3A_998 = arith.index_cast %select_n3A : i32 to index
      %get3A_999 = arith.index_cast %get3A_996 : i32 to index
      %get3A_1000 = arith.index_cast %mul3A_340 : i32 to index
      %get3A_1001 = tpu.vector_load %arg18[%get3A_997, %get3A_998, %get3A_999, %get3A_1000] {strides = array<i32>} : memref<4x4x8x128xf32, #tpu.memory_space<vmem>>, vector<16xf32>,
      %get3A_1002 = arith.constant 1 : i32
      %get3A_1003 = arith.constant 6 : i32
      %get3A_1004 = arith.index_cast %get3A_1002 : i32 to index
      %get3A_1005 = arith.index_cast %select_n3A : i32 to index
      %get3A_1006 = arith.index_cast %get3A_1003 : i32 to index
      %get3A_1007 = arith.index_cast %mul3A_340 : i32 to index
      %get3A_1008 = tpu.vector_load %arg19[%get3A_1004, %get3A_1005, %get3A_1006, %get3A_1007] {strides = array<i32>} : memref<4x4x8x128xf32, #tpu.memory_space<vmem>>, vector<16xf32>,
      %mul3A_1009 = arith.mulf %get3A_1001, %get3A_994 : vector<16xf32>
      %add3A_1010 = arith.addf %gather3A_985, %mul3A_1009 : vector<16xf32>
      %sub3A_1011 = arith.subf %add3A_1010, %gather3A_986 : vector<16xf32>
      %mul3A_1012 = arith.mulf %get3A_1008, %get3A_994 : vector<16xf32>
      %add3A_1013 = arith.addf %gather3A_985, %mul3A_1012 : vector<16xf32>
      %sub3A_1014 = arith.subf %add3A_1013, %gather3A_987 : vector<16xf32>
      %mul3A_1015 = arith.mulf %sub3A_1011, %sub3A_1011 : vector<16xf32>
      %add3A_1016 = arith.addf %sub3A_972, %mul3A_1015 : vector<16xf32>
      %mul3A_1017 = arith.mulf %sub3A_1014, %sub3A_1014 : vector<16xf32>
      %sub3A_1018 = arith.subf %add3A_1016, %mul3A_1017 : vector<16xf32>
      %add3A_1019 = arith.addf %add3A_973, %mul3A_1015 : vector<16xf32>
      %sub3A_1020 = arith.subf %gather3A_985, %get3A_994 : vector<16xf32>
      %mul3A_1021 = arith.mulf %sub3A_1020, %sub3A_1020 : vector<16xf32>
      %add3A_1022 = arith.addf %add3A_982, %mul3A_1021 : vector<16xf32>
      %sub3A_1023 = arith.subf %gather3A_986, %get3A_1001 : vector<16xf32>
      %mul3A_1024 = arith.mulf %sub3A_1023, %sub3A_1023 : vector<16xf32>
      %add3A_1025 = arith.addf %add3A_1022, %mul3A_1024 : vector<16xf32>
      %sub3A_1026 = arith.subf %gather3A_987, %get3A_1008 : vector<16xf32>
      %mul3A_1027 = arith.mulf %sub3A_1026, %sub3A_1026 : vector<16xf32>
      %add3A_1028 = arith.addf %add3A_1025, %mul3A_1027 : vector<16xf32>
      %broadcast_in_dim3A_1029 = arith.constant 15 : i32
      %broadcast_in_dim3A_1030 = vector.broadcast %broadcast_in_dim3A_1029 : i32 to vector<16xi32>
      %gather3A_1031 = tpu.vector_load_idx %arg14[%add3A_308, %broadcast_in_dim3A_1030] : memref<512x32xf32, #tpu.memory_space<vmem>>[vector<16xi32>, vector<16xi32>], vector<16xf32>,
      %gather3A_1032 = tpu.vector_load_idx %arg15[%add3A_308, %broadcast_in_dim3A_1030] : memref<512x32xf32, #tpu.memory_space<vmem>>[vector<16xi32>, vector<16xi32>], vector<16xf32>,
      %gather3A_1033 = tpu.vector_load_idx %arg16[%add3A_308, %broadcast_in_dim3A_1030] : memref<512x32xf32, #tpu.memory_space<vmem>>[vector<16xi32>, vector<16xi32>], vector<16xf32>,
      %get3A_1034 = arith.constant 1 : i32
      %get3A_1035 = arith.constant 7 : i32
      %get3A_1036 = arith.index_cast %get3A_1034 : i32 to index
      %get3A_1037 = arith.index_cast %select_n3A : i32 to index
      %get3A_1038 = arith.index_cast %get3A_1035 : i32 to index
      %get3A_1039 = arith.index_cast %mul3A_340 : i32 to index
      %get3A_1040 = tpu.vector_load %arg17[%get3A_1036, %get3A_1037, %get3A_1038, %get3A_1039] {strides = array<i32>} : memref<4x4x8x128xf32, #tpu.memory_space<vmem>>, vector<16xf32>,
      %get3A_1041 = arith.constant 1 : i32
      %get3A_1042 = arith.constant 7 : i32
      %get3A_1043 = arith.index_cast %get3A_1041 : i32 to index
      %get3A_1044 = arith.index_cast %select_n3A : i32 to index
      %get3A_1045 = arith.index_cast %get3A_1042 : i32 to index
      %get3A_1046 = arith.index_cast %mul3A_340 : i32 to index
      %get3A_1047 = tpu.vector_load %arg18[%get3A_1043, %get3A_1044, %get3A_1045, %get3A_1046] {strides = array<i32>} : memref<4x4x8x128xf32, #tpu.memory_space<vmem>>, vector<16xf32>,
      %get3A_1048 = arith.constant 1 : i32
      %get3A_1049 = arith.constant 7 : i32
      %get3A_1050 = arith.index_cast %get3A_1048 : i32 to index
      %get3A_1051 = arith.index_cast %select_n3A : i32 to index
      %get3A_1052 = arith.index_cast %get3A_1049 : i32 to index
      %get3A_1053 = arith.index_cast %mul3A_340 : i32 to index
      %get3A_1054 = tpu.vector_load %arg19[%get3A_1050, %get3A_1051, %get3A_1052, %get3A_1053] {strides = array<i32>} : memref<4x4x8x128xf32, #tpu.memory_space<vmem>>, vector<16xf32>,
      %mul3A_1055 = arith.mulf %get3A_1047, %get3A_1040 : vector<16xf32>
      %add3A_1056 = arith.addf %gather3A_1031, %mul3A_1055 : vector<16xf32>
      %sub3A_1057 = arith.subf %add3A_1056, %gather3A_1032 : vector<16xf32>
      %mul3A_1058 = arith.mulf %get3A_1054, %get3A_1040 : vector<16xf32>
      %add3A_1059 = arith.addf %gather3A_1031, %mul3A_1058 : vector<16xf32>
      %sub3A_1060 = arith.subf %add3A_1059, %gather3A_1033 : vector<16xf32>
      %mul3A_1061 = arith.mulf %sub3A_1057, %sub3A_1057 : vector<16xf32>
      %add3A_1062 = arith.addf %sub3A_1018, %mul3A_1061 : vector<16xf32>
      %mul3A_1063 = arith.mulf %sub3A_1060, %sub3A_1060 : vector<16xf32>
      %sub3A_1064 = arith.subf %add3A_1062, %mul3A_1063 : vector<16xf32>
      %add3A_1065 = arith.addf %add3A_1019, %mul3A_1061 : vector<16xf32>
      %sub3A_1066 = arith.subf %gather3A_1031, %get3A_1040 : vector<16xf32>
      %mul3A_1067 = arith.mulf %sub3A_1066, %sub3A_1066 : vector<16xf32>
      %add3A_1068 = arith.addf %add3A_1028, %mul3A_1067 : vector<16xf32>
      %sub3A_1069 = arith.subf %gather3A_1032, %get3A_1047 : vector<16xf32>
      %mul3A_1070 = arith.mulf %sub3A_1069, %sub3A_1069 : vector<16xf32>
      %add3A_1071 = arith.addf %add3A_1068, %mul3A_1070 : vector<16xf32>
      %sub3A_1072 = arith.subf %gather3A_1033, %get3A_1054 : vector<16xf32>
      %mul3A_1073 = arith.mulf %sub3A_1072, %sub3A_1072 : vector<16xf32>
      %add3A_1074 = arith.addf %add3A_1071, %mul3A_1073 : vector<16xf32>
      %broadcast_in_dim3A_1075 = arith.constant 16 : i32
      %broadcast_in_dim3A_1076 = vector.broadcast %broadcast_in_dim3A_1075 : i32 to vector<16xi32>
      %gather3A_1077 = tpu.vector_load_idx %arg14[%add3A_308, %broadcast_in_dim3A_1076] : memref<512x32xf32, #tpu.memory_space<vmem>>[vector<16xi32>, vector<16xi32>], vector<16xf32>,
      %gather3A_1078 = tpu.vector_load_idx %arg15[%add3A_308, %broadcast_in_dim3A_1076] : memref<512x32xf32, #tpu.memory_space<vmem>>[vector<16xi32>, vector<16xi32>], vector<16xf32>,
      %gather3A_1079 = tpu.vector_load_idx %arg16[%add3A_308, %broadcast_in_dim3A_1076] : memref<512x32xf32, #tpu.memory_space<vmem>>[vector<16xi32>, vector<16xi32>], vector<16xf32>,
      %get3A_1080 = arith.constant 2 : i32
      %get3A_1081 = arith.constant 0 : i32
      %get3A_1082 = arith.index_cast %get3A_1080 : i32 to index
      %get3A_1083 = arith.index_cast %select_n3A : i32 to index
      %get3A_1084 = arith.index_cast %get3A_1081 : i32 to index
      %get3A_1085 = arith.index_cast %mul3A_340 : i32 to index
      %get3A_1086 = tpu.vector_load %arg17[%get3A_1082, %get3A_1083, %get3A_1084, %get3A_1085] {strides = array<i32>} : memref<4x4x8x128xf32, #tpu.memory_space<vmem>>, vector<16xf32>,
      %get3A_1087 = arith.constant 2 : i32
      %get3A_1088 = arith.constant 0 : i32
      %get3A_1089 = arith.index_cast %get3A_1087 : i32 to index
      %get3A_1090 = arith.index_cast %select_n3A : i32 to index
      %get3A_1091 = arith.index_cast %get3A_1088 : i32 to index
      %get3A_1092 = arith.index_cast %mul3A_340 : i32 to index
      %get3A_1093 = tpu.vector_load %arg18[%get3A_1089, %get3A_1090, %get3A_1091, %get3A_1092] {strides = array<i32>} : memref<4x4x8x128xf32, #tpu.memory_space<vmem>>, vector<16xf32>,
      %get3A_1094 = arith.constant 2 : i32
      %get3A_1095 = arith.constant 0 : i32
      %get3A_1096 = arith.index_cast %get3A_1094 : i32 to index
      %get3A_1097 = arith.index_cast %select_n3A : i32 to index
      %get3A_1098 = arith.index_cast %get3A_1095 : i32 to index
      %get3A_1099 = arith.index_cast %mul3A_340 : i32 to index
      %get3A_1100 = tpu.vector_load %arg19[%get3A_1096, %get3A_1097, %get3A_1098, %get3A_1099] {strides = array<i32>} : memref<4x4x8x128xf32, #tpu.memory_space<vmem>>, vector<16xf32>,
      %mul3A_1101 = arith.mulf %get3A_1093, %get3A_1086 : vector<16xf32>
      %add3A_1102 = arith.addf %gather3A_1077, %mul3A_1101 : vector<16xf32>
      %sub3A_1103 = arith.subf %add3A_1102, %gather3A_1078 : vector<16xf32>
      %mul3A_1104 = arith.mulf %get3A_1100, %get3A_1086 : vector<16xf32>
      %add3A_1105 = arith.addf %gather3A_1077, %mul3A_1104 : vector<16xf32>
      %sub3A_1106 = arith.subf %add3A_1105, %gather3A_1079 : vector<16xf32>
      %mul3A_1107 = arith.mulf %sub3A_1103, %sub3A_1103 : vector<16xf32>
      %add3A_1108 = arith.addf %sub3A_1064, %mul3A_1107 : vector<16xf32>
      %mul3A_1109 = arith.mulf %sub3A_1106, %sub3A_1106 : vector<16xf32>
      %sub3A_1110 = arith.subf %add3A_1108, %mul3A_1109 : vector<16xf32>
      %add3A_1111 = arith.addf %add3A_1065, %mul3A_1107 : vector<16xf32>
      %sub3A_1112 = arith.subf %gather3A_1077, %get3A_1086 : vector<16xf32>
      %mul3A_1113 = arith.mulf %sub3A_1112, %sub3A_1112 : vector<16xf32>
      %add3A_1114 = arith.addf %add3A_1074, %mul3A_1113 : vector<16xf32>
      %sub3A_1115 = arith.subf %gather3A_1078, %get3A_1093 : vector<16xf32>
      %mul3A_1116 = arith.mulf %sub3A_1115, %sub3A_1115 : vector<16xf32>
      %add3A_1117 = arith.addf %add3A_1114, %mul3A_1116 : vector<16xf32>
      %sub3A_1118 = arith.subf %gather3A_1079, %get3A_1100 : vector<16xf32>
      %mul3A_1119 = arith.mulf %sub3A_1118, %sub3A_1118 : vector<16xf32>
      %add3A_1120 = arith.addf %add3A_1117, %mul3A_1119 : vector<16xf32>
      %broadcast_in_dim3A_1121 = arith.constant 17 : i32
      %broadcast_in_dim3A_1122 = vector.broadcast %broadcast_in_dim3A_1121 : i32 to vector<16xi32>
      %gather3A_1123 = tpu.vector_load_idx %arg14[%add3A_308, %broadcast_in_dim3A_1122] : memref<512x32xf32, #tpu.memory_space<vmem>>[vector<16xi32>, vector<16xi32>], vector<16xf32>,
      %gather3A_1124 = tpu.vector_load_idx %arg15[%add3A_308, %broadcast_in_dim3A_1122] : memref<512x32xf32, #tpu.memory_space<vmem>>[vector<16xi32>, vector<16xi32>], vector<16xf32>,
      %gather3A_1125 = tpu.vector_load_idx %arg16[%add3A_308, %broadcast_in_dim3A_1122] : memref<512x32xf32, #tpu.memory_space<vmem>>[vector<16xi32>, vector<16xi32>], vector<16xf32>,
      %get3A_1126 = arith.constant 2 : i32
      %get3A_1127 = arith.constant 1 : i32
      %get3A_1128 = arith.index_cast %get3A_1126 : i32 to index
      %get3A_1129 = arith.index_cast %select_n3A : i32 to index
      %get3A_1130 = arith.index_cast %get3A_1127 : i32 to index
      %get3A_1131 = arith.index_cast %mul3A_340 : i32 to index
      %get3A_1132 = tpu.vector_load %arg17[%get3A_1128, %get3A_1129, %get3A_1130, %get3A_1131] {strides = array<i32>} : memref<4x4x8x128xf32, #tpu.memory_space<vmem>>, vector<16xf32>,
      %get3A_1133 = arith.constant 2 : i32
      %get3A_1134 = arith.constant 1 : i32
      %get3A_1135 = arith.index_cast %get3A_1133 : i32 to index
      %get3A_1136 = arith.index_cast %select_n3A : i32 to index
      %get3A_1137 = arith.index_cast %get3A_1134 : i32 to index
      %get3A_1138 = arith.index_cast %mul3A_340 : i32 to index
      %get3A_1139 = tpu.vector_load %arg18[%get3A_1135, %get3A_1136, %get3A_1137, %get3A_1138] {strides = array<i32>} : memref<4x4x8x128xf32, #tpu.memory_space<vmem>>, vector<16xf32>,
      %get3A_1140 = arith.constant 2 : i32
      %get3A_1141 = arith.constant 1 : i32
      %get3A_1142 = arith.index_cast %get3A_1140 : i32 to index
      %get3A_1143 = arith.index_cast %select_n3A : i32 to index
      %get3A_1144 = arith.index_cast %get3A_1141 : i32 to index
      %get3A_1145 = arith.index_cast %mul3A_340 : i32 to index
      %get3A_1146 = tpu.vector_load %arg19[%get3A_1142, %get3A_1143, %get3A_1144, %get3A_1145] {strides = array<i32>} : memref<4x4x8x128xf32, #tpu.memory_space<vmem>>, vector<16xf32>,
      %mul3A_1147 = arith.mulf %get3A_1139, %get3A_1132 : vector<16xf32>
      %add3A_1148 = arith.addf %gather3A_1123, %mul3A_1147 : vector<16xf32>
      %sub3A_1149 = arith.subf %add3A_1148, %gather3A_1124 : vector<16xf32>
      %mul3A_1150 = arith.mulf %get3A_1146, %get3A_1132 : vector<16xf32>
      %add3A_1151 = arith.addf %gather3A_1123, %mul3A_1150 : vector<16xf32>
      %sub3A_1152 = arith.subf %add3A_1151, %gather3A_1125 : vector<16xf32>
      %mul3A_1153 = arith.mulf %sub3A_1149, %sub3A_1149 : vector<16xf32>
      %add3A_1154 = arith.addf %sub3A_1110, %mul3A_1153 : vector<16xf32>
      %mul3A_1155 = arith.mulf %sub3A_1152, %sub3A_1152 : vector<16xf32>
      %sub3A_1156 = arith.subf %add3A_1154, %mul3A_1155 : vector<16xf32>
      %add3A_1157 = arith.addf %add3A_1111, %mul3A_1153 : vector<16xf32>
      %sub3A_1158 = arith.subf %gather3A_1123, %get3A_1132 : vector<16xf32>
      %mul3A_1159 = arith.mulf %sub3A_1158, %sub3A_1158 : vector<16xf32>
      %add3A_1160 = arith.addf %add3A_1120, %mul3A_1159 : vector<16xf32>
      %sub3A_1161 = arith.subf %gather3A_1124, %get3A_1139 : vector<16xf32>
      %mul3A_1162 = arith.mulf %sub3A_1161, %sub3A_1161 : vector<16xf32>
      %add3A_1163 = arith.addf %add3A_1160, %mul3A_1162 : vector<16xf32>
      %sub3A_1164 = arith.subf %gather3A_1125, %get3A_1146 : vector<16xf32>
      %mul3A_1165 = arith.mulf %sub3A_1164, %sub3A_1164 : vector<16xf32>
      %add3A_1166 = arith.addf %add3A_1163, %mul3A_1165 : vector<16xf32>
      %broadcast_in_dim3A_1167 = arith.constant 18 : i32
      %broadcast_in_dim3A_1168 = vector.broadcast %broadcast_in_dim3A_1167 : i32 to vector<16xi32>
      %gather3A_1169 = tpu.vector_load_idx %arg14[%add3A_308, %broadcast_in_dim3A_1168] : memref<512x32xf32, #tpu.memory_space<vmem>>[vector<16xi32>, vector<16xi32>], vector<16xf32>,
      %gather3A_1170 = tpu.vector_load_idx %arg15[%add3A_308, %broadcast_in_dim3A_1168] : memref<512x32xf32, #tpu.memory_space<vmem>>[vector<16xi32>, vector<16xi32>], vector<16xf32>,
      %gather3A_1171 = tpu.vector_load_idx %arg16[%add3A_308, %broadcast_in_dim3A_1168] : memref<512x32xf32, #tpu.memory_space<vmem>>[vector<16xi32>, vector<16xi32>], vector<16xf32>,
      %get3A_1172 = arith.constant 2 : i32
      %get3A_1173 = arith.constant 2 : i32
      %get3A_1174 = arith.index_cast %get3A_1172 : i32 to index
      %get3A_1175 = arith.index_cast %select_n3A : i32 to index
      %get3A_1176 = arith.index_cast %get3A_1173 : i32 to index
      %get3A_1177 = arith.index_cast %mul3A_340 : i32 to index
      %get3A_1178 = tpu.vector_load %arg17[%get3A_1174, %get3A_1175, %get3A_1176, %get3A_1177] {strides = array<i32>} : memref<4x4x8x128xf32, #tpu.memory_space<vmem>>, vector<16xf32>,
      %get3A_1179 = arith.constant 2 : i32
      %get3A_1180 = arith.constant 2 : i32
      %get3A_1181 = arith.index_cast %get3A_1179 : i32 to index
      %get3A_1182 = arith.index_cast %select_n3A : i32 to index
      %get3A_1183 = arith.index_cast %get3A_1180 : i32 to index
      %get3A_1184 = arith.index_cast %mul3A_340 : i32 to index
      %get3A_1185 = tpu.vector_load %arg18[%get3A_1181, %get3A_1182, %get3A_1183, %get3A_1184] {strides = array<i32>} : memref<4x4x8x128xf32, #tpu.memory_space<vmem>>, vector<16xf32>,
      %get3A_1186 = arith.constant 2 : i32
      %get3A_1187 = arith.constant 2 : i32
      %get3A_1188 = arith.index_cast %get3A_1186 : i32 to index
      %get3A_1189 = arith.index_cast %select_n3A : i32 to index
      %get3A_1190 = arith.index_cast %get3A_1187 : i32 to index
      %get3A_1191 = arith.index_cast %mul3A_340 : i32 to index
      %get3A_1192 = tpu.vector_load %arg19[%get3A_1188, %get3A_1189, %get3A_1190, %get3A_1191] {strides = array<i32>} : memref<4x4x8x128xf32, #tpu.memory_space<vmem>>, vector<16xf32>,
      %mul3A_1193 = arith.mulf %get3A_1185, %get3A_1178 : vector<16xf32>
      %add3A_1194 = arith.addf %gather3A_1169, %mul3A_1193 : vector<16xf32>
      %sub3A_1195 = arith.subf %add3A_1194, %gather3A_1170 : vector<16xf32>
      %mul3A_1196 = arith.mulf %get3A_1192, %get3A_1178 : vector<16xf32>
      %add3A_1197 = arith.addf %gather3A_1169, %mul3A_1196 : vector<16xf32>
      %sub3A_1198 = arith.subf %add3A_1197, %gather3A_1171 : vector<16xf32>
      %mul3A_1199 = arith.mulf %sub3A_1195, %sub3A_1195 : vector<16xf32>
      %add3A_1200 = arith.addf %sub3A_1156, %mul3A_1199 : vector<16xf32>
      %mul3A_1201 = arith.mulf %sub3A_1198, %sub3A_1198 : vector<16xf32>
      %sub3A_1202 = arith.subf %add3A_1200, %mul3A_1201 : vector<16xf32>
      %add3A_1203 = arith.addf %add3A_1157, %mul3A_1199 : vector<16xf32>
      %sub3A_1204 = arith.subf %gather3A_1169, %get3A_1178 : vector<16xf32>
      %mul3A_1205 = arith.mulf %sub3A_1204, %sub3A_1204 : vector<16xf32>
      %add3A_1206 = arith.addf %add3A_1166, %mul3A_1205 : vector<16xf32>
      %sub3A_1207 = arith.subf %gather3A_1170, %get3A_1185 : vector<16xf32>
      %mul3A_1208 = arith.mulf %sub3A_1207, %sub3A_1207 : vector<16xf32>
      %add3A_1209 = arith.addf %add3A_1206, %mul3A_1208 : vector<16xf32>
      %sub3A_1210 = arith.subf %gather3A_1171, %get3A_1192 : vector<16xf32>
      %mul3A_1211 = arith.mulf %sub3A_1210, %sub3A_1210 : vector<16xf32>
      %add3A_1212 = arith.addf %add3A_1209, %mul3A_1211 : vector<16xf32>
      %broadcast_in_dim3A_1213 = arith.constant 19 : i32
      %broadcast_in_dim3A_1214 = vector.broadcast %broadcast_in_dim3A_1213 : i32 to vector<16xi32>
      %gather3A_1215 = tpu.vector_load_idx %arg14[%add3A_308, %broadcast_in_dim3A_1214] : memref<512x32xf32, #tpu.memory_space<vmem>>[vector<16xi32>, vector<16xi32>], vector<16xf32>,
      %gather3A_1216 = tpu.vector_load_idx %arg15[%add3A_308, %broadcast_in_dim3A_1214] : memref<512x32xf32, #tpu.memory_space<vmem>>[vector<16xi32>, vector<16xi32>], vector<16xf32>,
      %gather3A_1217 = tpu.vector_load_idx %arg16[%add3A_308, %broadcast_in_dim3A_1214] : memref<512x32xf32, #tpu.memory_space<vmem>>[vector<16xi32>, vector<16xi32>], vector<16xf32>,
      %get3A_1218 = arith.constant 2 : i32
      %get3A_1219 = arith.constant 3 : i32
      %get3A_1220 = arith.index_cast %get3A_1218 : i32 to index
      %get3A_1221 = arith.index_cast %select_n3A : i32 to index
      %get3A_1222 = arith.index_cast %get3A_1219 : i32 to index
      %get3A_1223 = arith.index_cast %mul3A_340 : i32 to index
      %get3A_1224 = tpu.vector_load %arg17[%get3A_1220, %get3A_1221, %get3A_1222, %get3A_1223] {strides = array<i32>} : memref<4x4x8x128xf32, #tpu.memory_space<vmem>>, vector<16xf32>,
      %get3A_1225 = arith.constant 2 : i32
      %get3A_1226 = arith.constant 3 : i32
      %get3A_1227 = arith.index_cast %get3A_1225 : i32 to index
      %get3A_1228 = arith.index_cast %select_n3A : i32 to index
      %get3A_1229 = arith.index_cast %get3A_1226 : i32 to index
      %get3A_1230 = arith.index_cast %mul3A_340 : i32 to index
      %get3A_1231 = tpu.vector_load %arg18[%get3A_1227, %get3A_1228, %get3A_1229, %get3A_1230] {strides = array<i32>} : memref<4x4x8x128xf32, #tpu.memory_space<vmem>>, vector<16xf32>,
      %get3A_1232 = arith.constant 2 : i32
      %get3A_1233 = arith.constant 3 : i32
      %get3A_1234 = arith.index_cast %get3A_1232 : i32 to index
      %get3A_1235 = arith.index_cast %select_n3A : i32 to index
      %get3A_1236 = arith.index_cast %get3A_1233 : i32 to index
      %get3A_1237 = arith.index_cast %mul3A_340 : i32 to index
      %get3A_1238 = tpu.vector_load %arg19[%get3A_1234, %get3A_1235, %get3A_1236, %get3A_1237] {strides = array<i32>} : memref<4x4x8x128xf32, #tpu.memory_space<vmem>>, vector<16xf32>,
      %mul3A_1239 = arith.mulf %get3A_1231, %get3A_1224 : vector<16xf32>
      %add3A_1240 = arith.addf %gather3A_1215, %mul3A_1239 : vector<16xf32>
      %sub3A_1241 = arith.subf %add3A_1240, %gather3A_1216 : vector<16xf32>
      %mul3A_1242 = arith.mulf %get3A_1238, %get3A_1224 : vector<16xf32>
      %add3A_1243 = arith.addf %gather3A_1215, %mul3A_1242 : vector<16xf32>
      %sub3A_1244 = arith.subf %add3A_1243, %gather3A_1217 : vector<16xf32>
      %mul3A_1245 = arith.mulf %sub3A_1241, %sub3A_1241 : vector<16xf32>
      %add3A_1246 = arith.addf %sub3A_1202, %mul3A_1245 : vector<16xf32>
      %mul3A_1247 = arith.mulf %sub3A_1244, %sub3A_1244 : vector<16xf32>
      %sub3A_1248 = arith.subf %add3A_1246, %mul3A_1247 : vector<16xf32>
      %add3A_1249 = arith.addf %add3A_1203, %mul3A_1245 : vector<16xf32>
      %sub3A_1250 = arith.subf %gather3A_1215, %get3A_1224 : vector<16xf32>
      %mul3A_1251 = arith.mulf %sub3A_1250, %sub3A_1250 : vector<16xf32>
      %add3A_1252 = arith.addf %add3A_1212, %mul3A_1251 : vector<16xf32>
      %sub3A_1253 = arith.subf %gather3A_1216, %get3A_1231 : vector<16xf32>
      %mul3A_1254 = arith.mulf %sub3A_1253, %sub3A_1253 : vector<16xf32>
      %add3A_1255 = arith.addf %add3A_1252, %mul3A_1254 : vector<16xf32>
      %sub3A_1256 = arith.subf %gather3A_1217, %get3A_1238 : vector<16xf32>
      %mul3A_1257 = arith.mulf %sub3A_1256, %sub3A_1256 : vector<16xf32>
      %add3A_1258 = arith.addf %add3A_1255, %mul3A_1257 : vector<16xf32>
      %broadcast_in_dim3A_1259 = arith.constant 20 : i32
      %broadcast_in_dim3A_1260 = vector.broadcast %broadcast_in_dim3A_1259 : i32 to vector<16xi32>
      %gather3A_1261 = tpu.vector_load_idx %arg14[%add3A_308, %broadcast_in_dim3A_1260] : memref<512x32xf32, #tpu.memory_space<vmem>>[vector<16xi32>, vector<16xi32>], vector<16xf32>,
      %gather3A_1262 = tpu.vector_load_idx %arg15[%add3A_308, %broadcast_in_dim3A_1260] : memref<512x32xf32, #tpu.memory_space<vmem>>[vector<16xi32>, vector<16xi32>], vector<16xf32>,
      %gather3A_1263 = tpu.vector_load_idx %arg16[%add3A_308, %broadcast_in_dim3A_1260] : memref<512x32xf32, #tpu.memory_space<vmem>>[vector<16xi32>, vector<16xi32>], vector<16xf32>,
      %get3A_1264 = arith.constant 2 : i32
      %get3A_1265 = arith.constant 4 : i32
      %get3A_1266 = arith.index_cast %get3A_1264 : i32 to index
      %get3A_1267 = arith.index_cast %select_n3A : i32 to index
      %get3A_1268 = arith.index_cast %get3A_1265 : i32 to index
      %get3A_1269 = arith.index_cast %mul3A_340 : i32 to index
      %get3A_1270 = tpu.vector_load %arg17[%get3A_1266, %get3A_1267, %get3A_1268, %get3A_1269] {strides = array<i32>} : memref<4x4x8x128xf32, #tpu.memory_space<vmem>>, vector<16xf32>,
      %get3A_1271 = arith.constant 2 : i32
      %get3A_1272 = arith.constant 4 : i32
      %get3A_1273 = arith.index_cast %get3A_1271 : i32 to index
      %get3A_1274 = arith.index_cast %select_n3A : i32 to index
      %get3A_1275 = arith.index_cast %get3A_1272 : i32 to index
      %get3A_1276 = arith.index_cast %mul3A_340 : i32 to index
      %get3A_1277 = tpu.vector_load %arg18[%get3A_1273, %get3A_1274, %get3A_1275, %get3A_1276] {strides = array<i32>} : memref<4x4x8x128xf32, #tpu.memory_space<vmem>>, vector<16xf32>,
      %get3A_1278 = arith.constant 2 : i32
      %get3A_1279 = arith.constant 4 : i32
      %get3A_1280 = arith.index_cast %get3A_1278 : i32 to index
      %get3A_1281 = arith.index_cast %select_n3A : i32 to index
      %get3A_1282 = arith.index_cast %get3A_1279 : i32 to index
      %get3A_1283 = arith.index_cast %mul3A_340 : i32 to index
      %get3A_1284 = tpu.vector_load %arg19[%get3A_1280, %get3A_1281, %get3A_1282, %get3A_1283] {strides = array<i32>} : memref<4x4x8x128xf32, #tpu.memory_space<vmem>>, vector<16xf32>,
      %mul3A_1285 = arith.mulf %get3A_1277, %get3A_1270 : vector<16xf32>
      %add3A_1286 = arith.addf %gather3A_1261, %mul3A_1285 : vector<16xf32>
      %sub3A_1287 = arith.subf %add3A_1286, %gather3A_1262 : vector<16xf32>
      %mul3A_1288 = arith.mulf %get3A_1284, %get3A_1270 : vector<16xf32>
      %add3A_1289 = arith.addf %gather3A_1261, %mul3A_1288 : vector<16xf32>
      %sub3A_1290 = arith.subf %add3A_1289, %gather3A_1263 : vector<16xf32>
      %mul3A_1291 = arith.mulf %sub3A_1287, %sub3A_1287 : vector<16xf32>
      %add3A_1292 = arith.addf %sub3A_1248, %mul3A_1291 : vector<16xf32>
      %mul3A_1293 = arith.mulf %sub3A_1290, %sub3A_1290 : vector<16xf32>
      %sub3A_1294 = arith.subf %add3A_1292, %mul3A_1293 : vector<16xf32>
      %add3A_1295 = arith.addf %add3A_1249, %mul3A_1291 : vector<16xf32>
      %sub3A_1296 = arith.subf %gather3A_1261, %get3A_1270 : vector<16xf32>
      %mul3A_1297 = arith.mulf %sub3A_1296, %sub3A_1296 : vector<16xf32>
      %add3A_1298 = arith.addf %add3A_1258, %mul3A_1297 : vector<16xf32>
      %sub3A_1299 = arith.subf %gather3A_1262, %get3A_1277 : vector<16xf32>
      %mul3A_1300 = arith.mulf %sub3A_1299, %sub3A_1299 : vector<16xf32>
      %add3A_1301 = arith.addf %add3A_1298, %mul3A_1300 : vector<16xf32>
      %sub3A_1302 = arith.subf %gather3A_1263, %get3A_1284 : vector<16xf32>
      %mul3A_1303 = arith.mulf %sub3A_1302, %sub3A_1302 : vector<16xf32>
      %add3A_1304 = arith.addf %add3A_1301, %mul3A_1303 : vector<16xf32>
      %broadcast_in_dim3A_1305 = arith.constant 21 : i32
      %broadcast_in_dim3A_1306 = vector.broadcast %broadcast_in_dim3A_1305 : i32 to vector<16xi32>
      %gather3A_1307 = tpu.vector_load_idx %arg14[%add3A_308, %broadcast_in_dim3A_1306] : memref<512x32xf32, #tpu.memory_space<vmem>>[vector<16xi32>, vector<16xi32>], vector<16xf32>,
      %gather3A_1308 = tpu.vector_load_idx %arg15[%add3A_308, %broadcast_in_dim3A_1306] : memref<512x32xf32, #tpu.memory_space<vmem>>[vector<16xi32>, vector<16xi32>], vector<16xf32>,
      %gather3A_1309 = tpu.vector_load_idx %arg16[%add3A_308, %broadcast_in_dim3A_1306] : memref<512x32xf32, #tpu.memory_space<vmem>>[vector<16xi32>, vector<16xi32>], vector<16xf32>,
      %get3A_1310 = arith.constant 2 : i32
      %get3A_1311 = arith.constant 5 : i32
      %get3A_1312 = arith.index_cast %get3A_1310 : i32 to index
      %get3A_1313 = arith.index_cast %select_n3A : i32 to index
      %get3A_1314 = arith.index_cast %get3A_1311 : i32 to index
      %get3A_1315 = arith.index_cast %mul3A_340 : i32 to index
      %get3A_1316 = tpu.vector_load %arg17[%get3A_1312, %get3A_1313, %get3A_1314, %get3A_1315] {strides = array<i32>} : memref<4x4x8x128xf32, #tpu.memory_space<vmem>>, vector<16xf32>,
      %get3A_1317 = arith.constant 2 : i32
      %get3A_1318 = arith.constant 5 : i32
      %get3A_1319 = arith.index_cast %get3A_1317 : i32 to index
      %get3A_1320 = arith.index_cast %select_n3A : i32 to index
      %get3A_1321 = arith.index_cast %get3A_1318 : i32 to index
      %get3A_1322 = arith.index_cast %mul3A_340 : i32 to index
      %get3A_1323 = tpu.vector_load %arg18[%get3A_1319, %get3A_1320, %get3A_1321, %get3A_1322] {strides = array<i32>} : memref<4x4x8x128xf32, #tpu.memory_space<vmem>>, vector<16xf32>,
      %get3A_1324 = arith.constant 2 : i32
      %get3A_1325 = arith.constant 5 : i32
      %get3A_1326 = arith.index_cast %get3A_1324 : i32 to index
      %get3A_1327 = arith.index_cast %select_n3A : i32 to index
      %get3A_1328 = arith.index_cast %get3A_1325 : i32 to index
      %get3A_1329 = arith.index_cast %mul3A_340 : i32 to index
      %get3A_1330 = tpu.vector_load %arg19[%get3A_1326, %get3A_1327, %get3A_1328, %get3A_1329] {strides = array<i32>} : memref<4x4x8x128xf32, #tpu.memory_space<vmem>>, vector<16xf32>,
      %mul3A_1331 = arith.mulf %get3A_1323, %get3A_1316 : vector<16xf32>
      %add3A_1332 = arith.addf %gather3A_1307, %mul3A_1331 : vector<16xf32>
      %sub3A_1333 = arith.subf %add3A_1332, %gather3A_1308 : vector<16xf32>
      %mul3A_1334 = arith.mulf %get3A_1330, %get3A_1316 : vector<16xf32>
      %add3A_1335 = arith.addf %gather3A_1307, %mul3A_1334 : vector<16xf32>
      %sub3A_1336 = arith.subf %add3A_1335, %gather3A_1309 : vector<16xf32>
      %mul3A_1337 = arith.mulf %sub3A_1333, %sub3A_1333 : vector<16xf32>
      %add3A_1338 = arith.addf %sub3A_1294, %mul3A_1337 : vector<16xf32>
      %mul3A_1339 = arith.mulf %sub3A_1336, %sub3A_1336 : vector<16xf32>
      %sub3A_1340 = arith.subf %add3A_1338, %mul3A_1339 : vector<16xf32>
      %add3A_1341 = arith.addf %add3A_1295, %mul3A_1337 : vector<16xf32>
      %sub3A_1342 = arith.subf %gather3A_1307, %get3A_1316 : vector<16xf32>
      %mul3A_1343 = arith.mulf %sub3A_1342, %sub3A_1342 : vector<16xf32>
      %add3A_1344 = arith.addf %add3A_1304, %mul3A_1343 : vector<16xf32>
      %sub3A_1345 = arith.subf %gather3A_1308, %get3A_1323 : vector<16xf32>
      %mul3A_1346 = arith.mulf %sub3A_1345, %sub3A_1345 : vector<16xf32>
      %add3A_1347 = arith.addf %add3A_1344, %mul3A_1346 : vector<16xf32>
      %sub3A_1348 = arith.subf %gather3A_1309, %get3A_1330 : vector<16xf32>
      %mul3A_1349 = arith.mulf %sub3A_1348, %sub3A_1348 : vector<16xf32>
      %add3A_1350 = arith.addf %add3A_1347, %mul3A_1349 : vector<16xf32>
      %broadcast_in_dim3A_1351 = arith.constant 22 : i32
      %broadcast_in_dim3A_1352 = vector.broadcast %broadcast_in_dim3A_1351 : i32 to vector<16xi32>
      %gather3A_1353 = tpu.vector_load_idx %arg14[%add3A_308, %broadcast_in_dim3A_1352] : memref<512x32xf32, #tpu.memory_space<vmem>>[vector<16xi32>, vector<16xi32>], vector<16xf32>,
      %gather3A_1354 = tpu.vector_load_idx %arg15[%add3A_308, %broadcast_in_dim3A_1352] : memref<512x32xf32, #tpu.memory_space<vmem>>[vector<16xi32>, vector<16xi32>], vector<16xf32>,
      %gather3A_1355 = tpu.vector_load_idx %arg16[%add3A_308, %broadcast_in_dim3A_1352] : memref<512x32xf32, #tpu.memory_space<vmem>>[vector<16xi32>, vector<16xi32>], vector<16xf32>,
      %get3A_1356 = arith.constant 2 : i32
      %get3A_1357 = arith.constant 6 : i32
      %get3A_1358 = arith.index_cast %get3A_1356 : i32 to index
      %get3A_1359 = arith.index_cast %select_n3A : i32 to index
      %get3A_1360 = arith.index_cast %get3A_1357 : i32 to index
      %get3A_1361 = arith.index_cast %mul3A_340 : i32 to index
      %get3A_1362 = tpu.vector_load %arg17[%get3A_1358, %get3A_1359, %get3A_1360, %get3A_1361] {strides = array<i32>} : memref<4x4x8x128xf32, #tpu.memory_space<vmem>>, vector<16xf32>,
      %get3A_1363 = arith.constant 2 : i32
      %get3A_1364 = arith.constant 6 : i32
      %get3A_1365 = arith.index_cast %get3A_1363 : i32 to index
      %get3A_1366 = arith.index_cast %select_n3A : i32 to index
      %get3A_1367 = arith.index_cast %get3A_1364 : i32 to index
      %get3A_1368 = arith.index_cast %mul3A_340 : i32 to index
      %get3A_1369 = tpu.vector_load %arg18[%get3A_1365, %get3A_1366, %get3A_1367, %get3A_1368] {strides = array<i32>} : memref<4x4x8x128xf32, #tpu.memory_space<vmem>>, vector<16xf32>,
      %get3A_1370 = arith.constant 2 : i32
      %get3A_1371 = arith.constant 6 : i32
      %get3A_1372 = arith.index_cast %get3A_1370 : i32 to index
      %get3A_1373 = arith.index_cast %select_n3A : i32 to index
      %get3A_1374 = arith.index_cast %get3A_1371 : i32 to index
      %get3A_1375 = arith.index_cast %mul3A_340 : i32 to index
      %get3A_1376 = tpu.vector_load %arg19[%get3A_1372, %get3A_1373, %get3A_1374, %get3A_1375] {strides = array<i32>} : memref<4x4x8x128xf32, #tpu.memory_space<vmem>>, vector<16xf32>,
      %mul3A_1377 = arith.mulf %get3A_1369, %get3A_1362 : vector<16xf32>
      %add3A_1378 = arith.addf %gather3A_1353, %mul3A_1377 : vector<16xf32>
      %sub3A_1379 = arith.subf %add3A_1378, %gather3A_1354 : vector<16xf32>
      %mul3A_1380 = arith.mulf %get3A_1376, %get3A_1362 : vector<16xf32>
      %add3A_1381 = arith.addf %gather3A_1353, %mul3A_1380 : vector<16xf32>
      %sub3A_1382 = arith.subf %add3A_1381, %gather3A_1355 : vector<16xf32>
      %mul3A_1383 = arith.mulf %sub3A_1379, %sub3A_1379 : vector<16xf32>
      %add3A_1384 = arith.addf %sub3A_1340, %mul3A_1383 : vector<16xf32>
      %mul3A_1385 = arith.mulf %sub3A_1382, %sub3A_1382 : vector<16xf32>
      %sub3A_1386 = arith.subf %add3A_1384, %mul3A_1385 : vector<16xf32>
      %add3A_1387 = arith.addf %add3A_1341, %mul3A_1383 : vector<16xf32>
      %sub3A_1388 = arith.subf %gather3A_1353, %get3A_1362 : vector<16xf32>
      %mul3A_1389 = arith.mulf %sub3A_1388, %sub3A_1388 : vector<16xf32>
      %add3A_1390 = arith.addf %add3A_1350, %mul3A_1389 : vector<16xf32>
      %sub3A_1391 = arith.subf %gather3A_1354, %get3A_1369 : vector<16xf32>
      %mul3A_1392 = arith.mulf %sub3A_1391, %sub3A_1391 : vector<16xf32>
      %add3A_1393 = arith.addf %add3A_1390, %mul3A_1392 : vector<16xf32>
      %sub3A_1394 = arith.subf %gather3A_1355, %get3A_1376 : vector<16xf32>
      %mul3A_1395 = arith.mulf %sub3A_1394, %sub3A_1394 : vector<16xf32>
      %add3A_1396 = arith.addf %add3A_1393, %mul3A_1395 : vector<16xf32>
      %broadcast_in_dim3A_1397 = arith.constant 23 : i32
      %broadcast_in_dim3A_1398 = vector.broadcast %broadcast_in_dim3A_1397 : i32 to vector<16xi32>
      %gather3A_1399 = tpu.vector_load_idx %arg14[%add3A_308, %broadcast_in_dim3A_1398] : memref<512x32xf32, #tpu.memory_space<vmem>>[vector<16xi32>, vector<16xi32>], vector<16xf32>,
      %gather3A_1400 = tpu.vector_load_idx %arg15[%add3A_308, %broadcast_in_dim3A_1398] : memref<512x32xf32, #tpu.memory_space<vmem>>[vector<16xi32>, vector<16xi32>], vector<16xf32>,
      %gather3A_1401 = tpu.vector_load_idx %arg16[%add3A_308, %broadcast_in_dim3A_1398] : memref<512x32xf32, #tpu.memory_space<vmem>>[vector<16xi32>, vector<16xi32>], vector<16xf32>,
      %get3A_1402 = arith.constant 2 : i32
      %get3A_1403 = arith.constant 7 : i32
      %get3A_1404 = arith.index_cast %get3A_1402 : i32 to index
      %get3A_1405 = arith.index_cast %select_n3A : i32 to index
      %get3A_1406 = arith.index_cast %get3A_1403 : i32 to index
      %get3A_1407 = arith.index_cast %mul3A_340 : i32 to index
      %get3A_1408 = tpu.vector_load %arg17[%get3A_1404, %get3A_1405, %get3A_1406, %get3A_1407] {strides = array<i32>} : memref<4x4x8x128xf32, #tpu.memory_space<vmem>>, vector<16xf32>,
      %get3A_1409 = arith.constant 2 : i32
      %get3A_1410 = arith.constant 7 : i32
      %get3A_1411 = arith.index_cast %get3A_1409 : i32 to index
      %get3A_1412 = arith.index_cast %select_n3A : i32 to index
      %get3A_1413 = arith.index_cast %get3A_1410 : i32 to index
      %get3A_1414 = arith.index_cast %mul3A_340 : i32 to index
      %get3A_1415 = tpu.vector_load %arg18[%get3A_1411, %get3A_1412, %get3A_1413, %get3A_1414] {strides = array<i32>} : memref<4x4x8x128xf32, #tpu.memory_space<vmem>>, vector<16xf32>,
      %get3A_1416 = arith.constant 2 : i32
      %get3A_1417 = arith.constant 7 : i32
      %get3A_1418 = arith.index_cast %get3A_1416 : i32 to index
      %get3A_1419 = arith.index_cast %select_n3A : i32 to index
      %get3A_1420 = arith.index_cast %get3A_1417 : i32 to index
      %get3A_1421 = arith.index_cast %mul3A_340 : i32 to index
      %get3A_1422 = tpu.vector_load %arg19[%get3A_1418, %get3A_1419, %get3A_1420, %get3A_1421] {strides = array<i32>} : memref<4x4x8x128xf32, #tpu.memory_space<vmem>>, vector<16xf32>,
      %mul3A_1423 = arith.mulf %get3A_1415, %get3A_1408 : vector<16xf32>
      %add3A_1424 = arith.addf %gather3A_1399, %mul3A_1423 : vector<16xf32>
      %sub3A_1425 = arith.subf %add3A_1424, %gather3A_1400 : vector<16xf32>
      %mul3A_1426 = arith.mulf %get3A_1422, %get3A_1408 : vector<16xf32>
      %add3A_1427 = arith.addf %gather3A_1399, %mul3A_1426 : vector<16xf32>
      %sub3A_1428 = arith.subf %add3A_1427, %gather3A_1401 : vector<16xf32>
      %mul3A_1429 = arith.mulf %sub3A_1425, %sub3A_1425 : vector<16xf32>
      %add3A_1430 = arith.addf %sub3A_1386, %mul3A_1429 : vector<16xf32>
      %mul3A_1431 = arith.mulf %sub3A_1428, %sub3A_1428 : vector<16xf32>
      %sub3A_1432 = arith.subf %add3A_1430, %mul3A_1431 : vector<16xf32>
      %add3A_1433 = arith.addf %add3A_1387, %mul3A_1429 : vector<16xf32>
      %sub3A_1434 = arith.subf %gather3A_1399, %get3A_1408 : vector<16xf32>
      %mul3A_1435 = arith.mulf %sub3A_1434, %sub3A_1434 : vector<16xf32>
      %add3A_1436 = arith.addf %add3A_1396, %mul3A_1435 : vector<16xf32>
      %sub3A_1437 = arith.subf %gather3A_1400, %get3A_1415 : vector<16xf32>
      %mul3A_1438 = arith.mulf %sub3A_1437, %sub3A_1437 : vector<16xf32>
      %add3A_1439 = arith.addf %add3A_1436, %mul3A_1438 : vector<16xf32>
      %sub3A_1440 = arith.subf %gather3A_1401, %get3A_1422 : vector<16xf32>
      %mul3A_1441 = arith.mulf %sub3A_1440, %sub3A_1440 : vector<16xf32>
      %add3A_1442 = arith.addf %add3A_1439, %mul3A_1441 : vector<16xf32>
      %broadcast_in_dim3A_1443 = arith.constant 24 : i32
      %broadcast_in_dim3A_1444 = vector.broadcast %broadcast_in_dim3A_1443 : i32 to vector<16xi32>
      %gather3A_1445 = tpu.vector_load_idx %arg14[%add3A_308, %broadcast_in_dim3A_1444] : memref<512x32xf32, #tpu.memory_space<vmem>>[vector<16xi32>, vector<16xi32>], vector<16xf32>,
      %gather3A_1446 = tpu.vector_load_idx %arg15[%add3A_308, %broadcast_in_dim3A_1444] : memref<512x32xf32, #tpu.memory_space<vmem>>[vector<16xi32>, vector<16xi32>], vector<16xf32>,
      %gather3A_1447 = tpu.vector_load_idx %arg16[%add3A_308, %broadcast_in_dim3A_1444] : memref<512x32xf32, #tpu.memory_space<vmem>>[vector<16xi32>, vector<16xi32>], vector<16xf32>,
      %get3A_1448 = arith.constant 3 : i32
      %get3A_1449 = arith.constant 0 : i32
      %get3A_1450 = arith.index_cast %get3A_1448 : i32 to index
      %get3A_1451 = arith.index_cast %select_n3A : i32 to index
      %get3A_1452 = arith.index_cast %get3A_1449 : i32 to index
      %get3A_1453 = arith.index_cast %mul3A_340 : i32 to index
      %get3A_1454 = tpu.vector_load %arg17[%get3A_1450, %get3A_1451, %get3A_1452, %get3A_1453] {strides = array<i32>} : memref<4x4x8x128xf32, #tpu.memory_space<vmem>>, vector<16xf32>,
      %get3A_1455 = arith.constant 3 : i32
      %get3A_1456 = arith.constant 0 : i32
      %get3A_1457 = arith.index_cast %get3A_1455 : i32 to index
      %get3A_1458 = arith.index_cast %select_n3A : i32 to index
      %get3A_1459 = arith.index_cast %get3A_1456 : i32 to index
      %get3A_1460 = arith.index_cast %mul3A_340 : i32 to index
      %get3A_1461 = tpu.vector_load %arg18[%get3A_1457, %get3A_1458, %get3A_1459, %get3A_1460] {strides = array<i32>} : memref<4x4x8x128xf32, #tpu.memory_space<vmem>>, vector<16xf32>,
      %get3A_1462 = arith.constant 3 : i32
      %get3A_1463 = arith.constant 0 : i32
      %get3A_1464 = arith.index_cast %get3A_1462 : i32 to index
      %get3A_1465 = arith.index_cast %select_n3A : i32 to index
      %get3A_1466 = arith.index_cast %get3A_1463 : i32 to index
      %get3A_1467 = arith.index_cast %mul3A_340 : i32 to index
      %get3A_1468 = tpu.vector_load %arg19[%get3A_1464, %get3A_1465, %get3A_1466, %get3A_1467] {strides = array<i32>} : memref<4x4x8x128xf32, #tpu.memory_space<vmem>>, vector<16xf32>,
      %mul3A_1469 = arith.mulf %get3A_1461, %get3A_1454 : vector<16xf32>
      %add3A_1470 = arith.addf %gather3A_1445, %mul3A_1469 : vector<16xf32>
      %sub3A_1471 = arith.subf %add3A_1470, %gather3A_1446 : vector<16xf32>
      %mul3A_1472 = arith.mulf %get3A_1468, %get3A_1454 : vector<16xf32>
      %add3A_1473 = arith.addf %gather3A_1445, %mul3A_1472 : vector<16xf32>
      %sub3A_1474 = arith.subf %add3A_1473, %gather3A_1447 : vector<16xf32>
      %mul3A_1475 = arith.mulf %sub3A_1471, %sub3A_1471 : vector<16xf32>
      %add3A_1476 = arith.addf %sub3A_1432, %mul3A_1475 : vector<16xf32>
      %mul3A_1477 = arith.mulf %sub3A_1474, %sub3A_1474 : vector<16xf32>
      %sub3A_1478 = arith.subf %add3A_1476, %mul3A_1477 : vector<16xf32>
      %add3A_1479 = arith.addf %add3A_1433, %mul3A_1475 : vector<16xf32>
      %sub3A_1480 = arith.subf %gather3A_1445, %get3A_1454 : vector<16xf32>
      %mul3A_1481 = arith.mulf %sub3A_1480, %sub3A_1480 : vector<16xf32>
      %add3A_1482 = arith.addf %add3A_1442, %mul3A_1481 : vector<16xf32>
      %sub3A_1483 = arith.subf %gather3A_1446, %get3A_1461 : vector<16xf32>
      %mul3A_1484 = arith.mulf %sub3A_1483, %sub3A_1483 : vector<16xf32>
      %add3A_1485 = arith.addf %add3A_1482, %mul3A_1484 : vector<16xf32>
      %sub3A_1486 = arith.subf %gather3A_1447, %get3A_1468 : vector<16xf32>
      %mul3A_1487 = arith.mulf %sub3A_1486, %sub3A_1486 : vector<16xf32>
      %add3A_1488 = arith.addf %add3A_1485, %mul3A_1487 : vector<16xf32>
      %broadcast_in_dim3A_1489 = arith.constant 25 : i32
      %broadcast_in_dim3A_1490 = vector.broadcast %broadcast_in_dim3A_1489 : i32 to vector<16xi32>
      %gather3A_1491 = tpu.vector_load_idx %arg14[%add3A_308, %broadcast_in_dim3A_1490] : memref<512x32xf32, #tpu.memory_space<vmem>>[vector<16xi32>, vector<16xi32>], vector<16xf32>,
      %gather3A_1492 = tpu.vector_load_idx %arg15[%add3A_308, %broadcast_in_dim3A_1490] : memref<512x32xf32, #tpu.memory_space<vmem>>[vector<16xi32>, vector<16xi32>], vector<16xf32>,
      %gather3A_1493 = tpu.vector_load_idx %arg16[%add3A_308, %broadcast_in_dim3A_1490] : memref<512x32xf32, #tpu.memory_space<vmem>>[vector<16xi32>, vector<16xi32>], vector<16xf32>,
      %get3A_1494 = arith.constant 3 : i32
      %get3A_1495 = arith.constant 1 : i32
      %get3A_1496 = arith.index_cast %get3A_1494 : i32 to index
      %get3A_1497 = arith.index_cast %select_n3A : i32 to index
      %get3A_1498 = arith.index_cast %get3A_1495 : i32 to index
      %get3A_1499 = arith.index_cast %mul3A_340 : i32 to index
      %get3A_1500 = tpu.vector_load %arg17[%get3A_1496, %get3A_1497, %get3A_1498, %get3A_1499] {strides = array<i32>} : memref<4x4x8x128xf32, #tpu.memory_space<vmem>>, vector<16xf32>,
      %get3A_1501 = arith.constant 3 : i32
      %get3A_1502 = arith.constant 1 : i32
      %get3A_1503 = arith.index_cast %get3A_1501 : i32 to index
      %get3A_1504 = arith.index_cast %select_n3A : i32 to index
      %get3A_1505 = arith.index_cast %get3A_1502 : i32 to index
      %get3A_1506 = arith.index_cast %mul3A_340 : i32 to index
      %get3A_1507 = tpu.vector_load %arg18[%get3A_1503, %get3A_1504, %get3A_1505, %get3A_1506] {strides = array<i32>} : memref<4x4x8x128xf32, #tpu.memory_space<vmem>>, vector<16xf32>,
      %get3A_1508 = arith.constant 3 : i32
      %get3A_1509 = arith.constant 1 : i32
      %get3A_1510 = arith.index_cast %get3A_1508 : i32 to index
      %get3A_1511 = arith.index_cast %select_n3A : i32 to index
      %get3A_1512 = arith.index_cast %get3A_1509 : i32 to index
      %get3A_1513 = arith.index_cast %mul3A_340 : i32 to index
      %get3A_1514 = tpu.vector_load %arg19[%get3A_1510, %get3A_1511, %get3A_1512, %get3A_1513] {strides = array<i32>} : memref<4x4x8x128xf32, #tpu.memory_space<vmem>>, vector<16xf32>,
      %mul3A_1515 = arith.mulf %get3A_1507, %get3A_1500 : vector<16xf32>
      %add3A_1516 = arith.addf %gather3A_1491, %mul3A_1515 : vector<16xf32>
      %sub3A_1517 = arith.subf %add3A_1516, %gather3A_1492 : vector<16xf32>
      %mul3A_1518 = arith.mulf %get3A_1514, %get3A_1500 : vector<16xf32>
      %add3A_1519 = arith.addf %gather3A_1491, %mul3A_1518 : vector<16xf32>
      %sub3A_1520 = arith.subf %add3A_1519, %gather3A_1493 : vector<16xf32>
      %mul3A_1521 = arith.mulf %sub3A_1517, %sub3A_1517 : vector<16xf32>
      %add3A_1522 = arith.addf %sub3A_1478, %mul3A_1521 : vector<16xf32>
      %mul3A_1523 = arith.mulf %sub3A_1520, %sub3A_1520 : vector<16xf32>
      %sub3A_1524 = arith.subf %add3A_1522, %mul3A_1523 : vector<16xf32>
      %add3A_1525 = arith.addf %add3A_1479, %mul3A_1521 : vector<16xf32>
      %sub3A_1526 = arith.subf %gather3A_1491, %get3A_1500 : vector<16xf32>
      %mul3A_1527 = arith.mulf %sub3A_1526, %sub3A_1526 : vector<16xf32>
      %add3A_1528 = arith.addf %add3A_1488, %mul3A_1527 : vector<16xf32>
      %sub3A_1529 = arith.subf %gather3A_1492, %get3A_1507 : vector<16xf32>
      %mul3A_1530 = arith.mulf %sub3A_1529, %sub3A_1529 : vector<16xf32>
      %add3A_1531 = arith.addf %add3A_1528, %mul3A_1530 : vector<16xf32>
      %sub3A_1532 = arith.subf %gather3A_1493, %get3A_1514 : vector<16xf32>
      %mul3A_1533 = arith.mulf %sub3A_1532, %sub3A_1532 : vector<16xf32>
      %add3A_1534 = arith.addf %add3A_1531, %mul3A_1533 : vector<16xf32>
      %broadcast_in_dim3A_1535 = arith.constant 26 : i32
      %broadcast_in_dim3A_1536 = vector.broadcast %broadcast_in_dim3A_1535 : i32 to vector<16xi32>
      %gather3A_1537 = tpu.vector_load_idx %arg14[%add3A_308, %broadcast_in_dim3A_1536] : memref<512x32xf32, #tpu.memory_space<vmem>>[vector<16xi32>, vector<16xi32>], vector<16xf32>,
      %gather3A_1538 = tpu.vector_load_idx %arg15[%add3A_308, %broadcast_in_dim3A_1536] : memref<512x32xf32, #tpu.memory_space<vmem>>[vector<16xi32>, vector<16xi32>], vector<16xf32>,
      %gather3A_1539 = tpu.vector_load_idx %arg16[%add3A_308, %broadcast_in_dim3A_1536] : memref<512x32xf32, #tpu.memory_space<vmem>>[vector<16xi32>, vector<16xi32>], vector<16xf32>,
      %get3A_1540 = arith.constant 3 : i32
      %get3A_1541 = arith.constant 2 : i32
      %get3A_1542 = arith.index_cast %get3A_1540 : i32 to index
      %get3A_1543 = arith.index_cast %select_n3A : i32 to index
      %get3A_1544 = arith.index_cast %get3A_1541 : i32 to index
      %get3A_1545 = arith.index_cast %mul3A_340 : i32 to index
      %get3A_1546 = tpu.vector_load %arg17[%get3A_1542, %get3A_1543, %get3A_1544, %get3A_1545] {strides = array<i32>} : memref<4x4x8x128xf32, #tpu.memory_space<vmem>>, vector<16xf32>,
      %get3A_1547 = arith.constant 3 : i32
      %get3A_1548 = arith.constant 2 : i32
      %get3A_1549 = arith.index_cast %get3A_1547 : i32 to index
      %get3A_1550 = arith.index_cast %select_n3A : i32 to index
      %get3A_1551 = arith.index_cast %get3A_1548 : i32 to index
      %get3A_1552 = arith.index_cast %mul3A_340 : i32 to index
      %get3A_1553 = tpu.vector_load %arg18[%get3A_1549, %get3A_1550, %get3A_1551, %get3A_1552] {strides = array<i32>} : memref<4x4x8x128xf32, #tpu.memory_space<vmem>>, vector<16xf32>,
      %get3A_1554 = arith.constant 3 : i32
      %get3A_1555 = arith.constant 2 : i32
      %get3A_1556 = arith.index_cast %get3A_1554 : i32 to index
      %get3A_1557 = arith.index_cast %select_n3A : i32 to index
      %get3A_1558 = arith.index_cast %get3A_1555 : i32 to index
      %get3A_1559 = arith.index_cast %mul3A_340 : i32 to index
      %get3A_1560 = tpu.vector_load %arg19[%get3A_1556, %get3A_1557, %get3A_1558, %get3A_1559] {strides = array<i32>} : memref<4x4x8x128xf32, #tpu.memory_space<vmem>>, vector<16xf32>,
      %mul3A_1561 = arith.mulf %get3A_1553, %get3A_1546 : vector<16xf32>
      %add3A_1562 = arith.addf %gather3A_1537, %mul3A_1561 : vector<16xf32>
      %sub3A_1563 = arith.subf %add3A_1562, %gather3A_1538 : vector<16xf32>
      %mul3A_1564 = arith.mulf %get3A_1560, %get3A_1546 : vector<16xf32>
      %add3A_1565 = arith.addf %gather3A_1537, %mul3A_1564 : vector<16xf32>
      %sub3A_1566 = arith.subf %add3A_1565, %gather3A_1539 : vector<16xf32>
      %mul3A_1567 = arith.mulf %sub3A_1563, %sub3A_1563 : vector<16xf32>
      %add3A_1568 = arith.addf %sub3A_1524, %mul3A_1567 : vector<16xf32>
      %mul3A_1569 = arith.mulf %sub3A_1566, %sub3A_1566 : vector<16xf32>
      %sub3A_1570 = arith.subf %add3A_1568, %mul3A_1569 : vector<16xf32>
      %add3A_1571 = arith.addf %add3A_1525, %mul3A_1567 : vector<16xf32>
      %sub3A_1572 = arith.subf %gather3A_1537, %get3A_1546 : vector<16xf32>
      %mul3A_1573 = arith.mulf %sub3A_1572, %sub3A_1572 : vector<16xf32>
      %add3A_1574 = arith.addf %add3A_1534, %mul3A_1573 : vector<16xf32>
      %sub3A_1575 = arith.subf %gather3A_1538, %get3A_1553 : vector<16xf32>
      %mul3A_1576 = arith.mulf %sub3A_1575, %sub3A_1575 : vector<16xf32>
      %add3A_1577 = arith.addf %add3A_1574, %mul3A_1576 : vector<16xf32>
      %sub3A_1578 = arith.subf %gather3A_1539, %get3A_1560 : vector<16xf32>
      %mul3A_1579 = arith.mulf %sub3A_1578, %sub3A_1578 : vector<16xf32>
      %add3A_1580 = arith.addf %add3A_1577, %mul3A_1579 : vector<16xf32>
      %broadcast_in_dim3A_1581 = arith.constant 27 : i32
      %broadcast_in_dim3A_1582 = vector.broadcast %broadcast_in_dim3A_1581 : i32 to vector<16xi32>
      %gather3A_1583 = tpu.vector_load_idx %arg14[%add3A_308, %broadcast_in_dim3A_1582] : memref<512x32xf32, #tpu.memory_space<vmem>>[vector<16xi32>, vector<16xi32>], vector<16xf32>,
      %gather3A_1584 = tpu.vector_load_idx %arg15[%add3A_308, %broadcast_in_dim3A_1582] : memref<512x32xf32, #tpu.memory_space<vmem>>[vector<16xi32>, vector<16xi32>], vector<16xf32>,
      %gather3A_1585 = tpu.vector_load_idx %arg16[%add3A_308, %broadcast_in_dim3A_1582] : memref<512x32xf32, #tpu.memory_space<vmem>>[vector<16xi32>, vector<16xi32>], vector<16xf32>,
      %get3A_1586 = arith.constant 3 : i32
      %get3A_1587 = arith.constant 3 : i32
      %get3A_1588 = arith.index_cast %get3A_1586 : i32 to index
      %get3A_1589 = arith.index_cast %select_n3A : i32 to index
      %get3A_1590 = arith.index_cast %get3A_1587 : i32 to index
      %get3A_1591 = arith.index_cast %mul3A_340 : i32 to index
      %get3A_1592 = tpu.vector_load %arg17[%get3A_1588, %get3A_1589, %get3A_1590, %get3A_1591] {strides = array<i32>} : memref<4x4x8x128xf32, #tpu.memory_space<vmem>>, vector<16xf32>,
      %get3A_1593 = arith.constant 3 : i32
      %get3A_1594 = arith.constant 3 : i32
      %get3A_1595 = arith.index_cast %get3A_1593 : i32 to index
      %get3A_1596 = arith.index_cast %select_n3A : i32 to index
      %get3A_1597 = arith.index_cast %get3A_1594 : i32 to index
      %get3A_1598 = arith.index_cast %mul3A_340 : i32 to index
      %get3A_1599 = tpu.vector_load %arg18[%get3A_1595, %get3A_1596, %get3A_1597, %get3A_1598] {strides = array<i32>} : memref<4x4x8x128xf32, #tpu.memory_space<vmem>>, vector<16xf32>,
      %get3A_1600 = arith.constant 3 : i32
      %get3A_1601 = arith.constant 3 : i32
      %get3A_1602 = arith.index_cast %get3A_1600 : i32 to index
      %get3A_1603 = arith.index_cast %select_n3A : i32 to index
      %get3A_1604 = arith.index_cast %get3A_1601 : i32 to index
      %get3A_1605 = arith.index_cast %mul3A_340 : i32 to index
      %get3A_1606 = tpu.vector_load %arg19[%get3A_1602, %get3A_1603, %get3A_1604, %get3A_1605] {strides = array<i32>} : memref<4x4x8x128xf32, #tpu.memory_space<vmem>>, vector<16xf32>,
      %mul3A_1607 = arith.mulf %get3A_1599, %get3A_1592 : vector<16xf32>
      %add3A_1608 = arith.addf %gather3A_1583, %mul3A_1607 : vector<16xf32>
      %sub3A_1609 = arith.subf %add3A_1608, %gather3A_1584 : vector<16xf32>
      %mul3A_1610 = arith.mulf %get3A_1606, %get3A_1592 : vector<16xf32>
      %add3A_1611 = arith.addf %gather3A_1583, %mul3A_1610 : vector<16xf32>
      %sub3A_1612 = arith.subf %add3A_1611, %gather3A_1585 : vector<16xf32>
      %mul3A_1613 = arith.mulf %sub3A_1609, %sub3A_1609 : vector<16xf32>
      %add3A_1614 = arith.addf %sub3A_1570, %mul3A_1613 : vector<16xf32>
      %mul3A_1615 = arith.mulf %sub3A_1612, %sub3A_1612 : vector<16xf32>
      %sub3A_1616 = arith.subf %add3A_1614, %mul3A_1615 : vector<16xf32>
      %add3A_1617 = arith.addf %add3A_1571, %mul3A_1613 : vector<16xf32>
      %sub3A_1618 = arith.subf %gather3A_1583, %get3A_1592 : vector<16xf32>
      %mul3A_1619 = arith.mulf %sub3A_1618, %sub3A_1618 : vector<16xf32>
      %add3A_1620 = arith.addf %add3A_1580, %mul3A_1619 : vector<16xf32>
      %sub3A_1621 = arith.subf %gather3A_1584, %get3A_1599 : vector<16xf32>
      %mul3A_1622 = arith.mulf %sub3A_1621, %sub3A_1621 : vector<16xf32>
      %add3A_1623 = arith.addf %add3A_1620, %mul3A_1622 : vector<16xf32>
      %sub3A_1624 = arith.subf %gather3A_1585, %get3A_1606 : vector<16xf32>
      %mul3A_1625 = arith.mulf %sub3A_1624, %sub3A_1624 : vector<16xf32>
      %add3A_1626 = arith.addf %add3A_1623, %mul3A_1625 : vector<16xf32>
      %broadcast_in_dim3A_1627 = arith.constant 28 : i32
      %broadcast_in_dim3A_1628 = vector.broadcast %broadcast_in_dim3A_1627 : i32 to vector<16xi32>
      %gather3A_1629 = tpu.vector_load_idx %arg14[%add3A_308, %broadcast_in_dim3A_1628] : memref<512x32xf32, #tpu.memory_space<vmem>>[vector<16xi32>, vector<16xi32>], vector<16xf32>,
      %gather3A_1630 = tpu.vector_load_idx %arg15[%add3A_308, %broadcast_in_dim3A_1628] : memref<512x32xf32, #tpu.memory_space<vmem>>[vector<16xi32>, vector<16xi32>], vector<16xf32>,
      %gather3A_1631 = tpu.vector_load_idx %arg16[%add3A_308, %broadcast_in_dim3A_1628] : memref<512x32xf32, #tpu.memory_space<vmem>>[vector<16xi32>, vector<16xi32>], vector<16xf32>,
      %get3A_1632 = arith.constant 3 : i32
      %get3A_1633 = arith.constant 4 : i32
      %get3A_1634 = arith.index_cast %get3A_1632 : i32 to index
      %get3A_1635 = arith.index_cast %select_n3A : i32 to index
      %get3A_1636 = arith.index_cast %get3A_1633 : i32 to index
      %get3A_1637 = arith.index_cast %mul3A_340 : i32 to index
      %get3A_1638 = tpu.vector_load %arg17[%get3A_1634, %get3A_1635, %get3A_1636, %get3A_1637] {strides = array<i32>} : memref<4x4x8x128xf32, #tpu.memory_space<vmem>>, vector<16xf32>,
      %get3A_1639 = arith.constant 3 : i32
      %get3A_1640 = arith.constant 4 : i32
      %get3A_1641 = arith.index_cast %get3A_1639 : i32 to index
      %get3A_1642 = arith.index_cast %select_n3A : i32 to index
      %get3A_1643 = arith.index_cast %get3A_1640 : i32 to index
      %get3A_1644 = arith.index_cast %mul3A_340 : i32 to index
      %get3A_1645 = tpu.vector_load %arg18[%get3A_1641, %get3A_1642, %get3A_1643, %get3A_1644] {strides = array<i32>} : memref<4x4x8x128xf32, #tpu.memory_space<vmem>>, vector<16xf32>,
      %get3A_1646 = arith.constant 3 : i32
      %get3A_1647 = arith.constant 4 : i32
      %get3A_1648 = arith.index_cast %get3A_1646 : i32 to index
      %get3A_1649 = arith.index_cast %select_n3A : i32 to index
      %get3A_1650 = arith.index_cast %get3A_1647 : i32 to index
      %get3A_1651 = arith.index_cast %mul3A_340 : i32 to index
      %get3A_1652 = tpu.vector_load %arg19[%get3A_1648, %get3A_1649, %get3A_1650, %get3A_1651] {strides = array<i32>} : memref<4x4x8x128xf32, #tpu.memory_space<vmem>>, vector<16xf32>,
      %mul3A_1653 = arith.mulf %get3A_1645, %get3A_1638 : vector<16xf32>
      %add3A_1654 = arith.addf %gather3A_1629, %mul3A_1653 : vector<16xf32>
      %sub3A_1655 = arith.subf %add3A_1654, %gather3A_1630 : vector<16xf32>
      %mul3A_1656 = arith.mulf %get3A_1652, %get3A_1638 : vector<16xf32>
      %add3A_1657 = arith.addf %gather3A_1629, %mul3A_1656 : vector<16xf32>
      %sub3A_1658 = arith.subf %add3A_1657, %gather3A_1631 : vector<16xf32>
      %mul3A_1659 = arith.mulf %sub3A_1655, %sub3A_1655 : vector<16xf32>
      %add3A_1660 = arith.addf %sub3A_1616, %mul3A_1659 : vector<16xf32>
      %mul3A_1661 = arith.mulf %sub3A_1658, %sub3A_1658 : vector<16xf32>
      %sub3A_1662 = arith.subf %add3A_1660, %mul3A_1661 : vector<16xf32>
      %add3A_1663 = arith.addf %add3A_1617, %mul3A_1659 : vector<16xf32>
      %sub3A_1664 = arith.subf %gather3A_1629, %get3A_1638 : vector<16xf32>
      %mul3A_1665 = arith.mulf %sub3A_1664, %sub3A_1664 : vector<16xf32>
      %add3A_1666 = arith.addf %add3A_1626, %mul3A_1665 : vector<16xf32>
      %sub3A_1667 = arith.subf %gather3A_1630, %get3A_1645 : vector<16xf32>
      %mul3A_1668 = arith.mulf %sub3A_1667, %sub3A_1667 : vector<16xf32>
      %add3A_1669 = arith.addf %add3A_1666, %mul3A_1668 : vector<16xf32>
      %sub3A_1670 = arith.subf %gather3A_1631, %get3A_1652 : vector<16xf32>
      %mul3A_1671 = arith.mulf %sub3A_1670, %sub3A_1670 : vector<16xf32>
      %add3A_1672 = arith.addf %add3A_1669, %mul3A_1671 : vector<16xf32>
      %broadcast_in_dim3A_1673 = arith.constant 29 : i32
      %broadcast_in_dim3A_1674 = vector.broadcast %broadcast_in_dim3A_1673 : i32 to vector<16xi32>
      %gather3A_1675 = tpu.vector_load_idx %arg14[%add3A_308, %broadcast_in_dim3A_1674] : memref<512x32xf32, #tpu.memory_space<vmem>>[vector<16xi32>, vector<16xi32>], vector<16xf32>,
      %gather3A_1676 = tpu.vector_load_idx %arg15[%add3A_308, %broadcast_in_dim3A_1674] : memref<512x32xf32, #tpu.memory_space<vmem>>[vector<16xi32>, vector<16xi32>], vector<16xf32>,
      %gather3A_1677 = tpu.vector_load_idx %arg16[%add3A_308, %broadcast_in_dim3A_1674] : memref<512x32xf32, #tpu.memory_space<vmem>>[vector<16xi32>, vector<16xi32>], vector<16xf32>,
      %get3A_1678 = arith.constant 3 : i32
      %get3A_1679 = arith.constant 5 : i32
      %get3A_1680 = arith.index_cast %get3A_1678 : i32 to index
      %get3A_1681 = arith.index_cast %select_n3A : i32 to index
      %get3A_1682 = arith.index_cast %get3A_1679 : i32 to index
      %get3A_1683 = arith.index_cast %mul3A_340 : i32 to index
      %get3A_1684 = tpu.vector_load %arg17[%get3A_1680, %get3A_1681, %get3A_1682, %get3A_1683] {strides = array<i32>} : memref<4x4x8x128xf32, #tpu.memory_space<vmem>>, vector<16xf32>,
      %get3A_1685 = arith.constant 3 : i32
      %get3A_1686 = arith.constant 5 : i32
      %get3A_1687 = arith.index_cast %get3A_1685 : i32 to index
      %get3A_1688 = arith.index_cast %select_n3A : i32 to index
      %get3A_1689 = arith.index_cast %get3A_1686 : i32 to index
      %get3A_1690 = arith.index_cast %mul3A_340 : i32 to index
      %get3A_1691 = tpu.vector_load %arg18[%get3A_1687, %get3A_1688, %get3A_1689, %get3A_1690] {strides = array<i32>} : memref<4x4x8x128xf32, #tpu.memory_space<vmem>>, vector<16xf32>,
      %get3A_1692 = arith.constant 3 : i32
      %get3A_1693 = arith.constant 5 : i32
      %get3A_1694 = arith.index_cast %get3A_1692 : i32 to index
      %get3A_1695 = arith.index_cast %select_n3A : i32 to index
      %get3A_1696 = arith.index_cast %get3A_1693 : i32 to index
      %get3A_1697 = arith.index_cast %mul3A_340 : i32 to index
      %get3A_1698 = tpu.vector_load %arg19[%get3A_1694, %get3A_1695, %get3A_1696, %get3A_1697] {strides = array<i32>} : memref<4x4x8x128xf32, #tpu.memory_space<vmem>>, vector<16xf32>,
      %mul3A_1699 = arith.mulf %get3A_1691, %get3A_1684 : vector<16xf32>
      %add3A_1700 = arith.addf %gather3A_1675, %mul3A_1699 : vector<16xf32>
      %sub3A_1701 = arith.subf %add3A_1700, %gather3A_1676 : vector<16xf32>
      %mul3A_1702 = arith.mulf %get3A_1698, %get3A_1684 : vector<16xf32>
      %add3A_1703 = arith.addf %gather3A_1675, %mul3A_1702 : vector<16xf32>
      %sub3A_1704 = arith.subf %add3A_1703, %gather3A_1677 : vector<16xf32>
      %mul3A_1705 = arith.mulf %sub3A_1701, %sub3A_1701 : vector<16xf32>
      %add3A_1706 = arith.addf %sub3A_1662, %mul3A_1705 : vector<16xf32>
      %mul3A_1707 = arith.mulf %sub3A_1704, %sub3A_1704 : vector<16xf32>
      %sub3A_1708 = arith.subf %add3A_1706, %mul3A_1707 : vector<16xf32>
      %add3A_1709 = arith.addf %add3A_1663, %mul3A_1705 : vector<16xf32>
      %sub3A_1710 = arith.subf %gather3A_1675, %get3A_1684 : vector<16xf32>
      %mul3A_1711 = arith.mulf %sub3A_1710, %sub3A_1710 : vector<16xf32>
      %add3A_1712 = arith.addf %add3A_1672, %mul3A_1711 : vector<16xf32>
      %sub3A_1713 = arith.subf %gather3A_1676, %get3A_1691 : vector<16xf32>
      %mul3A_1714 = arith.mulf %sub3A_1713, %sub3A_1713 : vector<16xf32>
      %add3A_1715 = arith.addf %add3A_1712, %mul3A_1714 : vector<16xf32>
      %sub3A_1716 = arith.subf %gather3A_1677, %get3A_1698 : vector<16xf32>
      %mul3A_1717 = arith.mulf %sub3A_1716, %sub3A_1716 : vector<16xf32>
      %add3A_1718 = arith.addf %add3A_1715, %mul3A_1717 : vector<16xf32>
      %broadcast_in_dim3A_1719 = arith.constant 30 : i32
      %broadcast_in_dim3A_1720 = vector.broadcast %broadcast_in_dim3A_1719 : i32 to vector<16xi32>
      %gather3A_1721 = tpu.vector_load_idx %arg14[%add3A_308, %broadcast_in_dim3A_1720] : memref<512x32xf32, #tpu.memory_space<vmem>>[vector<16xi32>, vector<16xi32>], vector<16xf32>,
      %gather3A_1722 = tpu.vector_load_idx %arg15[%add3A_308, %broadcast_in_dim3A_1720] : memref<512x32xf32, #tpu.memory_space<vmem>>[vector<16xi32>, vector<16xi32>], vector<16xf32>,
      %gather3A_1723 = tpu.vector_load_idx %arg16[%add3A_308, %broadcast_in_dim3A_1720] : memref<512x32xf32, #tpu.memory_space<vmem>>[vector<16xi32>, vector<16xi32>], vector<16xf32>,
      %get3A_1724 = arith.constant 3 : i32
      %get3A_1725 = arith.constant 6 : i32
      %get3A_1726 = arith.index_cast %get3A_1724 : i32 to index
      %get3A_1727 = arith.index_cast %select_n3A : i32 to index
      %get3A_1728 = arith.index_cast %get3A_1725 : i32 to index
      %get3A_1729 = arith.index_cast %mul3A_340 : i32 to index
      %get3A_1730 = tpu.vector_load %arg17[%get3A_1726, %get3A_1727, %get3A_1728, %get3A_1729] {strides = array<i32>} : memref<4x4x8x128xf32, #tpu.memory_space<vmem>>, vector<16xf32>,
      %get3A_1731 = arith.constant 3 : i32
      %get3A_1732 = arith.constant 6 : i32
      %get3A_1733 = arith.index_cast %get3A_1731 : i32 to index
      %get3A_1734 = arith.index_cast %select_n3A : i32 to index
      %get3A_1735 = arith.index_cast %get3A_1732 : i32 to index
      %get3A_1736 = arith.index_cast %mul3A_340 : i32 to index
      %get3A_1737 = tpu.vector_load %arg18[%get3A_1733, %get3A_1734, %get3A_1735, %get3A_1736] {strides = array<i32>} : memref<4x4x8x128xf32, #tpu.memory_space<vmem>>, vector<16xf32>,
      %get3A_1738 = arith.constant 3 : i32
      %get3A_1739 = arith.constant 6 : i32
      %get3A_1740 = arith.index_cast %get3A_1738 : i32 to index
      %get3A_1741 = arith.index_cast %select_n3A : i32 to index
      %get3A_1742 = arith.index_cast %get3A_1739 : i32 to index
      %get3A_1743 = arith.index_cast %mul3A_340 : i32 to index
      %get3A_1744 = tpu.vector_load %arg19[%get3A_1740, %get3A_1741, %get3A_1742, %get3A_1743] {strides = array<i32>} : memref<4x4x8x128xf32, #tpu.memory_space<vmem>>, vector<16xf32>,
      %mul3A_1745 = arith.mulf %get3A_1737, %get3A_1730 : vector<16xf32>
      %add3A_1746 = arith.addf %gather3A_1721, %mul3A_1745 : vector<16xf32>
      %sub3A_1747 = arith.subf %add3A_1746, %gather3A_1722 : vector<16xf32>
      %mul3A_1748 = arith.mulf %get3A_1744, %get3A_1730 : vector<16xf32>
      %add3A_1749 = arith.addf %gather3A_1721, %mul3A_1748 : vector<16xf32>
      %sub3A_1750 = arith.subf %add3A_1749, %gather3A_1723 : vector<16xf32>
      %mul3A_1751 = arith.mulf %sub3A_1747, %sub3A_1747 : vector<16xf32>
      %add3A_1752 = arith.addf %sub3A_1708, %mul3A_1751 : vector<16xf32>
      %mul3A_1753 = arith.mulf %sub3A_1750, %sub3A_1750 : vector<16xf32>
      %sub3A_1754 = arith.subf %add3A_1752, %mul3A_1753 : vector<16xf32>
      %add3A_1755 = arith.addf %add3A_1709, %mul3A_1751 : vector<16xf32>
      %sub3A_1756 = arith.subf %gather3A_1721, %get3A_1730 : vector<16xf32>
      %mul3A_1757 = arith.mulf %sub3A_1756, %sub3A_1756 : vector<16xf32>
      %add3A_1758 = arith.addf %add3A_1718, %mul3A_1757 : vector<16xf32>
      %sub3A_1759 = arith.subf %gather3A_1722, %get3A_1737 : vector<16xf32>
      %mul3A_1760 = arith.mulf %sub3A_1759, %sub3A_1759 : vector<16xf32>
      %add3A_1761 = arith.addf %add3A_1758, %mul3A_1760 : vector<16xf32>
      %sub3A_1762 = arith.subf %gather3A_1723, %get3A_1744 : vector<16xf32>
      %mul3A_1763 = arith.mulf %sub3A_1762, %sub3A_1762 : vector<16xf32>
      %add3A_1764 = arith.addf %add3A_1761, %mul3A_1763 : vector<16xf32>
      %broadcast_in_dim3A_1765 = arith.constant 31 : i32
      %broadcast_in_dim3A_1766 = vector.broadcast %broadcast_in_dim3A_1765 : i32 to vector<16xi32>
      %gather3A_1767 = tpu.vector_load_idx %arg14[%add3A_308, %broadcast_in_dim3A_1766] : memref<512x32xf32, #tpu.memory_space<vmem>>[vector<16xi32>, vector<16xi32>], vector<16xf32>,
      %gather3A_1768 = tpu.vector_load_idx %arg15[%add3A_308, %broadcast_in_dim3A_1766] : memref<512x32xf32, #tpu.memory_space<vmem>>[vector<16xi32>, vector<16xi32>], vector<16xf32>,
      %gather3A_1769 = tpu.vector_load_idx %arg16[%add3A_308, %broadcast_in_dim3A_1766] : memref<512x32xf32, #tpu.memory_space<vmem>>[vector<16xi32>, vector<16xi32>], vector<16xf32>,
      %get3A_1770 = arith.constant 3 : i32
      %get3A_1771 = arith.constant 7 : i32
      %get3A_1772 = arith.index_cast %get3A_1770 : i32 to index
      %get3A_1773 = arith.index_cast %select_n3A : i32 to index
      %get3A_1774 = arith.index_cast %get3A_1771 : i32 to index
      %get3A_1775 = arith.index_cast %mul3A_340 : i32 to index
      %get3A_1776 = tpu.vector_load %arg17[%get3A_1772, %get3A_1773, %get3A_1774, %get3A_1775] {strides = array<i32>} : memref<4x4x8x128xf32, #tpu.memory_space<vmem>>, vector<16xf32>,
      %get3A_1777 = arith.constant 3 : i32
      %get3A_1778 = arith.constant 7 : i32
      %get3A_1779 = arith.index_cast %get3A_1777 : i32 to index
      %get3A_1780 = arith.index_cast %select_n3A : i32 to index
      %get3A_1781 = arith.index_cast %get3A_1778 : i32 to index
      %get3A_1782 = arith.index_cast %mul3A_340 : i32 to index
      %get3A_1783 = tpu.vector_load %arg18[%get3A_1779, %get3A_1780, %get3A_1781, %get3A_1782] {strides = array<i32>} : memref<4x4x8x128xf32, #tpu.memory_space<vmem>>, vector<16xf32>,
      %get3A_1784 = arith.constant 3 : i32
      %get3A_1785 = arith.constant 7 : i32
      %get3A_1786 = arith.index_cast %get3A_1784 : i32 to index
      %get3A_1787 = arith.index_cast %select_n3A : i32 to index
      %get3A_1788 = arith.index_cast %get3A_1785 : i32 to index
      %get3A_1789 = arith.index_cast %mul3A_340 : i32 to index
      %get3A_1790 = tpu.vector_load %arg19[%get3A_1786, %get3A_1787, %get3A_1788, %get3A_1789] {strides = array<i32>} : memref<4x4x8x128xf32, #tpu.memory_space<vmem>>, vector<16xf32>,
      %mul3A_1791 = arith.mulf %get3A_1783, %get3A_1776 : vector<16xf32>
      %add3A_1792 = arith.addf %gather3A_1767, %mul3A_1791 : vector<16xf32>
      %sub3A_1793 = arith.subf %add3A_1792, %gather3A_1768 : vector<16xf32>
      %mul3A_1794 = arith.mulf %get3A_1790, %get3A_1776 : vector<16xf32>
      %add3A_1795 = arith.addf %gather3A_1767, %mul3A_1794 : vector<16xf32>
      %sub3A_1796 = arith.subf %add3A_1795, %gather3A_1769 : vector<16xf32>
      %mul3A_1797 = arith.mulf %sub3A_1793, %sub3A_1793 : vector<16xf32>
      %add3A_1798 = arith.addf %sub3A_1754, %mul3A_1797 : vector<16xf32>
      %mul3A_1799 = arith.mulf %sub3A_1796, %sub3A_1796 : vector<16xf32>
      %sub3A_1800 = arith.subf %add3A_1798, %mul3A_1799 : vector<16xf32>
      %add3A_1801 = arith.addf %add3A_1755, %mul3A_1797 : vector<16xf32>
      %sub3A_1802 = arith.subf %gather3A_1767, %get3A_1776 : vector<16xf32>
      %mul3A_1803 = arith.mulf %sub3A_1802, %sub3A_1802 : vector<16xf32>
      %add3A_1804 = arith.addf %add3A_1764, %mul3A_1803 : vector<16xf32>
      %sub3A_1805 = arith.subf %gather3A_1768, %get3A_1783 : vector<16xf32>
      %mul3A_1806 = arith.mulf %sub3A_1805, %sub3A_1805 : vector<16xf32>
      %add3A_1807 = arith.addf %add3A_1804, %mul3A_1806 : vector<16xf32>
      %sub3A_1808 = arith.subf %gather3A_1769, %get3A_1790 : vector<16xf32>
      %mul3A_1809 = arith.mulf %sub3A_1808, %sub3A_1808 : vector<16xf32>
      %add3A_1810 = arith.addf %add3A_1807, %mul3A_1809 : vector<16xf32>
      %add3A_1811 = arith.constant 5.000000e-01 : f32
      %add3A_1812 = vector.broadcast %add3A_1811 : f32 to vector<16xf32>
      %add3A_1813 = arith.addf %sub3A_1800, %add3A_1812 : vector<16xf32>
      %max3A = arith.constant 0.000000e+00 : f32
      %max3A_1814 = vector.broadcast %max3A : f32 to vector<16xf32>
      %max3A_1815 = arith.maximumf %add3A_1813, %max3A_1814 : vector<16xf32>
      %add3A_1816 = arith.addf %scan3A_302, %max3A_1815 : vector<16xf32>
      scf.yield %add3A_1816, %add3A_1810, %add3A_1801 : vector<16xf32>, vector<16xf32>, vector<16xf32>
    }
    %scan3A_294 = arith.constant 32 : i32
    %add3A_295 = arith.addf %scan3A_293#1, %scan3A_293#2 : vector<16xf32>
    %mul3A_296 = arith.constant 1.000000e-01 : f32
    %mul3A_297 = vector.broadcast %mul3A_296 : f32 to vector<16xf32>
    %mul3A_298 = arith.mulf %mul3A_297, %add3A_295 : vector<16xf32>
    %add3A_299 = arith.addf %scan3A_293#0, %mul3A_298 : vector<16xf32>
    %swap3A = arith.constant 0 : index
    %swap3A_300 = tpu.vector_load %arg20[%swap3A] {strides = array<i32>} : memref<16xf32, #tpu.memory_space<vmem>>, vector<16xf32>,
    tpu.vector_store %arg20[%swap3A], %add3A_299 {strides = array<i32>} : memref<16xf32, #tpu.memory_space<vmem>>, vector<16xf32>,
    "tpu.region"() ({
      %run_scoped3A = tpu.sem_alloc : memref<!tpu.dma_semaphore, #tpu.memory_space<semaphore_mem>>
      %dma_start3A_301 = arith.constant 0 : i32
      %dma_start3A_302 = tpu.memref_slice %arg10[%add3A, %dma_start3A_301] : memref<32x16xf32, #tpu.memory_space<hbm>> -> memref<1x16xf32, #tpu.memory_space<hbm>>
      %dma_start3A_303 = tpu.memref_squeeze %dma_start3A_302 : memref<1x16xf32, #tpu.memory_space<hbm>> -> memref<16xf32, #tpu.memory_space<hbm>>
      %dma_start3A_304 = arith.constant 0 : i32
      %dma_start3A_305 = tpu.memref_slice %arg10[%add3A, %dma_start3A_304] : memref<32x16xf32, #tpu.memory_space<hbm>> -> memref<1x16xf32, #tpu.memory_space<hbm>>
      %dma_start3A_306 = tpu.memref_squeeze %dma_start3A_305 : memref<1x16xf32, #tpu.memory_space<hbm>> -> memref<16xf32, #tpu.memory_space<hbm>>
      tpu.enqueue_dma source(%arg20 : memref<16xf32, #tpu.memory_space<vmem>>) target(%dma_start3A_306 : memref<16xf32, #tpu.memory_space<hbm>>) target_semaphore(%run_scoped3A : memref<!tpu.dma_semaphore, #tpu.memory_space<semaphore_mem>>)
      %dma_wait3A_307 = arith.constant 0 : i32
      %dma_wait3A_308 = tpu.memref_slice %arg10[%add3A, %dma_wait3A_307] : memref<32x16xf32, #tpu.memory_space<hbm>> -> memref<1x16xf32, #tpu.memory_space<hbm>>
      %dma_wait3A_309 = tpu.memref_squeeze %dma_wait3A_308 : memref<1x16xf32, #tpu.memory_space<hbm>> -> memref<16xf32, #tpu.memory_space<hbm>>
      %dma_wait3A_310 = arith.constant 0 : i32
      %dma_wait3A_311 = tpu.memref_slice %arg10[%add3A, %dma_wait3A_310] : memref<32x16xf32, #tpu.memory_space<hbm>> -> memref<1x16xf32, #tpu.memory_space<hbm>>
      %dma_wait3A_312 = tpu.memref_squeeze %dma_wait3A_311 : memref<1x16xf32, #tpu.memory_space<hbm>> -> memref<16xf32, #tpu.memory_space<hbm>>
      tpu.wait_dma2 semaphore(%run_scoped3A : memref<!tpu.dma_semaphore, #tpu.memory_space<semaphore_mem>>) src(%arg20 : memref<16xf32, #tpu.memory_space<vmem>>) dst(%dma_wait3A_312 : memref<16xf32, #tpu.memory_space<hbm>>)
      tpu.yield
    }) : () -> ()
    return
  }
}

</mosaic_0001>

<sc_bundles>
// kernel: kernel.3.cloned.1.call-start
scs
__scs_entry_jumppad:
0x0: {  	(pc) =	sbr.rel $0x88, $3  }
0x1: {  	(tag) =	ssettag $0x0;
	lr =	simm.s32 $0x1  }
0x2: {  	[smem:$0x3F99] =	sst lr;
	_ =	strace $0xD0000000  }
0x3: {  	_ = 	snop  }
0x4: {  	_ = 	snop  }
0x5: {  	_ = 	snop  }
0x6: {  	_ = 	snop  }
0x7: {  	_ = 	snop  }
__scs_overlays_trampoline_lowered:
0x8: {  	[smem:$0x3FA8] =	sst s0  }
0x9: {  	[smem:$0x3FA9] =	sst s1  }
0xa: {  	[smem:$0x3FAA] =	sst s2  }
0xb: {  	[smem:$0x3FAB] =	sst s3  }
0xc: {  	[smem:$0x3FAC] =	sst s4  }
0xd: {  	[smem:$0x3FAD] =	sst s5  }
0xe: {  	[smem:$0x3FAE] =	sst s6  }
0xf: {  	[smem:$0x3FAF] =	sst s7  }
0x10: {  	[smem:$0x3FB0] =	sst s8  }
0x11: {  	[smem:$0x3FB1] =	sst s9;
	s0 =	simm.s32 @!p0 $0x0  }
0x12: {  	s1 =	sld [smem:$0x3F97];
	s0 =	simm.s32 @p0 $0x1  }
0x13: {  	[smem:$0x3FB2] =	sst s0;
	s0 =	simm.s32 @!p1 $0x0  }
0x14: {  	s2 =	sld [smem:$0x3F96];
	s0 =	simm.s32 @p1 $0x1  }
0x15: {  	[smem:$0x3FB3] =	sst s0;
	s0 =	simm.s32 @!p2 $0x0  }
0x16: {  	s3 =	sld [smem:$0x3FDB];
	s0 =	simm.s32 @p2 $0x1  }
0x17: {  	s4 =	simm.s32 $0x1BF5;
	[smem:$0x3FB5] =	sst s0  }
0x18: {  	s0 =	sld [smem:$0x3F98];
	_ =	swait.ge [sflag:s4], $0x0  }
0x19: {  	s7 =	sld [smem:$0x3F99]  }
0x1a: {  	s8 =	sadd.s32 $0xFFFFE003, lr  }
0x1b: {  	s9 =	sadd.s32 $0xFFFFFEF7, lr;
	s5 =	simm.s32 $0xFFFFFFFF;
	p2 =	slt.u32 s8, $0xFFFFF086  }
0x1c: {  	p1 =	slt.u32 s9, $0xF7A;
	s5 =	simm.s32 @!p2 $0x0  }
0x1d: {  	s5 =	simm.s32 @p1 $0x1;
	p0 =	seq.s32 s7, s2  }
0x1e: {  	s7 =	smul.u32 @!p0 $0xF7A, s2;
	p2 =	seq.s32 @!p0 s5, $0x0  }
0x1f: {  	s9 =	smul.u32 $0xF7A, s1;
	s8 =	simm.s32 @!p0 $0x1BF5;
	p2 =	por !p2, p0  }
0x20: {  	[sflag:s8] =	ssyncset.s32 @!p0 $0xFFFFF086;
	s6 =	sadd.s32 @!p0 s3, s7;
	s7 =	simm.s32 @!p0 $0x108  }
0x21: {  	s3 =	sadd.s32 s3, s9;
	s6 =	sadd.s32 @!p0 $0x88, s6;
	s7 =	simm.s32 @p2 $0x1082  }
0x22: {  	[simem:s7], [sflag:s8] =	dma.local @!p0 [hbm:s6], $0xF7A  }
0x23: {  	s9 =	sor.u32 $0xD0000000, s2;
	s6 =	simm.s32 $0x108;
	_ =	swait.ge @!p0 [sflag:s8], $0x0  }
0x24: {  	s3 =	sadd.s32 $0x88, s3;
	s6 =	simm.s32 @!p1 $0x1082;
	[sflag:s4] =	ssyncset.s32 $0xFFFFF086  }
0x25: {  	[simem:s6], [sflag:s4] =	dma.local [hbm:s3], $0xF7A  }
0x26: {  	[smem:$0x3F99] =	sst s1;
	(tag) =	ssettag s2;
	_ =	strace s9  }
0x27: {  	s1 =	sld [smem:$0x3FA9]  }
0x28: {  	s2 =	sld [smem:$0x3FAA]  }
0x29: {  	s4 =	sld [smem:$0x3FAC]  }
0x2a: {  	p0 =	seq.s32 s5, $0x0;
	s5 =	sld [smem:$0x3FAD]  }
0x2b: {  	s6 =	sld [smem:$0x3FAE]  }
0x2c: {  	s7 =	sld [smem:$0x3FAF]  }
0x2d: {  	s3 =	simm.s32 $0x108;
	s8 =	sld [smem:$0x3FB0]  }
0x2e: {  	s3 =	simm.s32 @!p0 $0x1082;
	s9 =	sld [smem:$0x3FB1]  }
0x2f: {  	lr =	sadd.s32 s0, s3;
	s0 =	sld [smem:$0x3FA8]  }
0x30: {  	s3 =	sld [smem:$0x3FAB]  }
0x31: {  	[smem:$0x3FB4] =	sst s10  }
0x32: {  	s10 =	sld [smem:$0x3FB2];
	_ =	sdelay $0x3  }
0x33: {  	p0 =	seq.s32 s10, $0x1;
	s10 =	sld [smem:$0x3FB4];
	_ =	sdelay $0x3  }
0x34: {  	[smem:$0x3FB4] =	sst s10  }
0x35: {  	s10 =	sld [smem:$0x3FB3];
	_ =	sdelay $0x3  }
0x36: {  	p1 =	seq.s32 s10, $0x1;
	s10 =	sld [smem:$0x3FB4];
	_ =	sdelay $0x3  }
0x37: {  	[smem:$0x3FB4] =	sst s10  }
0x38: {  	s10 =	sld [smem:$0x3FB5]  }
0x39: {  	_ = 	snop;
	(pc) =	sbr.ind lr, $3  }
0x3a: {  	_ = 	snop  }
0x3b: {  	_ = 	snop  }
0x3c: {  	p2 =	seq.s32 s10, $0x1;
	s10 =	sld [smem:$0x3FB4]  }
0x3d: {  	_ =	shalt  }
0x3e: {  	_ =	shalt  }
0x3f: {  	_ =	shalt  }
0x40: {  	_ =	shalt  }
0x41: {  	_ =	shalt  }
0x42: {  	_ =	shalt  }
0x43: {  	_ =	shalt  }
0x44: {  	_ =	shalt  }
0x45: {  	_ =	shalt  }
0x46: {  	_ =	shalt  }
0x47: {  	_ =	shalt  }
0x48: {  	_ =	shalt  }
0x49: {  	_ =	shalt  }
0x4a: {  	_ =	shalt  }
0x4b: {  	_ =	shalt  }
0x4c: {  	_ =	shalt  }
0x4d: {  	_ =	shalt  }
0x4e: {  	_ =	shalt  }
0x4f: {  	_ =	shalt  }
0x50: {  	_ =	shalt  }
0x51: {  	_ =	shalt  }
0x52: {  	_ =	shalt  }
0x53: {  	_ =	shalt  }
0x54: {  	_ =	shalt  }
0x55: {  	_ =	shalt  }
0x56: {  	_ =	shalt  }
0x57: {  	_ =	shalt  }
0x58: {  	_ =	shalt  }
0x59: {  	_ =	shalt  }
0x5a: {  	_ =	shalt  }
0x5b: {  	_ =	shalt  }
0x5c: {  	_ =	shalt  }
0x5d: {  	_ =	shalt  }
0x5e: {  	_ =	shalt  }
0x5f: {  	_ =	shalt  }
0x60: {  	_ =	shalt  }
0x61: {  	_ =	shalt  }
0x62: {  	_ =	shalt  }
0x63: {  	_ =	shalt  }
0x64: {  	_ =	shalt  }
0x65: {  	_ =	shalt  }
0x66: {  	_ =	shalt  }
0x67: {  	_ =	shalt  }
0x68: {  	_ =	shalt  }
0x69: {  	_ =	shalt  }
0x6a: {  	_ =	shalt  }
0x6b: {  	_ =	shalt  }
0x6c: {  	_ =	shalt  }
0x6d: {  	_ =	shalt  }
0x6e: {  	_ =	shalt  }
0x6f: {  	_ =	shalt  }
0x70: {  	_ =	shalt  }
0x71: {  	_ =	shalt  }
0x72: {  	_ =	shalt  }
0x73: {  	_ =	shalt  }
0x74: {  	_ =	shalt  }
0x75: {  	_ =	shalt  }
0x76: {  	_ =	shalt  }
0x77: {  	_ =	shalt  }
0x78: {  	_ =	shalt  }
0x79: {  	_ =	shalt  }
0x7a: {  	_ =	shalt  }
0x7b: {  	_ =	shalt  }
0x7c: {  	_ =	shalt  }
0x7d: {  	_ =	shalt  }
0x7e: {  	_ =	shalt  }
0x7f: {  	_ =	shalt  }
0x80: {  	_ =	shalt  }
0x81: {  	_ =	shalt  }
0x82: {  	_ =	shalt  }
0x83: {  	_ =	shalt  }
0x84: {  	_ =	shalt  }
0x85: {  	_ =	shalt  }
0x86: {  	_ =	shalt  }
0x87: {  	_ =	shalt  }
.Lfunc_end0:
.L_simem_size_0:
called_computation_lowered:
.L_overlay_start_0:
0x88: {  	s2 =	sld [smem:$0x3FD9]  }
0x89: {  	s3 =	sld [smem:$0x3FFE];
	_ =	sdelay $0x1  }
0x8a: {  	s1 =	srdreg.scid  }
0x8b: {  	s0 =	sand.u32 $0x1, s1  }
0x8c: {  	s17 =	sshll.u32 s0, $0xA;
	s2 =	sadd.s32 s3, s2  }
0x8d: {  	s2 =	sadd.s32 s2, s17  }
0x8e: {  	[smem:$0x3FC0] =	sst s2  }
0x8f: {  	_ = 	snop  }
0x90: {  	s2 =	sld [smem:$0x3FC7]  }
0x91: {  	s18 =	sld [smem:$0x3FC6]  }
0x92: {  	s4 =	sld [smem:$0x3FC5]  }
0x93: {  	s5 =	sld [smem:$0x3FC4]  }
0x94: {  	s6 =	sld [smem:$0x3FC3]  }
0x95: {  	s7 =	sld [smem:$0x3FC2];
	(tm) =	ssettm $0x1  }
0x96: {  	s8 =	sld [smem:$0x3FFB];
	_ =	sdelay $0x3  }
0x97: {  	_ =	strace s8  }
0x98: {  	s8 =	sld [smem:$0x3FFC];
	_ =	sdelay $0x3  }
0x99: {  	_ =	strace s8  }
0x9a: {  	s8 =	sld [smem:$0x3FFD];
	_ =	sdelay $0x3  }
0x9b: {  	_ =	strace s8  }
0x9c: {  	_ =	strace $0x8FFFFFFF  }
0x9d: {  	s19 =	sld [smem:$0x3FDB];
	_ =	sdelay $0x1  }
0x9e: {  	s9 =	simm.s32 $_scs_section_size  }
0x9f: {  	s10 =	simm.s32 $_size__tile_overlayer_lowered;
	s11 =	simm.s32 $_tile_overlayer_lowered  }
0xa0: {  	s22 =	simm.s32 $0x1BFF;
	s21 =	sshll.u32 s11, $0x1;
	s8 =	sadd.s32 s9, s19  }
0xa1: {  	s12 =	simm.s32 $0x0;
	s20 =	sshll.u32 s10, $0x1;
	s10 =	sadd.s32 s21, s8  }
0xa2: {  	[timem:s12], [sflag:s22] =	dma.local [hbm:s10], s20  }
0xa3: {  	_ =	swait.ge [sflag:s22], s20  }
0xa4: {  	s9 =	ssub.s32 $0x0, s20;
	[sflag:s22] =	ssyncset.done $0x0  }
0xa5: {  	[sflag:s22] =	ssyncadd.s32 s9;
	_ =	sdelay $0x1  }
0xa6: {  	s23 =	simm.s32 $0x1B8B  }
0xa7: {  	_ =	swait.ge [sflag:s23], $0x1  }
0xa8: {  	[sflag:s23] =	ssyncset.done $0x0  }
0xa9: {  	s25 =	simm.s32 $0x1B8E;
	s24 =	sld [smem:$0x3FFE];
	[sflag:s23] =	ssyncadd.s32 $0xFFFFFFFF  }
0xaa: {  	s26 =	simm.s32 $execute0_lowered;
	[smem:$0x3FD2] =	sst s25  }
0xab: {  	s10 =	sshll.u32 s26, $0x1;
	_ =	strace $0x80000046;
	[dreg:$0x1] =	wrdreg $0xFFFFFFFF  }
0xac: {  	s28 =	simm.s32 $_size_execute0_lowered;
	s8 =	sadd.s32 s8, s10;
	[dreg:$0x0] =	wrdreg $0x0  }
0xad: {  	s10 =	sshll.u32 s28, $0x1;
	[dreg:$0x2] =	wrdreg s8  }
0xae: {  	[dreg:$0x3] =	wrdreg s10  }
0xaf: {  	[dreg:$0x4] =	wrdreg $0xC0  }
0xb0: {  	_ =	task [dreg:s12], $0x5FFFF  }
0xb1: {  	[dreg:$0x1] =	wrdreg $0xFFFFFFFF  }
0xb2: {  	[dreg:$0x0] =	wrdreg $0x60  }
0xb3: {  	[dreg:$0x2] =	wrdreg s24  }
0xb4: {  	[dreg:$0x3] =	wrdreg s2  }
0xb5: {  	[dreg:$0x4] =	wrdreg s18  }
0xb6: {  	[dreg:$0x5] =	wrdreg s4  }
0xb7: {  	[dreg:$0x6] =	wrdreg s5  }
0xb8: {  	[dreg:$0x7] =	wrdreg s6  }
0xb9: {  	[dreg:$0x8] =	wrdreg s7  }
0xba: {  	[dreg:$0x9] =	wrdreg $0x9  }
0xbb: {  	_ =	task.clear_ibuf [dreg:s12], $0xAFFFF;
	_ =	strace $0x90000046  }
0xbc: {  	s29 =	simm.s32 $0x9;
	_ =	strace $0x80000048  }
0xbd: {  	_ =	swait.ge [sflag:s29], $0x1  }
0xbe: {  	[sflag:s29] =	ssyncadd.s32 $0xFFFFFFFF  }
0xbf: {  	_ =	strace $0x90000048  }
0xc0: {  	_ =	sfence  }
0xc1: {  	s30 =	sld [smem:$0x0];
	_ =	sdelay $0x2  }
0xc2: {  	s31 =	sshll.u32 s1, $0xD;
	s1 =	sshrl.u32 s1, $0x2  }
0xc3: {  	s3 =	sand.u32 $0x4000, s31;
	s1 =	sadd.s32 s1, s30  }
0xc4: {  	s0 =	sor.u32 s3, s0;
	s1 =	sshll.u32 s1, $0x11  }
0xc5: {  	s0 =	sor.u32 s1, s0  }
0xc6: {  	s0 =	sadd.s32 $0x8F2B, s0  }
0xc7: {  	[sflag:s0] =	ssyncadd.remote.s32 $0x1  }
0xc8: {  	_ =	sfence.sel $0xFFFF  }
0xc9: {  	[dreg:$0x0] =	wrdreg $0xFFFFFFFF;
	(pc) =	sbr.abs _section_cstart, $3  }
0xca: {  	[dreg:$0x1] =	wrdreg $0xFFFFFFFF  }
0xcb: {  	_ =	task.clear_ibuf [dreg:s12], $0x2FFFF;
	_ =	strace $0x9FFFFFFF  }
0xcc: {  	(tm) =	ssettm $0x7FFFFFFF  }
0xcd: {  	_ =	shalt  }
tec
execute0_lowered:
.L_overlay_start_1:
0x0: {  	(tag) =	ssettag $0x1  }
0x1: {  	s0 =	rddreg [dreg:$0x0]  }
0x2: {  	s1 =	rddreg [dreg:$0x1]  }
0x3: {  	s9 =	rddreg [dreg:$0x2]  }
0x4: {  	s10 =	rddreg [dreg:$0x3]  }
0x5: {  	s5 =	rddreg [dreg:$0x4]  }
0x6: {  	s6 =	rddreg [dreg:$0x5]  }
0x7: {  	s7 =	rddreg [dreg:$0x6];
	s2 =	simm.s32 $0x0  }
0x8: {  	s3 =	srdreg.scid;
	s11 =	stileid.u32;
	s14 =	simm.s32 $0x200  }
0x9: {  	s15 =	simm.s32 $0x400;
	s16 =	simm.s32 $0x80;
	s17 =	simm.s32 $0x600  }
0xa: {  	s18 =	simm.s32 $0x4600;
	s19 =	simm.s32 $0x8600;
	s24 =	simm.s32 $0x1000  }
0xb: {  	s25 =	simm.s32 $0x20000;
	s29 =	simm.s32 $0x14600;
	s30 =	simm.s32 $0x1  }
0xc: {  	s31 =	simm.s32 $0x18600;
	[smem:$0x7FF] =	sst s2;
	s4 =	sand.u32 $0x1, s3  }
0xd: {  	s11 =	sshll.u32 s11, $0x1;
	s3 =	sadd.s32 $0xF42400, s0;
	_ =	strace $0x80000047  }
0xe: {  	s8 =	ssub.s32 $0x2, s4;
	s11 =	sor.u32 s4, s11;
	s4 =	sadd.s32 $0x1312E00, s0  }
0xf: {  	s12 =	sshrl.u32 s8, $0x1;
	s26 =	sshll.u32 s11, $0x6;
	s13 =	sshll.u32 s11, $0x9  }
0x10: {  	v0 =	vlaneseq.u32;
	s28 =	sshll.u32 s11, $0x1;
	s12 =	ssub.s32 s8, s12;
	s5 =	sadd.s32 s5, s26  }
0x11: {  	v0 =	vmul.u32 $0x20, v0;
	s6 =	sadd.s32 s6, s26;
	s7 =	sadd.s32 s7, s26;
	s8 =	sadd.s32 s1, s13  }
0x12: {  	s9 =	sadd.s32 s9, s13;
	s10 =	sadd.s32 s10, s13;
	s11 =	sadd.s32 s0, s28  }
0x13: {  	[tilespmem:$0x1FFF0] =	vst v0;
	s13 =	simm.s32 $0x2;
	s0 =	simm.s32 $0x0;
	s12 =	smax.u32 s12, $0x1  }
.LBB2_1:
0x14: {  	[tilespmem:s2], [sflag:$0x2] =	stream.linear.gather [hbm4b:s5+s2], $0x200, $0x38;
	[tilespmem:$0x18610] =	vst v63  }
0x15: {  	_ =	swait.ge [sflag:s13], $0x200  }
0x16: {  	[sflag:s13] =	ssyncset.done $0x0  }
0x17: {  	[sflag:s13] =	ssyncadd.s32 $0xFFFFFE00  }
0x18: {  	[tilespmem:s14], [sflag:$0x2] =	stream.linear.gather [hbm4b:s6+s2], $0x200, $0x38;
	[tilespmem:$0x18610] =	vst v63  }
0x19: {  	_ =	swait.ge [sflag:s13], $0x200  }
0x1a: {  	[sflag:s13] =	ssyncset.done $0x0  }
0x1b: {  	[sflag:s13] =	ssyncadd.s32 $0xFFFFFE00  }
0x1c: {  	[tilespmem:s15], [sflag:$0x2] =	stream.linear.gather [hbm4b:s7+s2], $0x200, $0x38;
	[tilespmem:$0x18610] =	vst v63  }
0x1d: {  	_ =	swait.ge [sflag:s13], $0x200  }
0x1e: {  	[sflag:s13] =	ssyncset.done $0x0  }
0x1f: {  	[sflag:s13] =	ssyncadd.s32 $0xFFFFFE00  }
0x20: {  	[tilespmem:s17], [sflag:$0x1] =	stream.indirect.gather [hbm4b:s3+s16], $0x20, s2, s16, $0xb8;
	[tilespmem:$0x18610] =	vst v63  }
0x21: {  	_ = 	snop  }
0x22: {  	[tilespmem:s18], [sflag:$0x1] =	stream.indirect.gather [hbm4b:s4+s16], $0x20, s14, s16, $0xb8;
	[tilespmem:$0x18610] =	vst v63  }
0x23: {  	_ = 	snop  }
0x24: {  	[tilespmem:s19], [sflag:$0x1] =	stream.indirect.gather [hbm4b:s4+s16], $0x20, s15, s16, $0xb8;
	[tilespmem:$0x18610] =	vst v63  }
0x25: {  	s1 =	simm.s32 $0x1600  }
0x26: {  	[tilespmem:s1], [sflag:$0x1] =	stream.indirect.gather [hbm4b:s3+s16], $0x20, s16, s16, $0xb8;
	[tilespmem:$0x18610] =	vst v63  }
0x27: {  	s28 =	simm.s32 $0x280;
	s20 =	simm.s32 $0x5600  }
0x28: {  	[tilespmem:s20], [sflag:$0x1] =	stream.indirect.gather [hbm4b:s4+s16], $0x20, s28, s16, $0xb8;
	[tilespmem:$0x18610] =	vst v63  }
0x29: {  	s21 =	simm.s32 $0x9600;
	s20 =	simm.s32 $0x480  }
0x2a: {  	[tilespmem:s21], [sflag:$0x1] =	stream.indirect.gather [hbm4b:s4+s16], $0x20, s20, s16, $0xb8;
	[tilespmem:$0x18610] =	vst v63  }
0x2b: {  	s22 =	simm.s32 $0x100;
	s23 =	simm.s32 $0x2600  }
0x2c: {  	[tilespmem:s23], [sflag:$0x1] =	stream.indirect.gather [hbm4b:s3+s16], $0x20, s22, s16, $0xb8;
	[tilespmem:$0x18610] =	vst v63  }
0x2d: {  	s26 =	simm.s32 $0x300;
	s28 =	simm.s32 $0x6600  }
0x2e: {  	[tilespmem:s28], [sflag:$0x1] =	stream.indirect.gather [hbm4b:s4+s16], $0x20, s26, s16, $0xb8;
	[tilespmem:$0x18610] =	vst v63  }
0x2f: {  	s20 =	simm.s32 $0x500;
	s21 =	simm.s32 $0xA600  }
0x30: {  	[tilespmem:s21], [sflag:$0x1] =	stream.indirect.gather [hbm4b:s4+s16], $0x20, s20, s16, $0xb8;
	[tilespmem:$0x18610] =	vst v63  }
0x31: {  	s22 =	simm.s32 $0x180;
	s23 =	simm.s32 $0x3600  }
0x32: {  	[tilespmem:s23], [sflag:$0x1] =	stream.indirect.gather [hbm4b:s3+s16], $0x20, s22, s16, $0xb8;
	[tilespmem:$0x18610] =	vst v63  }
0x33: {  	s26 =	simm.s32 $0x380;
	s28 =	simm.s32 $0x7600  }
0x34: {  	[tilespmem:s28], [sflag:$0x1] =	stream.indirect.gather [hbm4b:s4+s16], $0x20, s26, s16, $0xb8;
	[tilespmem:$0x18610] =	vst v63  }
0x35: {  	s21 =	simm.s32 $0x580;
	s22 =	simm.s32 $0xB600  }
0x36: {  	[tilespmem:s22], [sflag:$0x1] =	stream.indirect.gather [hbm4b:s4+s16], $0x20, s21, s16, $0xb8;
	[tilespmem:$0x18610] =	vst v63  }
0x37: {  	s23 =	simm.s32 $0xC600  }
0x38: {  	[tilespmem:s23], [sflag:$0x1] =	stream.strided.gather [hbm4b:s8+s24], $0x4000, s25, s24, $0x38;
	[tilespmem:$0x18610] =	vst v63  }
0x39: {  	s26 =	simm.s32 $0x10600  }
0x3a: {  	[tilespmem:s26], [sflag:$0x1] =	stream.strided.gather [hbm4b:s9+s24], $0x4000, s25, s24, $0x38;
	[tilespmem:$0x18610] =	vst v63  }
0x3b: {  	_ = 	snop  }
0x3c: {  	[tilespmem:s29], [sflag:$0x1] =	stream.strided.gather [hbm4b:s10+s24], $0x4000, s25, s24, $0x38;
	[tilespmem:$0x18610] =	vst v63  }
0x3d: {  	_ =	swait.ge [sflag:s30], $0x1000  }
0x3e: {  	[sflag:s30] =	ssyncset.done $0x0  }
0x3f: {  	[sflag:s30] =	ssyncadd.s32 $0xFFFFF000  }
0x40: {  	_ =	swait.ge [sflag:s30], $0x1000  }
0x41: {  	[sflag:s30] =	ssyncset.done $0x0  }
0x42: {  	[sflag:s30] =	ssyncadd.s32 $0xFFFFF000  }
0x43: {  	_ =	swait.ge [sflag:s30], $0x1000  }
0x44: {  	[sflag:s30] =	ssyncset.done $0x0  }
0x45: {  	[sflag:s30] =	ssyncadd.s32 $0xFFFFF000  }
0x46: {  	_ =	swait.ge [sflag:s30], $0x1000  }
0x47: {  	[sflag:s30] =	ssyncset.done $0x0  }
0x48: {  	[sflag:s30] =	ssyncadd.s32 $0xFFFFF000  }
0x49: {  	_ =	swait.ge [sflag:s30], $0x1000  }
0x4a: {  	[sflag:s30] =	ssyncset.done $0x0  }
0x4b: {  	[sflag:s30] =	ssyncadd.s32 $0xFFFFF000  }
0x4c: {  	_ =	swait.ge [sflag:s30], $0x1000  }
0x4d: {  	[sflag:s30] =	ssyncset.done $0x0  }
0x4e: {  	[sflag:s30] =	ssyncadd.s32 $0xFFFFF000  }
0x4f: {  	_ =	swait.ge [sflag:s30], $0x1000  }
0x50: {  	[sflag:s30] =	ssyncset.done $0x0  }
0x51: {  	[sflag:s30] =	ssyncadd.s32 $0xFFFFF000  }
0x52: {  	_ =	swait.ge [sflag:s30], $0x1000  }
0x53: {  	[sflag:s30] =	ssyncset.done $0x0  }
0x54: {  	[sflag:s30] =	ssyncadd.s32 $0xFFFFF000  }
0x55: {  	_ =	swait.ge [sflag:s30], $0x1000  }
0x56: {  	[sflag:s30] =	ssyncset.done $0x0  }
0x57: {  	[sflag:s30] =	ssyncadd.s32 $0xFFFFF000  }
0x58: {  	_ =	swait.ge [sflag:s30], $0x1000  }
0x59: {  	[sflag:s30] =	ssyncset.done $0x0  }
0x5a: {  	[sflag:s30] =	ssyncadd.s32 $0xFFFFF000  }
0x5b: {  	_ =	swait.ge [sflag:s30], $0x1000  }
0x5c: {  	[sflag:s30] =	ssyncset.done $0x0  }
0x5d: {  	[sflag:s30] =	ssyncadd.s32 $0xFFFFF000  }
0x5e: {  	_ =	swait.ge [sflag:s30], $0x1000  }
0x5f: {  	[sflag:s30] =	ssyncset.done $0x0  }
0x60: {  	[sflag:s30] =	ssyncadd.s32 $0xFFFFF000  }
0x61: {  	_ =	swait.ge [sflag:s30], $0x4000  }
0x62: {  	[sflag:s30] =	ssyncset.done $0x0  }
0x63: {  	[sflag:s30] =	ssyncadd.s32 $0xFFFFC000  }
0x64: {  	_ =	swait.ge [sflag:s30], $0x4000  }
0x65: {  	[sflag:s30] =	ssyncset.done $0x0  }
0x66: {  	[sflag:s30] =	ssyncadd.s32 $0xFFFFC000  }
0x67: {  	_ =	swait.ge [sflag:s30], $0x4000  }
0x68: {  	s22 =	sor.u32 s2, s2;
	[sflag:s30] =	ssyncset.done $0x0  }
0x69: {  	s1 =	sor.u32 $0x3380, s22;
	[sflag:s30] =	ssyncadd.s32 $0xFFFFC000  }
0x6a: {  	v0 =	vld [tilespmem:s1+$0xC600];
	_ =	sdelay $0x4  }
0x6b: {  	[tilespmem:$0x1E400] =	vst v0;
	v0 =	vld [tilespmem:s1+$0x10600];
	_ =	sdelay $0x2  }
0x6c: {  	s28 =	sand.u32 $0x70, s2;
	s21 =	sand.u32 $0xC00, s2  }
0x6d: {  	s20 =	sor.u32 s28, s21  }
0x6e: {  	[tilespmem:$0x1E070] =	vst v0;
	v0 =	vld [tilespmem:s20+$0x17900];
	_ =	sdelay $0x4  }
0x6f: {  	[tilespmem:$0x1E060] =	vst v0;
	v0 =	vld [tilespmem:s20+$0xF900];
	_ =	sdelay $0x4  }
0x70: {  	[tilespmem:$0x1E3A0] =	vst v0;
	v0 =	vld [tilespmem:s20+$0x13900];
	_ =	sdelay $0x4  }
0x71: {  	[tilespmem:$0x1E050] =	vst v0;
	v0 =	vld [tilespmem:s20+$0x17880];
	_ =	sdelay $0x4  }
0x72: {  	[tilespmem:$0x1E020] =	vst v0;
	v0 =	vld [tilespmem:s20+$0xF880];
	_ =	sdelay $0x4  }
0x73: {  	[tilespmem:$0x1E390] =	vst v0;
	v0 =	vld [tilespmem:s20+$0x13880];
	_ =	sdelay $0x4  }
0x74: {  	[tilespmem:$0x1E010] =	vst v0;
	v0 =	vld [tilespmem:s20+$0x17800];
	_ =	sdelay $0x4  }
0x75: {  	[tilespmem:$0x1E000] =	vst v0;
	v0 =	vld [tilespmem:s20+$0xF800];
	_ =	sdelay $0x4  }
0x76: {  	[tilespmem:$0x1DFE0] =	vst v0;
	v0 =	vld [tilespmem:s20+$0x13800];
	_ =	sdelay $0x1  }
0x77: {  	s23 =	sand.u32 $0xFFFFFC00, s2  }
0x78: {  	s21 =	sadd.s32 $0x0, s23  }
0x79: {  	s23 =	sor.u32 $0x3180, s21  }
0x7a: {  	[tilespmem:$0x1DFF0] =	vst v0;
	v0 =	vld [tilespmem:s23+$0x14600];
	_ =	sdelay $0x4  }
0x7b: {  	[tilespmem:$0x1DFC0] =	vst v0;
	v0 =	vld [tilespmem:s23+$0x10600];
	_ =	sdelay $0x4  }
0x7c: {  	[tilespmem:$0x1DFA0] =	vst v0;
	v0 =	vld [tilespmem:s23+$0xC600];
	_ =	sdelay $0x4  }
0x7d: {  	[tilespmem:$0x1DF70] =	vst v0;
	v0 =	vld [tilespmem:s20+$0x17700];
	_ =	sdelay $0x4  }
0x7e: {  	[tilespmem:$0x1E2D0] =	vst v0;
	v0 =	vld [tilespmem:s20+$0x13700];
	_ =	sdelay $0x4  }
0x7f: {  	[tilespmem:$0x1DF00] =	vst v0;
	v0 =	vld [tilespmem:s20+$0xF700];
	_ =	sdelay $0x4  }
0x80: {  	[tilespmem:$0x1E2E0] =	vst v0;
	v0 =	vld [tilespmem:s20+$0x17680];
	_ =	sdelay $0x4  }
0x81: {  	[tilespmem:$0x1DEA0] =	vst v0;
	v0 =	vld [tilespmem:s20+$0x13680];
	_ =	sdelay $0x1  }
0x82: {  	v1 =	vld [tilespmem:s20+$0x13600];
	_ =	sdelay $0x2  }
0x83: {  	[tilespmem:$0x1DE50] =	vst v0;
	v0 =	vld [tilespmem:s20+$0xF680];
	_ =	sdelay $0x1  }
0x84: {  	[tilespmem:$0x1DDE0] =	vst v1;
	v1 =	vld [tilespmem:s20+$0xF600];
	_ =	sdelay $0x2  }
0x85: {  	[tilespmem:$0x1DE40] =	vst v0;
	v0 =	vld [tilespmem:s20+$0x17600];
	_ =	sdelay $0x1  }
0x86: {  	[tilespmem:$0x1DDA0] =	vst v1;
	v1 =	vld [tilespmem:$0x1FFF0];
	_ =	sdelay $0x2  }
0x87: {  	[tilespmem:$0x1DDF0] =	vst v0;
	v0 =	vmov s2  }
0x88: {  	s26 =	sor.u32 $0x2380, s22;
	v0 =	vshll.u32 v0, $0x5  }
0x89: {  	v36 =	vor.u32 v1, v0;
	v0 =	vld [tilespmem:s26+$0x14600];
	_ =	sdelay $0x4  }
0x8a: {  	[tilespmem:$0x1E270] =	vst v0;
	v0 =	vld [tilespmem:s26+$0x10600];
	_ =	sdelay $0x4  }
0x8b: {  	[tilespmem:$0x1DD60] =	vst v0;
	v0 =	vld [tilespmem:s26+$0xC600];
	_ =	sdelay $0x4  }
0x8c: {  	[tilespmem:$0x1DD40] =	vst v0;
	v0 =	vld [tilespmem:s20+$0x16900];
	_ =	sdelay $0x4  }
0x8d: {  	v23 =	vld [tilespmem:s20+$0xC600];
	[tilespmem:$0x1E1C0] =	vst v0;
	v0 =	vor.u32 $0x1, v36  }
0x8e: {  	v21 =	vld [tilespmem:s20+$0x10600]  }
0x8f: {  	v38 =	vld [tilespmem:s20+$0x14600]  }
0x90: {  	v1 =	vor.u32 $0x2, v36;
	v48 =	vld.idx.msk [tilespmem:v36+s17+$0x0], $0xffff  }
0x91: {  	v14 =	vld.idx.msk [tilespmem:v36+s18+$0x0], $0xffff  }
0x92: {  	v19 =	vld.idx.msk [tilespmem:v0+s17+$0x0], $0xffff  }
0x93: {  	v2 =	vor.u32 $0x3, v36;
	v15 =	vld.idx.msk [tilespmem:v0+s18+$0x0], $0xffff  }
0x94: {  	v26 =	vld.idx.msk [tilespmem:v0+s19+$0x0], $0xffff;
	v0 =	vor.u32 $0x4, v36  }
0x95: {  	v20 =	vld.idx.msk [tilespmem:v1+s17+$0x0], $0xffff  }
0x96: {  	v18 =	vld.idx.msk [tilespmem:v1+s18+$0x0], $0xffff  }
0x97: {  	v31 =	vld.idx.msk [tilespmem:v1+s19+$0x0], $0xffff  }
0x98: {  	v13 =	vld.idx.msk [tilespmem:v2+s17+$0x0], $0xffff  }
0x99: {  	v1 =	vor.u32 $0x5, v36;
	v16 =	vld.idx.msk [tilespmem:v0+s17+$0x0], $0xffff  }
0x9a: {  	v12 =	vld.idx.msk [tilespmem:v0+s18+$0x0], $0xffff  }
0x9b: {  	v17 =	vld.idx.msk [tilespmem:v0+s19+$0x0], $0xffff;
	v0 =	vor.u32 $0x7, v36  }
0x9c: {  	v8 =	vld.idx.msk [tilespmem:v2+s18+$0x0], $0xffff  }
0x9d: {  	v34 =	vld.idx.msk [tilespmem:v2+s19+$0x0], $0xffff  }
0x9e: {  	v11 =	vld.idx.msk [tilespmem:v1+s17+$0x0], $0xffff  }
0x9f: {  	v2 =	vor.u32 $0x6, v36;
	v5 =	vld.idx.msk [tilespmem:v1+s18+$0x0], $0xffff  }
0xa0: {  	v4 =	vld.idx.msk [tilespmem:v0+s17+$0x0], $0xffff  }
0xa1: {  	v3 =	vld.idx.msk [tilespmem:v0+s18+$0x0], $0xffff  }
0xa2: {  	v27 =	vld.idx.msk [tilespmem:v0+s19+$0x0], $0xffff;
	v0 =	vor.u32 $0xA, v36  }
0xa3: {  	v30 =	vld.idx.msk [tilespmem:v1+s19+$0x0], $0xffff  }
0xa4: {  	v28 =	vld.idx.msk [tilespmem:v2+s17+$0x0], $0xffff  }
0xa5: {  	v6 =	vld.idx.msk [tilespmem:v2+s18+$0x0], $0xffff  }
0xa6: {  	v24 =	vld.idx.msk [tilespmem:v2+s19+$0x0], $0xffff  }
0xa7: {  	v1 =	vor.u32 $0x8, v36;
	v60 =	vld.idx.msk [tilespmem:v0+s17+$0x0], $0xffff  }
0xa8: {  	v33 =	vld.idx.msk [tilespmem:v0+s18+$0x0], $0xffff  }
0xa9: {  	v32 =	vld.idx.msk [tilespmem:v0+s19+$0x0], $0xffff  }
0xaa: {  	v2 =	vor.u32 $0x9, v36;
	v0 =	vld [tilespmem:s20+$0x12900]  }
0xab: {  	v29 =	vld.idx.msk [tilespmem:v36+s19+$0x0], $0xffff  }
0xac: {  	v10 =	vld.idx.msk [tilespmem:v1+s17+$0x0], $0xffff  }
0xad: {  	v9 =	vld.idx.msk [tilespmem:v1+s18+$0x0], $0xffff  }
0xae: {  	v25 =	vld.idx.msk [tilespmem:v1+s19+$0x0], $0xffff  }
0xaf: {  	v35 =	vld.idx.msk [tilespmem:v2+s17+$0x0], $0xffff;
	[tilespmem:$0x1DCF0] =	vst v0;
	v0 =	vsub.f32 v48, v23  }
0xb0: {  	v7 =	vld.idx.msk [tilespmem:v2+s18+$0x0], $0xffff  }
0xb1: {  	v1 =	vld [tilespmem:s20+$0xE900];
	v0 =	vmul.f32 v0, v0  }
0xb2: {  	v41 =	vld.idx.msk [tilespmem:v2+s19+$0x0], $0xffff;
	v2 =	vimm.f32 $0.0e+00  }
0xb3: {  	v0 =	vadd.f32 v0, v2;
	v2 =	vld [tilespmem:s20+$0x12880];
	_ =	sdelay $0x2  }
0xb4: {  	[tilespmem:$0x1DCC0] =	vst v1;
	v1 =	vsub.f32 v14, v21;
	_ =	sdelay $0x1  }
0xb5: {  	v1 =	vmul.f32 v1, v1;
	[tilespmem:$0x1DC60] =	vst v2;
	v2 =	vsub.f32 v29, v38  }
0xb6: {  	v22 =	vld [tilespmem:s20+$0xC680]  }
0xb7: {  	v0 =	vadd.f32 v1, v0;
	v1 =	vmul.f32 v2, v2;
	v2 =	vld [tilespmem:s20+$0xE880];
	_ =	sdelay $0x4  }
0xb8: {  	[tilespmem:$0x1DC50] =	vst v2;
	v2 =	vsub.f32 v19, v22  }
0xb9: {  	[tilespmem:$0x1DC90] =	vst v14;
	v14 =	vld [tilespmem:s20+$0x10680]  }
0xba: {  	v0 =	vadd.f32 v1, v0;
	v1 =	vmul.f32 v2, v2;
	v2 =	vld [tilespmem:s20+$0x16800];
	_ =	sdelay $0x4  }
0xbb: {  	[tilespmem:$0x1E1D0] =	vst v2;
	v2 =	vsub.f32 v15, v14  }
0xbc: {  	[tilespmem:$0x1DAA0] =	vst v29;
	v29 =	vld [tilespmem:s20+$0x14680]  }
0xbd: {  	v0 =	vadd.f32 v1, v0;
	v1 =	vmul.f32 v2, v2;
	v2 =	vld [tilespmem:s20+$0x12800];
	_ =	sdelay $0x4  }
0xbe: {  	[tilespmem:$0x1DC30] =	vst v2;
	v2 =	vsub.f32 v26, v29  }
0xbf: {  	v63 =	vld [tilespmem:s20+$0xC700]  }
0xc0: {  	v0 =	vadd.f32 v1, v0;
	v1 =	vmul.f32 v2, v2;
	v2 =	vld [tilespmem:s20+$0xE800];
	_ =	sdelay $0x4  }
0xc1: {  	[tilespmem:$0x1DC10] =	vst v2;
	v2 =	vsub.f32 v20, v63  }
0xc2: {  	s26 =	sor.u32 $0x2180, s21;
	[tilespmem:$0x1DC70] =	vst v14;
	v14 =	vld [tilespmem:s20+$0x10700]  }
0xc3: {  	v0 =	vadd.f32 v1, v0;
	v1 =	vmul.f32 v2, v2;
	v2 =	vld [tilespmem:s26+$0x14600];
	_ =	sdelay $0x4  }
0xc4: {  	[tilespmem:$0x1E190] =	vst v2;
	v2 =	vsub.f32 v18, v14  }
0xc5: {  	[tilespmem:$0x1DAC0] =	vst v26;
	v26 =	vld [tilespmem:s20+$0x14700]  }
0xc6: {  	v0 =	vadd.f32 v1, v0;
	v1 =	vmul.f32 v2, v2;
	v2 =	vld [tilespmem:s26+$0x10600];
	_ =	sdelay $0x4  }
0xc7: {  	s28 =	sor.u32 $0x180, s21;
	[tilespmem:$0x1DBE0] =	vst v2;
	v2 =	vsub.f32 v31, v26  }
0xc8: {  	v61 =	vld [tilespmem:s28+$0xC600]  }
0xc9: {  	v0 =	vadd.f32 v1, v0;
	v1 =	vmul.f32 v2, v2;
	v2 =	vld [tilespmem:s26+$0xC600];
	_ =	sdelay $0x1  }
0xca: {  	[tilespmem:$0x1DC80] =	vst v14;
	v14 =	vld [tilespmem:s28+$0x10600];
	_ =	sdelay $0x2  }
0xcb: {  	[tilespmem:$0x1DBC0] =	vst v2;
	v2 =	vsub.f32 v13, v61;
	_ =	sdelay $0x1  }
0xcc: {  	v0 =	vadd.f32 v1, v0;
	v1 =	vmul.f32 v2, v2;
	v2 =	vsub.f32 v8, v14  }
0xcd: {  	[tilespmem:$0x1DA90] =	vst v22;
	v22 =	vld [tilespmem:s28+$0x14600]  }
0xce: {  	v0 =	vadd.f32 v1, v0;
	v1 =	vmul.f32 v2, v2;
	v2 =	vld [tilespmem:s20+$0x12700];
	_ =	sdelay $0x4  }
0xcf: {  	[tilespmem:$0x1DB60] =	vst v2;
	v2 =	vsub.f32 v34, v22  }
0xd0: {  	v54 =	vld [tilespmem:s20+$0xC800]  }
0xd1: {  	v0 =	vadd.f32 v1, v0;
	v1 =	vmul.f32 v2, v2;
	v2 =	vld [tilespmem:s20+$0xE700];
	_ =	sdelay $0x1  }
0xd2: {  	[tilespmem:$0x1DD20] =	vst v8;
	v8 =	vld [tilespmem:s20+$0x10800];
	_ =	sdelay $0x1  }
0xd3: {  	v47 =	vld [tilespmem:s20+$0x14800]  }
0xd4: {  	[tilespmem:$0x1DB30] =	vst v2;
	v2 =	vsub.f32 v16, v54  }
0xd5: {  	v53 =	vld [tilespmem:s20+$0xC880]  }
0xd6: {  	v0 =	vadd.f32 v1, v0;
	v1 =	vmul.f32 v2, v2;
	v2 =	vsub.f32 v12, v8  }
0xd7: {  	[tilespmem:$0x1DCA0] =	vst v8;
	v8 =	vld [tilespmem:s20+$0x10880]  }
0xd8: {  	v39 =	vld [tilespmem:s20+$0x16700];
	v0 =	vadd.f32 v1, v0;
	v1 =	vmul.f32 v2, v2;
	v2 =	vsub.f32 v17, v47  }
0xd9: {  	v43 =	vld [tilespmem:s20+$0x14880]  }
0xda: {  	v45 =	vld [tilespmem:s20+$0x16680];
	v0 =	vadd.f32 v1, v0;
	v1 =	vmul.f32 v2, v2;
	v2 =	vsub.f32 v11, v53  }
0xdb: {  	v52 =	vld [tilespmem:s20+$0xC900]  }
0xdc: {  	v40 =	vld [tilespmem:s20+$0x12680];
	[tilespmem:$0x1DA80] =	vst v23;
	v0 =	vadd.f32 v1, v0;
	v1 =	vmul.f32 v2, v2;
	v2 =	vsub.f32 v5, v8  }
0xdd: {  	[tilespmem:$0x1DD10] =	vst v8;
	v8 =	vld [tilespmem:s20+$0x10900]  }
0xde: {  	[tilespmem:$0x1DC40] =	vst v21;
	v0 =	vadd.f32 v1, v0;
	v1 =	vmul.f32 v2, v2;
	v2 =	vsub.f32 v30, v43  }
0xdf: {  	v42 =	vld [tilespmem:s20+$0x14900];
	[tilespmem:$0x1E180] =	vst v39  }
0xe0: {  	[tilespmem:$0x1E130] =	vst v45;
	s28 =	sor.u32 $0x380, s22;
	v0 =	vadd.f32 v1, v0;
	v1 =	vmul.f32 v2, v2;
	v2 =	vsub.f32 v28, v52  }
0xe1: {  	[tilespmem:$0x1DD70] =	vst v5;
	v5 =	vld [tilespmem:s28+$0xC600]  }
0xe2: {  	[tilespmem:$0x1DF50] =	vst v40;
	v0 =	vadd.f32 v1, v0;
	v1 =	vmul.f32 v2, v2;
	v2 =	vsub.f32 v6, v8  }
0xe3: {  	[tilespmem:$0x1DD30] =	vst v12;
	v12 =	vld [tilespmem:s28+$0x10600]  }
0xe4: {  	[tilespmem:$0x1DAD0] =	vst v20;
	v0 =	vadd.f32 v1, v0;
	v1 =	vmul.f32 v2, v2;
	v2 =	vsub.f32 v24, v42  }
0xe5: {  	[tilespmem:$0x1DB00] =	vst v34;
	v34 =	vld [tilespmem:s28+$0x14600]  }
0xe6: {  	[tilespmem:$0x1DCE0] =	vst v18;
	v0 =	vadd.f32 v1, v0;
	v1 =	vmul.f32 v2, v2;
	v2 =	vsub.f32 v4, v5  }
0xe7: {  	[tilespmem:$0x1DAF0] =	vst v31;
	v31 =	vld [tilespmem:s20+$0xD600]  }
0xe8: {  	[tilespmem:$0x1DAE0] =	vst v13;
	v0 =	vadd.f32 v1, v0;
	v1 =	vmul.f32 v2, v2;
	v2 =	vsub.f32 v3, v12  }
0xe9: {  	v59 =	vld [tilespmem:s20+$0x11600];
	[tilespmem:$0x1DB20] =	vst v11  }
0xea: {  	v62 =	vld [tilespmem:s20+$0xD680];
	[tilespmem:$0x1DB50] =	vst v30;
	v0 =	vadd.f32 v1, v0;
	v1 =	vmul.f32 v2, v2;
	v2 =	vsub.f32 v27, v34  }
0xeb: {  	[tilespmem:$0x1DB90] =	vst v24;
	v24 =	vld [tilespmem:s20+$0x15600]  }
0xec: {  	v37 =	vld [tilespmem:s20+$0x15800];
	[tilespmem:$0x1DB70] =	vst v28;
	v0 =	vadd.f32 v1, v0;
	v1 =	vmul.f32 v2, v2;
	v2 =	vsub.f32 v10, v31  }
0xed: {  	v51 =	vld [tilespmem:s20+$0xD800];
	[tilespmem:$0x1DD80] =	vst v6  }
0xee: {  	[tilespmem:$0x1DDC0] =	vst v3;
	v3 =	vld [tilespmem:s20+$0x11680];
	v0 =	vadd.f32 v1, v0;
	v1 =	vmul.f32 v2, v2;
	v2 =	vsub.f32 v9, v59  }
0xef: {  	[tilespmem:$0x1DBD0] =	vst v10;
	v21 =	vld [tilespmem:s20+$0xE680]  }
0xf0: {  	[tilespmem:$0x1DAB0] =	vst v19;
	v19 =	vld [tilespmem:s20+$0x11880];
	v0 =	vadd.f32 v1, v0;
	v1 =	vmul.f32 v2, v2;
	v2 =	vsub.f32 v25, v24  }
0xf1: {  	s21 =	sor.u32 $0x1180, s21;
	[tilespmem:$0x1DC00] =	vst v35;
	v10 =	vld [tilespmem:s20+$0x15680]  }
0xf2: {  	[tilespmem:$0x1DCB0] =	vst v15;
	v15 =	vld [tilespmem:s21+$0x14600];
	v0 =	vadd.f32 v1, v0;
	v1 =	vmul.f32 v2, v2;
	v2 =	vsub.f32 v35, v62  }
0xf3: {  	[tilespmem:$0x1DDB0] =	vst v3;
	v3 =	vsub.f32 v7, v3;
	v35 =	vld [tilespmem:s20+$0xD700]  }
0xf4: {  	[tilespmem:$0x1DB10] =	vst v16;
	v16 =	vld [tilespmem:s20+$0x11700];
	v0 =	vadd.f32 v1, v0;
	v1 =	vmul.f32 v2, v2;
	v2 =	vor.u32 $0xB, v36  }
0xf5: {  	[tilespmem:$0x1DDD0] =	vst v9;
	v20 =	vld [tilespmem:s20+$0x11800]  }
0xf6: {  	[tilespmem:$0x1DE10] =	vst v7;
	v18 =	vld [tilespmem:s20+$0x16600];
	v7 =	vsub.f32 v41, v10;
	v0 =	vadd.f32 v1, v0;
	v1 =	vmul.f32 v3, v3  }
0xf7: {  	[tilespmem:$0x1DBF0] =	vst v25;
	v30 =	vld [tilespmem:s20+$0x15700]  }
0xf8: {  	[tilespmem:$0x1DC20] =	vst v41;
	v13 =	vld [tilespmem:s21+$0xC600];
	v0 =	vadd.f32 v1, v0;
	v1 =	vmul.f32 v7, v7;
	v7 =	vsub.f32 v60, v35  }
0xf9: {  	[tilespmem:$0x1DF40] =	vst v21;
	v28 =	vsub.f32 v33, v16;
	v44 =	vld.idx.msk [tilespmem:v2+s17+$0x0], $0xffff  }
0xfa: {  	[tilespmem:$0x1DBB0] =	vst v27;
	v27 =	vor.u32 $0xC, v36;
	v25 =	vld [tilespmem:s21+$0x10600];
	v1 =	vadd.f32 v1, v0;
	v9 =	vmul.f32 v7, v7  }
0xfb: {  	[tilespmem:$0x1DB40] =	vst v17;
	s22 =	sor.u32 $0x1380, s22;
	v3 =	vor.u32 $0x1F, v36;
	v7 =	vld.idx.msk [tilespmem:v2+s18+$0x0], $0xffff  }
0xfc: {  	[tilespmem:$0x1DBA0] =	vst v4;
	v46 =	vld [tilespmem:s22+$0xC600];
	v1 =	vadd.f32 v9, v1;
	v9 =	vmul.f32 v28, v28;
	v28 =	vsub.f32 v32, v30  }
0xfd: {  	[tilespmem:$0x1DE20] =	vst v33;
	v23 =	vld.idx.msk [tilespmem:v2+s19+$0x0], $0xffff  }
0xfe: {  	[tilespmem:$0x1DCD0] =	vst v14;
	v14 =	vld [tilespmem:s20+$0x12600];
	v1 =	vadd.f32 v9, v1;
	v28 =	vmul.f32 v28, v28;
	v49 =	vsub.f32 v44, v13  }
0xff: {  	[tilespmem:$0x1DE90] =	vst v19;
	v58 =	vld.idx.msk [tilespmem:v27+s17+$0x0], $0xffff;
	v41 =	vor.u32 $0xD, v36  }
0x100: {  	v0 =	vld.idx.msk [tilespmem:v3+s18+$0x0], $0xffff;
	v50 =	vsub.f32 v7, v25;
	v1 =	vadd.f32 v28, v1;
	v28 =	vmul.f32 v49, v49  }
0x101: {  	[tilespmem:$0x1DE00] =	vst v20;
	v2 =	vld.idx.msk [tilespmem:v27+s18+$0x0], $0xffff  }
0x102: {  	[tilespmem:$0x1E100] =	vst v18;
	v17 =	vld [tilespmem:s20+$0xE600];
	v33 =	vmul.f32 v50, v50;
	v50 =	vsub.f32 v23, v15;
	v28 =	vadd.f32 v28, v1  }
0x103: {  	[tilespmem:$0x1DD90] =	vst v16;
	v16 =	vld.idx.msk [tilespmem:v27+s19+$0x0], $0xffff  }
0x104: {  	v56 =	vld [tilespmem:s20+$0xD880];
	[tilespmem:$0x1DEE0] =	vst v46;
	v55 =	vsub.f32 v58, v51;
	v27 =	vadd.f32 v33, v28;
	v28 =	vmul.f32 v50, v50  }
0x105: {  	[tilespmem:$0x1E090] =	vst v0;
	v0 =	vld.idx.msk [tilespmem:v41+s17+$0x0], $0xffff  }
0x106: {  	[tilespmem:$0x1DF20] =	vst v14;
	v11 =	vld [tilespmem:s22+$0x14600];
	v57 =	vsub.f32 v2, v20;
	v27 =	vadd.f32 v28, v27;
	v28 =	vmul.f32 v55, v55  }
0x107: {  	[tilespmem:$0x1DD50] =	vst v12;
	v1 =	vld.idx.msk [tilespmem:v41+s18+$0x0], $0xffff;
	v50 =	vor.u32 $0xE, v36  }
0x108: {  	[tilespmem:$0x1DF10] =	vst v17;
	v4 =	vld [tilespmem:s20+$0x15880];
	v27 =	vadd.f32 v28, v27;
	v28 =	vmul.f32 v57, v57;
	v57 =	vsub.f32 v16, v37  }
0x109: {  	[tilespmem:$0x1DE60] =	vst v2;
	v2 =	vld.idx.msk [tilespmem:v41+s19+$0x0], $0xffff  }
0x10a: {  	[tilespmem:$0x1DD00] =	vst v8;
	v8 =	vld [tilespmem:s22+$0x10600];
	v33 =	vsub.f32 v0, v56;
	v27 =	vadd.f32 v28, v27;
	v28 =	vmul.f32 v57, v57  }
0x10b: {  	[tilespmem:$0x1DB80] =	vst v5  }
0x10c: {  	v5 =	vld [tilespmem:s20+$0xD900];
	[tilespmem:$0x1DED0] =	vst v1;
	v41 =	vmul.f32 v33, v33;
	v1 =	vsub.f32 v1, v19;
	v28 =	vadd.f32 v28, v27  }
0x10d: {  	[tilespmem:$0x1E040] =	vst v3;
	v3 =	vld.idx.msk [tilespmem:v50+s17+$0x0], $0xffff  }
0x10e: {  	[tilespmem:$0x1E030] =	vst v11;
	v6 =	vld [tilespmem:s20+$0x15900];
	v49 =	vsub.f32 v2, v4;
	v1 =	vmul.f32 v1, v1;
	v28 =	vadd.f32 v41, v28  }
0x10f: {  	[tilespmem:$0x1DEF0] =	vst v8  }
0x110: {  	[tilespmem:$0x1DEB0] =	vst v0;
	v0 =	vor.u32 $0xF, v36;
	v55 =	vld.idx.msk [tilespmem:v50+s18+$0x0], $0xffff;
	v1 =	vadd.f32 v1, v28;
	v28 =	vmul.f32 v49, v49  }
0x111: {  	[tilespmem:$0x1E080] =	vst v4;
	v4 =	vld.idx.msk [tilespmem:v50+s19+$0x0], $0xffff  }
0x112: {  	v12 =	vld [tilespmem:s20+$0x11900];
	v57 =	vmovc v56;
	[tilespmem:$0x1DEC0] =	vst v3;
	v56 =	vsub.f32 v3, v5;
	v3 =	vadd.f32 v28, v1;
	v1 =	vor.u32 $0x10, v36  }
0x113: {  	[tilespmem:$0x1E0E0] =	vst v6  }
0x114: {  	[tilespmem:$0x1DE70] =	vst v5  }
0x115: {  	[tilespmem:$0x1DE30] =	vst v7;
	v7 =	vld.idx.msk [tilespmem:v0+s17+$0x0], $0xffff  }
0x116: {  	[tilespmem:$0x1E110] =	vst v2;
	v5 =	vld.idx.msk [tilespmem:v0+s19+$0x0], $0xffff  }
0x117: {  	v2 =	vsub.f32 v55, v12;
	v33 =	vsub.f32 v4, v6;
	v41 =	vmul.f32 v56, v56;
	v6 =	vld.idx.msk [tilespmem:v1+s17+$0x0], $0xffff  }
0x118: {  	[tilespmem:$0x1DE80] =	vst v12;
	v28 =	vld.idx.msk [tilespmem:v0+s18+$0x0], $0xffff  }
0x119: {  	[tilespmem:$0x1E140] =	vst v4;
	v2 =	vmul.f32 v2, v2;
	v3 =	vadd.f32 v41, v3  }
0x11a: {  	[tilespmem:$0x1DF30] =	vst v7  }
0x11b: {  	[tilespmem:$0x1E150] =	vst v5;
	v0 =	vadd.f32 v2, v3;
	v2 =	vmul.f32 v33, v33;
	v3 =	vsub.f32 v7, v46  }
0x11c: {  	[tilespmem:$0x1DF60] =	vst v6  }
0x11d: {  	v4 =	vadd.f32 v2, v0;
	v2 =	vmul.f32 v3, v3;
	v3 =	vsub.f32 v28, v8;
	v7 =	vld [tilespmem:$0x1DA80]  }
0x11e: {  	v8 =	vld.idx.msk [tilespmem:v1+s18+$0x0], $0xffff  }
0x11f: {  	v4 =	vadd.f32 v2, v4;
	v3 =	vmul.f32 v3, v3;
	v2 =	vsub.f32 v5, v11;
	v12 =	vld [tilespmem:$0x1DA90]  }
0x120: {  	v5 =	vld.idx.msk [tilespmem:v1+s19+$0x0], $0xffff  }
0x121: {  	v3 =	vadd.f32 v3, v4;
	v1 =	vmul.f32 v2, v2;
	v19 =	vld [tilespmem:$0x1DAB0]  }
0x122: {  	v2 =	vld [tilespmem:$0x1DAA0]  }
0x123: {  	v3 =	vadd.f32 v1, v3;
	v1 =	vld [tilespmem:$0x1DAC0];
	v38 =	vmul.f32 v38, v7  }
0x124: {  	v4 =	vmul.f32 v29, v12  }
0x125: {  	v0 =	vor.u32 $0x11, v36;
	v38 =	vadd.f32 v38, v48  }
0x126: {  	v9 =	vld [tilespmem:$0x1DAD0];
	v4 =	vadd.f32 v4, v19  }
0x127: {  	v2 =	vsub.f32 v38, v2  }
0x128: {  	[tilespmem:$0x1E160] =	vst v5;
	v1 =	vsub.f32 v4, v1;
	v4 =	vmul.f32 v26, v63;
	v26 =	vsub.f32 v5, v18;
	v5 =	vld [tilespmem:$0x1DAF0]  }
0x129: {  	[tilespmem:$0x1E0A0] =	vst v2;
	v2 =	vsub.f32 v6, v17  }
0x12a: {  	v6 =	vld.idx.msk [tilespmem:v0+s17+$0x0], $0xffff  }
0x12b: {  	v46 =	vsub.f32 v8, v14;
	v4 =	vadd.f32 v4, v9;
	v2 =	vmul.f32 v2, v2  }
0x12c: {  	v49 =	vld.idx.msk [tilespmem:v0+s18+$0x0], $0xffff  }
0x12d: {  	v20 =	vld [tilespmem:$0x1DAE0];
	v4 =	vsub.f32 v4, v5;
	v2 =	vadd.f32 v2, v3;
	v3 =	vmul.f32 v46, v46  }
0x12e: {  	[tilespmem:$0x1E0D0] =	vst v1;
	v1 =	vld.idx.msk [tilespmem:v0+s19+$0x0], $0xffff  }
0x12f: {  	[tilespmem:$0x1E120] =	vst v4;
	v4 =	vld [tilespmem:$0x1DB00];
	v0 =	vadd.f32 v3, v2;
	v2 =	vmul.f32 v26, v26;
	v3 =	vsub.f32 v6, v21  }
0x130: {  	v22 =	vmul.f32 v22, v61  }
0x131: {  	v0 =	vadd.f32 v2, v0;
	v2 =	vmul.f32 v3, v3;
	v3 =	vsub.f32 v49, v40  }
0x132: {  	v22 =	vadd.f32 v22, v20  }
0x133: {  	v0 =	vadd.f32 v2, v0;
	v2 =	vmul.f32 v3, v3;
	v3 =	vsub.f32 v1, v45;
	v45 =	vld [tilespmem:$0x1DB10]  }
0x134: {  	v4 =	vsub.f32 v22, v4  }
0x135: {  	[tilespmem:$0x1E1A0] =	vst v1;
	v1 =	vld [tilespmem:$0x1DB40]  }
0x136: {  	[tilespmem:$0x1E1B0] =	vst v4;
	v4 =	vmul.f32 v47, v54;
	_ =	sdelay $0x1  }
0x137: {  	v4 =	vadd.f32 v4, v45;
	_ =	sdelay $0x1  }
0x138: {  	v17 =	vld [tilespmem:$0x1DB20];
	v1 =	vsub.f32 v4, v1;
	_ =	sdelay $0x1  }
0x139: {  	[tilespmem:$0x1E230] =	vst v1;
	v1 =	vld [tilespmem:$0x1DB50]  }
0x13a: {  	v21 =	vmul.f32 v43, v53;
	_ =	sdelay $0x1  }
0x13b: {  	v21 =	vadd.f32 v21, v17;
	_ =	sdelay $0x1  }
0x13c: {  	v41 =	vld [tilespmem:$0x1DB70];
	v1 =	vsub.f32 v21, v1  }
0x13d: {  	v29 =	vor.u32 $0x12, v36;
	v40 =	vld [tilespmem:$0x1DB80]  }
0x13e: {  	[tilespmem:$0x1E290] =	vst v1;
	v1 =	vld [tilespmem:$0x1DB90]  }
0x13f: {  	v4 =	vmul.f32 v42, v52  }
0x140: {  	v50 =	vld [tilespmem:$0x1DB60]  }
0x141: {  	v38 =	vld [tilespmem:$0x1DB30];
	v4 =	vadd.f32 v4, v41  }
0x142: {  	[tilespmem:$0x1DF90] =	vst v6;
	v6 =	vld.idx.msk [tilespmem:v29+s17+$0x0], $0xffff;
	v22 =	vor.u32 $0x13, v36  }
0x143: {  	v14 =	vmul.f32 v34, v40;
	v34 =	vld [tilespmem:$0x1DBA0];
	v1 =	vsub.f32 v4, v1  }
0x144: {  	v33 =	vld.idx.msk [tilespmem:v29+s18+$0x0], $0xffff  }
0x145: {  	[tilespmem:$0x1E300] =	vst v1;
	v1 =	vld [tilespmem:$0x1DBB0]  }
0x146: {  	[tilespmem:$0x1DF80] =	vst v8  }
0x147: {  	v0 =	vadd.f32 v2, v0;
	v2 =	vmul.f32 v3, v3;
	v3 =	vsub.f32 v6, v38;
	v8 =	vld.idx.msk [tilespmem:v22+s17+$0x0], $0xffff  }
0x148: {  	v56 =	vmov v48;
	[tilespmem:$0x1DFB0] =	vst v6;
	v48 =	vld.idx.msk [tilespmem:v22+s18+$0x0], $0xffff;
	v4 =	vadd.f32 v14, v34  }
0x149: {  	v0 =	vadd.f32 v2, v0;
	v2 =	vmul.f32 v3, v3;
	v3 =	vsub.f32 v33, v50;
	v6 =	vld.idx.msk [tilespmem:v22+s19+$0x0], $0xffff  }
0x14a: {  	v22 =	vld [tilespmem:$0x1DBD0];
	v1 =	vsub.f32 v4, v1  }
0x14b: {  	v0 =	vadd.f32 v2, v0;
	v2 =	vmul.f32 v3, v3  }
0x14c: {  	[tilespmem:$0x1E340] =	vst v1;
	v1 =	vld [tilespmem:$0x1DBF0]  }
0x14d: {  	v5 =	vld.idx.msk [tilespmem:v29+s19+$0x0], $0xffff;
	v0 =	vadd.f32 v2, v0;
	v2 =	vmul.f32 v24, v31;
	_ =	sdelay $0x1  }
0x14e: {  	v46 =	vld [tilespmem:$0x1DBC0];
	v2 =	vadd.f32 v2, v22;
	_ =	sdelay $0x1  }
0x14f: {  	v27 =	vld [tilespmem:$0x1DBE0];
	v1 =	vsub.f32 v2, v1  }
0x150: {  	v3 =	vsub.f32 v5, v39  }
0x151: {  	[tilespmem:$0x1E360] =	vst v1;
	v1 =	vld [tilespmem:$0x1E190]  }
0x152: {  	v3 =	vmul.f32 v3, v3;
	v4 =	vsub.f32 v8, v46;
	_ =	sdelay $0x1  }
0x153: {  	v47 =	vld [tilespmem:$0x1DC00];
	v0 =	vadd.f32 v3, v0;
	v11 =	vsub.f32 v48, v27;
	v3 =	vmul.f32 v4, v4  }
0x154: {  	v18 =	vor.u32 $0x14, v36  }
0x155: {  	v0 =	vadd.f32 v3, v0;
	v3 =	vmul.f32 v11, v11;
	v11 =	vsub.f32 v6, v1;
	v1 =	vld [tilespmem:$0x1DC20]  }
0x156: {  	v2 =	vmul.f32 v10, v62;
	_ =	sdelay $0x1  }
0x157: {  	v29 =	vld [tilespmem:$0x1DC10];
	v10 =	vmul.f32 v30, v35;
	v2 =	vadd.f32 v2, v47  }
0x158: {  	v39 =	vld.idx.msk [tilespmem:v18+s17+$0x0], $0xffff  }
0x159: {  	v10 =	vadd.f32 v10, v60;
	v1 =	vsub.f32 v2, v1;
	_ =	sdelay $0x1  }
0x15a: {  	[tilespmem:$0x1E3B0] =	vst v1;
	v1 =	vsub.f32 v10, v32  }
0x15b: {  	[tilespmem:$0x1E1F0] =	vst v6;
	v6 =	vld.idx.msk [tilespmem:v18+s19+$0x0], $0xffff  }
0x15c: {  	v14 =	vsub.f32 v39, v29;
	v0 =	vadd.f32 v3, v0;
	v11 =	vmul.f32 v11, v11;
	[tilespmem:$0x1E3D0] =	vst v1;
	v1 =	vld [tilespmem:$0x1E1D0]  }
0x15d: {  	v2 =	vmul.f32 v15, v13  }
0x15e: {  	[tilespmem:$0x1DFD0] =	vst v8;
	v8 =	vmul.f32 v14, v14;
	v0 =	vadd.f32 v11, v0  }
0x15f: {  	v2 =	vadd.f32 v2, v44  }
0x160: {  	v0 =	vadd.f32 v8, v0  }
0x161: {  	v8 =	vsub.f32 v6, v1;
	v1 =	vsub.f32 v2, v23  }
0x162: {  	v43 =	vld.idx.msk [tilespmem:v18+s18+$0x0], $0xffff;
	v4 =	vor.u32 $0x15, v36  }
0x163: {  	[tilespmem:$0x1E410] =	vst v1;
	v1 =	vld [tilespmem:$0x1DC40]  }
0x164: {  	v30 =	vld [tilespmem:$0x1DC30];
	_ =	sdelay $0x2  }
0x165: {  	v32 =	vld.idx.msk [tilespmem:v4+s17+$0x0], $0xffff  }
0x166: {  	v2 =	vmul.f32 v1, v7;
	v1 =	vld [tilespmem:$0x1DC50]  }
0x167: {  	v10 =	vsub.f32 v43, v30  }
0x168: {  	v42 =	vld.idx.msk [tilespmem:v4+s18+$0x0], $0xffff  }
0x169: {  	v15 =	vld.idx.msk [tilespmem:v4+s19+$0x0], $0xffff;
	v4 =	vmul.f32 v10, v10;
	_ =	sdelay $0x1  }
0x16a: {  	v0 =	vadd.f32 v4, v0;
	v4 =	vmul.f32 v8, v8;
	v8 =	vsub.f32 v32, v1;
	_ =	sdelay $0x1  }
0x16b: {  	v0 =	vadd.f32 v4, v0;
	v4 =	vmul.f32 v8, v8;
	_ =	sdelay $0x1  }
0x16c: {  	v4 =	vadd.f32 v4, v0;
	v0 =	vld [tilespmem:$0x1DC90];
	_ =	sdelay $0x2  }
0x16d: {  	v2 =	vadd.f32 v2, v56  }
0x16e: {  	v18 =	vld [tilespmem:s20+$0x16880];
	v11 =	vmul.f32 v37, v51  }
0x16f: {  	v8 =	vld [tilespmem:$0x1DC80];
	v0 =	vsub.f32 v2, v0  }
0x170: {  	v21 =	vld [tilespmem:$0x1DC60];
	v7 =	vadd.f32 v11, v58  }
0x171: {  	[tilespmem:$0x1E0B0] =	vst v0;
	v0 =	vld [tilespmem:$0x1DCA0]  }
0x172: {  	v3 =	vsub.f32 v7, v16;
	v7 =	vld [tilespmem:$0x1DC70];
	_ =	sdelay $0x1  }
0x173: {  	[tilespmem:$0x1E240] =	vst v6;
	v6 =	vmul.f32 v25, v13;
	v13 =	vsub.f32 v15, v18;
	v8 =	vmul.f32 v8, v63;
	_ =	sdelay $0x1  }
0x174: {  	v2 =	vadd.f32 v8, v9;
	v8 =	vmul.f32 v13, v13;
	v13 =	vmul.f32 v0, v54;
	v0 =	vld [tilespmem:$0x1DCB0]  }
0x175: {  	[tilespmem:$0x1E1E0] =	vst v5;
	v5 =	vsub.f32 v42, v21;
	v7 =	vmul.f32 v7, v12  }
0x176: {  	v14 =	vor.u32 $0x16, v36  }
0x177: {  	v10 =	vmul.f32 v5, v5;
	v7 =	vadd.f32 v7, v19;
	_ =	sdelay $0x1  }
0x178: {  	v4 =	vadd.f32 v10, v4;
	v10 =	vsub.f32 v7, v0;
	v0 =	vld [tilespmem:$0x1DCD0];
	_ =	sdelay $0x1  }
0x179: {  	v26 =	vld.idx.msk [tilespmem:v14+s17+$0x0], $0xffff  }
0x17a: {  	v5 =	vld.idx.msk [tilespmem:v14+s18+$0x0], $0xffff  }
0x17b: {  	v9 =	vld.idx.msk [tilespmem:v14+s19+$0x0], $0xffff  }
0x17c: {  	v14 =	vmul.f32 v0, v61;
	v0 =	vld [tilespmem:$0x1DCE0];
	_ =	sdelay $0x4  }
0x17d: {  	v0 =	vsub.f32 v2, v0;
	_ =	sdelay $0x1  }
0x17e: {  	[tilespmem:$0x1E0F0] =	vst v0;
	v0 =	vld [tilespmem:$0x1DD00];
	_ =	sdelay $0x2  }
0x17f: {  	v54 =	vld [tilespmem:$0x1DCC0]  }
0x180: {  	[tilespmem:$0x1E210] =	vst v18;
	v18 =	vmul.f32 v59, v31;
	v59 =	vld [tilespmem:$0x1DCF0]  }
0x181: {  	v16 =	vmul.f32 v0, v52;
	v0 =	vld [tilespmem:$0x1E1C0];
	_ =	sdelay $0x2  }
0x182: {  	v7 =	vsub.f32 v26, v54  }
0x183: {  	v2 =	vadd.f32 v8, v4  }
0x184: {  	v4 =	vmul.f32 v7, v7;
	v8 =	vsub.f32 v5, v59;
	v25 =	vsub.f32 v9, v0;
	v0 =	vld [tilespmem:$0x1DD10];
	_ =	sdelay $0x1  }
0x185: {  	v2 =	vadd.f32 v4, v2;
	v8 =	vmul.f32 v8, v8;
	_ =	sdelay $0x1  }
0x186: {  	v2 =	vadd.f32 v8, v2;
	v8 =	vld [tilespmem:$0x1DD70]  }
0x187: {  	v31 =	vmul.f32 v0, v53;
	_ =	sdelay $0x1  }
0x188: {  	v24 =	vadd.f32 v31, v17;
	_ =	sdelay $0x1  }
0x189: {  	v8 =	vsub.f32 v24, v8  }
0x18a: {  	v0 =	vld [tilespmem:$0x1DD20]  }
0x18b: {  	[tilespmem:$0x1E260] =	vst v8;
	v8 =	vld [tilespmem:$0x1DD80];
	_ =	sdelay $0x1  }
0x18c: {  	v14 =	vadd.f32 v14, v20  }
0x18d: {  	v16 =	vadd.f32 v16, v41  }
0x18e: {  	v0 =	vsub.f32 v14, v0  }
0x18f: {  	v8 =	vsub.f32 v16, v8  }
0x190: {  	[tilespmem:$0x1E170] =	vst v0;
	v0 =	vld [tilespmem:$0x1DD30]  }
0x191: {  	[tilespmem:$0x1E2C0] =	vst v8;
	v8 =	vld [tilespmem:$0x1DD90];
	_ =	sdelay $0x1  }
0x192: {  	v13 =	vadd.f32 v13, v45;
	_ =	sdelay $0x1  }
0x193: {  	v0 =	vsub.f32 v13, v0  }
0x194: {  	[tilespmem:$0x1E250] =	vst v15;
	v15 =	vmul.f32 v8, v35;
	v8 =	vld [tilespmem:$0x1DDB0]  }
0x195: {  	[tilespmem:$0x1E200] =	vst v0;
	v0 =	vld [tilespmem:$0x1DD50];
	_ =	sdelay $0x3  }
0x196: {  	v52 =	vmul.f32 v8, v62;
	v8 =	vld [tilespmem:$0x1DDC0]  }
0x197: {  	v14 =	vmul.f32 v0, v40;
	_ =	sdelay $0x1  }
0x198: {  	v14 =	vadd.f32 v14, v34;
	_ =	sdelay $0x1  }
0x199: {  	v8 =	vsub.f32 v14, v8;
	_ =	sdelay $0x1  }
0x19a: {  	[tilespmem:$0x1E310] =	vst v8;
	v8 =	vld [tilespmem:$0x1DDD0];
	_ =	sdelay $0x2  }
0x19b: {  	v18 =	vadd.f32 v18, v22;
	_ =	sdelay $0x1  }
0x19c: {  	v8 =	vsub.f32 v18, v8  }
0x19d: {  	v11 =	vor.u32 $0x17, v36  }
0x19e: {  	[tilespmem:$0x1E350] =	vst v8;
	v8 =	vld [tilespmem:$0x1DE00];
	_ =	sdelay $0x3  }
0x19f: {  	[tilespmem:$0x1E430] =	vst v3;
	v3 =	vld.idx.msk [tilespmem:v11+s17+$0x0], $0xffff  }
0x1a0: {  	v19 =	vmul.f32 v8, v51;
	v8 =	vld [tilespmem:$0x1DE10]  }
0x1a1: {  	v4 =	vld [tilespmem:$0x1DD40]  }
0x1a2: {  	v7 =	vld.idx.msk [tilespmem:v11+s18+$0x0], $0xffff  }
0x1a3: {  	v0 =	vld [tilespmem:$0x1DD60];
	v14 =	vadd.f32 v52, v47;
	_ =	sdelay $0x1  }
0x1a4: {  	v8 =	vsub.f32 v14, v8  }
0x1a5: {  	v63 =	vor.u32 $0x18, v36;
	[tilespmem:$0x1E280] =	vst v9;
	v9 =	vld.idx.msk [tilespmem:v11+s19+$0x0], $0xffff;
	v11 =	vmul.f32 v25, v25;
	v13 =	vsub.f32 v3, v4  }
0x1a6: {  	[tilespmem:$0x1E380] =	vst v8;
	v8 =	vld [tilespmem:$0x1DE20]  }
0x1a7: {  	v2 =	vadd.f32 v11, v2;
	v11 =	vmul.f32 v13, v13;
	v13 =	vsub.f32 v7, v0;
	_ =	sdelay $0x1  }
0x1a8: {  	v2 =	vadd.f32 v11, v2;
	v15 =	vadd.f32 v15, v60;
	v11 =	vmul.f32 v13, v13;
	v13 =	vld [tilespmem:$0x1E270]  }
0x1a9: {  	v56 =	vld.idx.msk [tilespmem:v63+s17+$0x0], $0xffff  }
0x1aa: {  	v53 =	vld [tilespmem:$0x1DDA0];
	v8 =	vsub.f32 v15, v8  }
0x1ab: {  	v16 =	vld.idx.msk [tilespmem:v63+s18+$0x0], $0xffff  }
0x1ac: {  	[tilespmem:$0x1E3C0] =	vst v8;
	v8 =	vld [tilespmem:$0x1DE30]  }
0x1ad: {  	v62 =	vld [tilespmem:$0x1DDE0];
	v13 =	vsub.f32 v9, v13  }
0x1ae: {  	v6 =	vadd.f32 v6, v44;
	[tilespmem:$0x1E2A0] =	vst v9;
	v40 =	vld [tilespmem:$0x1DDF0]  }
0x1af: {  	v2 =	vadd.f32 v11, v2;
	v9 =	vld.idx.msk [tilespmem:v63+s19+$0x0], $0xffff;
	v11 =	vmul.f32 v13, v13;
	v13 =	vsub.f32 v56, v53;
	_ =	sdelay $0x1  }
0x1b0: {  	v2 =	vadd.f32 v11, v2;
	v11 =	vmul.f32 v13, v13;
	v6 =	vsub.f32 v6, v8;
	v8 =	vld [tilespmem:$0x1DE60]  }
0x1b1: {  	v13 =	vsub.f32 v16, v62  }
0x1b2: {  	v2 =	vadd.f32 v11, v2  }
0x1b3: {  	[tilespmem:$0x1E2B0] =	vst v9;
	v11 =	vmul.f32 v13, v13;
	v13 =	vsub.f32 v9, v40;
	v9 =	vadd.f32 v19, v58;
	_ =	sdelay $0x1  }
0x1b4: {  	v8 =	vsub.f32 v9, v8  }
0x1b5: {  	v22 =	vld [tilespmem:$0x1DE70]  }
0x1b6: {  	[tilespmem:$0x1E420] =	vst v8;
	v8 =	vld [tilespmem:$0x1DE80];
	_ =	sdelay $0x4  }
0x1b7: {  	v9 =	vmul.f32 v8, v22;
	v8 =	vld [tilespmem:$0x1DE90];
	_ =	sdelay $0x2  }
0x1b8: {  	v61 =	vld [tilespmem:$0x1DEB0]  }
0x1b9: {  	v31 =	vor.u32 $0x19, v36;
	v35 =	vld [tilespmem:$0x1DEC0]  }
0x1ba: {  	v15 =	vmul.f32 v8, v57;
	v8 =	vld [tilespmem:$0x1DED0];
	_ =	sdelay $0x2  }
0x1bb: {  	v25 =	vld [tilespmem:$0x1DE40];
	v15 =	vadd.f32 v15, v61  }
0x1bc: {  	v41 =	vld.idx.msk [tilespmem:v31+s17+$0x0], $0xffff  }
0x1bd: {  	v44 =	vld [tilespmem:$0x1DE50];
	v9 =	vadd.f32 v9, v35;
	v8 =	vsub.f32 v15, v8  }
0x1be: {  	v37 =	vld.idx.msk [tilespmem:v31+s18+$0x0], $0xffff  }
0x1bf: {  	v45 =	vld [tilespmem:$0x1DEA0];
	v18 =	vor.u32 $0x1A, v36;
	[tilespmem:$0x1E440] =	vst v8;
	v8 =	vsub.f32 v9, v55  }
0x1c0: {  	v34 =	vld [tilespmem:$0x1DEE0];
	[tilespmem:$0x1E3F0] =	vst v6  }
0x1c1: {  	v2 =	vadd.f32 v11, v2;
	v11 =	vmul.f32 v13, v13;
	v6 =	vsub.f32 v41, v25;
	[tilespmem:$0x1E450] =	vst v8;
	v8 =	vld [tilespmem:$0x1DEF0]  }
0x1c2: {  	v12 =	vld.idx.msk [tilespmem:v31+s19+$0x0], $0xffff  }
0x1c3: {  	v52 =	vld [tilespmem:$0x1E2E0];
	v13 =	vsub.f32 v37, v44;
	v2 =	vadd.f32 v11, v2;
	v6 =	vmul.f32 v6, v6  }
0x1c4: {  	v51 =	vld.idx.msk [tilespmem:v18+s17+$0x0], $0xffff  }
0x1c5: {  	v2 =	vadd.f32 v6, v2;
	v6 =	vmul.f32 v13, v13;
	v13 =	vld [tilespmem:$0x1DF20]  }
0x1c6: {  	v9 =	vmul.f32 v8, v34;
	v8 =	vld [tilespmem:$0x1DF10]  }
0x1c7: {  	v17 =	vld.idx.msk [tilespmem:v18+s18+$0x0], $0xffff;
	v19 =	vsub.f32 v12, v45  }
0x1c8: {  	[tilespmem:$0x1E2F0] =	vst v12;
	v12 =	vld.idx.msk [tilespmem:v18+s19+$0x0], $0xffff  }
0x1c9: {  	v58 =	vld [tilespmem:$0x1DF00];
	v18 =	vsub.f32 v51, v52;
	v2 =	vadd.f32 v6, v2;
	v6 =	vmul.f32 v19, v19;
	_ =	sdelay $0x1  }
0x1ca: {  	v2 =	vadd.f32 v6, v2;
	v6 =	vmul.f32 v18, v18;
	v18 =	vmul.f32 v13, v8;
	v13 =	vld [tilespmem:$0x1E2D0];
	_ =	sdelay $0x2  }
0x1cb: {  	v15 =	vsub.f32 v17, v58;
	v55 =	vld [tilespmem:$0x1DF30];
	_ =	sdelay $0x1  }
0x1cc: {  	v2 =	vadd.f32 v6, v2;
	v6 =	vmul.f32 v15, v15;
	v15 =	vsub.f32 v12, v13;
	v13 =	vld [tilespmem:$0x1DF60];
	_ =	sdelay $0x1  }
0x1cd: {  	[tilespmem:$0x1E320] =	vst v12;
	v12 =	vld [tilespmem:$0x1DF80]  }
0x1ce: {  	v9 =	vadd.f32 v9, v55  }
0x1cf: {  	v11 =	vor.u32 $0x1B, v36  }
0x1d0: {  	v23 =	vld [tilespmem:$0x1DF40];
	v9 =	vsub.f32 v9, v28;
	v28 =	vadd.f32 v18, v13  }
0x1d1: {  	v24 =	vld [tilespmem:$0x1DF70]  }
0x1d2: {  	v14 =	vsub.f32 v28, v12;
	v12 =	vld [tilespmem:$0x1DFB0]  }
0x1d3: {  	v2 =	vadd.f32 v6, v2;
	[tilespmem:$0x1E490] =	vst v9;
	v9 =	vld [tilespmem:$0x1DF50];
	v6 =	vmul.f32 v15, v15  }
0x1d4: {  	v63 =	vld.idx.msk [tilespmem:v11+s17+$0x0], $0xffff  }
0x1d5: {  	v2 =	vadd.f32 v6, v2;
	v6 =	vmul.f32 v50, v38;
	[tilespmem:$0x1E4D0] =	vst v14;
	v14 =	vld [tilespmem:$0x1DF90];
	_ =	sdelay $0x1  }
0x1d6: {  	v6 =	vadd.f32 v6, v12  }
0x1d7: {  	v47 =	vld [tilespmem:$0x1DFA0];
	v9 =	vmul.f32 v9, v23  }
0x1d8: {  	v31 =	vld.idx.msk [tilespmem:v11+s18+$0x0], $0xffff;
	v19 =	vor.u32 $0x1C, v36;
	v6 =	vsub.f32 v6, v33  }
0x1d9: {  	v18 =	vld.idx.msk [tilespmem:v11+s19+$0x0], $0xffff;
	v11 =	vsub.f32 v63, v24;
	v9 =	vadd.f32 v9, v14  }
0x1da: {  	[tilespmem:$0x1E510] =	vst v6;
	v6 =	vld [tilespmem:$0x1DFD0]  }
0x1db: {  	v11 =	vmul.f32 v11, v11;
	v9 =	vsub.f32 v9, v49;
	v49 =	vld [tilespmem:$0x1DFC0]  }
0x1dc: {  	v20 =	vld [tilespmem:$0x1DFE0]  }
0x1dd: {  	v50 =	vmov v38;
	v38 =	vld.idx.msk [tilespmem:v19+s17+$0x0], $0xffff;
	v2 =	vadd.f32 v11, v2;
	v11 =	vmul.f32 v27, v46  }
0x1de: {  	[tilespmem:$0x1E4F0] =	vst v9;
	v9 =	vsub.f32 v31, v47  }
0x1df: {  	v11 =	vadd.f32 v11, v6  }
0x1e0: {  	v9 =	vmul.f32 v9, v9;
	v27 =	vsub.f32 v18, v49  }
0x1e1: {  	v60 =	vmul.f32 v30, v29;
	v28 =	vld.idx.msk [tilespmem:v19+s18+$0x0], $0xffff;
	[tilespmem:$0x1E330] =	vst v18;
	v11 =	vsub.f32 v11, v48  }
0x1e2: {  	v18 =	vld.idx.msk [tilespmem:v19+s19+$0x0], $0xffff;
	v19 =	vsub.f32 v38, v20;
	v2 =	vadd.f32 v9, v2;
	v9 =	vmul.f32 v27, v27  }
0x1e3: {  	[tilespmem:$0x1E530] =	vst v11;
	v11 =	vadd.f32 v60, v39  }
0x1e4: {  	v19 =	vmul.f32 v19, v19;
	v2 =	vadd.f32 v9, v2;
	v9 =	vmul.f32 v21, v1  }
0x1e5: {  	v30 =	vmov v1;
	v15 =	vor.u32 $0x1D, v36;
	v48 =	vld [tilespmem:$0x1E000];
	v1 =	vsub.f32 v11, v43  }
0x1e6: {  	v2 =	vadd.f32 v19, v2;
	v19 =	vmul.f32 v59, v54;
	v9 =	vadd.f32 v9, v32;
	_ =	sdelay $0x1  }
0x1e7: {  	v43 =	vld [tilespmem:$0x1DFF0];
	[tilespmem:$0x1E550] =	vst v1;
	v1 =	vsub.f32 v9, v42;
	v9 =	vadd.f32 v19, v26  }
0x1e8: {  	v59 =	vmov v54  }
0x1e9: {  	v54 =	vmovc v32;
	v32 =	vsub.f32 v18, v48;
	v19 =	vmul.f32 v0, v4;
	v0 =	vsub.f32 v9, v5  }
0x1ea: {  	v33 =	vld.idx.msk [tilespmem:v15+s18+$0x0], $0xffff;
	[tilespmem:$0x1E370] =	vst v18  }
0x1eb: {  	v27 =	vld.idx.msk [tilespmem:v15+s17+$0x0], $0xffff;
	v19 =	vadd.f32 v19, v3;
	[tilespmem:$0x1E5B0] =	vst v0;
	v0 =	vmul.f32 v62, v53  }
0x1ec: {  	v21 =	vor.u32 $0x1E, v36;
	v18 =	vld [tilespmem:$0x1E390];
	v36 =	vmul.f32 v32, v32;
	[tilespmem:$0x1E590] =	vst v1;
	v11 =	vsub.f32 v28, v43  }
0x1ed: {  	v5 =	vld.idx.msk [tilespmem:v15+s19+$0x0], $0xffff;
	v32 =	vmovc v3;
	v1 =	vmov v53;
	v3 =	vsub.f32 v19, v7;
	v53 =	vadd.f32 v0, v56  }
0x1ee: {  	v15 =	vmul.f32 v44, v25;
	v44 =	vmov v25;
	v25 =	vld [tilespmem:$0x1E010]  }
0x1ef: {  	v11 =	vmul.f32 v11, v11;
	[tilespmem:$0x1E5D0] =	vst v3;
	v3 =	vsub.f32 v53, v16;
	_ =	sdelay $0x1  }
0x1f0: {  	v9 =	vsub.f32 v27, v18;
	v2 =	vadd.f32 v11, v2;
	[tilespmem:$0x1E5F0] =	vst v3;
	v3 =	vld [tilespmem:$0x1E030];
	_ =	sdelay $0x1  }
0x1f1: {  	v9 =	vmul.f32 v9, v9;
	v60 =	vsub.f32 v33, v25;
	v53 =	vld [tilespmem:$0x1E020];
	v2 =	vadd.f32 v36, v2  }
0x1f2: {  	v7 =	vadd.f32 v15, v41  }
0x1f3: {  	v2 =	vadd.f32 v9, v2;
	v9 =	vmul.f32 v60, v60  }
0x1f4: {  	v7 =	vsub.f32 v7, v37;
	v16 =	vmul.f32 v47, v24;
	v47 =	vmul.f32 v3, v34;
	v3 =	vld [tilespmem:$0x1E040]  }
0x1f5: {  	v0 =	vld.idx.msk [tilespmem:v21+s17+$0x0], $0xffff;
	[tilespmem:$0x1E3E0] =	vst v5;
	v2 =	vadd.f32 v9, v2;
	v9 =	vmul.f32 v43, v20  }
0x1f6: {  	[tilespmem:$0x1E610] =	vst v7;
	v7 =	vmul.f32 v58, v52;
	v15 =	vsub.f32 v5, v53;
	v5 =	vld [tilespmem:$0x1E3A0]  }
0x1f7: {  	v9 =	vadd.f32 v9, v38  }
0x1f8: {  	v7 =	vadd.f32 v7, v51  }
0x1f9: {  	v19 =	vld.idx.msk [tilespmem:v21+s18+$0x0], $0xffff;
	v9 =	vsub.f32 v9, v28  }
0x1fa: {  	v7 =	vsub.f32 v7, v17;
	v17 =	vld [tilespmem:$0x1E050];
	v62 =	vmul.f32 v15, v15  }
0x1fb: {  	v43 =	vsub.f32 v0, v5;
	[tilespmem:$0x1E9A0] =	vst v9;
	v9 =	vmul.f32 v25, v18;
	v18 =	vld [tilespmem:$0x1E070]  }
0x1fc: {  	v2 =	vadd.f32 v62, v2;
	v62 =	vld.idx.msk [tilespmem:v3+s17+$0x0], $0xffff  }
0x1fd: {  	[tilespmem:$0x1E650] =	vst v7;
	v7 =	vmul.f32 v43, v43;
	v52 =	vld.idx.msk [tilespmem:v3+s19+$0x0], $0xffff  }
0x1fe: {  	v9 =	vadd.f32 v9, v27;
	v3 =	vld [tilespmem:$0x1E400]  }
0x1ff: {  	v2 =	vadd.f32 v7, v2;
	v7 =	vsub.f32 v19, v17  }
0x200: {  	v15 =	vld.idx.msk [tilespmem:v21+s19+$0x0], $0xffff;
	v17 =	vmul.f32 v17, v5;
	v9 =	vsub.f32 v9, v33  }
0x201: {  	v25 =	vld [tilespmem:$0x1E060];
	v21 =	vmul.f32 v7, v7  }
0x202: {  	v16 =	vadd.f32 v16, v63;
	v7 =	vld [tilespmem:$0x1FFF0];
	[tilespmem:$0x1E9C0] =	vst v9;
	v9 =	vadd.f32 v17, v0  }
0x203: {  	v2 =	vadd.f32 v21, v2;
	v17 =	vmul.f32 v18, v3;
	v21 =	vsub.f32 v62, v3;
	v3 =	vld [tilespmem:$0x1E080]  }
0x204: {  	v16 =	vsub.f32 v16, v31  }
0x205: {  	s20 =	simm.s32 $0x10  }
0x206: {  	[tilespmem:$0x1E690] =	vst v16;
	v16 =	vmov s20  }
0x207: {  	v16 =	vshll.u32 v16, $0x5  }
0x208: {  	v7 =	vor.u32 v7, v16;
	v16 =	vsub.f32 v15, v25;
	v28 =	vmul.f32 v3, v57;
	v3 =	vld [tilespmem:$0x1E090]  }
0x209: {  	v9 =	vsub.f32 v9, v19  }
0x20a: {  	v16 =	vmul.f32 v16, v16  }
0x20b: {  	[tilespmem:$0x1E9D0] =	vst v9;
	v9 =	vadd.f32 v17, v62  }
0x20c: {  	v2 =	vadd.f32 v16, v2  }
0x20d: {  	v16 =	vsub.f32 v3, v18;
	v9 =	vsub.f32 v9, v3;
	v3 =	vld [tilespmem:$0x1E0A0];
	_ =	sdelay $0x2  }
0x20e: {  	v58 =	vld [tilespmem:s1+$0x14600];
	_ =	sdelay $0x1  }
0x20f: {  	[tilespmem:$0x1E9E0] =	vst v9;
	v9 =	vmul.f32 v3, v3;
	v3 =	vld [tilespmem:$0x1E0B0]  }
0x210: {  	v17 =	vmul.f32 v21, v21;
	_ =	sdelay $0x1  }
0x211: {  	v2 =	vadd.f32 v17, v2;
	v17 =	vsub.f32 v52, v58;
	v16 =	vmul.f32 v16, v16;
	_ =	sdelay $0x1  }
0x212: {  	v2 =	vadd.f32 v16, v2;
	v16 =	vmul.f32 v17, v17;
	v5 =	vmul.f32 v3, v3;
	v3 =	vld [tilespmem:$0x1E0D0]  }
0x213: {  	v18 =	vimm.f32 $0.0e+00  }
0x214: {  	[tilespmem:$0x1E0C0] =	vst v18;
	v18 =	vimm.f32 $0.0e+00;
	v16 =	vadd.f32 v16, v2;
	v2 =	vld [tilespmem:$0x1E0F0]  }
0x215: {  	s22 =	simm.s32 $0x80;
	v10 =	vmul.f32 v10, v10;
	v9 =	vsub.f32 v5, v9;
	v5 =	vadd.f32 v5, v18  }
0x216: {  	s28 =	sand.u32 $0xC00, s22;
	s26 =	sand.u32 $0x70, s20  }
0x217: {  	s1 =	sor.u32 s26, s28;
	v18 =	vld.idx.msk [tilespmem:v7+s18+$0x0], $0xffff;
	v19 =	vadd.f32 v10, v5;
	v9 =	vadd.f32 v10, v9;
	v10 =	vmul.f32 v3, v3  }
0x218: {  	v3 =	vld [tilespmem:s1+$0x10600]  }
0x219: {  	v9 =	vsub.f32 v9, v10;
	v10 =	vmul.f32 v2, v2;
	v2 =	vld [tilespmem:$0x1E100];
	_ =	sdelay $0x2  }
0x21a: {  	v19 =	vadd.f32 v10, v19  }
0x21b: {  	v9 =	vadd.f32 v10, v9;
	[tilespmem:$0x1E6A0] =	vst v3;
	v10 =	vsub.f32 v18, v3;
	v3 =	vld [tilespmem:$0x1E120]  }
0x21c: {  	v43 =	vmul.f32 v2, v8;
	v2 =	vld [tilespmem:$0x1E110]  }
0x21d: {  	v42 =	vmov v26;
	v26 =	vld [tilespmem:s1+$0xC600]  }
0x21e: {  	v11 =	vmov v24;
	v24 =	vld.idx.msk [tilespmem:v7+s17+$0x0], $0xffff  }
0x21f: {  	v28 =	vadd.f32 v28, v61  }
0x220: {  	v17 =	vor.u32 $0x1, v7  }
0x221: {  	v2 =	vsub.f32 v28, v2;
	v28 =	vadd.f32 v47, v55;
	v47 =	vmul.f32 v3, v3;
	v3 =	vld [tilespmem:$0x1E130]  }
0x222: {  	v5 =	vld [tilespmem:$0x1E0E0]  }
0x223: {  	v31 =	vsub.f32 v24, v26;
	_ =	sdelay $0x1  }
0x224: {  	v31 =	vmul.f32 v31, v31;
	[tilespmem:$0x1E710] =	vst v18;
	v18 =	vld.idx.msk [tilespmem:v17+s18+$0x0], $0xffff  }
0x225: {  	v34 =	vmul.f32 v3, v23;
	v3 =	vld [tilespmem:$0x1E140]  }
0x226: {  	v37 =	vor.u32 $0x2, v7;
	v16 =	vadd.f32 v31, v16;
	v31 =	vld [tilespmem:s1+$0x10680];
	v21 =	vmul.f32 v5, v22;
	_ =	sdelay $0x1  }
0x227: {  	v21 =	vadd.f32 v21, v35;
	v8 =	vld [tilespmem:$0x1E180]  }
0x228: {  	v60 =	vld.idx.msk [tilespmem:v17+s17+$0x0], $0xffff  }
0x229: {  	v33 =	vadd.f32 v43, v13;
	v13 =	vld.idx.msk [tilespmem:v17+s19+$0x0], $0xffff;
	[tilespmem:$0x1E750] =	vst v18;
	v3 =	vsub.f32 v21, v3  }
0x22a: {  	v55 =	vmul.f32 v10, v10;
	v9 =	vsub.f32 v9, v47;
	v47 =	vsub.f32 v18, v31;
	v18 =	vld.idx.msk [tilespmem:v37+s18+$0x0], $0xffff  }
0x22b: {  	[tilespmem:$0x1E480] =	vst v3;
	v3 =	vld [tilespmem:$0x1E150]  }
0x22c: {  	v17 =	vadd.f32 v55, v16;
	v55 =	vmul.f32 v8, v50;
	v8 =	vld [tilespmem:s1+$0x10700];
	_ =	sdelay $0x1  }
0x22d: {  	v36 =	vmul.f32 v40, v1;
	v1 =	vld [tilespmem:s1+$0xC680]  }
0x22e: {  	v57 =	vld.idx.msk [tilespmem:v7+s19+$0x0], $0xffff  }
0x22f: {  	[tilespmem:$0x1E220] =	vst v39;
	v16 =	vld [tilespmem:s1+$0x14680];
	v3 =	vsub.f32 v28, v3  }
0x230: {  	v39 =	vadd.f32 v55, v12;
	[tilespmem:$0x1E6F0] =	vst v8;
	v55 =	vsub.f32 v18, v8;
	v8 =	vld [tilespmem:$0x1E1E0]  }
0x231: {  	[tilespmem:$0x1E4B0] =	vst v3;
	v3 =	vld [tilespmem:$0x1E160]  }
0x232: {  	v5 =	vld [tilespmem:s1+$0x14600]  }
0x233: {  	[tilespmem:$0x1E6E0] =	vst v60  }
0x234: {  	v10 =	vmov v60;
	[tilespmem:$0x1E4C0] =	vst v13;
	v28 =	vsub.f32 v60, v1;
	v60 =	vsub.f32 v13, v16;
	v13 =	vld [tilespmem:$0x1E190]  }
0x235: {  	v8 =	vsub.f32 v39, v8  }
0x236: {  	v12 =	vld [tilespmem:$0x1E1A0];
	v3 =	vsub.f32 v33, v3  }
0x237: {  	v61 =	vsub.f32 v57, v5;
	[tilespmem:$0x1E520] =	vst v8;
	v8 =	vld [tilespmem:$0x1E1F0]  }
0x238: {  	[tilespmem:$0x1E4E0] =	vst v3;
	v3 =	vld [tilespmem:$0x1E170]  }
0x239: {  	[tilespmem:$0x1E4A0] =	vst v1;
	v21 =	vmul.f32 v61, v61;
	v61 =	vmul.f32 v13, v46  }
0x23a: {  	[tilespmem:$0x1E470] =	vst v24;
	v24 =	vld.idx.msk [tilespmem:v37+s17+$0x0], $0xffff;
	v1 =	vadd.f32 v34, v14  }
0x23b: {  	[tilespmem:$0x1E460] =	vst v26;
	v35 =	vld [tilespmem:s1+$0xC700];
	v26 =	vadd.f32 v61, v6  }
0x23c: {  	v17 =	vadd.f32 v21, v17;
	v22 =	vmul.f32 v28, v28;
	v1 =	vsub.f32 v1, v12;
	v12 =	vld [tilespmem:$0x1E1B0]  }
0x23d: {  	v28 =	vor.u32 $0x3, v7;
	v8 =	vsub.f32 v26, v8;
	v21 =	vmul.f32 v3, v3  }
0x23e: {  	v17 =	vadd.f32 v22, v17;
	v22 =	vld [tilespmem:s1+$0x14700]  }
0x23f: {  	[tilespmem:$0x1E540] =	vst v8;
	v8 =	vld [tilespmem:$0x1E200];
	v19 =	vadd.f32 v21, v19;
	v9 =	vadd.f32 v21, v9;
	v21 =	vmul.f32 v47, v47  }
0x240: {  	s23 =	sand.u32 $0xFFFFFC00, s22;
	v46 =	vsub.f32 v24, v35;
	v47 =	vld.idx.msk [tilespmem:v37+s19+$0x0], $0xffff  }
0x241: {  	s21 =	sadd.s32 $0x10, s23;
	[tilespmem:$0x1E500] =	vst v1;
	v1 =	vadd.f32 v21, v17;
	v17 =	vmul.f32 v12, v12;
	v21 =	vmul.f32 v60, v60;
	v12 =	vld [tilespmem:$0x1E1C0]  }
0x242: {  	s26 =	sor.u32 $0x180, s21;
	v61 =	vld.idx.msk [tilespmem:v28+s17+$0x0], $0xffff  }
0x243: {  	v60 =	vld [tilespmem:s26+$0xC600];
	v9 =	vsub.f32 v9, v17;
	v1 =	vadd.f32 v21, v1;
	v17 =	vmul.f32 v46, v46  }
0x244: {  	[tilespmem:$0x1E770] =	vst v18;
	v18 =	vld [tilespmem:s26+$0x10600]  }
0x245: {  	v6 =	vld.idx.msk [tilespmem:v28+s18+$0x0], $0xffff;
	v26 =	vmul.f32 v8, v8;
	v1 =	vadd.f32 v17, v1  }
0x246: {  	v17 =	vmul.f32 v55, v55;
	v33 =	vmul.f32 v12, v59;
	v12 =	vld [tilespmem:$0x1E1D0];
	v59 =	vsub.f32 v47, v22  }
0x247: {  	v19 =	vadd.f32 v26, v19;
	v9 =	vadd.f32 v26, v9  }
0x248: {  	v3 =	vld [tilespmem:$0x1E220];
	v26 =	vsub.f32 v61, v60;
	v1 =	vadd.f32 v17, v1;
	v17 =	vmul.f32 v59, v59;
	_ =	sdelay $0x1  }
0x249: {  	[tilespmem:$0x1E7A0] =	vst v6;
	v1 =	vadd.f32 v17, v1;
	v17 =	vmul.f32 v26, v26;
	v26 =	vsub.f32 v6, v18;
	v6 =	vld [tilespmem:$0x1E240]  }
0x24a: {  	v50 =	vmul.f32 v12, v29;
	_ =	sdelay $0x1  }
0x24b: {  	v8 =	vld [tilespmem:$0x1E210];
	v23 =	vadd.f32 v50, v3;
	_ =	sdelay $0x1  }
0x24c: {  	v6 =	vsub.f32 v23, v6;
	_ =	sdelay $0x1  }
0x24d: {  	[tilespmem:$0x1E570] =	vst v6;
	v6 =	vld [tilespmem:$0x1E250]  }
0x24e: {  	v29 =	vmul.f32 v8, v30;
	_ =	sdelay $0x1  }
0x24f: {  	v3 =	vadd.f32 v29, v54;
	_ =	sdelay $0x1  }
0x250: {  	v3 =	vsub.f32 v3, v6;
	v6 =	vld [tilespmem:$0x1E270];
	_ =	sdelay $0x3  }
0x251: {  	v21 =	vor.u32 $0x4, v7  }
0x252: {  	v23 =	vmul.f32 v6, v4;
	v4 =	vld [tilespmem:$0x1E280];
	_ =	sdelay $0x1  }
0x253: {  	v44 =	vmul.f32 v45, v44;
	v45 =	vld [tilespmem:s26+$0x14600]  }
0x254: {  	v39 =	vld.idx.msk [tilespmem:v28+s19+$0x0], $0xffff;
	v29 =	vadd.f32 v33, v42  }
0x255: {  	v40 =	vld.idx.msk [tilespmem:v21+s17+$0x0], $0xffff  }
0x256: {  	v8 =	vld [tilespmem:$0x1E230];
	v4 =	vsub.f32 v29, v4  }
0x257: {  	[tilespmem:$0x1E5A0] =	vst v3;
	v3 =	vld [tilespmem:$0x1E260]  }
0x258: {  	[tilespmem:$0x1E5C0] =	vst v4;
	v4 =	vld [tilespmem:$0x1E290]  }
0x259: {  	[tilespmem:$0x1E720] =	vst v18;
	v55 =	vld.idx.msk [tilespmem:v21+s19+$0x0], $0xffff  }
0x25a: {  	v18 =	vld.idx.msk [tilespmem:v21+s18+$0x0], $0xffff;
	v21 =	vsub.f32 v39, v45;
	v1 =	vadd.f32 v17, v1;
	v17 =	vmul.f32 v26, v26;
	_ =	sdelay $0x1  }
0x25b: {  	v1 =	vadd.f32 v17, v1;
	v17 =	vmul.f32 v21, v21;
	v28 =	vmul.f32 v8, v8  }
0x25c: {  	v3 =	vmul.f32 v3, v3;
	v21 =	vmul.f32 v4, v4;
	v4 =	vld [tilespmem:$0x1E2A0]  }
0x25d: {  	v9 =	vsub.f32 v9, v28  }
0x25e: {  	v12 =	vadd.f32 v3, v19  }
0x25f: {  	v3 =	vadd.f32 v3, v9;
	v9 =	vadd.f32 v23, v32  }
0x260: {  	v34 =	vld [tilespmem:s1+$0xC800];
	v30 =	vor.u32 $0x5, v7  }
0x261: {  	v8 =	vadd.f32 v36, v56;
	v56 =	vsub.f32 v9, v4;
	v4 =	vld [tilespmem:$0x1E2B0]  }
0x262: {  	v26 =	vld [tilespmem:s1+$0x10800];
	_ =	sdelay $0x1  }
0x263: {  	v28 =	vld [tilespmem:s1+$0x14800]  }
0x264: {  	v13 =	vld.idx.msk [tilespmem:v30+s18+$0x0], $0xffff;
	v19 =	vsub.f32 v40, v34  }
0x265: {  	v6 =	vld.idx.msk [tilespmem:v30+s17+$0x0], $0xffff;
	v4 =	vsub.f32 v8, v4  }
0x266: {  	v1 =	vadd.f32 v17, v1;
	v23 =	vld [tilespmem:s1+$0xC880];
	v17 =	vmul.f32 v19, v19;
	v19 =	vsub.f32 v18, v26  }
0x267: {  	[tilespmem:$0x1E600] =	vst v4;
	v4 =	vld [tilespmem:$0x1E2C0]  }
0x268: {  	[tilespmem:$0x1E7B0] =	vst v18;
	v18 =	vld [tilespmem:s1+$0x10880];
	v1 =	vadd.f32 v17, v1;
	v17 =	vmul.f32 v19, v19;
	v19 =	vsub.f32 v55, v28;
	_ =	sdelay $0x1  }
0x269: {  	v1 =	vadd.f32 v17, v1;
	v9 =	vmul.f32 v19, v19  }
0x26a: {  	[tilespmem:$0x1E560] =	vst v23;
	v19 =	vsub.f32 v6, v23;
	v23 =	vmul.f32 v49, v11;
	v11 =	vld [tilespmem:$0x1E2F0]  }
0x26b: {  	v3 =	vsub.f32 v3, v21;
	v1 =	vadd.f32 v9, v1;
	v4 =	vmul.f32 v4, v4  }
0x26c: {  	v9 =	vsub.f32 v13, v18;
	v8 =	vadd.f32 v44, v41  }
0x26d: {  	v14 =	vld [tilespmem:$0x1E2D0];
	v12 =	vadd.f32 v4, v12;
	v3 =	vadd.f32 v4, v3;
	v4 =	vmul.f32 v19, v19  }
0x26e: {  	v17 =	vld [tilespmem:$0x1E2E0]  }
0x26f: {  	v8 =	vsub.f32 v8, v11;
	v11 =	vld [tilespmem:$0x1E300];
	v1 =	vadd.f32 v4, v1;
	v4 =	vmul.f32 v9, v9;
	_ =	sdelay $0x1  }
0x270: {  	v1 =	vadd.f32 v4, v1;
	v4 =	vld [tilespmem:$0x1E310];
	_ =	sdelay $0x2  }
0x271: {  	v17 =	vmul.f32 v14, v17;
	v14 =	vmul.f32 v11, v11;
	_ =	sdelay $0x1  }
0x272: {  	v3 =	vsub.f32 v3, v14;
	v4 =	vmul.f32 v4, v4;
	_ =	sdelay $0x1  }
0x273: {  	v12 =	vadd.f32 v4, v12;
	v3 =	vadd.f32 v4, v3;
	v4 =	vld [tilespmem:$0x1E330];
	_ =	sdelay $0x2  }
0x274: {  	v14 =	vadd.f32 v23, v63;
	_ =	sdelay $0x1  }
0x275: {  	v43 =	vld.idx.msk [tilespmem:v30+s19+$0x0], $0xffff;
	v4 =	vsub.f32 v14, v4  }
0x276: {  	[tilespmem:$0x1E760] =	vst v26;
	v26 =	vld [tilespmem:s1+$0x14880]  }
0x277: {  	[tilespmem:$0x1ED10] =	vst v4;
	v4 =	vld [tilespmem:$0x1E340];
	_ =	sdelay $0x2  }
0x278: {  	v21 =	vor.u32 $0x6, v7  }
0x279: {  	v9 =	vsub.f32 v43, v26  }
0x27a: {  	v32 =	vld [tilespmem:s1+$0xC900];
	v4 =	vmul.f32 v4, v4  }
0x27b: {  	[tilespmem:$0x1E620] =	vst v8;
	v8 =	vadd.f32 v17, v51;
	v17 =	vmul.f32 v9, v9;
	v9 =	vld [tilespmem:$0x1E320]  }
0x27c: {  	v3 =	vsub.f32 v3, v4;
	v4 =	vld [tilespmem:$0x1E350]  }
0x27d: {  	[tilespmem:$0x1E580] =	vst v6;
	v6 =	vld.idx.msk [tilespmem:v21+s17+$0x0], $0xffff  }
0x27e: {  	v30 =	vld [tilespmem:s1+$0x10900]  }
0x27f: {  	s20 =	sor.u32 s20, s22;
	[tilespmem:$0x1E790] =	vst v18;
	v18 =	vld [tilespmem:s1+$0x14900];
	v19 =	vor.u32 $0x7, v7  }
0x280: {  	s22 =	sor.u32 $0x380, s20;
	v11 =	vld.idx.msk [tilespmem:v21+s18+$0x0], $0xffff;
	v8 =	vsub.f32 v8, v9  }
0x281: {  	[tilespmem:$0x1E7D0] =	vst v13;
	v13 =	vmul.f32 v48, v20;
	v48 =	vld [tilespmem:s22+$0xC600];
	v4 =	vmul.f32 v4, v4  }
0x282: {  	v21 =	vld.idx.msk [tilespmem:v21+s19+$0x0], $0xffff;
	[tilespmem:$0x1E680] =	vst v8;
	v8 =	vsub.f32 v6, v32  }
0x283: {  	v12 =	vadd.f32 v4, v12;
	v3 =	vadd.f32 v4, v3;
	v4 =	vld [tilespmem:$0x1E360]  }
0x284: {  	v9 =	vld.idx.msk [tilespmem:v19+s17+$0x0], $0xffff  }
0x285: {  	[tilespmem:$0x1E7F0] =	vst v11;
	v20 =	vsub.f32 v11, v30;
	v11 =	vld [tilespmem:s22+$0x10600];
	v1 =	vadd.f32 v17, v1;
	v8 =	vmul.f32 v8, v8  }
0x286: {  	v63 =	vmov v6;
	v6 =	vld.idx.msk [tilespmem:v19+s18+$0x0], $0xffff  }
0x287: {  	v1 =	vadd.f32 v8, v1;
	v8 =	vmul.f32 v20, v20;
	v14 =	vsub.f32 v21, v18  }
0x288: {  	v4 =	vmul.f32 v4, v4  }
0x289: {  	v1 =	vadd.f32 v8, v1;
	v8 =	vmul.f32 v14, v14;
	v14 =	vsub.f32 v9, v48  }
0x28a: {  	v17 =	vor.u32 $0x8, v7;
	v3 =	vsub.f32 v3, v4;
	v4 =	vld [tilespmem:$0x1E380]  }
0x28b: {  	[tilespmem:$0x1E810] =	vst v6;
	v1 =	vadd.f32 v8, v1;
	v8 =	vmul.f32 v14, v14;
	v14 =	vsub.f32 v6, v11;
	v6 =	vld [tilespmem:$0x1E370]  }
0x28c: {  	v51 =	vld [tilespmem:s1+$0xD600]  }
0x28d: {  	v23 =	vld.idx.msk [tilespmem:v19+s19+$0x0], $0xffff  }
0x28e: {  	v13 =	vadd.f32 v13, v38;
	v19 =	vld [tilespmem:s22+$0x14600]  }
0x28f: {  	v20 =	vld [tilespmem:$0x1E3A0];
	v4 =	vmul.f32 v4, v4  }
0x290: {  	[tilespmem:$0x1E5E0] =	vst v9;
	v9 =	vld.idx.msk [tilespmem:v17+s17+$0x0], $0xffff;
	v6 =	vsub.f32 v13, v6  }
0x291: {  	v12 =	vadd.f32 v4, v12;
	v3 =	vadd.f32 v4, v3;
	v4 =	vld [tilespmem:$0x1E3B0];
	_ =	sdelay $0x1  }
0x292: {  	v1 =	vadd.f32 v8, v1;
	[tilespmem:$0x1ED80] =	vst v6;
	v6 =	vmul.f32 v14, v14  }
0x293: {  	v14 =	vsub.f32 v23, v19  }
0x294: {  	v20 =	vmul.f32 v25, v20;
	v1 =	vadd.f32 v6, v1  }
0x295: {  	v6 =	vmul.f32 v14, v14;
	v14 =	vsub.f32 v9, v51;
	v4 =	vmul.f32 v4, v4  }
0x296: {  	v0 =	vadd.f32 v20, v0  }
0x297: {  	[tilespmem:$0x1E630] =	vst v9;
	v9 =	vld [tilespmem:$0x1E3C0];
	v1 =	vadd.f32 v6, v1;
	v3 =	vsub.f32 v3, v4;
	v4 =	vmul.f32 v14, v14  }
0x298: {  	v29 =	vld [tilespmem:s1+$0x11600]  }
0x299: {  	v0 =	vsub.f32 v0, v15;
	v1 =	vadd.f32 v4, v1;
	v4 =	vld [tilespmem:$0x1E3D0]  }
0x29a: {  	v42 =	vld.idx.msk [tilespmem:v17+s19+$0x0], $0xffff  }
0x29b: {  	[tilespmem:$0x1EE40] =	vst v0;
	v0 =	vld [tilespmem:$0x1E3F0]  }
0x29c: {  	[tilespmem:$0x1E7C0] =	vst v11;
	v11 =	vld.idx.msk [tilespmem:v17+s18+$0x0], $0xffff;
	v17 =	vmul.f32 v9, v9;
	_ =	sdelay $0x1  }
0x29d: {  	v3 =	vadd.f32 v17, v3;
	v4 =	vmul.f32 v4, v4;
	_ =	sdelay $0x1  }
0x29e: {  	v0 =	vmul.f32 v0, v0;
	v12 =	vadd.f32 v17, v12;
	v3 =	vsub.f32 v3, v4  }
0x29f: {  	v6 =	vsub.f32 v11, v29  }
0x2a0: {  	[tilespmem:$0x1E820] =	vst v11;
	v11 =	vadd.f32 v0, v12;
	v0 =	vadd.f32 v0, v3;
	v3 =	vld [tilespmem:$0x1E410];
	_ =	sdelay $0x3  }
0x2a1: {  	v8 =	vor.u32 $0x9, v7;
	v13 =	vld [tilespmem:$0x1E390]  }
0x2a2: {  	v3 =	vmul.f32 v3, v3  }
0x2a3: {  	v46 =	vld [tilespmem:s1+$0xD680]  }
0x2a4: {  	v0 =	vsub.f32 v0, v3;
	v3 =	vld [tilespmem:$0x1E420]  }
0x2a5: {  	v36 =	vld [tilespmem:s1+$0x15600]  }
0x2a6: {  	v20 =	vld.idx.msk [tilespmem:v8+s18+$0x0], $0xffff;
	v13 =	vmul.f32 v53, v13  }
0x2a7: {  	v49 =	vld.idx.msk [tilespmem:v8+s19+$0x0], $0xffff  }
0x2a8: {  	v13 =	vadd.f32 v13, v27;
	v27 =	vld.idx.msk [tilespmem:v8+s17+$0x0], $0xffff  }
0x2a9: {  	v9 =	vld [tilespmem:$0x1E3E0];
	v3 =	vmul.f32 v3, v3  }
0x2aa: {  	[tilespmem:$0x1E7E0] =	vst v29;
	v25 =	vor.u32 $0xA, v7;
	v29 =	vld [tilespmem:s1+$0x11680];
	v6 =	vmul.f32 v6, v6;
	v17 =	vsub.f32 v42, v36  }
0x2ab: {  	v15 =	vadd.f32 v3, v11;
	v0 =	vadd.f32 v3, v0;
	v3 =	vld [tilespmem:$0x1E430]  }
0x2ac: {  	v1 =	vadd.f32 v6, v1;
	v6 =	vld [tilespmem:$0x1E400]  }
0x2ad: {  	v12 =	vsub.f32 v27, v46;
	v14 =	vld [tilespmem:s1+$0x15680];
	v4 =	vmul.f32 v17, v17  }
0x2ae: {  	[tilespmem:$0x1E830] =	vst v20;
	v9 =	vsub.f32 v13, v9  }
0x2af: {  	v13 =	vsub.f32 v20, v29;
	v20 =	vld.idx.msk [tilespmem:v25+s18+$0x0], $0xffff;
	v1 =	vadd.f32 v4, v1;
	v4 =	vmul.f32 v12, v12  }
0x2b0: {  	[tilespmem:$0x1EDE0] =	vst v9;
	v9 =	vld [tilespmem:s1+$0xD700];
	v3 =	vmul.f32 v3, v3  }
0x2b1: {  	v8 =	vmul.f32 v58, v6;
	v6 =	vld.idx.msk [tilespmem:v25+s17+$0x0], $0xffff;
	v1 =	vadd.f32 v4, v1  }
0x2b2: {  	v4 =	vmul.f32 v13, v13;
	v13 =	vsub.f32 v49, v14;
	v0 =	vsub.f32 v0, v3;
	v3 =	vld [tilespmem:$0x1E440]  }
0x2b3: {  	[tilespmem:$0x1E640] =	vst v27;
	v27 =	vld [tilespmem:s1+$0x11700]  }
0x2b4: {  	v1 =	vadd.f32 v4, v1;
	v4 =	vmul.f32 v13, v13  }
0x2b5: {  	v58 =	vld.idx.msk [tilespmem:v25+s19+$0x0], $0xffff;
	v8 =	vadd.f32 v8, v62  }
0x2b6: {  	v25 =	vsub.f32 v6, v9;
	v4 =	vadd.f32 v4, v1;
	v1 =	vld [tilespmem:$0x1E450]  }
0x2b7: {  	v59 =	vld [tilespmem:$0x1E460];
	v12 =	vor.u32 $0xB, v7;
	v3 =	vmul.f32 v3, v3  }
0x2b8: {  	[tilespmem:$0x1E670] =	vst v6;
	v6 =	vsub.f32 v8, v52;
	v8 =	vmul.f32 v25, v25;
	v25 =	vsub.f32 v20, v27  }
0x2b9: {  	v38 =	vld [tilespmem:$0x1E470];
	[tilespmem:$0x1E800] =	vst v27;
	v27 =	vadd.f32 v3, v15  }
0x2ba: {  	v0 =	vadd.f32 v3, v0;
	v3 =	vadd.f32 v8, v4;
	v4 =	vmul.f32 v25, v25  }
0x2bb: {  	v25 =	vmul.f32 v1, v1;
	v1 =	vld [tilespmem:$0x1E480]  }
0x2bc: {  	v2 =	vmul.f32 v2, v2;
	v3 =	vadd.f32 v4, v3;
	v4 =	vmul.f32 v5, v59  }
0x2bd: {  	v53 =	vld.idx.msk [tilespmem:v12+s17+$0x0], $0xffff  }
0x2be: {  	[tilespmem:$0x1EEB0] =	vst v6;
	v6 =	vld.idx.msk [tilespmem:v12+s18+$0x0], $0xffff;
	v0 =	vsub.f32 v0, v2;
	v4 =	vadd.f32 v4, v38  }
0x2bf: {  	[tilespmem:$0x1E6D0] =	vst v30;
	v30 =	vld.idx.msk [tilespmem:v12+s19+$0x0], $0xffff;
	v12 =	vadd.f32 v25, v27  }
0x2c0: {  	v0 =	vadd.f32 v25, v0;
	v25 =	vmul.f32 v1, v1;
	v1 =	vsub.f32 v4, v57  }
0x2c1: {  	v17 =	vld [tilespmem:s1+$0x15700]  }
0x2c2: {  	s28 =	sor.u32 $0x1180, s21;
	[tilespmem:$0x1EA00] =	vst v1;
	v1 =	vld [tilespmem:$0x1E490]  }
0x2c3: {  	[tilespmem:$0x1E660] =	vst v9;
	v9 =	vld [tilespmem:s28+$0xC600];
	_ =	sdelay $0x2  }
0x2c4: {  	v50 =	vld [tilespmem:s28+$0x10600];
	v41 =	vor.u32 $0xC, v7;
	v44 =	vsub.f32 v58, v17  }
0x2c5: {  	v4 =	vmul.f32 v1, v1;
	v1 =	vld [tilespmem:$0x1E4B0]  }
0x2c6: {  	[tilespmem:$0x1E6B0] =	vst v31;
	v31 =	vld [tilespmem:$0x1E4A0];
	v54 =	vsub.f32 v53, v9;
	v27 =	vmul.f32 v44, v44  }
0x2c7: {  	v13 =	vld [tilespmem:s28+$0x14600]  }
0x2c8: {  	v33 =	vld [tilespmem:s1+$0xD800];
	v3 =	vadd.f32 v27, v3;
	v27 =	vmul.f32 v54, v54  }
0x2c9: {  	v44 =	vld.idx.msk [tilespmem:v41+s17+$0x0], $0xffff  }
0x2ca: {  	v5 =	vsub.f32 v6, v50;
	v3 =	vadd.f32 v27, v3;
	v27 =	vmul.f32 v1, v1;
	v1 =	vld [tilespmem:$0x1E4C0]  }
0x2cb: {  	v16 =	vmul.f32 v16, v31;
	v0 =	vsub.f32 v0, v25  }
0x2cc: {  	v5 =	vmul.f32 v5, v5;
	v25 =	vsub.f32 v30, v13;
	v12 =	vadd.f32 v4, v12  }
0x2cd: {  	v0 =	vadd.f32 v4, v0;
	v4 =	vadd.f32 v16, v10  }
0x2ce: {  	v5 =	vadd.f32 v5, v3  }
0x2cf: {  	v25 =	vmul.f32 v25, v25;
	v10 =	vsub.f32 v44, v33;
	v1 =	vsub.f32 v4, v1  }
0x2d0: {  	v27 =	vsub.f32 v0, v27;
	v0 =	vld [tilespmem:$0x1E4E0]  }
0x2d1: {  	v5 =	vadd.f32 v25, v5;
	v25 =	vmul.f32 v22, v35;
	v10 =	vmul.f32 v10, v10;
	[tilespmem:$0x1EA30] =	vst v1;
	v1 =	vld [tilespmem:$0x1E4D0];
	_ =	sdelay $0x1  }
0x2d2: {  	[tilespmem:$0x1E860] =	vst v6;
	v6 =	vld [tilespmem:s1+$0x11800];
	v5 =	vadd.f32 v10, v5;
	v10 =	vadd.f32 v25, v24  }
0x2d3: {  	v2 =	vld.idx.msk [tilespmem:v41+s18+$0x0], $0xffff  }
0x2d4: {  	[tilespmem:$0x1E6C0] =	vst v29;
	v29 =	vld.idx.msk [tilespmem:v41+s19+$0x0], $0xffff;
	v62 =	vmul.f32 v0, v0;
	v0 =	vsub.f32 v10, v47  }
0x2d5: {  	v15 =	vld [tilespmem:s1+$0x15800];
	v4 =	vmul.f32 v1, v1  }
0x2d6: {  	[tilespmem:$0x1EA90] =	vst v0;
	v0 =	vld [tilespmem:$0x1E4F0]  }
0x2d7: {  	v16 =	vor.u32 $0xD, v7;
	v12 =	vadd.f32 v4, v12  }
0x2d8: {  	v4 =	vadd.f32 v4, v27;
	v27 =	vsub.f32 v2, v6;
	_ =	sdelay $0x1  }
0x2d9: {  	v27 =	vmul.f32 v27, v27  }
0x2da: {  	v22 =	vsub.f32 v29, v15;
	v10 =	vmul.f32 v0, v0;
	v0 =	vld [tilespmem:$0x1E500]  }
0x2db: {  	v8 =	vld.idx.msk [tilespmem:v16+s18+$0x0], $0xffff;
	v4 =	vsub.f32 v4, v62;
	v5 =	vadd.f32 v27, v5;
	v27 =	vmul.f32 v45, v60  }
0x2dc: {  	[tilespmem:$0x1E890] =	vst v2;
	v1 =	vld.idx.msk [tilespmem:v16+s17+$0x0], $0xffff;
	v12 =	vadd.f32 v10, v12  }
0x2dd: {  	v2 =	vld.idx.msk [tilespmem:v16+s19+$0x0], $0xffff;
	v16 =	vmul.f32 v22, v22;
	v4 =	vadd.f32 v10, v4;
	v10 =	vadd.f32 v27, v61  }
0x2de: {  	[tilespmem:$0x1E850] =	vst v20;
	v20 =	vld [tilespmem:s1+$0x15880]  }
0x2df: {  	v5 =	vadd.f32 v16, v5;
	v16 =	vmul.f32 v0, v0;
	v0 =	vsub.f32 v10, v39  }
0x2e0: {  	[tilespmem:$0x1E700] =	vst v35  }
0x2e1: {  	[tilespmem:$0x1EB20] =	vst v0;
	v0 =	vld [tilespmem:$0x1E510]  }
0x2e2: {  	[tilespmem:$0x1E730] =	vst v60;
	v35 =	vor.u32 $0xE, v7  }
0x2e3: {  	[tilespmem:$0x1EA50] =	vst v2;
	v60 =	vsub.f32 v2, v20;
	v2 =	vld [tilespmem:$0x1E520];
	_ =	sdelay $0x2  }
0x2e4: {  	v62 =	vld [tilespmem:s1+$0x11900];
	v4 =	vsub.f32 v4, v16;
	v10 =	vmul.f32 v0, v0  }
0x2e5: {  	v28 =	vmul.f32 v28, v34;
	v0 =	vld.idx.msk [tilespmem:v35+s18+$0x0], $0xffff  }
0x2e6: {  	v3 =	vld [tilespmem:s1+$0xD880];
	v12 =	vadd.f32 v10, v12;
	v4 =	vadd.f32 v10, v4;
	v10 =	vmul.f32 v2, v2;
	_ =	sdelay $0x1  }
0x2e7: {  	v54 =	vld [tilespmem:s1+$0x11880];
	v4 =	vsub.f32 v4, v10;
	v10 =	vadd.f32 v28, v40  }
0x2e8: {  	[tilespmem:$0x1E840] =	vst v6  }
0x2e9: {  	v6 =	vld [tilespmem:s1+$0xD900];
	[tilespmem:$0x1E8D0] =	vst v0;
	v52 =	vsub.f32 v0, v62;
	v0 =	vsub.f32 v10, v55  }
0x2ea: {  	[tilespmem:$0x1E870] =	vst v3;
	v22 =	vsub.f32 v1, v3;
	v3 =	vld.idx.msk [tilespmem:v35+s17+$0x0], $0xffff  }
0x2eb: {  	[tilespmem:$0x1EBA0] =	vst v0;
	v0 =	vld [tilespmem:$0x1E530]  }
0x2ec: {  	s23 =	sor.u32 $0x1380, s20;
	v57 =	vsub.f32 v8, v54;
	v27 =	vmul.f32 v22, v22  }
0x2ed: {  	v25 =	vld [tilespmem:s23+$0x10600];
	v45 =	vor.u32 $0xF, v7  }
0x2ee: {  	[tilespmem:$0x1E880] =	vst v1;
	v1 =	vld.idx.msk [tilespmem:v35+s19+$0x0], $0xffff;
	v5 =	vadd.f32 v27, v5;
	v16 =	vmul.f32 v57, v57  }
0x2ef: {  	v47 =	vsub.f32 v3, v6;
	v2 =	vld [tilespmem:s1+$0x15900]  }
0x2f0: {  	v5 =	vadd.f32 v16, v5;
	v16 =	vmul.f32 v60, v60;
	v10 =	vmul.f32 v0, v0;
	v0 =	vld [tilespmem:$0x1E540]  }
0x2f1: {  	[tilespmem:$0x1E780] =	vst v61;
	v61 =	vmov v8;
	v8 =	vld [tilespmem:s23+$0xC600]  }
0x2f2: {  	[tilespmem:$0x1E8C0] =	vst v3;
	v3 =	vld.idx.msk [tilespmem:v45+s17+$0x0], $0xffff;
	v5 =	vadd.f32 v16, v5;
	v28 =	vmul.f32 v47, v47  }
0x2f3: {  	[tilespmem:$0x1EA20] =	vst v20;
	v20 =	vld [tilespmem:$0x1E560]  }
0x2f4: {  	v16 =	vld.idx.msk [tilespmem:v45+s18+$0x0], $0xffff;
	v5 =	vadd.f32 v28, v5;
	v39 =	vmul.f32 v52, v52;
	v52 =	vsub.f32 v1, v2  }
0x2f5: {  	v47 =	vld [tilespmem:$0x1E580];
	v12 =	vadd.f32 v10, v12;
	v4 =	vadd.f32 v10, v4;
	v10 =	vmul.f32 v0, v0  }
0x2f6: {  	v11 =	vld [tilespmem:s23+$0x14600];
	[tilespmem:$0x1EA80] =	vst v1;
	v35 =	vmov v34;
	v5 =	vadd.f32 v39, v5  }
0x2f7: {  	v1 =	vld.idx.msk [tilespmem:v45+s19+$0x0], $0xffff;
	v34 =	vmul.f32 v52, v52;
	v4 =	vsub.f32 v4, v10;
	v10 =	vsub.f32 v3, v8  }
0x2f8: {  	v26 =	vmul.f32 v26, v20  }
0x2f9: {  	v5 =	vadd.f32 v34, v5;
	v10 =	vmul.f32 v10, v10  }
0x2fa: {  	[tilespmem:$0x1E900] =	vst v16;
	v16 =	vsub.f32 v16, v25;
	v26 =	vadd.f32 v26, v47  }
0x2fb: {  	v5 =	vadd.f32 v10, v5  }
0x2fc: {  	[tilespmem:$0x1EAB0] =	vst v1;
	v0 =	vld [tilespmem:$0x1E550];
	v10 =	vmul.f32 v16, v16;
	v16 =	vsub.f32 v1, v11;
	v1 =	vsub.f32 v26, v43  }
0x2fd: {  	v57 =	vor.u32 $0x10, v7;
	[tilespmem:$0x1EA40] =	vst v2;
	v2 =	vld [tilespmem:$0x1E570]  }
0x2fe: {  	[tilespmem:$0x1EC30] =	vst v1;
	v1 =	vld [tilespmem:$0x1E590];
	_ =	sdelay $0x2  }
0x2ff: {  	[tilespmem:$0x1E8A0] =	vst v6;
	v6 =	vld [tilespmem:s1+$0xE600];
	v60 =	vmul.f32 v0, v0  }
0x300: {  	[tilespmem:$0x1E8F0] =	vst v3;
	v41 =	vmul.f32 v2, v2;
	v2 =	vld.idx.msk [tilespmem:v57+s19+$0x0], $0xffff  }
0x301: {  	v3 =	vld.idx.msk [tilespmem:v57+s17+$0x0], $0xffff;
	v12 =	vadd.f32 v60, v12;
	v4 =	vadd.f32 v60, v4;
	v26 =	vmul.f32 v1, v1  }
0x302: {  	v1 =	vld [tilespmem:s1+$0x16600]  }
0x303: {  	v55 =	vld.idx.msk [tilespmem:v57+s18+$0x0], $0xffff;
	v4 =	vsub.f32 v4, v41;
	v57 =	vadd.f32 v26, v12;
	v12 =	vmul.f32 v18, v32  }
0x304: {  	v39 =	vld [tilespmem:s1+$0x12600]  }
0x305: {  	v0 =	vor.u32 $0x11, v7;
	v4 =	vadd.f32 v26, v4;
	v26 =	vadd.f32 v12, v63  }
0x306: {  	[tilespmem:$0x1E910] =	vst v3;
	v5 =	vadd.f32 v10, v5;
	v10 =	vmul.f32 v16, v16;
	v16 =	vsub.f32 v3, v6  }
0x307: {  	v3 =	vld [tilespmem:$0x1E5A0];
	[tilespmem:$0x1EA70] =	vst v1;
	v41 =	vsub.f32 v2, v1;
	v1 =	vsub.f32 v26, v21  }
0x308: {  	[tilespmem:$0x1E8B0] =	vst v8;
	v8 =	vld [tilespmem:s1+$0xE680]  }
0x309: {  	v5 =	vadd.f32 v10, v5;
	v10 =	vmul.f32 v16, v16;
	v16 =	vsub.f32 v55, v39;
	[tilespmem:$0x1ECB0] =	vst v1;
	v1 =	vld [tilespmem:$0x1E5B0]  }
0x30a: {  	[tilespmem:$0x1E8E0] =	vst v6;
	v6 =	vld.idx.msk [tilespmem:v0+s17+$0x0], $0xffff  }
0x30b: {  	[tilespmem:$0x1E740] =	vst v24;
	v5 =	vadd.f32 v10, v5;
	v10 =	vmul.f32 v16, v16;
	v16 =	vld [tilespmem:s1+$0x16680]  }
0x30c: {  	[tilespmem:$0x1E990] =	vst v11;
	v18 =	vmul.f32 v3, v3;
	v3 =	vld.idx.msk [tilespmem:v0+s19+$0x0], $0xffff  }
0x30d: {  	[tilespmem:$0x1EAD0] =	vst v2;
	v11 =	vld [tilespmem:s1+$0xE700]  }
0x30e: {  	[tilespmem:$0x1E920] =	vst v8;
	v4 =	vsub.f32 v4, v18;
	v18 =	vmul.f32 v1, v1;
	v1 =	vld [tilespmem:$0x1E5C0]  }
0x30f: {  	[tilespmem:$0x1E940] =	vst v6  }
0x310: {  	[tilespmem:$0x1EAC0] =	vst v16  }
0x311: {  	v27 =	vld [tilespmem:s1+$0x12680];
	[tilespmem:$0x1EB10] =	vst v3  }
0x312: {  	v52 =	vld.idx.msk [tilespmem:v0+s18+$0x0], $0xffff;
	[tilespmem:$0x1E930] =	vst v11  }
0x313: {  	v21 =	vadd.f32 v18, v57;
	v4 =	vadd.f32 v18, v4;
	v18 =	vmul.f32 v1, v1;
	v1 =	vld [tilespmem:$0x1E5D0]  }
0x314: {  	v37 =	vld [tilespmem:$0x1E5E0];
	_ =	sdelay $0x2  }
0x315: {  	v19 =	vmul.f32 v19, v48;
	v34 =	vor.u32 $0x12, v7  }
0x316: {  	v0 =	vadd.f32 v10, v5;
	v5 =	vmul.f32 v41, v41;
	v26 =	vmul.f32 v1, v1  }
0x317: {  	v10 =	vsub.f32 v6, v8;
	v19 =	vadd.f32 v19, v37  }
0x318: {  	v0 =	vadd.f32 v5, v0;
	v2 =	vadd.f32 v26, v21  }
0x319: {  	v21 =	vsub.f32 v3, v16;
	v3 =	vsub.f32 v19, v23  }
0x31a: {  	v10 =	vmul.f32 v10, v10;
	v5 =	vld.idx.msk [tilespmem:v34+s17+$0x0], $0xffff;
	v4 =	vsub.f32 v4, v18;
	v18 =	vsub.f32 v52, v27  }
0x31b: {  	[tilespmem:$0x1ED30] =	vst v3;
	v3 =	vld [tilespmem:$0x1E5F0]  }
0x31c: {  	v0 =	vadd.f32 v10, v0;
	v18 =	vmul.f32 v18, v18;
	_ =	sdelay $0x1  }
0x31d: {  	v0 =	vadd.f32 v18, v0;
	v4 =	vadd.f32 v26, v4  }
0x31e: {  	v26 =	vmul.f32 v56, v56;
	v18 =	vmul.f32 v21, v21;
	v21 =	vsub.f32 v5, v11  }
0x31f: {  	v19 =	vmul.f32 v3, v3  }
0x320: {  	v22 =	vld [tilespmem:s1+$0x12700];
	v4 =	vsub.f32 v4, v26;
	v0 =	vadd.f32 v18, v0;
	v18 =	vmul.f32 v21, v21  }
0x321: {  	v8 =	vld.idx.msk [tilespmem:v34+s18+$0x0], $0xffff;
	[tilespmem:$0x1E960] =	vst v5;
	v5 =	vadd.f32 v19, v2  }
0x322: {  	v19 =	vadd.f32 v19, v4;
	v4 =	vadd.f32 v18, v0;
	v0 =	vld [tilespmem:$0x1E600]  }
0x323: {  	v6 =	vld.idx.msk [tilespmem:v34+s19+$0x0], $0xffff;
	v1 =	vor.u32 $0x13, v7  }
0x324: {  	v45 =	vmov v48;
	v48 =	vld [tilespmem:s1+$0x16700]  }
0x325: {  	s26 =	sor.u32 $0x2180, s21  }
0x326: {  	v10 =	vld [tilespmem:s26+$0xC600]  }
0x327: {  	v23 =	vsub.f32 v8, v22;
	v18 =	vmul.f32 v0, v0;
	v0 =	vld [tilespmem:$0x1E610]  }
0x328: {  	[tilespmem:$0x1E970] =	vst v8;
	v8 =	vld.idx.msk [tilespmem:v1+s17+$0x0], $0xffff  }
0x329: {  	v23 =	vmul.f32 v23, v23;
	v56 =	vld.idx.msk [tilespmem:v1+s18+$0x0], $0xffff;
	v3 =	vsub.f32 v6, v48  }
0x32a: {  	v18 =	vsub.f32 v19, v18;
	v19 =	vmul.f32 v36, v51;
	v36 =	vld [tilespmem:$0x1E630]  }
0x32b: {  	v12 =	vld.idx.msk [tilespmem:v1+s19+$0x0], $0xffff;
	v1 =	vmul.f32 v3, v3;
	v4 =	vadd.f32 v23, v4  }
0x32c: {  	v26 =	vld [tilespmem:s26+$0x10600];
	v0 =	vmul.f32 v0, v0  }
0x32d: {  	[tilespmem:$0x1EB30] =	vst v6;
	v2 =	vor.u32 $0x14, v7;
	v1 =	vadd.f32 v1, v4;
	v4 =	vld [tilespmem:$0x1E620]  }
0x32e: {  	[tilespmem:$0x1E980] =	vst v8;
	v3 =	vsub.f32 v8, v10;
	v8 =	vld [tilespmem:$0x1E640];
	v6 =	vadd.f32 v0, v5  }
0x32f: {  	v0 =	vadd.f32 v0, v18;
	v18 =	vadd.f32 v19, v36  }
0x330: {  	v16 =	vld [tilespmem:s26+$0x14600]  }
0x331: {  	v14 =	vmul.f32 v14, v46;
	v21 =	vld [tilespmem:s1+$0xE800];
	v3 =	vmul.f32 v3, v3;
	v5 =	vsub.f32 v18, v42  }
0x332: {  	[tilespmem:$0x1E950] =	vst v10;
	v23 =	vsub.f32 v56, v26;
	v10 =	vld.idx.msk [tilespmem:v2+s17+$0x0], $0xffff;
	v4 =	vmul.f32 v4, v4  }
0x333: {  	[tilespmem:$0x1ED60] =	vst v5;
	v5 =	vadd.f32 v3, v1;
	v3 =	vadd.f32 v14, v8  }
0x334: {  	v34 =	vld [tilespmem:$0x1E660];
	v18 =	vsub.f32 v0, v4  }
0x335: {  	v57 =	vld.idx.msk [tilespmem:v2+s18+$0x0], $0xffff;
	v4 =	vmul.f32 v23, v23;
	v1 =	vsub.f32 v12, v16;
	v3 =	vsub.f32 v3, v49  }
0x336: {  	v19 =	vld.idx.msk [tilespmem:v2+s19+$0x0], $0xffff  }
0x337: {  	v2 =	vsub.f32 v10, v21;
	v1 =	vmul.f32 v1, v1;
	[tilespmem:$0x1ED90] =	vst v3;
	v3 =	vadd.f32 v4, v5  }
0x338: {  	v11 =	vld [tilespmem:$0x1E670]  }
0x339: {  	v2 =	vmul.f32 v2, v2;
	v1 =	vadd.f32 v1, v3;
	v3 =	vmul.f32 v13, v9;
	_ =	sdelay $0x1  }
0x33a: {  	v0 =	vld [tilespmem:$0x1E650];
	v4 =	vmul.f32 v17, v34;
	v1 =	vadd.f32 v2, v1;
	v2 =	vadd.f32 v3, v53  }
0x33b: {  	[tilespmem:$0x1EAF0] =	vst v48;
	v48 =	vmov v51;
	v51 =	vld [tilespmem:s1+$0x12800]  }
0x33c: {  	v4 =	vadd.f32 v4, v11;
	v3 =	vld [tilespmem:$0x1E680];
	v2 =	vsub.f32 v2, v30;
	_ =	sdelay $0x1  }
0x33d: {  	v4 =	vsub.f32 v4, v58;
	[tilespmem:$0x1EDF0] =	vst v2;
	v2 =	vld [tilespmem:$0x1E690]  }
0x33e: {  	v14 =	vmul.f32 v0, v0  }
0x33f: {  	[tilespmem:$0x1EDB0] =	vst v4;
	v4 =	vsub.f32 v57, v51  }
0x340: {  	v5 =	vadd.f32 v14, v6;
	v6 =	vadd.f32 v14, v18;
	v3 =	vmul.f32 v3, v3  }
0x341: {  	v4 =	vmul.f32 v4, v4  }
0x342: {  	v3 =	vsub.f32 v6, v3;
	v2 =	vmul.f32 v2, v2  }
0x343: {  	v1 =	vadd.f32 v4, v1  }
0x344: {  	v4 =	vmul.f32 v15, v33;
	v5 =	vadd.f32 v2, v5;
	v2 =	vadd.f32 v2, v3;
	_ =	sdelay $0x1  }
0x345: {  	[tilespmem:$0x1ED20] =	vst v2;
	v2 =	vadd.f32 v4, v44;
	_ =	sdelay $0x1  }
0x346: {  	v0 =	vor.u32 $0x15, v7;
	v2 =	vsub.f32 v2, v29;
	_ =	sdelay $0x1  }
0x347: {  	[tilespmem:$0x1EE10] =	vst v2;
	v2 =	vld [tilespmem:$0x1E6A0];
	_ =	sdelay $0x2  }
0x348: {  	v13 =	vld.idx.msk [tilespmem:v0+s19+$0x0], $0xffff  }
0x349: {  	v6 =	vld [tilespmem:s1+$0x16880]  }
0x34a: {  	[tilespmem:$0x1EB00] =	vst v16;
	v4 =	vmul.f32 v2, v59;
	v2 =	vld [tilespmem:$0x1E6B0]  }
0x34b: {  	[tilespmem:$0x1EB70] =	vst v21;
	v16 =	vmov v21;
	v21 =	vld [tilespmem:s1+$0xE880]  }
0x34c: {  	v17 =	vor.u32 $0x16, v7;
	v14 =	vld [tilespmem:s1+$0x16800]  }
0x34d: {  	[tilespmem:$0x1EB50] =	vst v12;
	v12 =	vld [tilespmem:s1+$0x12880]  }
0x34e: {  	v42 =	vld.idx.msk [tilespmem:v0+s17+$0x0], $0xffff;
	[tilespmem:$0x1EBE0] =	vst v13  }
0x34f: {  	[tilespmem:$0x1EB80] =	vst v6;
	v6 =	vsub.f32 v13, v6;
	v13 =	vmul.f32 v50, v9;
	v9 =	vmul.f32 v2, v31;
	v2 =	vld [tilespmem:$0x1E6C0]  }
0x350: {  	v43 =	vld.idx.msk [tilespmem:v0+s18+$0x0], $0xffff  }
0x351: {  	v24 =	vmov v40;
	v40 =	vld.idx.msk [tilespmem:v17+s17+$0x0], $0xffff;
	v0 =	vsub.f32 v19, v14  }
0x352: {  	[tilespmem:$0x1EBC0] =	vst v19;
	v41 =	vld.idx.msk [tilespmem:v17+s18+$0x0], $0xffff  }
0x353: {  	v19 =	vld.idx.msk [tilespmem:v17+s19+$0x0], $0xffff;
	v0 =	vmul.f32 v0, v0;
	[tilespmem:$0x1E9B0] =	vst v5;
	v5 =	vsub.f32 v42, v21  }
0x354: {  	v17 =	vmul.f32 v2, v46;
	v2 =	vld [tilespmem:$0x1E6D0]  }
0x355: {  	v0 =	vadd.f32 v0, v1;
	v3 =	vsub.f32 v43, v12;
	v1 =	vmul.f32 v5, v5;
	_ =	sdelay $0x1  }
0x356: {  	v0 =	vadd.f32 v1, v0;
	v1 =	vmul.f32 v3, v3  }
0x357: {  	v60 =	vmov v32  }
0x358: {  	v0 =	vadd.f32 v1, v0;
	v1 =	vmul.f32 v6, v6;
	v6 =	vmul.f32 v2, v60;
	v2 =	vld [tilespmem:$0x1E6E0];
	_ =	sdelay $0x3  }
0x359: {  	v3 =	vld [tilespmem:$0x1E700]  }
0x35a: {  	v9 =	vadd.f32 v9, v2;
	v2 =	vld [tilespmem:$0x1E6F0];
	_ =	sdelay $0x4  }
0x35b: {  	v29 =	vmul.f32 v2, v3;
	v2 =	vld [tilespmem:$0x1E710];
	_ =	sdelay $0x2  }
0x35c: {  	v4 =	vadd.f32 v4, v38;
	_ =	sdelay $0x1  }
0x35d: {  	v2 =	vsub.f32 v4, v2  }
0x35e: {  	v3 =	vld [tilespmem:$0x1E730]  }
0x35f: {  	[tilespmem:$0x1E9F0] =	vst v2;
	v2 =	vld [tilespmem:$0x1E720];
	_ =	sdelay $0x4  }
0x360: {  	v2 =	vmul.f32 v2, v3;
	v3 =	vld [tilespmem:$0x1E740];
	_ =	sdelay $0x4  }
0x361: {  	v29 =	vadd.f32 v29, v3;
	v3 =	vld [tilespmem:$0x1E750];
	_ =	sdelay $0x4  }
0x362: {  	v3 =	vsub.f32 v9, v3;
	_ =	sdelay $0x1  }
0x363: {  	[tilespmem:$0x1EA10] =	vst v3;
	v3 =	vld [tilespmem:$0x1E760];
	_ =	sdelay $0x4  }
0x364: {  	v9 =	vmul.f32 v3, v35;
	v3 =	vld [tilespmem:$0x1E770];
	_ =	sdelay $0x4  }
0x365: {  	v3 =	vsub.f32 v29, v3;
	_ =	sdelay $0x1  }
0x366: {  	[tilespmem:$0x1EA60] =	vst v3;
	v3 =	vld [tilespmem:$0x1E780]  }
0x367: {  	v58 =	vld [tilespmem:s1+$0xE900];
	_ =	sdelay $0x1  }
0x368: {  	v49 =	vmov v10;
	v10 =	vld [tilespmem:s1+$0x12900];
	_ =	sdelay $0x1  }
0x369: {  	v2 =	vadd.f32 v2, v3;
	v3 =	vld [tilespmem:$0x1E790]  }
0x36a: {  	v15 =	vsub.f32 v40, v58;
	v5 =	vor.u32 $0x17, v7;
	_ =	sdelay $0x1  }
0x36b: {  	v30 =	vsub.f32 v41, v10;
	v0 =	vadd.f32 v1, v0;
	v1 =	vmul.f32 v15, v15;
	v31 =	vld [tilespmem:s1+$0x16900];
	_ =	sdelay $0x1  }
0x36c: {  	v0 =	vadd.f32 v1, v0;
	v1 =	vmul.f32 v30, v30;
	v30 =	vmul.f32 v3, v20;
	v3 =	vld [tilespmem:$0x1E7A0]  }
0x36d: {  	[tilespmem:$0x1EB60] =	vst v14;
	v14 =	vmov v21;
	v21 =	vld.idx.msk [tilespmem:v5+s17+$0x0], $0xffff  }
0x36e: {  	v50 =	vld.idx.msk [tilespmem:v5+s18+$0x0], $0xffff  }
0x36f: {  	v18 =	vld.idx.msk [tilespmem:v5+s19+$0x0], $0xffff;
	v5 =	vsub.f32 v19, v31;
	_ =	sdelay $0x1  }
0x370: {  	v0 =	vadd.f32 v1, v0;
	v1 =	vmul.f32 v5, v5;
	v2 =	vsub.f32 v2, v3;
	_ =	sdelay $0x1  }
0x371: {  	s28 =	sor.u32 $0x2380, s20;
	[tilespmem:$0x1EAE0] =	vst v2;
	v2 =	vadd.f32 v9, v24;
	v9 =	vadd.f32 v1, v0;
	v0 =	vld [tilespmem:$0x1E7B0]  }
0x372: {  	v32 =	vld [tilespmem:s28+$0xC600];
	_ =	sdelay $0x3  }
0x373: {  	v0 =	vsub.f32 v2, v0;
	v2 =	vld [tilespmem:$0x1E7C0]  }
0x374: {  	v5 =	vsub.f32 v21, v32;
	_ =	sdelay $0x1  }
0x375: {  	v5 =	vmul.f32 v5, v5;
	_ =	sdelay $0x1  }
0x376: {  	v5 =	vadd.f32 v5, v9;
	v9 =	vmul.f32 v2, v45;
	v2 =	vld [tilespmem:$0x1E7D0];
	_ =	sdelay $0x2  }
0x377: {  	v30 =	vadd.f32 v30, v47  }
0x378: {  	v4 =	vor.u32 $0x18, v7  }
0x379: {  	v2 =	vsub.f32 v30, v2  }
0x37a: {  	[tilespmem:$0x1EAA0] =	vst v31;
	v31 =	vld [tilespmem:s28+$0x14600]  }
0x37b: {  	[tilespmem:$0x1EC00] =	vst v2;
	v2 =	vld [tilespmem:$0x1E7E0];
	_ =	sdelay $0x1  }
0x37c: {  	v23 =	vld.idx.msk [tilespmem:v4+s17+$0x0], $0xffff  }
0x37d: {  	[tilespmem:$0x1EBF0] =	vst v19;
	v19 =	vld.idx.msk [tilespmem:v4+s19+$0x0], $0xffff  }
0x37e: {  	v29 =	vld.idx.msk [tilespmem:v4+s18+$0x0], $0xffff  }
0x37f: {  	[tilespmem:$0x1EC10] =	vst v31;
	v4 =	vsub.f32 v18, v31;
	v31 =	vmul.f32 v2, v48;
	v2 =	vld [tilespmem:$0x1E7F0];
	_ =	sdelay $0x2  }
0x380: {  	v30 =	vadd.f32 v6, v63;
	_ =	sdelay $0x1  }
0x381: {  	v2 =	vsub.f32 v30, v2;
	_ =	sdelay $0x1  }
0x382: {  	[tilespmem:$0x1EC70] =	vst v2;
	v2 =	vld [tilespmem:$0x1E800];
	_ =	sdelay $0x4  }
0x383: {  	v9 =	vadd.f32 v9, v37;
	v37 =	vmul.f32 v2, v34;
	v2 =	vld [tilespmem:$0x1E810];
	_ =	sdelay $0x4  }
0x384: {  	v2 =	vsub.f32 v9, v2  }
0x385: {  	v28 =	vld [tilespmem:s28+$0x10600];
	[tilespmem:$0x1EB40] =	vst v0;
	v0 =	vor.u32 $0x19, v7  }
0x386: {  	[tilespmem:$0x1ECD0] =	vst v2;
	v2 =	vld [tilespmem:$0x1E820];
	_ =	sdelay $0x1  }
0x387: {  	v15 =	vld [tilespmem:s1+$0xF600]  }
0x388: {  	v3 =	vld [tilespmem:s1+$0x13600];
	v30 =	vadd.f32 v31, v36  }
0x389: {  	[tilespmem:$0x1EC50] =	vst v18;
	v17 =	vadd.f32 v17, v8;
	v18 =	vld.idx.msk [tilespmem:v0+s18+$0x0], $0xffff  }
0x38a: {  	v1 =	vsub.f32 v50, v28;
	v8 =	vld.idx.msk [tilespmem:v0+s19+$0x0], $0xffff;
	v2 =	vsub.f32 v30, v2  }
0x38b: {  	v6 =	vld.idx.msk [tilespmem:v0+s17+$0x0], $0xffff  }
0x38c: {  	v1 =	vmul.f32 v1, v1;
	[tilespmem:$0x1ED50] =	vst v2;
	v2 =	vld [tilespmem:$0x1E840]  }
0x38d: {  	v0 =	vld [tilespmem:$0x1E830]  }
0x38e: {  	v4 =	vmul.f32 v4, v4;
	v1 =	vadd.f32 v1, v5;
	v5 =	vsub.f32 v23, v15;
	_ =	sdelay $0x1  }
0x38f: {  	v1 =	vadd.f32 v4, v1;
	v4 =	vmul.f32 v5, v5;
	v5 =	vsub.f32 v29, v3  }
0x390: {  	v46 =	vmul.f32 v2, v33;
	v2 =	vld [tilespmem:$0x1E850]  }
0x391: {  	v1 =	vadd.f32 v4, v1;
	v4 =	vmul.f32 v5, v5;
	v0 =	vsub.f32 v17, v0;
	_ =	sdelay $0x1  }
0x392: {  	[tilespmem:$0x1ED70] =	vst v0;
	v0 =	vadd.f32 v4, v1;
	v4 =	vadd.f32 v37, v11;
	_ =	sdelay $0x1  }
0x393: {  	v24 =	vld [tilespmem:s1+$0x17600];
	v2 =	vsub.f32 v4, v2;
	_ =	sdelay $0x1  }
0x394: {  	[tilespmem:$0x1EDA0] =	vst v2;
	v2 =	vld [tilespmem:$0x1E860];
	_ =	sdelay $0x1  }
0x395: {  	v38 =	vld [tilespmem:s1+$0x13680]  }
0x396: {  	v13 =	vadd.f32 v13, v53;
	[tilespmem:$0x1EC60] =	vst v19;
	v35 =	vsub.f32 v19, v24;
	v19 =	vld [tilespmem:$0x1E870];
	v31 =	vor.u32 $0x1A, v7  }
0x397: {  	v48 =	vld [tilespmem:s1+$0xF680]  }
0x398: {  	v17 =	vld [tilespmem:$0x1E880];
	v2 =	vsub.f32 v13, v2  }
0x399: {  	v9 =	vld [tilespmem:s1+$0x17680]  }
0x39a: {  	[tilespmem:$0x1EDD0] =	vst v2;
	v2 =	vld [tilespmem:$0x1E890]  }
0x39b: {  	v11 =	vld.idx.msk [tilespmem:v31+s19+$0x0], $0xffff  }
0x39c: {  	v5 =	vmov v6;
	[tilespmem:$0x1EC90] =	vst v6;
	v30 =	vsub.f32 v6, v48;
	v6 =	vld.idx.msk [tilespmem:v31+s17+$0x0], $0xffff  }
0x39d: {  	v4 =	vmul.f32 v54, v19;
	v54 =	vld.idx.msk [tilespmem:v31+s18+$0x0], $0xffff;
	v31 =	vadd.f32 v46, v44  }
0x39e: {  	[tilespmem:$0x1ECA0] =	vst v8;
	v13 =	vsub.f32 v8, v9;
	v8 =	vld [tilespmem:s1+$0x17700]  }
0x39f: {  	v1 =	vmul.f32 v35, v35;
	v2 =	vsub.f32 v31, v2;
	v31 =	vld [tilespmem:$0x1E8A0]  }
0x3a0: {  	v60 =	vld [tilespmem:s1+$0xF700];
	v47 =	vsub.f32 v18, v38  }
0x3a1: {  	v0 =	vadd.f32 v1, v0;
	v34 =	vld [tilespmem:$0x1E8C0];
	[tilespmem:$0x1EBD0] =	vst v9;
	v1 =	vmul.f32 v30, v30;
	v30 =	vor.u32 $0x1B, v7  }
0x3a2: {  	[tilespmem:$0x1ECC0] =	vst v6;
	v4 =	vadd.f32 v4, v17  }
0x3a3: {  	v0 =	vadd.f32 v1, v0;
	v1 =	vmul.f32 v47, v47;
	[tilespmem:$0x1EC40] =	vst v8;
	v53 =	vsub.f32 v11, v8;
	v8 =	vld [tilespmem:$0x1E8D0]  }
0x3a4: {  	v33 =	vld [tilespmem:s1+$0x13700];
	[tilespmem:$0x1EE00] =	vst v2;
	v2 =	vsub.f32 v4, v61;
	v4 =	vmul.f32 v62, v31  }
0x3a5: {  	v0 =	vadd.f32 v1, v0;
	v9 =	vmovc v6;
	v1 =	vmul.f32 v13, v13;
	v13 =	vsub.f32 v6, v60;
	v6 =	vld [tilespmem:$0x1E8B0]  }
0x3a6: {  	v61 =	vld.idx.msk [tilespmem:v30+s17+$0x0], $0xffff;
	v4 =	vadd.f32 v4, v34  }
0x3a7: {  	[tilespmem:$0x1EE30] =	vst v2;
	v2 =	vld.idx.msk [tilespmem:v30+s18+$0x0], $0xffff  }
0x3a8: {  	v4 =	vsub.f32 v4, v8;
	v8 =	vld.idx.msk [tilespmem:v30+s19+$0x0], $0xffff  }
0x3a9: {  	v0 =	vadd.f32 v1, v0;
	v1 =	vmul.f32 v13, v13;
	v13 =	vsub.f32 v54, v33;
	v30 =	vld [tilespmem:$0x1E8F0];
	_ =	sdelay $0x1  }
0x3aa: {  	v0 =	vadd.f32 v1, v0;
	v1 =	vmul.f32 v13, v13;
	v13 =	vld [tilespmem:$0x1E900]  }
0x3ab: {  	s21 =	sor.u32 $0x3180, s21;
	v25 =	vmul.f32 v25, v6  }
0x3ac: {  	v47 =	vld [tilespmem:s21+$0xC600]  }
0x3ad: {  	v25 =	vadd.f32 v25, v30  }
0x3ae: {  	v63 =	vld [tilespmem:$0x1E920]  }
0x3af: {  	v62 =	vld [tilespmem:$0x1E8E0];
	v13 =	vsub.f32 v25, v13  }
0x3b0: {  	v36 =	vld [tilespmem:$0x1E940];
	v44 =	vor.u32 $0x1C, v7  }
0x3b1: {  	v0 =	vadd.f32 v1, v0;
	v1 =	vmul.f32 v53, v53;
	v59 =	vsub.f32 v61, v47;
	[tilespmem:$0x1EEA0] =	vst v13;
	v13 =	vld [tilespmem:$0x1E910]  }
0x3b2: {  	v45 =	vld [tilespmem:$0x1E930]  }
0x3b3: {  	[tilespmem:$0x1EBB0] =	vst v24;
	v35 =	vld [tilespmem:s21+$0x10600];
	v0 =	vadd.f32 v1, v0;
	v1 =	vmul.f32 v27, v63;
	v24 =	vmul.f32 v59, v59  }
0x3b4: {  	v46 =	vld [tilespmem:s1+$0xF800];
	[tilespmem:$0x1EE60] =	vst v4;
	v4 =	vmul.f32 v39, v62  }
0x3b5: {  	[tilespmem:$0x1ECF0] =	vst v11;
	v11 =	vld [tilespmem:s21+$0x14600];
	v24 =	vadd.f32 v24, v0;
	v0 =	vadd.f32 v1, v36  }
0x3b6: {  	v59 =	vld.idx.msk [tilespmem:v44+s17+$0x0], $0xffff;
	v4 =	vadd.f32 v4, v13  }
0x3b7: {  	v0 =	vsub.f32 v0, v52;
	v52 =	vld [tilespmem:$0x1E950]  }
0x3b8: {  	v4 =	vsub.f32 v4, v55;
	v55 =	vld [tilespmem:$0x1E960]  }
0x3b9: {  	v37 =	vld [tilespmem:$0x1E980];
	[tilespmem:$0x1EF20] =	vst v0  }
0x3ba: {  	v0 =	vld [tilespmem:$0x1E970];
	[tilespmem:$0x1EEE0] =	vst v4;
	v4 =	vsub.f32 v2, v35  }
0x3bb: {  	v20 =	vmul.f32 v22, v45  }
0x3bc: {  	v25 =	vsub.f32 v8, v11;
	v1 =	vmul.f32 v4, v4  }
0x3bd: {  	v53 =	vld.idx.msk [tilespmem:v44+s18+$0x0], $0xffff;
	v27 =	vsub.f32 v59, v46;
	v26 =	vmul.f32 v26, v52;
	v20 =	vadd.f32 v20, v55  }
0x3be: {  	v39 =	vld [tilespmem:s1+$0x13800];
	v25 =	vmul.f32 v25, v25;
	v4 =	vor.u32 $0x1D, v7;
	v24 =	vadd.f32 v1, v24  }
0x3bf: {  	v0 =	vsub.f32 v20, v0;
	v20 =	vadd.f32 v26, v37  }
0x3c0: {  	[tilespmem:$0x1ED00] =	vst v8;
	v1 =	vld [tilespmem:s1+$0x17800];
	v26 =	vmul.f32 v27, v27;
	v22 =	vadd.f32 v25, v24;
	v24 =	vmul.f32 v51, v16  }
0x3c1: {  	v10 =	vmul.f32 v10, v58;
	v8 =	vld.idx.msk [tilespmem:v44+s19+$0x0], $0xffff;
	[tilespmem:$0x1EF70] =	vst v0;
	v0 =	vsub.f32 v20, v56  }
0x3c2: {  	v12 =	vmul.f32 v12, v14;
	v25 =	vld [tilespmem:s1+$0xF880];
	v20 =	vadd.f32 v26, v22;
	v22 =	vadd.f32 v24, v49  }
0x3c3: {  	v10 =	vadd.f32 v10, v40;
	[tilespmem:$0x1EC80] =	vst v11;
	v16 =	vsub.f32 v53, v39;
	v51 =	vld.idx.msk [tilespmem:v4+s17+$0x0], $0xffff  }
0x3c4: {  	v12 =	vadd.f32 v12, v42;
	v24 =	vld [tilespmem:s1+$0x13880];
	[tilespmem:$0x1EF80] =	vst v0;
	v0 =	vsub.f32 v22, v57;
	v22 =	vor.u32 $0x1E, v7  }
0x3c5: {  	v3 =	vmul.f32 v3, v15;
	v16 =	vmul.f32 v16, v16;
	v26 =	vld.idx.msk [tilespmem:v4+s18+$0x0], $0xffff;
	[tilespmem:$0x1ECE0] =	vst v1  }
0x3c6: {  	v56 =	vmov v14;
	v27 =	vsub.f32 v8, v1;
	v1 =	vld.idx.msk [tilespmem:v4+s19+$0x0], $0xffff;
	[tilespmem:$0x1EFB0] =	vst v0;
	v0 =	vsub.f32 v12, v43  }
0x3c7: {  	v4 =	vmul.f32 v28, v32;
	v28 =	vmovc v15;
	v15 =	vmul.f32 v38, v48;
	v12 =	vadd.f32 v16, v20;
	v16 =	vld [tilespmem:s1+$0x17880]  }
0x3c8: {  	v14 =	vmul.f32 v27, v27;
	v11 =	vsub.f32 v51, v25;
	[tilespmem:$0x1EFF0] =	vst v0;
	v0 =	vsub.f32 v10, v41;
	v10 =	vld [tilespmem:s1+$0xF900]  }
0x3c9: {  	v4 =	vadd.f32 v4, v21;
	v15 =	vadd.f32 v15, v5;
	v5 =	vmul.f32 v35, v47;
	v27 =	vld.idx.msk [tilespmem:v22+s17+$0x0], $0xffff  }
0x3ca: {  	v20 =	vsub.f32 v26, v24;
	v14 =	vadd.f32 v14, v12;
	v11 =	vmul.f32 v11, v11  }
0x3cb: {  	v5 =	vadd.f32 v5, v61;
	[tilespmem:$0x1F030] =	vst v0;
	v0 =	vsub.f32 v4, v50  }
0x3cc: {  	[tilespmem:$0x1ED40] =	vst v8;
	v4 =	vadd.f32 v11, v14;
	v11 =	vmul.f32 v20, v20;
	v8 =	vsub.f32 v1, v16  }
0x3cd: {  	v2 =	vsub.f32 v5, v2  }
0x3ce: {  	v4 =	vadd.f32 v11, v4;
	v8 =	vmul.f32 v8, v8;
	v14 =	vsub.f32 v27, v10;
	_ =	sdelay $0x1  }
0x3cf: {  	[tilespmem:$0x1F130] =	vst v2;
	v2 =	vadd.f32 v8, v4;
	v4 =	vmul.f32 v14, v14;
	_ =	sdelay $0x1  }
0x3d0: {  	v2 =	vadd.f32 v4, v2;
	v4 =	vld [tilespmem:$0x1E9A0];
	_ =	sdelay $0x1  }
0x3d1: {  	v3 =	vadd.f32 v3, v23  }
0x3d2: {  	s23 =	sor.u32 $0x3380, s20;
	s20 =	simm.s32 $0x20  }
0x3d3: {  	v5 =	vmov s20;
	[tilespmem:$0x1F060] =	vst v0;
	v0 =	vsub.f32 v3, v29  }
0x3d4: {  	v3 =	vsub.f32 v15, v18;
	v14 =	vmul.f32 v4, v4;
	v4 =	vshll.u32 v5, $0x5;
	v5 =	vld [tilespmem:$0x1FFF0];
	_ =	sdelay $0x1  }
0x3d5: {  	[tilespmem:$0x1F0D0] =	vst v3;
	v3 =	vmul.f32 v33, v60  }
0x3d6: {  	v44 =	vld.idx.msk [tilespmem:v22+s18+$0x0], $0xffff  }
0x3d7: {  	v20 =	vld [tilespmem:s1+$0x13900];
	v11 =	vor.u32 $0x1F, v7;
	v3 =	vadd.f32 v3, v9  }
0x3d8: {  	v12 =	vor.u32 v5, v4;
	v4 =	vld [tilespmem:$0x1E9C0]  }
0x3d9: {  	v7 =	vmul.f32 v39, v46;
	[tilespmem:$0x1F0B0] =	vst v0;
	v0 =	vld [tilespmem:$0x1E990];
	v3 =	vsub.f32 v3, v54  }
0x3da: {  	[tilespmem:$0x1EDC0] =	vst v1  }
0x3db: {  	v1 =	vld [tilespmem:$0x1E9B0];
	[tilespmem:$0x1F110] =	vst v3;
	v3 =	vadd.f32 v7, v59  }
0x3dc: {  	v39 =	vld.idx.msk [tilespmem:v11+s17+$0x0], $0xffff  }
0x3dd: {  	v3 =	vsub.f32 v3, v53;
	v7 =	vmul.f32 v4, v4;
	v4 =	vld [tilespmem:$0x1E9D0]  }
0x3de: {  	v8 =	vsub.f32 v44, v20;
	v20 =	vmul.f32 v20, v10;
	v35 =	vmul.f32 v0, v6;
	v0 =	vld.idx.msk [tilespmem:v22+s19+$0x0], $0xffff  }
0x3df: {  	[tilespmem:$0x1F4A0] =	vst v3;
	v3 =	vmul.f32 v24, v25;
	v24 =	vld.idx.msk [tilespmem:v11+s18+$0x0], $0xffff  }
0x3e0: {  	v22 =	vadd.f32 v14, v1;
	v1 =	vld.idx.msk [tilespmem:v11+s19+$0x0], $0xffff;
	v11 =	vadd.f32 v20, v27;
	_ =	sdelay $0x1  }
0x3e1: {  	v15 =	vmul.f32 v4, v4;
	v4 =	vsub.f32 v11, v44  }
0x3e2: {  	v50 =	vld [tilespmem:s1+$0x17900]  }
0x3e3: {  	v3 =	vadd.f32 v3, v51;
	[tilespmem:$0x1F510] =	vst v4;
	v4 =	vld [tilespmem:$0x1E9E0];
	_ =	sdelay $0x1  }
0x3e4: {  	v3 =	vsub.f32 v3, v26  }
0x3e5: {  	v22 =	vadd.f32 v7, v22  }
0x3e6: {  	[tilespmem:$0x1F4F0] =	vst v3;
	v3 =	vmul.f32 v8, v8  }
0x3e7: {  	[tilespmem:$0x1EE20] =	vst v0;
	v8 =	vsub.f32 v0, v50;
	v11 =	vadd.f32 v15, v22;
	v0 =	vmul.f32 v4, v4;
	_ =	sdelay $0x1  }
0x3e8: {  	[tilespmem:$0x1EE90] =	vst v0;
	v11 =	vadd.f32 v0, v11;
	v0 =	vld [tilespmem:$0x1E9F0]  }
0x3e9: {  	v38 =	vld [tilespmem:s23+$0xC600];
	_ =	sdelay $0x2  }
0x3ea: {  	s22 =	simm.s32 $0x100  }
0x3eb: {  	s26 =	sand.u32 $0x70, s20;
	s28 =	sand.u32 $0xC00, s22;
	v20 =	vmul.f32 v0, v0;
	v0 =	vld [tilespmem:$0x1EA00]  }
0x3ec: {  	s1 =	sor.u32 s26, s28;
	v2 =	vadd.f32 v3, v2;
	v3 =	vmul.f32 v8, v8;
	v8 =	vsub.f32 v39, v38  }
0x3ed: {  	v18 =	vld [tilespmem:s1+$0xC600]  }
0x3ee: {  	v9 =	vld [tilespmem:s1+$0xC680];
	v2 =	vadd.f32 v3, v2;
	v3 =	vmul.f32 v8, v8  }
0x3ef: {  	v5 =	vld [tilespmem:s23+$0x10600]  }
0x3f0: {  	v2 =	vadd.f32 v3, v2;
	v3 =	vmul.f32 v0, v0;
	v0 =	vld [tilespmem:$0x1EA10]  }
0x3f1: {  	v26 =	vld [tilespmem:s23+$0x14600]  }
0x3f2: {  	v54 =	vld [tilespmem:s1+$0x10600]  }
0x3f3: {  	v6 =	vld.idx.msk [tilespmem:v12+s19+$0x0], $0xffff;
	v22 =	vor.u32 $0x1, v12  }
0x3f4: {  	v8 =	vsub.f32 v24, v5;
	v4 =	vld.idx.msk [tilespmem:v12+s17+$0x0], $0xffff  }
0x3f5: {  	v33 =	vmul.f32 v0, v0;
	v0 =	vld [tilespmem:$0x1EA20]  }
0x3f6: {  	v57 =	vsub.f32 v1, v26;
	v8 =	vmul.f32 v8, v8;
	v44 =	vld.idx.msk [tilespmem:v12+s18+$0x0], $0xffff  }
0x3f7: {  	v11 =	vadd.f32 v20, v11;
	v20 =	vsub.f32 v20, v3;
	v3 =	vld [tilespmem:s1+$0x14600]  }
0x3f8: {  	[tilespmem:$0x1EE80] =	vst v1;
	v5 =	vmul.f32 v5, v38;
	v2 =	vadd.f32 v8, v2;
	v1 =	vld.idx.msk [tilespmem:v22+s17+$0x0], $0xffff  }
0x3f9: {  	[tilespmem:$0x1EEF0] =	vst v4;
	v8 =	vadd.f32 v33, v11;
	v11 =	vmul.f32 v57, v57;
	v57 =	vsub.f32 v4, v18;
	v4 =	vld [tilespmem:$0x1EA40]  }
0x3fa: {  	v53 =	vmul.f32 v0, v19;
	v0 =	vld [tilespmem:$0x1EA30]  }
0x3fb: {  	[tilespmem:$0x1F140] =	vst v54;
	v5 =	vadd.f32 v5, v39  }
0x3fc: {  	[tilespmem:$0x1EF10] =	vst v6;
	v20 =	vadd.f32 v33, v20;
	v33 =	vsub.f32 v6, v3;
	v6 =	vld.idx.msk [tilespmem:v22+s19+$0x0], $0xffff  }
0x3fd: {  	v2 =	vadd.f32 v11, v2;
	v11 =	vmul.f32 v57, v57;
	v57 =	vsub.f32 v44, v54;
	v54 =	vld.idx.msk [tilespmem:v22+s18+$0x0], $0xffff  }
0x3fe: {  	[tilespmem:$0x1EF50] =	vst v1;
	v22 =	vsub.f32 v1, v9;
	v1 =	vld [tilespmem:$0x1EA60];
	v43 =	vmul.f32 v4, v31;
	v4 =	vsub.f32 v5, v24  }
0x3ff: {  	[tilespmem:$0x1EB90] =	vst v42;
	v42 =	vmul.f32 v0, v0;
	v0 =	vld [tilespmem:s1+$0x10680]  }
0x400: {  	v2 =	vadd.f32 v11, v2;
	v11 =	vmul.f32 v57, v57;
	[tilespmem:$0x1F530] =	vst v4;
	v4 =	vld [tilespmem:$0x1EA50];
	_ =	sdelay $0x1  }
0x401: {  	v2 =	vadd.f32 v11, v2;
	v11 =	vmul.f32 v33, v33  }
0x402: {  	v53 =	vadd.f32 v53, v17  }
0x403: {  	v2 =	vadd.f32 v11, v2;
	v11 =	vmul.f32 v1, v1;
	v57 =	vsub.f32 v54, v0  }
0x404: {  	v4 =	vsub.f32 v53, v4;
	v53 =	vld [tilespmem:s1+$0x14680]  }
0x405: {  	v5 =	vsub.f32 v20, v42;
	v42 =	vadd.f32 v11, v8;
	v8 =	vmul.f32 v57, v57;
	v57 =	vld [tilespmem:$0x1EA80];
	_ =	sdelay $0x2  }
0x406: {  	v20 =	vadd.f32 v43, v34  }
0x407: {  	v5 =	vadd.f32 v11, v5  }
0x408: {  	[tilespmem:$0x1EF60] =	vst v6;
	v11 =	vsub.f32 v6, v53;
	v6 =	vsub.f32 v20, v57  }
0x409: {  	[tilespmem:$0x1F180] =	vst v44;
	v44 =	vor.u32 $0x2, v12  }
0x40a: {  	[tilespmem:$0x1EE70] =	vst v6;
	v6 =	vld [tilespmem:$0x1EAA0];
	_ =	sdelay $0x2  }
0x40b: {  	v1 =	vld [tilespmem:s1+$0xC700]  }
0x40c: {  	v22 =	vmul.f32 v22, v22;
	[tilespmem:$0x1EE50] =	vst v4;
	v4 =	vld.idx.msk [tilespmem:v44+s17+$0x0], $0xffff  }
0x40d: {  	v24 =	vadd.f32 v35, v30;
	v35 =	vmul.f32 v6, v58;
	v6 =	vld [tilespmem:$0x1EAB0]  }
0x40e: {  	v2 =	vadd.f32 v22, v2;
	[tilespmem:$0x1F150] =	vst v0;
	v0 =	vld [tilespmem:$0x1EA70];
	_ =	sdelay $0x1  }
0x40f: {  	v2 =	vadd.f32 v8, v2;
	v8 =	vld [tilespmem:$0x1EA90]  }
0x410: {  	v33 =	vor.u32 $0x3, v12;
	[tilespmem:$0x1F1B0] =	vst v54;
	v54 =	vld [tilespmem:s1+$0x10700]  }
0x411: {  	[tilespmem:$0x1EFA0] =	vst v4;
	v6 =	vsub.f32 v24, v6;
	v24 =	vsub.f32 v4, v1;
	v4 =	vld [tilespmem:$0x1EAC0]  }
0x412: {  	v34 =	vmul.f32 v0, v62;
	v0 =	vld.idx.msk [tilespmem:v44+s18+$0x0], $0xffff  }
0x413: {  	s26 =	sand.u32 $0xFFFFFC00, s22;
	[tilespmem:$0x1EF30] =	vst v9;
	v9 =	vld.idx.msk [tilespmem:v44+s19+$0x0], $0xffff  }
0x414: {  	s21 =	sadd.s32 $0x20, s26;
	v20 =	vmul.f32 v8, v8;
	v8 =	vld [tilespmem:s1+$0x14700]  }
0x415: {  	s28 =	sor.u32 $0x180, s21;
	[tilespmem:$0x1EF90] =	vst v1;
	v11 =	vmul.f32 v11, v11;
	v1 =	vld.idx.msk [tilespmem:v33+s17+$0x0], $0xffff  }
0x416: {  	v62 =	vmul.f32 v4, v63;
	v4 =	vld [tilespmem:s28+$0xC600]  }
0x417: {  	v2 =	vadd.f32 v11, v2;
	v11 =	vmul.f32 v24, v24;
	v24 =	vsub.f32 v0, v54;
	_ =	sdelay $0x1  }
0x418: {  	v2 =	vadd.f32 v11, v2;
	v11 =	vmul.f32 v24, v24;
	v24 =	vsub.f32 v9, v8  }
0x419: {  	[tilespmem:$0x1EEC0] =	vst v6;
	v6 =	vld [tilespmem:$0x1EAD0]  }
0x41a: {  	[tilespmem:$0x1EFD0] =	vst v1;
	v2 =	vadd.f32 v11, v2;
	v11 =	vmul.f32 v24, v24;
	v24 =	vsub.f32 v1, v4;
	v1 =	vld [tilespmem:$0x1EB00];
	_ =	sdelay $0x1  }
0x41b: {  	v22 =	vadd.f32 v34, v13  }
0x41c: {  	[tilespmem:$0x1F1D0] =	vst v0;
	v0 =	vld.idx.msk [tilespmem:v33+s18+$0x0], $0xffff  }
0x41d: {  	v6 =	vsub.f32 v22, v6;
	v22 =	vadd.f32 v62, v36;
	v36 =	vld [tilespmem:s28+$0x10600]  }
0x41e: {  	v52 =	vmul.f32 v1, v52;
	v1 =	vld [tilespmem:$0x1EB10];
	_ =	sdelay $0x2  }
0x41f: {  	[tilespmem:$0x1EF00] =	vst v6;
	v6 =	vld [tilespmem:$0x1EAE0];
	_ =	sdelay $0x1  }
0x420: {  	[tilespmem:$0x1F1E0] =	vst v0;
	v1 =	vsub.f32 v22, v1;
	v22 =	vsub.f32 v0, v36;
	v0 =	vld [tilespmem:$0x1EB20];
	_ =	sdelay $0x2  }
0x421: {  	v5 =	vsub.f32 v5, v20;
	v63 =	vmul.f32 v6, v6;
	v6 =	vld [tilespmem:$0x1EAF0];
	_ =	sdelay $0x1  }
0x422: {  	[tilespmem:$0x1F160] =	vst v54;
	v5 =	vadd.f32 v63, v5;
	v54 =	vmul.f32 v0, v0;
	_ =	sdelay $0x1  }
0x423: {  	v41 =	vsub.f32 v5, v54;
	v5 =	vld [tilespmem:$0x1EB30]  }
0x424: {  	v45 =	vmul.f32 v6, v45;
	_ =	sdelay $0x1  }
0x425: {  	v13 =	vld.idx.msk [tilespmem:v33+s19+$0x0], $0xffff;
	v33 =	vadd.f32 v45, v55  }
0x426: {  	v20 =	vor.u32 $0x4, v12  }
0x427: {  	v45 =	vsub.f32 v33, v5;
	v5 =	vld [tilespmem:$0x1EB40];
	_ =	sdelay $0x2  }
0x428: {  	[tilespmem:$0x1EFC0] =	vst v4;
	v4 =	vld [tilespmem:s1+$0xC800]  }
0x429: {  	[tilespmem:$0x1EF40] =	vst v1;
	v1 =	vld.idx.msk [tilespmem:v20+s17+$0x0], $0xffff  }
0x42a: {  	v42 =	vadd.f32 v63, v42;
	v63 =	vmul.f32 v5, v5;
	v5 =	vld [tilespmem:$0x1EB50]  }
0x42b: {  	v55 =	vld [tilespmem:s1+$0x10800]  }
0x42c: {  	v0 =	vld.idx.msk [tilespmem:v20+s18+$0x0], $0xffff  }
0x42d: {  	v2 =	vadd.f32 v11, v2;
	v11 =	vmul.f32 v24, v24;
	v24 =	vadd.f32 v52, v37;
	_ =	sdelay $0x1  }
0x42e: {  	[tilespmem:$0x1F010] =	vst v1;
	v37 =	vsub.f32 v24, v5;
	v24 =	vsub.f32 v1, v4;
	v1 =	vld [tilespmem:$0x1EB80];
	_ =	sdelay $0x1  }
0x42f: {  	[tilespmem:$0x1F200] =	vst v0;
	v52 =	vsub.f32 v0, v55;
	v0 =	vld [tilespmem:$0x1EB90];
	_ =	sdelay $0x2  }
0x430: {  	v58 =	vmov v9;
	v9 =	vld [tilespmem:$0x1EB70];
	v19 =	vmul.f32 v1, v56  }
0x431: {  	v6 =	vld [tilespmem:$0x1EB60]  }
0x432: {  	v43 =	vor.u32 $0x5, v12;
	v19 =	vadd.f32 v19, v0;
	v0 =	vld [tilespmem:$0x1EBA0];
	_ =	sdelay $0x2  }
0x433: {  	v57 =	vld.idx.msk [tilespmem:v20+s19+$0x0], $0xffff  }
0x434: {  	v20 =	vmul.f32 v6, v9;
	v9 =	vld [tilespmem:s1+$0x10880]  }
0x435: {  	[tilespmem:$0x1EC20] =	vst v21;
	v21 =	vmul.f32 v0, v0;
	v0 =	vld.idx.msk [tilespmem:v43+s18+$0x0], $0xffff;
	_ =	sdelay $0x4  }
0x436: {  	[tilespmem:$0x1F210] =	vst v0;
	v56 =	vsub.f32 v0, v9;
	v0 =	vld [tilespmem:$0x1EC10];
	_ =	sdelay $0x4  }
0x437: {  	v32 =	vmul.f32 v0, v32;
	v0 =	vld [tilespmem:$0x1EC20];
	_ =	sdelay $0x4  }
0x438: {  	v44 =	vadd.f32 v32, v0;
	v0 =	vld [tilespmem:$0x1EC30];
	_ =	sdelay $0x2  }
0x439: {  	[tilespmem:$0x1F000] =	vst v4;
	v4 =	vld [tilespmem:s1+$0xC880]  }
0x43a: {  	v1 =	vld.idx.msk [tilespmem:v43+s17+$0x0], $0xffff  }
0x43b: {  	v29 =	vmul.f32 v0, v0;
	v0 =	vld [tilespmem:$0x1EC40]  }
0x43c: {  	v62 =	vld [tilespmem:s28+$0x14600];
	_ =	sdelay $0x2  }
0x43d: {  	[tilespmem:$0x1F1C0] =	vst v55;
	v20 =	vadd.f32 v20, v49;
	v49 =	vmov v4;
	v55 =	vsub.f32 v1, v4;
	v4 =	vld [tilespmem:$0x1EBF0]  }
0x43e: {  	v17 =	vmul.f32 v0, v60;
	v0 =	vld [tilespmem:$0x1EC50]  }
0x43f: {  	v2 =	vadd.f32 v11, v2;
	v11 =	vmul.f32 v22, v22;
	v22 =	vsub.f32 v13, v62  }
0x440: {  	[tilespmem:$0x1EED0] =	vst v18;
	v18 =	vadd.f32 v35, v40;
	v5 =	vld [tilespmem:s1+$0x14800]  }
0x441: {  	v2 =	vadd.f32 v11, v2;
	v11 =	vmul.f32 v22, v22;
	v6 =	vld [tilespmem:$0x1EBB0]  }
0x442: {  	[tilespmem:$0x1EFE0] =	vst v13;
	v13 =	vld [tilespmem:$0x1EBC0];
	v4 =	vsub.f32 v18, v4  }
0x443: {  	v2 =	vadd.f32 v11, v2;
	v11 =	vmul.f32 v24, v24;
	v0 =	vsub.f32 v44, v0  }
0x444: {  	[tilespmem:$0x1F040] =	vst v4;
	v4 =	vld [tilespmem:$0x1EC00]  }
0x445: {  	v2 =	vadd.f32 v11, v2;
	v11 =	vmul.f32 v52, v52;
	v54 =	vsub.f32 v57, v5;
	[tilespmem:$0x1F0A0] =	vst v0;
	v0 =	vld [tilespmem:$0x1EC60]  }
0x446: {  	v6 =	vmul.f32 v6, v28;
	v22 =	vadd.f32 v63, v42;
	v33 =	vadd.f32 v63, v41  }
0x447: {  	v28 =	vld.idx.msk [tilespmem:v43+s19+$0x0], $0xffff;
	v63 =	vsub.f32 v20, v13;
	v11 =	vadd.f32 v11, v2;
	v20 =	vmul.f32 v54, v54  }
0x448: {  	v6 =	vadd.f32 v6, v23;
	v2 =	vld [tilespmem:s1+$0x14880]  }
0x449: {  	v11 =	vadd.f32 v20, v11  }
0x44a: {  	v20 =	vmul.f32 v55, v55;
	v18 =	vmul.f32 v4, v4;
	v0 =	vsub.f32 v6, v0  }
0x44b: {  	[tilespmem:$0x1F190] =	vst v36;
	v21 =	vsub.f32 v33, v21  }
0x44c: {  	v11 =	vadd.f32 v20, v11;
	v36 =	vadd.f32 v18, v22;
	[tilespmem:$0x1F0C0] =	vst v0;
	v0 =	vld [tilespmem:$0x1EC70]  }
0x44d: {  	v20 =	vmul.f32 v56, v56;
	v18 =	vadd.f32 v18, v21;
	v21 =	vsub.f32 v28, v2  }
0x44e: {  	v13 =	vld [tilespmem:$0x1EBD0]  }
0x44f: {  	v11 =	vadd.f32 v20, v11;
	v20 =	vmul.f32 v21, v21;
	_ =	sdelay $0x1  }
0x450: {  	v6 =	vadd.f32 v20, v11;
	v20 =	vmul.f32 v0, v0;
	v0 =	vld [tilespmem:$0x1EC80];
	_ =	sdelay $0x1  }
0x451: {  	v33 =	vmul.f32 v13, v48;
	v13 =	vld [tilespmem:$0x1EBE0]  }
0x452: {  	v24 =	vor.u32 $0x6, v12;
	_ =	sdelay $0x1  }
0x453: {  	v30 =	vmul.f32 v0, v47;
	v0 =	vld [tilespmem:$0x1EC90];
	_ =	sdelay $0x1  }
0x454: {  	v13 =	vsub.f32 v19, v13  }
0x455: {  	[tilespmem:$0x1F050] =	vst v1;
	v1 =	vld.idx.msk [tilespmem:v24+s17+$0x0], $0xffff  }
0x456: {  	[tilespmem:$0x1F020] =	vst v13;
	v13 =	vld [tilespmem:s1+$0xC900]  }
0x457: {  	v33 =	vadd.f32 v33, v0;
	v0 =	vld [tilespmem:$0x1ECA0];
	_ =	sdelay $0x2  }
0x458: {  	v34 =	vor.u32 $0x7, v12  }
0x459: {  	s20 =	sor.u32 s20, s22;
	[tilespmem:$0x1F1A0] =	vst v9;
	v9 =	vld [tilespmem:s1+$0x10900];
	v21 =	vsub.f32 v1, v13  }
0x45a: {  	s22 =	sor.u32 $0x380, s20;
	v4 =	vld.idx.msk [tilespmem:v24+s18+$0x0], $0xffff;
	v0 =	vsub.f32 v33, v0  }
0x45b: {  	[tilespmem:$0x1F080] =	vst v13;
	v13 =	vld [tilespmem:s22+$0x10600];
	v11 =	vmul.f32 v21, v21  }
0x45c: {  	[tilespmem:$0x1F0E0] =	vst v0;
	v0 =	vld [tilespmem:$0x1ECB0]  }
0x45d: {  	v6 =	vadd.f32 v11, v6;
	v11 =	vld.idx.msk [tilespmem:v34+s18+$0x0], $0xffff  }
0x45e: {  	v54 =	vld [tilespmem:s22+$0xC600]  }
0x45f: {  	v55 =	vld.idx.msk [tilespmem:v24+s19+$0x0], $0xffff  }
0x460: {  	v48 =	vld [tilespmem:s1+$0x14900];
	v24 =	vsub.f32 v18, v29  }
0x461: {  	[tilespmem:$0x1F1F0] =	vst v9;
	v29 =	vsub.f32 v4, v9;
	v21 =	vor.u32 $0x8, v12;
	v9 =	vmul.f32 v0, v0;
	v0 =	vld [tilespmem:$0x1ECC0]  }
0x462: {  	[tilespmem:$0x1F250] =	vst v11;
	v31 =	vsub.f32 v11, v13;
	v11 =	vld [tilespmem:$0x1ED00]  }
0x463: {  	v22 =	vld.idx.msk [tilespmem:v34+s17+$0x0], $0xffff;
	v47 =	vadd.f32 v20, v36;
	v20 =	vadd.f32 v20, v24  }
0x464: {  	[tilespmem:$0x1F090] =	vst v1;
	v1 =	vld [tilespmem:$0x1ECD0]  }
0x465: {  	v60 =	vld [tilespmem:s1+$0xD600];
	v9 =	vsub.f32 v20, v9;
	v20 =	vadd.f32 v30, v61  }
0x466: {  	v52 =	vsub.f32 v55, v48;
	v29 =	vmul.f32 v29, v29;
	v17 =	vadd.f32 v17, v0;
	v0 =	vld.idx.msk [tilespmem:v21+s17+$0x0], $0xffff  }
0x467: {  	v18 =	vld.idx.msk [tilespmem:v21+s18+$0x0], $0xffff;
	v11 =	vsub.f32 v20, v11  }
0x468: {  	v6 =	vadd.f32 v29, v6;
	v29 =	vsub.f32 v22, v54;
	v44 =	vld.idx.msk [tilespmem:v21+s19+$0x0], $0xffff;
	v24 =	vmul.f32 v52, v52  }
0x469: {  	[tilespmem:$0x1F930] =	vst v11;
	v11 =	vld [tilespmem:$0x1ED10]  }
0x46a: {  	v6 =	vadd.f32 v24, v6;
	v24 =	vmul.f32 v29, v29;
	v29 =	vmul.f32 v1, v1;
	v1 =	vld [tilespmem:$0x1ECE0]  }
0x46b: {  	v21 =	vsub.f32 v0, v60;
	v61 =	vmov v0;
	v0 =	vld [tilespmem:$0x1ED20];
	_ =	sdelay $0x2  }
0x46c: {  	[tilespmem:$0x1F170] =	vst v13;
	v13 =	vmul.f32 v11, v11  }
0x46d: {  	v56 =	vmul.f32 v1, v46;
	v1 =	vld [tilespmem:$0x1ECF0]  }
0x46e: {  	v13 =	vsub.f32 v0, v13;
	v0 =	vld [tilespmem:$0x1ED30];
	_ =	sdelay $0x3  }
0x46f: {  	v32 =	vld.idx.msk [tilespmem:v34+s19+$0x0], $0xffff  }
0x470: {  	v1 =	vsub.f32 v17, v1;
	v17 =	vmul.f32 v31, v31;
	v31 =	vmul.f32 v0, v0;
	v0 =	vld [tilespmem:$0x1ED40]  }
0x471: {  	[tilespmem:$0x1F240] =	vst v4;
	v4 =	vld [tilespmem:s22+$0x14600]  }
0x472: {  	v9 =	vadd.f32 v29, v9;
	[tilespmem:$0x1F120] =	vst v1;
	v1 =	vadd.f32 v24, v6  }
0x473: {  	v6 =	vadd.f32 v29, v47;
	v29 =	vadd.f32 v56, v59;
	_ =	sdelay $0x1  }
0x474: {  	v0 =	vsub.f32 v29, v0  }
0x475: {  	v19 =	vld [tilespmem:s1+$0x11600];
	v24 =	vsub.f32 v32, v4  }
0x476: {  	v30 =	vor.u32 $0x9, v12;
	[tilespmem:$0x1F950] =	vst v0;
	v0 =	vld [tilespmem:$0x1ED50]  }
0x477: {  	v17 =	vadd.f32 v17, v1;
	v20 =	vmul.f32 v24, v24  }
0x478: {  	v23 =	vld [tilespmem:s1+$0xD680]  }
0x479: {  	v11 =	vld [tilespmem:$0x1ED60];
	v17 =	vadd.f32 v20, v17;
	v20 =	vmul.f32 v21, v21  }
0x47a: {  	v1 =	vld [tilespmem:s1+$0x15600];
	v21 =	vsub.f32 v18, v19  }
0x47b: {  	[tilespmem:$0x1F070] =	vst v28;
	v28 =	vld.idx.msk [tilespmem:v30+s17+$0x0], $0xffff;
	v17 =	vadd.f32 v20, v17;
	v0 =	vmul.f32 v0, v0  }
0x47c: {  	v24 =	vld [tilespmem:s1+$0x11680];
	v20 =	vmul.f32 v21, v21;
	v21 =	vor.u32 $0xA, v12;
	v9 =	vsub.f32 v9, v31  }
0x47d: {  	[tilespmem:$0x1F260] =	vst v18;
	v18 =	vld.idx.msk [tilespmem:v30+s18+$0x0], $0xffff;
	v6 =	vadd.f32 v0, v6  }
0x47e: {  	v0 =	vadd.f32 v0, v9;
	v9 =	vadd.f32 v20, v17;
	v17 =	vmul.f32 v11, v11;
	v11 =	vld [tilespmem:$0x1ED70]  }
0x47f: {  	v43 =	vld [tilespmem:s1+$0xD700];
	v29 =	vsub.f32 v44, v1  }
0x480: {  	[tilespmem:$0x1F220] =	vst v19;
	v19 =	vld [tilespmem:s1+$0x15680]  }
0x481: {  	[tilespmem:$0x1F0F0] =	vst v23;
	v31 =	vsub.f32 v28, v23;
	v23 =	vld.idx.msk [tilespmem:v21+s17+$0x0], $0xffff;
	v29 =	vmul.f32 v29, v29  }
0x482: {  	[tilespmem:$0x1F100] =	vst v28;
	v13 =	vadd.f32 v14, v13;
	v28 =	vsub.f32 v18, v24;
	v20 =	vld.idx.msk [tilespmem:v30+s19+$0x0], $0xffff  }
0x483: {  	v14 =	vmul.f32 v31, v31;
	v9 =	vadd.f32 v29, v9;
	v30 =	vmul.f32 v11, v11;
	v11 =	vld [tilespmem:$0x1ED80]  }
0x484: {  	v0 =	vsub.f32 v0, v17;
	v17 =	vmul.f32 v16, v25  }
0x485: {  	v28 =	vmul.f32 v28, v28;
	v9 =	vadd.f32 v14, v9  }
0x486: {  	v17 =	vadd.f32 v17, v51  }
0x487: {  	v51 =	vmovc v23;
	v9 =	vadd.f32 v28, v9;
	v28 =	vsub.f32 v23, v43;
	v23 =	vmul.f32 v50, v10;
	v10 =	vld [tilespmem:$0x1EDB0]  }
0x488: {  	v16 =	vld.idx.msk [tilespmem:v21+s18+$0x0], $0xffff;
	v31 =	vsub.f32 v20, v19;
	v14 =	vmul.f32 v11, v11  }
0x489: {  	v11 =	vld [tilespmem:$0x1ED90]  }
0x48a: {  	v25 =	vsub.f32 v13, v14;
	v14 =	vld.idx.msk [tilespmem:v21+s19+$0x0], $0xffff;
	v21 =	vmul.f32 v31, v31;
	_ =	sdelay $0x1  }
0x48b: {  	v9 =	vadd.f32 v21, v9;
	v21 =	vmul.f32 v10, v10;
	v10 =	vld [tilespmem:$0x1EDC0];
	_ =	sdelay $0x2  }
0x48c: {  	v6 =	vadd.f32 v30, v6;
	v0 =	vadd.f32 v30, v0;
	v30 =	vmul.f32 v11, v11;
	v11 =	vld [tilespmem:$0x1EDA0];
	_ =	sdelay $0x1  }
0x48d: {  	v10 =	vsub.f32 v17, v10;
	_ =	sdelay $0x1  }
0x48e: {  	[tilespmem:$0x1F990] =	vst v10;
	v10 =	vld [tilespmem:$0x1EDD0]  }
0x48f: {  	v0 =	vsub.f32 v0, v30;
	v13 =	vmul.f32 v11, v11;
	_ =	sdelay $0x1  }
0x490: {  	[tilespmem:$0x1F290] =	vst v18;
	v18 =	vld [tilespmem:s1+$0x11700];
	v0 =	vadd.f32 v13, v0;
	_ =	sdelay $0x1  }
0x491: {  	v6 =	vadd.f32 v13, v6;
	v0 =	vsub.f32 v0, v21;
	v10 =	vmul.f32 v10, v10;
	_ =	sdelay $0x1  }
0x492: {  	v6 =	vadd.f32 v10, v6;
	v10 =	vadd.f32 v10, v0;
	v0 =	vld [tilespmem:$0x1EDE0]  }
0x493: {  	v28 =	vmul.f32 v28, v28;
	v30 =	vsub.f32 v16, v18;
	_ =	sdelay $0x1  }
0x494: {  	v29 =	vor.u32 $0xB, v12;
	v9 =	vadd.f32 v28, v9;
	v17 =	vmul.f32 v30, v30;
	_ =	sdelay $0x1  }
0x495: {  	v9 =	vadd.f32 v17, v9;
	v17 =	vmul.f32 v0, v0;
	v0 =	vld [tilespmem:$0x1EDF0]  }
0x496: {  	s23 =	sor.u32 $0x1180, s21;
	v46 =	vld [tilespmem:s1+$0x15700]  }
0x497: {  	v40 =	vld [tilespmem:s23+$0xC600]  }
0x498: {  	v41 =	vld.idx.msk [tilespmem:v29+s17+$0x0], $0xffff;
	_ =	sdelay $0x1  }
0x499: {  	v28 =	vmul.f32 v0, v0  }
0x49a: {  	v42 =	vld.idx.msk [tilespmem:v29+s19+$0x0], $0xffff;
	v7 =	vadd.f32 v7, v25;
	v25 =	vsub.f32 v14, v46  }
0x49b: {  	v23 =	vadd.f32 v23, v27;
	v27 =	vsub.f32 v10, v28;
	v10 =	vld [tilespmem:$0x1EE10]  }
0x49c: {  	v25 =	vmul.f32 v25, v25;
	v13 =	vld.idx.msk [tilespmem:v29+s18+$0x0], $0xffff;
	v29 =	vsub.f32 v41, v40;
	_ =	sdelay $0x1  }
0x49d: {  	[tilespmem:$0x1F2A0] =	vst v16;
	v16 =	vld [tilespmem:s23+$0x10600];
	v9 =	vadd.f32 v25, v9;
	v21 =	vor.u32 $0xC, v12;
	v25 =	vmul.f32 v29, v29  }
0x49e: {  	v11 =	vld [tilespmem:$0x1EE00]  }
0x49f: {  	v9 =	vadd.f32 v25, v9;
	v25 =	vmul.f32 v10, v10;
	v10 =	vld [tilespmem:$0x1EE20]  }
0x4a0: {  	v47 =	vld [tilespmem:s1+$0x11800]  }
0x4a1: {  	v0 =	vld [tilespmem:s23+$0x14600]  }
0x4a2: {  	v34 =	vld.idx.msk [tilespmem:v21+s17+$0x0], $0xffff  }
0x4a3: {  	[tilespmem:$0x1F2E0] =	vst v13;
	v7 =	vsub.f32 v7, v17;
	v28 =	vsub.f32 v13, v16;
	v13 =	vld.idx.msk [tilespmem:v21+s18+$0x0], $0xffff  }
0x4a4: {  	v17 =	vmul.f32 v11, v11;
	v11 =	vld [tilespmem:$0x1EE50];
	v10 =	vsub.f32 v23, v10  }
0x4a5: {  	v23 =	vadd.f32 v15, v7;
	v7 =	vld [tilespmem:$0x1EE30]  }
0x4a6: {  	v6 =	vadd.f32 v17, v6;
	v29 =	vsub.f32 v42, v0;
	[tilespmem:$0x1F9B0] =	vst v10;
	v10 =	vld [tilespmem:$0x1EE40]  }
0x4a7: {  	v17 =	vadd.f32 v17, v27;
	v27 =	vmul.f32 v28, v28;
	v28 =	vor.u32 $0xD, v12;
	v15 =	vld.idx.msk [tilespmem:v21+s19+$0x0], $0xffff  }
0x4a8: {  	[tilespmem:$0x1F2F0] =	vst v13;
	v21 =	vmul.f32 v29, v29;
	v29 =	vsub.f32 v13, v47;
	v13 =	vld [tilespmem:$0x1EE60]  }
0x4a9: {  	v9 =	vadd.f32 v27, v9;
	_ =	sdelay $0x1  }
0x4aa: {  	v9 =	vadd.f32 v21, v9;
	v21 =	vmul.f32 v10, v10  }
0x4ab: {  	v27 =	vmul.f32 v11, v11;
	v17 =	vsub.f32 v17, v25;
	v11 =	vld.idx.msk [tilespmem:v28+s17+$0x0], $0xffff;
	v30 =	vmul.f32 v7, v7  }
0x4ac: {  	v21 =	vsub.f32 v23, v21;
	v23 =	vmul.f32 v13, v13;
	v13 =	vld [tilespmem:$0x1EE70]  }
0x4ad: {  	v17 =	vadd.f32 v30, v17;
	v10 =	vld [tilespmem:s1+$0xD880];
	_ =	sdelay $0x1  }
0x4ae: {  	v6 =	vadd.f32 v30, v6;
	v17 =	vsub.f32 v17, v27  }
0x4af: {  	[tilespmem:$0x1F230] =	vst v24;
	v24 =	vld.idx.msk [tilespmem:v28+s18+$0x0], $0xffff  }
0x4b0: {  	v6 =	vadd.f32 v23, v6;
	v17 =	vadd.f32 v23, v17;
	v23 =	vmul.f32 v13, v13;
	v13 =	vld.idx.msk [tilespmem:v28+s19+$0x0], $0xffff  }
0x4b1: {  	[tilespmem:$0x1F2B0] =	vst v10;
	v28 =	vsub.f32 v11, v10;
	v10 =	vld [tilespmem:$0x1EE80]  }
0x4b2: {  	v25 =	vmul.f32 v26, v38;
	_ =	sdelay $0x1  }
0x4b3: {  	v25 =	vadd.f32 v25, v39;
	_ =	sdelay $0x1  }
0x4b4: {  	v10 =	vsub.f32 v25, v10  }
0x4b5: {  	v31 =	vld [tilespmem:s1+$0xD800]  }
0x4b6: {  	[tilespmem:$0x1F9E0] =	vst v10;
	v10 =	vld [tilespmem:$0x1EE90];
	_ =	sdelay $0x3  }
0x4b7: {  	v7 =	vld [tilespmem:s1+$0x15800]  }
0x4b8: {  	v26 =	vsub.f32 v34, v31;
	v21 =	vadd.f32 v10, v21;
	v10 =	vld [tilespmem:$0x1EEA0];
	_ =	sdelay $0x1  }
0x4b9: {  	v26 =	vmul.f32 v26, v26;
	_ =	sdelay $0x1  }
0x4ba: {  	v9 =	vadd.f32 v26, v9;
	v26 =	vmul.f32 v29, v29;
	v29 =	vsub.f32 v15, v7  }
0x4bb: {  	v25 =	vmul.f32 v10, v10;
	v10 =	vld [tilespmem:$0x1EEB0]  }
0x4bc: {  	v9 =	vadd.f32 v26, v9;
	v26 =	vmul.f32 v29, v29;
	_ =	sdelay $0x1  }
0x4bd: {  	v9 =	vadd.f32 v26, v9;
	v17 =	vsub.f32 v17, v23;
	v23 =	vmul.f32 v28, v28;
	_ =	sdelay $0x1  }
0x4be: {  	v9 =	vadd.f32 v23, v9;
	v23 =	vmul.f32 v10, v10;
	v10 =	vld [tilespmem:$0x1EEC0];
	_ =	sdelay $0x2  }
0x4bf: {  	v27 =	vor.u32 $0xE, v12  }
0x4c0: {  	v36 =	vld [tilespmem:s1+$0x11880]  }
0x4c1: {  	v28 =	vmul.f32 v10, v10;
	v10 =	vsub.f32 v21, v23  }
0x4c2: {  	[tilespmem:$0x1F280] =	vst v16;
	v16 =	vld [tilespmem:s1+$0xD900]  }
0x4c3: {  	[tilespmem:$0x1FDF0] =	vst v10;
	v10 =	vld [tilespmem:$0x1EEE0]  }
0x4c4: {  	[tilespmem:$0x1F2D0] =	vst v11;
	v11 =	vld.idx.msk [tilespmem:v27+s17+$0x0], $0xffff  }
0x4c5: {  	v52 =	vld [tilespmem:$0x1EED0];
	v26 =	vsub.f32 v24, v36  }
0x4c6: {  	v30 =	vld [tilespmem:s1+$0x15880]  }
0x4c7: {  	[tilespmem:$0x1F300] =	vst v24;
	v24 =	vld.idx.msk [tilespmem:v27+s18+$0x0], $0xffff;
	v26 =	vmul.f32 v26, v26  }
0x4c8: {  	v23 =	vmul.f32 v10, v10;
	v10 =	vld [tilespmem:$0x1EEF0]  }
0x4c9: {  	[tilespmem:$0x1F360] =	vst v11;
	v9 =	vadd.f32 v26, v9;
	v26 =	vsub.f32 v11, v16;
	v11 =	vld [tilespmem:$0x1EF00]  }
0x4ca: {  	[tilespmem:$0x1F310] =	vst v16;
	v16 =	vld [tilespmem:$0x1EF10]  }
0x4cb: {  	v3 =	vmul.f32 v3, v52;
	[tilespmem:$0x1F640] =	vst v13;
	v21 =	vsub.f32 v13, v30;
	v13 =	vld.idx.msk [tilespmem:v27+s19+$0x0], $0xffff  }
0x4cc: {  	v17 =	vadd.f32 v25, v17;
	v27 =	vld [tilespmem:s1+$0x15900]  }
0x4cd: {  	v29 =	vor.u32 $0xF, v12;
	v3 =	vadd.f32 v3, v10  }
0x4ce: {  	v38 =	vld [tilespmem:s1+$0x11900];
	v6 =	vadd.f32 v25, v6;
	v17 =	vsub.f32 v17, v28  }
0x4cf: {  	v3 =	vsub.f32 v3, v16;
	v16 =	vld [tilespmem:$0x1EF20]  }
0x4d0: {  	[tilespmem:$0x1F690] =	vst v13;
	v6 =	vadd.f32 v23, v6;
	v17 =	vadd.f32 v23, v17;
	v23 =	vmul.f32 v11, v11  }
0x4d1: {  	v21 =	vmul.f32 v21, v21;
	[tilespmem:$0x1F630] =	vst v27;
	v27 =	vsub.f32 v13, v27;
	v13 =	vld [tilespmem:$0x1EF40]  }
0x4d2: {  	s26 =	sor.u32 $0x1380, s20;
	[tilespmem:$0x1F270] =	vst v18;
	v18 =	vld.idx.msk [tilespmem:v29+s17+$0x0], $0xffff;
	v17 =	vsub.f32 v17, v23  }
0x4d3: {  	v11 =	vld [tilespmem:s26+$0xC600];
	v23 =	vsub.f32 v24, v38;
	[tilespmem:$0x1F5E0] =	vst v3;
	v3 =	vadd.f32 v21, v9;
	v9 =	vmul.f32 v26, v26  }
0x4d4: {  	v21 =	vmul.f32 v16, v16;
	v16 =	vld [tilespmem:$0x1EF30]  }
0x4d5: {  	v23 =	vmul.f32 v23, v23;
	v3 =	vadd.f32 v9, v3  }
0x4d6: {  	v6 =	vadd.f32 v21, v6;
	v17 =	vadd.f32 v21, v17;
	v21 =	vmul.f32 v13, v13;
	v13 =	vld [tilespmem:$0x1EF50]  }
0x4d7: {  	v39 =	vld [tilespmem:s1+$0xE600]  }
0x4d8: {  	[tilespmem:$0x1F340] =	vst v11;
	v3 =	vadd.f32 v23, v3;
	v23 =	vmul.f32 v27, v27;
	v27 =	vsub.f32 v18, v11;
	v11 =	vld [tilespmem:$0x1EF60]  }
0x4d9: {  	v9 =	vmul.f32 v53, v16  }
0x4da: {  	[tilespmem:$0x1F2C0] =	vst v36  }
0x4db: {  	[tilespmem:$0x1F320] =	vst v38;
	v25 =	vld [tilespmem:s26+$0x10600];
	v26 =	vor.u32 $0x10, v12;
	v9 =	vadd.f32 v9, v13  }
0x4dc: {  	[tilespmem:$0x1F390] =	vst v24;
	v24 =	vld.idx.msk [tilespmem:v29+s18+$0x0], $0xffff  }
0x4dd: {  	[tilespmem:$0x1F330] =	vst v39;
	v28 =	vld.idx.msk [tilespmem:v29+s19+$0x0], $0xffff;
	v9 =	vsub.f32 v9, v11  }
0x4de: {  	[tilespmem:$0x1F600] =	vst v30;
	v29 =	vld [tilespmem:s26+$0x14600]  }
0x4df: {  	[tilespmem:$0x1F610] =	vst v9;
	v9 =	vsub.f32 v17, v21;
	v17 =	vld [tilespmem:$0x1EF70]  }
0x4e0: {  	[tilespmem:$0x1F370] =	vst v18;
	v30 =	vld.idx.msk [tilespmem:v26+s17+$0x0], $0xffff  }
0x4e1: {  	[tilespmem:$0x1F3A0] =	vst v24;
	v3 =	vadd.f32 v23, v3;
	v23 =	vsub.f32 v24, v25;
	v24 =	vld.idx.msk [tilespmem:v26+s18+$0x0], $0xffff  }
0x4e2: {  	[tilespmem:$0x1F350] =	vst v25  }
0x4e3: {  	[tilespmem:$0x1F6C0] =	vst v28  }
0x4e4: {  	[tilespmem:$0x1F580] =	vst v29;
	v18 =	vld [tilespmem:$0x1EF80];
	v17 =	vmul.f32 v17, v17  }
0x4e5: {  	[tilespmem:$0x1F380] =	vst v30  }
0x4e6: {  	[tilespmem:$0x1F3B0] =	vst v24;
	v6 =	vadd.f32 v17, v6;
	v9 =	vadd.f32 v17, v9;
	v17 =	vmul.f32 v45, v45;
	v45 =	vld [tilespmem:s1+$0x12600]  }
0x4e7: {  	v21 =	vmul.f32 v27, v27;
	v35 =	vld [tilespmem:$0x1EF90];
	_ =	sdelay $0x1  }
0x4e8: {  	v3 =	vadd.f32 v21, v3;
	v21 =	vmul.f32 v23, v23;
	v23 =	vmul.f32 v18, v18;
	v18 =	vld [tilespmem:$0x1EFA0];
	_ =	sdelay $0x2  }
0x4e9: {  	v9 =	vsub.f32 v9, v17;
	v8 =	vmul.f32 v8, v35  }
0x4ea: {  	v6 =	vadd.f32 v23, v6  }
0x4eb: {  	v9 =	vadd.f32 v23, v9;
	v23 =	vadd.f32 v8, v18;
	_ =	sdelay $0x1  }
0x4ec: {  	v8 =	vsub.f32 v23, v58;
	_ =	sdelay $0x1  }
0x4ed: {  	v28 =	vsub.f32 v28, v29;
	[tilespmem:$0x1F6A0] =	vst v8;
	v8 =	vld [tilespmem:$0x1EFB0]  }
0x4ee: {  	v36 =	vld [tilespmem:$0x1EFC0]  }
0x4ef: {  	v3 =	vadd.f32 v21, v3;
	v17 =	vmul.f32 v28, v28  }
0x4f0: {  	v58 =	vld [tilespmem:$0x1EFD0]  }
0x4f1: {  	v3 =	vadd.f32 v17, v3;
	v17 =	vmul.f32 v37, v37  }
0x4f2: {  	v23 =	vmul.f32 v8, v8;
	v8 =	vld [tilespmem:$0x1EFE0]  }
0x4f3: {  	v9 =	vsub.f32 v9, v17;
	v17 =	vmul.f32 v62, v36;
	_ =	sdelay $0x1  }
0x4f4: {  	v17 =	vadd.f32 v17, v58  }
0x4f5: {  	v21 =	vsub.f32 v30, v39  }
0x4f6: {  	v29 =	vld.idx.msk [tilespmem:v26+s19+$0x0], $0xffff;
	v8 =	vsub.f32 v17, v8  }
0x4f7: {  	v21 =	vmul.f32 v21, v21;
	v37 =	vld [tilespmem:$0x1F000];
	v26 =	vsub.f32 v24, v45  }
0x4f8: {  	[tilespmem:$0x1F730] =	vst v8;
	v8 =	vld [tilespmem:$0x1EFF0]  }
0x4f9: {  	v3 =	vadd.f32 v21, v3;
	v21 =	vmul.f32 v26, v26;
	_ =	sdelay $0x1  }
0x4fa: {  	v62 =	vld [tilespmem:$0x1F010];
	v3 =	vadd.f32 v21, v3;
	v21 =	vmul.f32 v63, v63;
	v9 =	vadd.f32 v23, v9  }
0x4fb: {  	v27 =	vor.u32 $0x11, v12;
	v6 =	vadd.f32 v23, v6  }
0x4fc: {  	v9 =	vsub.f32 v9, v21;
	v21 =	vmul.f32 v5, v37;
	v5 =	vld [tilespmem:$0x1F020];
	v17 =	vmul.f32 v8, v8;
	_ =	sdelay $0x1  }
0x4fd: {  	v11 =	vld [tilespmem:s1+$0x16600];
	v6 =	vadd.f32 v17, v6  }
0x4fe: {  	v25 =	vld [tilespmem:s1+$0xE680];
	v9 =	vadd.f32 v17, v9;
	v17 =	vadd.f32 v21, v62  }
0x4ff: {  	v28 =	vld.idx.msk [tilespmem:v27+s17+$0x0], $0xffff  }
0x500: {  	v23 =	vor.u32 $0x12, v12;
	v21 =	vmul.f32 v5, v5;
	v5 =	vsub.f32 v17, v57  }
0x501: {  	v30 =	vld.idx.msk [tilespmem:v27+s18+$0x0], $0xffff  }
0x502: {  	[tilespmem:$0x1F7E0] =	vst v5;
	v5 =	vld [tilespmem:$0x1F030]  }
0x503: {  	[tilespmem:$0x1F670] =	vst v11;
	v26 =	vsub.f32 v29, v11;
	v11 =	vld.idx.msk [tilespmem:v27+s19+$0x0], $0xffff  }
0x504: {  	[tilespmem:$0x1F3D0] =	vst v25;
	v27 =	vsub.f32 v28, v25;
	v25 =	vld [tilespmem:s1+$0xE700]  }
0x505: {  	v8 =	vld.idx.msk [tilespmem:v23+s17+$0x0], $0xffff  }
0x506: {  	v56 =	vld [tilespmem:s1+$0x12680]  }
0x507: {  	v5 =	vmul.f32 v5, v5  }
0x508: {  	v9 =	vsub.f32 v9, v21  }
0x509: {  	v24 =	vld [tilespmem:s1+$0x16680];
	v26 =	vmul.f32 v26, v26;
	v6 =	vadd.f32 v5, v6  }
0x50a: {  	[tilespmem:$0x1F400] =	vst v8;
	v5 =	vadd.f32 v5, v9;
	v9 =	vsub.f32 v8, v25;
	v8 =	vld [tilespmem:$0x1F040]  }
0x50b: {  	[tilespmem:$0x1F3F0] =	vst v28;
	v28 =	vsub.f32 v30, v56;
	v27 =	vmul.f32 v27, v27;
	v3 =	vadd.f32 v26, v3;
	_ =	sdelay $0x1  }
0x50c: {  	v3 =	vadd.f32 v27, v3;
	v27 =	vmul.f32 v28, v28;
	v28 =	vld.idx.msk [tilespmem:v23+s18+$0x0], $0xffff  }
0x50d: {  	[tilespmem:$0x1F770] =	vst v11;
	v17 =	vsub.f32 v11, v24;
	v11 =	vld.idx.msk [tilespmem:v23+s19+$0x0], $0xffff  }
0x50e: {  	v23 =	vmul.f32 v8, v8;
	v8 =	vld [tilespmem:$0x1F060];
	_ =	sdelay $0x2  }
0x50f: {  	[tilespmem:$0x1F3C0] =	vst v25;
	v25 =	vld [tilespmem:$0x1F050]  }
0x510: {  	v53 =	vld [tilespmem:s1+$0x12700]  }
0x511: {  	v3 =	vadd.f32 v27, v3;
	v27 =	vmul.f32 v8, v8;
	v8 =	vld [tilespmem:$0x1F070]  }
0x512: {  	v2 =	vmul.f32 v2, v49  }
0x513: {  	v17 =	vmul.f32 v17, v17  }
0x514: {  	v2 =	vadd.f32 v2, v25  }
0x515: {  	v26 =	vld [tilespmem:s1+$0x16700];
	v3 =	vadd.f32 v17, v3;
	v9 =	vmul.f32 v9, v9  }
0x516: {  	[tilespmem:$0x1F430] =	vst v28;
	v28 =	vsub.f32 v28, v53;
	v2 =	vsub.f32 v2, v8  }
0x517: {  	v3 =	vadd.f32 v9, v3  }
0x518: {  	v8 =	vld [tilespmem:$0x1F080];
	[tilespmem:$0x1F860] =	vst v2;
	v2 =	vsub.f32 v5, v23;
	v5 =	vadd.f32 v27, v6;
	v6 =	vmul.f32 v28, v28;
	_ =	sdelay $0x1  }
0x519: {  	[tilespmem:$0x1F7A0] =	vst v11;
	v3 =	vadd.f32 v6, v3;
	v6 =	vsub.f32 v11, v26;
	v11 =	vld [tilespmem:$0x1F090];
	_ =	sdelay $0x1  }
0x51a: {  	v2 =	vadd.f32 v27, v2;
	v27 =	vmul.f32 v4, v54;
	v4 =	vld [tilespmem:$0x1F0A0]  }
0x51b: {  	v9 =	vmul.f32 v48, v8;
	_ =	sdelay $0x1  }
0x51c: {  	v9 =	vadd.f32 v9, v11;
	_ =	sdelay $0x1  }
0x51d: {  	v27 =	vadd.f32 v27, v22;
	v28 =	vmul.f32 v4, v4;
	v4 =	vsub.f32 v9, v55;
	_ =	sdelay $0x1  }
0x51e: {  	[tilespmem:$0x1FA50] =	vst v4;
	v4 =	vsub.f32 v27, v32;
	_ =	sdelay $0x1  }
0x51f: {  	[tilespmem:$0x1FA60] =	vst v4;
	v4 =	vld [tilespmem:$0x1F0B0];
	_ =	sdelay $0x1  }
0x520: {  	s28 =	sor.u32 $0x2180, s21;
	v21 =	vor.u32 $0x13, v12  }
0x521: {  	v38 =	vld [tilespmem:s28+$0x10600]  }
0x522: {  	v33 =	vld [tilespmem:$0x1F0F0]  }
0x523: {  	v9 =	vmul.f32 v4, v4;
	v4 =	vld [tilespmem:$0x1F0C0]  }
0x524: {  	[tilespmem:$0x1F4B0] =	vst v24;
	v24 =	vld [tilespmem:s28+$0xC600]  }
0x525: {  	v17 =	vld.idx.msk [tilespmem:v21+s17+$0x0], $0xffff  }
0x526: {  	v50 =	vld.idx.msk [tilespmem:v21+s18+$0x0], $0xffff;
	v2 =	vsub.f32 v2, v28  }
0x527: {  	[tilespmem:$0x1F6F0] =	vst v29;
	v29 =	vor.u32 $0x14, v12;
	v48 =	vld [tilespmem:s28+$0x14600]  }
0x528: {  	v5 =	vadd.f32 v9, v5;
	v2 =	vadd.f32 v9, v2;
	v9 =	vmul.f32 v4, v4;
	v4 =	vld [tilespmem:$0x1F0D0]  }
0x529: {  	v59 =	vmov v22;
	v1 =	vmul.f32 v1, v60;
	v22 =	vld.idx.msk [tilespmem:v21+s19+$0x0], $0xffff  }
0x52a: {  	[tilespmem:$0x1F6E0] =	vst v26;
	v23 =	vld [tilespmem:s1+$0x12800];
	v6 =	vmul.f32 v6, v6;
	v21 =	vsub.f32 v17, v24  }
0x52b: {  	v1 =	vadd.f32 v1, v61;
	[tilespmem:$0x1F3E0] =	vst v24;
	v26 =	vld [tilespmem:s1+$0xE800]  }
0x52c: {  	v24 =	vld.idx.msk [tilespmem:v29+s17+$0x0], $0xffff;
	v3 =	vadd.f32 v6, v3;
	v6 =	vmul.f32 v21, v21;
	v21 =	vsub.f32 v50, v38  }
0x52d: {  	v1 =	vsub.f32 v1, v44;
	[tilespmem:$0x1F410] =	vst v17;
	v2 =	vsub.f32 v2, v9;
	v9 =	vmul.f32 v4, v4;
	v4 =	vld [tilespmem:$0x1F0E0]  }
0x52e: {  	v17 =	vld.idx.msk [tilespmem:v29+s18+$0x0], $0xffff;
	v3 =	vadd.f32 v6, v3;
	v21 =	vmul.f32 v21, v21;
	v32 =	vsub.f32 v22, v48  }
0x52f: {  	v28 =	vld [tilespmem:s1+$0x16800];
	v27 =	vor.u32 $0x15, v12  }
0x530: {  	[tilespmem:$0x1FA70] =	vst v1;
	v1 =	vadd.f32 v21, v3;
	v3 =	vadd.f32 v9, v5;
	v5 =	vmul.f32 v32, v32;
	v32 =	vld [tilespmem:$0x1F100]  }
0x531: {  	[tilespmem:$0x1F7B0] =	vst v22;
	v22 =	vld.idx.msk [tilespmem:v29+s19+$0x0], $0xffff  }
0x532: {  	v21 =	vsub.f32 v24, v26;
	v2 =	vadd.f32 v9, v2;
	v9 =	vmul.f32 v4, v4;
	v4 =	vld [tilespmem:$0x1F110]  }
0x533: {  	[tilespmem:$0x1F460] =	vst v24;
	v24 =	vld [tilespmem:s1+$0xE880];
	v29 =	vmul.f32 v19, v33  }
0x534: {  	v19 =	vld.idx.msk [tilespmem:v27+s17+$0x0], $0xffff;
	v1 =	vadd.f32 v5, v1;
	v5 =	vmul.f32 v21, v21;
	v21 =	vsub.f32 v17, v23  }
0x535: {  	v2 =	vsub.f32 v2, v9;
	v9 =	vadd.f32 v29, v32  }
0x536: {  	v0 =	vmul.f32 v0, v40;
	v1 =	vadd.f32 v5, v1;
	v21 =	vmul.f32 v21, v21  }
0x537: {  	v5 =	vmul.f32 v4, v4;
	v4 =	vsub.f32 v9, v20;
	v9 =	vsub.f32 v22, v28  }
0x538: {  	v0 =	vadd.f32 v0, v41;
	v63 =	vld.idx.msk [tilespmem:v27+s18+$0x0], $0xffff;
	v1 =	vadd.f32 v21, v1  }
0x539: {  	[tilespmem:$0x1FAC0] =	vst v4;
	v4 =	vld.idx.msk [tilespmem:v27+s19+$0x0], $0xffff;
	v9 =	vmul.f32 v9, v9;
	v27 =	vsub.f32 v19, v24;
	_ =	sdelay $0x1  }
0x53a: {  	v0 =	vsub.f32 v0, v42;
	v1 =	vadd.f32 v9, v1;
	v27 =	vmul.f32 v27, v27;
	_ =	sdelay $0x1  }
0x53b: {  	[tilespmem:$0x1FB00] =	vst v0;
	v0 =	vadd.f32 v27, v1;
	v1 =	vld [tilespmem:$0x1F120];
	_ =	sdelay $0x3  }
0x53c: {  	v55 =	vld [tilespmem:s1+$0x12880];
	v21 =	vadd.f32 v5, v3  }
0x53d: {  	v3 =	vmul.f32 v46, v43;
	v2 =	vadd.f32 v5, v2;
	v1 =	vmul.f32 v1, v1  }
0x53e: {  	v20 =	vor.u32 $0x16, v12  }
0x53f: {  	v5 =	vadd.f32 v3, v51;
	v1 =	vsub.f32 v2, v1;
	v2 =	vld [tilespmem:$0x1F130]  }
0x540: {  	[tilespmem:$0x1F470] =	vst v19;
	v19 =	vld [tilespmem:s1+$0x16880]  }
0x541: {  	[tilespmem:$0x1F760] =	vst v28;
	v28 =	vld [tilespmem:s1+$0xE900];
	v3 =	vsub.f32 v5, v14;
	v5 =	vsub.f32 v63, v55  }
0x542: {  	v46 =	vld [tilespmem:s1+$0x12900]  }
0x543: {  	v57 =	vld.idx.msk [tilespmem:v20+s17+$0x0], $0xffff;
	v5 =	vmul.f32 v5, v5  }
0x544: {  	v7 =	vmul.f32 v7, v31;
	[tilespmem:$0x1F420] =	vst v30;
	v30 =	vld.idx.msk [tilespmem:v20+s18+$0x0], $0xffff;
	v2 =	vmul.f32 v2, v2  }
0x545: {  	v9 =	vld.idx.msk [tilespmem:v20+s19+$0x0], $0xffff;
	v20 =	vsub.f32 v4, v19;
	v0 =	vadd.f32 v5, v0  }
0x546: {  	v5 =	vadd.f32 v7, v34;
	v1 =	vadd.f32 v2, v1  }
0x547: {  	v7 =	vmul.f32 v20, v20  }
0x548: {  	v20 =	vsub.f32 v57, v28;
	[tilespmem:$0x1FCC0] =	vst v1;
	v1 =	vsub.f32 v5, v15  }
0x549: {  	[tilespmem:$0x1F820] =	vst v4;
	v0 =	vadd.f32 v7, v0  }
0x54a: {  	v4 =	vadd.f32 v2, v21;
	v2 =	vsub.f32 v30, v46;
	[tilespmem:$0x1FC00] =	vst v1;
	v1 =	vmul.f32 v20, v20;
	_ =	sdelay $0x1  }
0x54b: {  	v0 =	vadd.f32 v1, v0;
	v1 =	vmul.f32 v2, v2;
	_ =	sdelay $0x1  }
0x54c: {  	v0 =	vadd.f32 v1, v0;
	v1 =	vld [tilespmem:$0x1F170]  }
0x54d: {  	[tilespmem:$0x1FAE0] =	vst v3;
	v3 =	vld [tilespmem:$0x1F140];
	_ =	sdelay $0x3  }
0x54e: {  	v29 =	vmul.f32 v1, v54;
	v1 =	vld [tilespmem:$0x1F180]  }
0x54f: {  	v15 =	vmul.f32 v3, v52;
	_ =	sdelay $0x1  }
0x550: {  	v15 =	vadd.f32 v15, v10;
	_ =	sdelay $0x1  }
0x551: {  	v1 =	vsub.f32 v15, v1;
	_ =	sdelay $0x1  }
0x552: {  	[tilespmem:$0x1F560] =	vst v1;
	v1 =	vld [tilespmem:$0x1F190]  }
0x553: {  	v44 =	vld [tilespmem:s1+$0x16900];
	_ =	sdelay $0x3  }
0x554: {  	v36 =	vmul.f32 v1, v36;
	v1 =	vld [tilespmem:$0x1F1A0]  }
0x555: {  	v3 =	vld [tilespmem:$0x1F150];
	v2 =	vsub.f32 v9, v44;
	_ =	sdelay $0x1  }
0x556: {  	v2 =	vmul.f32 v2, v2;
	_ =	sdelay $0x1  }
0x557: {  	v0 =	vadd.f32 v2, v0;
	v2 =	vmul.f32 v1, v49;
	v1 =	vld [tilespmem:$0x1F1B0]  }
0x558: {  	v20 =	vmul.f32 v3, v16;
	_ =	sdelay $0x1  }
0x559: {  	v21 =	vadd.f32 v20, v13;
	_ =	sdelay $0x1  }
0x55a: {  	v1 =	vsub.f32 v21, v1;
	_ =	sdelay $0x1  }
0x55b: {  	[tilespmem:$0x1F570] =	vst v1;
	v1 =	vld [tilespmem:$0x1F1C0];
	_ =	sdelay $0x1  }
0x55c: {  	v14 =	vor.u32 $0x17, v12  }
0x55d: {  	v27 =	vor.u32 $0x18, v12  }
0x55e: {  	s23 =	sor.u32 $0x2380, s20;
	[tilespmem:$0x1F4E0] =	vst v4;
	v4 =	vld [tilespmem:$0x1F200]  }
0x55f: {  	v39 =	vld [tilespmem:s23+$0xC600];
	v1 =	vmul.f32 v1, v37  }
0x560: {  	[tilespmem:$0x1F810] =	vst v22;
	v22 =	vld [tilespmem:s23+$0x10600]  }
0x561: {  	v6 =	vmov v61;
	v61 =	vld.idx.msk [tilespmem:v14+s17+$0x0], $0xffff;
	v1 =	vadd.f32 v1, v62  }
0x562: {  	[tilespmem:$0x1F440] =	vst v26;
	v26 =	vld.idx.msk [tilespmem:v27+s18+$0x0], $0xffff  }
0x563: {  	v3 =	vld [tilespmem:$0x1F160];
	v1 =	vsub.f32 v1, v4  }
0x564: {  	v52 =	vld.idx.msk [tilespmem:v14+s18+$0x0], $0xffff  }
0x565: {  	[tilespmem:$0x1F5D0] =	vst v1;
	v1 =	vld [tilespmem:$0x1F210]  }
0x566: {  	v5 =	vld.idx.msk [tilespmem:v14+s19+$0x0], $0xffff  }
0x567: {  	v16 =	vld [tilespmem:s23+$0x14600];
	v15 =	vsub.f32 v61, v39  }
0x568: {  	v14 =	vmul.f32 v3, v35;
	v3 =	vld [tilespmem:$0x1F1D0];
	v2 =	vadd.f32 v2, v25  }
0x569: {  	v20 =	vld.idx.msk [tilespmem:v27+s19+$0x0], $0xffff;
	v54 =	vsub.f32 v52, v22;
	v15 =	vmul.f32 v15, v15  }
0x56a: {  	v1 =	vsub.f32 v2, v1;
	v2 =	vld [tilespmem:$0x1F220]  }
0x56b: {  	v14 =	vadd.f32 v14, v18;
	v18 =	vld.idx.msk [tilespmem:v27+s17+$0x0], $0xffff;
	v27 =	vmul.f32 v54, v54;
	v0 =	vadd.f32 v15, v0;
	_ =	sdelay $0x1  }
0x56c: {  	v3 =	vsub.f32 v14, v3;
	v14 =	vadd.f32 v27, v0;
	v0 =	vld [tilespmem:$0x1F1F0];
	_ =	sdelay $0x1  }
0x56d: {  	v37 =	vmul.f32 v2, v60  }
0x56e: {  	[tilespmem:$0x1F8F0] =	vst v5;
	v35 =	vsub.f32 v5, v16;
	v5 =	vld [tilespmem:$0x1F240]  }
0x56f: {  	v54 =	vadd.f32 v37, v6;
	v6 =	vld [tilespmem:$0x1F250]  }
0x570: {  	v21 =	vadd.f32 v36, v58;
	v36 =	vmul.f32 v0, v8;
	_ =	sdelay $0x1  }
0x571: {  	v29 =	vadd.f32 v29, v59;
	v58 =	vadd.f32 v36, v11;
	_ =	sdelay $0x1  }
0x572: {  	v49 =	vsub.f32 v58, v5;
	v58 =	vsub.f32 v29, v6;
	v6 =	vld [tilespmem:$0x1F260]  }
0x573: {  	[tilespmem:$0x1F720] =	vst v48;
	v48 =	vor.u32 $0x19, v12;
	_ =	sdelay $0x3  }
0x574: {  	v6 =	vsub.f32 v54, v6  }
0x575: {  	v42 =	vld.idx.msk [tilespmem:v48+s17+$0x0], $0xffff  }
0x576: {  	[tilespmem:$0x1F650] =	vst v6;
	v6 =	vld [tilespmem:$0x1F270]  }
0x577: {  	[tilespmem:$0x1F790] =	vst v19;
	v19 =	vld.idx.msk [tilespmem:v48+s18+$0x0], $0xffff  }
0x578: {  	v7 =	vld [tilespmem:s1+$0xF600]  }
0x579: {  	[tilespmem:$0x1F5A0] =	vst v3;
	v3 =	vld [tilespmem:$0x1F1E0]  }
0x57a: {  	v8 =	vld.idx.msk [tilespmem:v48+s19+$0x0], $0xffff  }
0x57b: {  	v48 =	vmul.f32 v6, v43;
	v6 =	vld [tilespmem:$0x1F280]  }
0x57c: {  	v4 =	vld [tilespmem:$0x1F230]  }
0x57d: {  	v13 =	vld [tilespmem:s1+$0x13600];
	_ =	sdelay $0x1  }
0x57e: {  	v10 =	vld [tilespmem:s1+$0x17600];
	v27 =	vsub.f32 v18, v7  }
0x57f: {  	v3 =	vsub.f32 v21, v3;
	v21 =	vmul.f32 v35, v35;
	v40 =	vmul.f32 v6, v40;
	v6 =	vld [tilespmem:$0x1F290]  }
0x580: {  	[tilespmem:$0x1F840] =	vst v9;
	v4 =	vmul.f32 v4, v33  }
0x581: {  	v9 =	vld [tilespmem:s1+$0xF680];
	v0 =	vmul.f32 v27, v27;
	[tilespmem:$0x1F5C0] =	vst v3;
	v14 =	vadd.f32 v21, v14;
	v3 =	vsub.f32 v26, v13  }
0x582: {  	v4 =	vadd.f32 v4, v32;
	[tilespmem:$0x1F5F0] =	vst v1;
	v1 =	vor.u32 $0x1A, v12  }
0x583: {  	v15 =	vld [tilespmem:s1+$0x13680];
	v14 =	vadd.f32 v0, v14;
	v3 =	vmul.f32 v3, v3;
	v0 =	vsub.f32 v20, v10  }
0x584: {  	v11 =	vld [tilespmem:s1+$0x17680];
	v4 =	vsub.f32 v4, v6  }
0x585: {  	v5 =	vld [tilespmem:s1+$0xF700];
	v3 =	vadd.f32 v3, v14;
	v2 =	vmul.f32 v0, v0  }
0x586: {  	v0 =	vsub.f32 v42, v9;
	[tilespmem:$0x1F680] =	vst v4;
	v4 =	vld [tilespmem:$0x1F2A0]  }
0x587: {  	[tilespmem:$0x1F900] =	vst v20;
	v2 =	vadd.f32 v2, v3;
	v20 =	vld.idx.msk [tilespmem:v1+s17+$0x0], $0xffff  }
0x588: {  	v0 =	vmul.f32 v0, v0;
	v3 =	vmul.f32 v47, v31;
	v31 =	vsub.f32 v19, v15;
	v14 =	vld.idx.msk [tilespmem:v1+s18+$0x0], $0xffff  }
0x589: {  	v29 =	vld [tilespmem:s1+$0x13700];
	v47 =	vadd.f32 v48, v51  }
0x58a: {  	v2 =	vadd.f32 v0, v2;
	v31 =	vmul.f32 v31, v31;
	v0 =	vsub.f32 v8, v11  }
0x58b: {  	v36 =	vld [tilespmem:$0x1F2B0];
	v4 =	vsub.f32 v47, v4  }
0x58c: {  	v2 =	vadd.f32 v31, v2;
	v0 =	vmul.f32 v0, v0;
	v6 =	vld.idx.msk [tilespmem:v1+s19+$0x0], $0xffff;
	v1 =	vsub.f32 v20, v5  }
0x58d: {  	[tilespmem:$0x1F6D0] =	vst v4;
	v4 =	vld [tilespmem:$0x1F2C0]  }
0x58e: {  	v0 =	vadd.f32 v0, v2;
	v2 =	vsub.f32 v14, v29;
	v1 =	vmul.f32 v1, v1;
	_ =	sdelay $0x1  }
0x58f: {  	v54 =	vor.u32 $0x1B, v12;
	v0 =	vadd.f32 v1, v0;
	v1 =	vmul.f32 v2, v2;
	v2 =	vld [tilespmem:$0x1F2F0]  }
0x590: {  	[tilespmem:$0x1F450] =	vst v24;
	v24 =	vld [tilespmem:$0x1F340]  }
0x591: {  	v51 =	vmul.f32 v4, v36;
	v4 =	vld [tilespmem:$0x1F2E0]  }
0x592: {  	v62 =	vld [tilespmem:$0x1F2D0];
	v3 =	vadd.f32 v3, v34  }
0x593: {  	v31 =	vadd.f32 v40, v41;
	v41 =	vld [tilespmem:s1+$0x17700]  }
0x594: {  	[tilespmem:$0x1F980] =	vst v8;
	v8 =	vld.idx.msk [tilespmem:v54+s17+$0x0], $0xffff;
	v2 =	vsub.f32 v3, v2  }
0x595: {  	[tilespmem:$0x1F480] =	vst v17;
	v17 =	vld.idx.msk [tilespmem:v54+s18+$0x0], $0xffff  }
0x596: {  	[tilespmem:$0x1F740] =	vst v2;
	v2 =	vld [tilespmem:$0x1F300];
	v4 =	vsub.f32 v31, v4  }
0x597: {  	v27 =	vld.idx.msk [tilespmem:v54+s19+$0x0], $0xffff  }
0x598: {  	[tilespmem:$0x1F700] =	vst v4;
	v4 =	vadd.f32 v1, v0;
	v1 =	vsub.f32 v6, v41;
	v0 =	vld [tilespmem:$0x1F350]  }
0x599: {  	v54 =	vld [tilespmem:$0x1F370];
	v59 =	vadd.f32 v51, v62  }
0x59a: {  	v31 =	vld [tilespmem:$0x1F330];
	v1 =	vmul.f32 v1, v1  }
0x59b: {  	v48 =	vld [tilespmem:$0x1F310];
	v2 =	vsub.f32 v59, v2  }
0x59c: {  	v1 =	vadd.f32 v1, v4;
	v4 =	vld [tilespmem:$0x1F3A0]  }
0x59d: {  	[tilespmem:$0x1F780] =	vst v2;
	v2 =	vld [tilespmem:$0x1F320];
	v25 =	vmul.f32 v0, v24  }
0x59e: {  	v21 =	vld [tilespmem:$0x1F390]  }
0x59f: {  	s21 =	sor.u32 $0x3180, s21;
	v3 =	vmul.f32 v45, v31;
	v45 =	vld [tilespmem:$0x1F360];
	v0 =	vadd.f32 v25, v54  }
0x5a0: {  	v43 =	vld [tilespmem:s21+$0xC600]  }
0x5a1: {  	v59 =	vld [tilespmem:$0x1F380];
	v0 =	vsub.f32 v0, v4  }
0x5a2: {  	v2 =	vmul.f32 v2, v48  }
0x5a3: {  	[tilespmem:$0x1F7F0] =	vst v0;
	v0 =	vld [tilespmem:$0x1F3B0]  }
0x5a4: {  	v2 =	vadd.f32 v2, v45  }
0x5a5: {  	v37 =	vsub.f32 v8, v43;
	v40 =	vld [tilespmem:$0x1F3D0]  }
0x5a6: {  	v3 =	vadd.f32 v3, v59;
	v2 =	vsub.f32 v2, v21;
	_ =	sdelay $0x1  }
0x5a7: {  	[tilespmem:$0x1F7D0] =	vst v2;
	v2 =	vmul.f32 v37, v37;
	v0 =	vsub.f32 v3, v0  }
0x5a8: {  	v35 =	vld [tilespmem:$0x1F410]  }
0x5a9: {  	[tilespmem:$0x1F830] =	vst v0;
	v0 =	vadd.f32 v2, v1;
	v2 =	vmul.f32 v56, v40;
	v56 =	vld [tilespmem:$0x1F3F0]  }
0x5aa: {  	v25 =	vld [tilespmem:$0x1F420]  }
0x5ab: {  	v21 =	vld [tilespmem:$0x1F3C0]  }
0x5ac: {  	v33 =	vld [tilespmem:$0x1F3E0];
	v60 =	vor.u32 $0x1C, v12  }
0x5ad: {  	v47 =	vld [tilespmem:s1+$0xF800]  }
0x5ae: {  	v37 =	vld [tilespmem:s21+$0x14600];
	v2 =	vadd.f32 v2, v56  }
0x5af: {  	[tilespmem:$0x1FBB0] =	vst v6;
	v6 =	vld [tilespmem:s21+$0x10600]  }
0x5b0: {  	v1 =	vmul.f32 v53, v21;
	v53 =	vld [tilespmem:$0x1F400];
	v2 =	vsub.f32 v2, v25  }
0x5b1: {  	[tilespmem:$0x1FC40] =	vst v27;
	v51 =	vld.idx.msk [tilespmem:v60+s17+$0x0], $0xffff;
	v3 =	vmul.f32 v10, v7  }
0x5b2: {  	[tilespmem:$0x1F880] =	vst v2;
	v2 =	vld [tilespmem:$0x1F430]  }
0x5b3: {  	v10 =	vsub.f32 v27, v37;
	v27 =	vld.idx.msk [tilespmem:v60+s19+$0x0], $0xffff;
	[tilespmem:$0x1F8B0] =	vst v3;
	v3 =	vmul.f32 v38, v33  }
0x5b4: {  	v4 =	vsub.f32 v17, v6;
	v38 =	vld.idx.msk [tilespmem:v60+s18+$0x0], $0xffff  }
0x5b5: {  	v60 =	vld [tilespmem:$0x1F450];
	v3 =	vadd.f32 v3, v35;
	v1 =	vadd.f32 v1, v53  }
0x5b6: {  	v25 =	vld [tilespmem:$0x1F470]  }
0x5b7: {  	v4 =	vmul.f32 v4, v4;
	v1 =	vsub.f32 v1, v2;
	v2 =	vsub.f32 v3, v50;
	v50 =	vld [tilespmem:$0x1F440]  }
0x5b8: {  	v7 =	vmul.f32 v13, v7  }
0x5b9: {  	v32 =	vld [tilespmem:$0x1F460];
	v0 =	vadd.f32 v4, v0;
	v4 =	vsub.f32 v51, v47;
	[tilespmem:$0x1F920] =	vst v2;
	v2 =	vmul.f32 v10, v10  }
0x5ba: {  	v13 =	vld [tilespmem:s1+$0x13800];
	v3 =	vmul.f32 v16, v39;
	v10 =	vmul.f32 v55, v60  }
0x5bb: {  	v4 =	vmul.f32 v4, v4;
	[tilespmem:$0x1F8C0] =	vst v1;
	v0 =	vadd.f32 v2, v0;
	v2 =	vmul.f32 v46, v28;
	v46 =	vld [tilespmem:$0x1F480]  }
0x5bc: {  	v1 =	vor.u32 $0x1D, v12;
	[tilespmem:$0x1F8A0] =	vst v3;
	v10 =	vadd.f32 v10, v25;
	v3 =	vmul.f32 v23, v50  }
0x5bd: {  	v2 =	vadd.f32 v2, v57;
	v0 =	vadd.f32 v4, v0  }
0x5be: {  	v34 =	vld [tilespmem:s1+$0x17800];
	v4 =	vsub.f32 v10, v63;
	v3 =	vadd.f32 v3, v32  }
0x5bf: {  	v16 =	vsub.f32 v38, v13;
	v2 =	vsub.f32 v2, v30  }
0x5c0: {  	v55 =	vld [tilespmem:s1+$0xF880];
	v10 =	vmul.f32 v41, v5;
	v5 =	vmul.f32 v29, v5;
	[tilespmem:$0x1FA10] =	vst v4;
	v3 =	vsub.f32 v3, v46  }
0x5c1: {  	v23 =	vld.idx.msk [tilespmem:v1+s17+$0x0], $0xffff;
	[tilespmem:$0x1FAA0] =	vst v2;
	v2 =	vmul.f32 v11, v9  }
0x5c2: {  	v5 =	vadd.f32 v5, v20;
	[tilespmem:$0x1F970] =	vst v3;
	v3 =	vmul.f32 v16, v16  }
0x5c3: {  	v7 =	vadd.f32 v7, v18;
	v4 =	vmul.f32 v15, v9;
	v9 =	vsub.f32 v27, v34;
	[tilespmem:$0x1F910] =	vst v2;
	v2 =	vld [tilespmem:s1+$0x13880]  }
0x5c4: {  	v5 =	vsub.f32 v5, v14;
	v0 =	vadd.f32 v3, v0;
	v3 =	vld.idx.msk [tilespmem:v1+s18+$0x0], $0xffff  }
0x5c5: {  	v16 =	vld.idx.msk [tilespmem:v1+s19+$0x0], $0xffff;
	v1 =	vmul.f32 v9, v9  }
0x5c6: {  	v7 =	vsub.f32 v7, v26;
	v15 =	vsub.f32 v23, v55;
	[tilespmem:$0x1FB90] =	vst v5;
	v5 =	vld [tilespmem:$0x1F4A0]  }
0x5c7: {  	v0 =	vadd.f32 v1, v0;
	v1 =	vadd.f32 v4, v42;
	_ =	sdelay $0x1  }
0x5c8: {  	[tilespmem:$0x1FB50] =	vst v7;
	v4 =	vmul.f32 v15, v15;
	v1 =	vsub.f32 v1, v19;
	v7 =	vsub.f32 v3, v2;
	_ =	sdelay $0x1  }
0x5c9: {  	v14 =	vmul.f32 v5, v5;
	[tilespmem:$0x1FB60] =	vst v1;
	v1 =	vadd.f32 v4, v0;
	v5 =	vmul.f32 v7, v7;
	_ =	sdelay $0x1  }
0x5ca: {  	v1 =	vadd.f32 v5, v1;
	v5 =	vld [tilespmem:$0x1F4E0];
	_ =	sdelay $0x3  }
0x5cb: {  	v46 =	vld [tilespmem:s1+$0x17880];
	v4 =	vmul.f32 v6, v43  }
0x5cc: {  	[tilespmem:$0x1F4D0] =	vst v14;
	v5 =	vadd.f32 v14, v5;
	v14 =	vld [tilespmem:$0x1F4F0]  }
0x5cd: {  	[tilespmem:$0x1FB40] =	vst v8;
	v4 =	vadd.f32 v4, v8;
	v8 =	vld [tilespmem:$0x1F510];
	_ =	sdelay $0x2  }
0x5ce: {  	v4 =	vsub.f32 v4, v17  }
0x5cf: {  	v9 =	vor.u32 $0x1E, v12;
	v7 =	vsub.f32 v16, v46;
	v15 =	vmul.f32 v14, v14  }
0x5d0: {  	[tilespmem:$0x1FBA0] =	vst v4;
	v4 =	vor.u32 $0x1F, v12;
	v12 =	vmul.f32 v8, v8;
	v8 =	vmul.f32 v13, v47  }
0x5d1: {  	v7 =	vmul.f32 v7, v7;
	v5 =	vadd.f32 v15, v5  }
0x5d2: {  	v2 =	vmul.f32 v2, v55;
	v8 =	vadd.f32 v8, v51  }
0x5d3: {  	v7 =	vadd.f32 v7, v1;
	v5 =	vadd.f32 v12, v5  }
0x5d4: {  	v1 =	vld [tilespmem:$0x1F530];
	[tilespmem:$0x1F520] =	vst v12;
	v12 =	vadd.f32 v2, v23;
	v2 =	vsub.f32 v8, v38;
	_ =	sdelay $0x1  }
0x5d5: {  	[tilespmem:$0x1FBC0] =	vst v2;
	v2 =	vld [tilespmem:$0x1F560]  }
0x5d6: {  	v6 =	vld [tilespmem:$0x1F4B0]  }
0x5d7: {  	v22 =	vmul.f32 v22, v39;
	v19 =	vld.idx.msk [tilespmem:v9+s17+$0x0], $0xffff  }
0x5d8: {  	[tilespmem:$0x1F4C0] =	vst v16;
	v0 =	vld [tilespmem:s1+$0xF900];
	v16 =	vmul.f32 v1, v1  }
0x5d9: {  	v41 =	vmov v18;
	v11 =	vadd.f32 v22, v61;
	v18 =	vld.idx.msk [tilespmem:v9+s19+$0x0], $0xffff  }
0x5da: {  	[tilespmem:$0x1F550] =	vst v16;
	v5 =	vadd.f32 v16, v5;
	v16 =	vmul.f32 v2, v2;
	v2 =	vsub.f32 v12, v3  }
0x5db: {  	[tilespmem:$0x1FA30] =	vst v10;
	v10 =	vsub.f32 v11, v52;
	v11 =	vmul.f32 v6, v40;
	v6 =	vld [tilespmem:s1+$0x13900]  }
0x5dc: {  	[tilespmem:$0x1FBD0] =	vst v2;
	v2 =	vld [tilespmem:$0x1F570]  }
0x5dd: {  	v14 =	vld.idx.msk [tilespmem:v9+s18+$0x0], $0xffff;
	v9 =	vsub.f32 v19, v0;
	_ =	sdelay $0x1  }
0x5de: {  	v9 =	vmul.f32 v9, v9;
	_ =	sdelay $0x1  }
0x5df: {  	v7 =	vadd.f32 v9, v7;
	v9 =	vmul.f32 v2, v2;
	v2 =	vld [tilespmem:$0x1F580]  }
0x5e0: {  	s20 =	sor.u32 $0x3380, s20;
	[tilespmem:$0x1F500] =	vst v15;
	v15 =	vsub.f32 v14, v6;
	v6 =	vmul.f32 v6, v0  }
0x5e1: {  	v17 =	vld [tilespmem:s20+$0xC600]  }
0x5e2: {  	v1 =	vld [tilespmem:s1+$0x17900];
	v6 =	vadd.f32 v6, v19  }
0x5e3: {  	v8 =	vld.idx.msk [tilespmem:v4+s17+$0x0], $0xffff  }
0x5e4: {  	v6 =	vsub.f32 v6, v14;
	v12 =	vmul.f32 v2, v24;
	v2 =	vld [tilespmem:$0x1F5A0];
	_ =	sdelay $0x1  }
0x5e5: {  	v3 =	vmul.f32 v15, v15;
	[tilespmem:$0x1FBF0] =	vst v6;
	v6 =	vld [tilespmem:$0x1F5C0]  }
0x5e6: {  	v13 =	vld [tilespmem:s20+$0x10600]  }
0x5e7: {  	v3 =	vadd.f32 v3, v7  }
0x5e8: {  	[tilespmem:$0x1F590] =	vst v18;
	v7 =	vsub.f32 v18, v1;
	v18 =	vmul.f32 v2, v2;
	v2 =	vsub.f32 v8, v17  }
0x5e9: {  	[tilespmem:$0x1F540] =	vst v23;
	v15 =	vld.idx.msk [tilespmem:v4+s18+$0x0], $0xffff  }
0x5ea: {  	[tilespmem:$0x1FB30] =	vst v10;
	v23 =	vmul.f32 v6, v6;
	v6 =	vmul.f32 v2, v2;
	v2 =	vld [tilespmem:$0x1F5D0]  }
0x5eb: {  	[tilespmem:$0x1F5B0] =	vst v19;
	v10 =	vld.idx.msk [tilespmem:v4+s19+$0x0], $0xffff;
	v19 =	vmul.f32 v13, v17;
	v4 =	vmul.f32 v7, v7;
	_ =	sdelay $0x1  }
0x5ec: {  	v3 =	vadd.f32 v4, v3;
	v4 =	vadd.f32 v19, v8;
	_ =	sdelay $0x1  }
0x5ed: {  	v19 =	vmul.f32 v2, v2;
	v2 =	vsub.f32 v4, v15;
	_ =	sdelay $0x1  }
0x5ee: {  	[tilespmem:$0x1FC20] =	vst v2;
	v2 =	vld [tilespmem:$0x1F5E0];
	_ =	sdelay $0x4  }
0x5ef: {  	v4 =	vmul.f32 v2, v2;
	v2 =	vld [tilespmem:$0x1F5F0];
	_ =	sdelay $0x1  }
0x5f0: {  	v5 =	vadd.f32 v16, v5;
	_ =	sdelay $0x1  }
0x5f1: {  	v5 =	vadd.f32 v9, v5  }
0x5f2: {  	v63 =	vmul.f32 v2, v2;
	v2 =	vld [tilespmem:$0x1F600]  }
0x5f3: {  	v5 =	vadd.f32 v18, v5;
	_ =	sdelay $0x1  }
0x5f4: {  	v14 =	vadd.f32 v23, v5;
	_ =	sdelay $0x1  }
0x5f5: {  	v3 =	vadd.f32 v6, v3;
	v6 =	vadd.f32 v19, v14;
	v14 =	vmul.f32 v2, v36;
	v2 =	vld [tilespmem:$0x1F610]  }
0x5f6: {  	v13 =	vsub.f32 v15, v13  }
0x5f7: {  	s22 =	simm.s32 $0x180;
	s21 =	simm.s32 $0x30  }
0x5f8: {  	s23 =	sor.u32 s21, s22;
	v13 =	vmul.f32 v13, v13  }
0x5f9: {  	s1 =	sor.u32 $0x3380, s23  }
0x5fa: {  	v13 =	vadd.f32 v13, v3;
	v3 =	vadd.f32 v63, v6;
	v6 =	vmul.f32 v2, v2;
	v2 =	vld [tilespmem:s1+$0x10600];
	_ =	sdelay $0x2  }
0x5fb: {  	s28 =	sand.u32 $0xC00, s22;
	s26 =	sand.u32 $0x70, s21  }
0x5fc: {  	v30 =	vld [tilespmem:s20+$0x14600];
	s20 =	sor.u32 s26, s28  }
0x5fd: {  	[tilespmem:$0x1F620] =	vst v2;
	v2 =	vld [tilespmem:s20+$0x17900];
	_ =	sdelay $0x4  }
0x5fe: {  	v4 =	vsub.f32 v16, v4;
	[tilespmem:$0x1FF40] =	vst v2;
	v2 =	vld [tilespmem:$0x1F630];
	_ =	sdelay $0x1  }
0x5ff: {  	v4 =	vadd.f32 v9, v4;
	_ =	sdelay $0x1  }
0x600: {  	v4 =	vsub.f32 v4, v6;
	v6 =	vld [tilespmem:s20+$0x13900]  }
0x601: {  	v16 =	vmul.f32 v2, v48;
	v2 =	vld [tilespmem:s20+$0xF900];
	_ =	sdelay $0x3  }
0x602: {  	[tilespmem:$0x1F660] =	vst v6;
	v6 =	vadd.f32 v18, v4;
	v4 =	vld [tilespmem:$0x1F6A0]  }
0x603: {  	v29 =	vmul.f32 v44, v28;
	v28 =	vmul.f32 v49, v49;
	v15 =	vsub.f32 v10, v30;
	[tilespmem:$0x1FF50] =	vst v2;
	v2 =	vld [tilespmem:$0x1F640];
	_ =	sdelay $0x1  }
0x604: {  	v9 =	vmul.f32 v15, v15;
	v15 =	vadd.f32 v28, v3;
	v3 =	vmul.f32 v58, v58  }
0x605: {  	v5 =	vld [tilespmem:s20+$0x17800];
	v14 =	vadd.f32 v14, v62  }
0x606: {  	v39 =	vadd.f32 v9, v13;
	v9 =	vadd.f32 v3, v15;
	v15 =	vmul.f32 v4, v4;
	v4 =	vld [tilespmem:s20+$0x13880]  }
0x607: {  	[tilespmem:$0x1F490] =	vst v27;
	v27 =	vsub.f32 v14, v2;
	v2 =	vld [tilespmem:$0x1F650];
	_ =	sdelay $0x2  }
0x608: {  	[tilespmem:$0x1FE40] =	vst v5;
	v5 =	vld [tilespmem:$0x1F6E0]  }
0x609: {  	[tilespmem:$0x1F6B0] =	vst v4;
	v4 =	vld [tilespmem:$0x1F6C0]  }
0x60a: {  	v40 =	vmul.f32 v2, v2;
	v2 =	vld [tilespmem:$0x1F670];
	_ =	sdelay $0x1  }
0x60b: {  	v12 =	vadd.f32 v12, v54;
	_ =	sdelay $0x1  }
0x60c: {  	[tilespmem:$0x1FE50] =	vst v8;
	v8 =	vsub.f32 v12, v4;
	v12 =	vmul.f32 v5, v21;
	v5 =	vld [tilespmem:$0x1F6F0]  }
0x60d: {  	v13 =	vmul.f32 v2, v31;
	_ =	sdelay $0x1  }
0x60e: {  	v13 =	vadd.f32 v13, v59;
	_ =	sdelay $0x1  }
0x60f: {  	v54 =	vsub.f32 v13, v5;
	v5 =	vld [tilespmem:s20+$0xF800];
	_ =	sdelay $0x4  }
0x610: {  	[tilespmem:$0x1FE30] =	vst v5;
	v5 =	vld [tilespmem:$0x1F700];
	_ =	sdelay $0x3  }
0x611: {  	v13 =	vld [tilespmem:s20+$0x13800]  }
0x612: {  	v15 =	vsub.f32 v6, v15;
	v6 =	vmul.f32 v5, v5;
	v5 =	vld [tilespmem:$0x1F720];
	_ =	sdelay $0x3  }
0x613: {  	v2 =	vld [tilespmem:s20+$0x17880]  }
0x614: {  	[tilespmem:$0x1F710] =	vst v13;
	v13 =	vmul.f32 v5, v33;
	v5 =	vld [tilespmem:$0x1F730];
	_ =	sdelay $0x3  }
0x615: {  	[tilespmem:$0x1FEF0] =	vst v2;
	v2 =	vld [tilespmem:$0x1F680]  }
0x616: {  	v14 =	vadd.f32 v16, v45;
	v16 =	vadd.f32 v23, v15;
	v15 =	vmul.f32 v5, v5;
	v5 =	vld [tilespmem:$0x1F740];
	_ =	sdelay $0x1  }
0x617: {  	s22 =	sand.u32 $0xFFFFFC00, s22  }
0x618: {  	s26 =	sadd.s32 $0x30, s22  }
0x619: {  	s22 =	sor.u32 $0x3180, s26;
	v36 =	vmul.f32 v2, v2;
	v2 =	vld [tilespmem:s20+$0xF880]  }
0x61a: {  	v21 =	vmul.f32 v5, v5;
	v5 =	vld [tilespmem:s22+$0x10600];
	_ =	sdelay $0x3  }
0x61b: {  	[tilespmem:$0x1FEE0] =	vst v2;
	v2 =	vld [tilespmem:$0x1F690]  }
0x61c: {  	[tilespmem:$0x1F750] =	vst v5;
	v5 =	vld [tilespmem:$0x1F760];
	_ =	sdelay $0x3  }
0x61d: {  	v2 =	vsub.f32 v14, v2;
	v14 =	vld [tilespmem:$0x1F780]  }
0x61e: {  	v18 =	vmul.f32 v5, v50;
	v5 =	vld [tilespmem:$0x1F770];
	_ =	sdelay $0x2  }
0x61f: {  	v11 =	vadd.f32 v11, v56  }
0x620: {  	v49 =	vmul.f32 v14, v14;
	v14 =	vld [tilespmem:$0x1F790]  }
0x621: {  	v5 =	vsub.f32 v11, v5;
	v11 =	vadd.f32 v13, v35;
	v13 =	vld [tilespmem:s22+$0xC600];
	_ =	sdelay $0x4  }
0x622: {  	[tilespmem:$0x1FE00] =	vst v13;
	v13 =	vsub.f32 v16, v15;
	v15 =	vmul.f32 v14, v60;
	v14 =	vld [tilespmem:$0x1F7A0];
	_ =	sdelay $0x2  }
0x623: {  	v12 =	vadd.f32 v12, v53;
	_ =	sdelay $0x1  }
0x624: {  	v12 =	vsub.f32 v12, v14;
	_ =	sdelay $0x1  }
0x625: {  	[tilespmem:$0x1FC70] =	vst v12;
	v12 =	vld [tilespmem:$0x1F7B0];
	_ =	sdelay $0x4  }
0x626: {  	v11 =	vsub.f32 v11, v12;
	v12 =	vld [tilespmem:$0x1F7D0];
	_ =	sdelay $0x3  }
0x627: {  	[tilespmem:$0x1FC80] =	vst v11;
	v11 =	vld [tilespmem:s20+$0x13700]  }
0x628: {  	v58 =	vmul.f32 v12, v12;
	v12 =	vld [tilespmem:$0x1F7E0];
	_ =	sdelay $0x4  }
0x629: {  	[tilespmem:$0x1F7C0] =	vst v11;
	v11 =	vadd.f32 v19, v13;
	v19 =	vmul.f32 v12, v12;
	v12 =	vld [tilespmem:$0x1F7F0];
	_ =	sdelay $0x4  }
0x62a: {  	v29 =	vadd.f32 v29, v57;
	v57 =	vmul.f32 v12, v12;
	v12 =	vld [tilespmem:s20+$0x13680];
	_ =	sdelay $0x4  }
0x62b: {  	[tilespmem:$0x1F800] =	vst v12;
	v12 =	vld [tilespmem:$0x1F810];
	_ =	sdelay $0x2  }
0x62c: {  	v13 =	vadd.f32 v18, v32;
	_ =	sdelay $0x1  }
0x62d: {  	v11 =	vsub.f32 v11, v19;
	v19 =	vsub.f32 v13, v12;
	v13 =	vld [tilespmem:$0x1F840];
	_ =	sdelay $0x4  }
0x62e: {  	v52 =	vsub.f32 v29, v13;
	v13 =	vld [tilespmem:s20+$0x13600];
	_ =	sdelay $0x2  }
0x62f: {  	v4 =	vld [tilespmem:$0x1F6D0];
	_ =	sdelay $0x1  }
0x630: {  	[tilespmem:$0x1F850] =	vst v13;
	v13 =	vld [tilespmem:$0x1F860]  }
0x631: {  	v9 =	vadd.f32 v40, v9;
	_ =	sdelay $0x1  }
0x632: {  	v4 =	vmul.f32 v4, v4;
	v9 =	vadd.f32 v36, v9;
	_ =	sdelay $0x1  }
0x633: {  	v9 =	vadd.f32 v4, v9;
	v12 =	vld [tilespmem:$0x1F820];
	v14 =	vmul.f32 v13, v13;
	v13 =	vmul.f32 v46, v55;
	_ =	sdelay $0x1  }
0x634: {  	v0 =	vmul.f32 v1, v0;
	v9 =	vadd.f32 v6, v9;
	[tilespmem:$0x1F890] =	vst v13;
	v13 =	vld [tilespmem:$0x1F8A0]  }
0x635: {  	v18 =	vadd.f32 v15, v25  }
0x636: {  	[tilespmem:$0x1F8E0] =	vst v0;
	v0 =	vld [tilespmem:$0x1F8F0];
	v9 =	vadd.f32 v21, v9  }
0x637: {  	v45 =	vsub.f32 v18, v12;
	v12 =	vld [tilespmem:$0x1F830]  }
0x638: {  	v9 =	vadd.f32 v49, v9  }
0x639: {  	v26 =	vadd.f32 v13, v61;
	v13 =	vld [tilespmem:$0x1F8B0]  }
0x63a: {  	v9 =	vadd.f32 v58, v9  }
0x63b: {  	v44 =	vsub.f32 v26, v0;
	v0 =	vld [tilespmem:$0x1F900]  }
0x63c: {  	v9 =	vadd.f32 v57, v9;
	v12 =	vmul.f32 v12, v12  }
0x63d: {  	[tilespmem:$0x1FA40] =	vst v20  }
0x63e: {  	[tilespmem:$0x1F870] =	vst v12;
	v9 =	vadd.f32 v12, v9;
	v12 =	vld [tilespmem:$0x1F880];
	v20 =	vadd.f32 v13, v41;
	_ =	sdelay $0x1  }
0x63f: {  	v0 =	vsub.f32 v20, v0;
	_ =	sdelay $0x1  }
0x640: {  	[tilespmem:$0x1FCD0] =	vst v0;
	v0 =	vld [tilespmem:$0x1F910]  }
0x641: {  	v11 =	vadd.f32 v63, v11;
	v59 =	vmul.f32 v12, v12;
	_ =	sdelay $0x1  }
0x642: {  	v14 =	vsub.f32 v11, v14;
	v11 =	vadd.f32 v59, v9;
	v9 =	vld [tilespmem:$0x1F8C0];
	_ =	sdelay $0x1  }
0x643: {  	v1 =	vadd.f32 v0, v42;
	v0 =	vld [tilespmem:$0x1F920];
	_ =	sdelay $0x2  }
0x644: {  	s28 =	sor.u32 $0x2380, s23;
	v61 =	vmul.f32 v9, v9  }
0x645: {  	v9 =	vld [tilespmem:s28+$0x10600]  }
0x646: {  	v15 =	vadd.f32 v61, v11;
	v11 =	vmul.f32 v0, v0;
	v0 =	vld [tilespmem:$0x1F930];
	_ =	sdelay $0x3  }
0x647: {  	[tilespmem:$0x1F8D0] =	vst v9;
	v9 =	vld [tilespmem:s20+$0x12900]  }
0x648: {  	v20 =	vmul.f32 v0, v0;
	v0 =	vld [tilespmem:$0x1F950];
	_ =	sdelay $0x4  }
0x649: {  	[tilespmem:$0x1F940] =	vst v9;
	v9 =	vmul.f32 v0, v0;
	v0 =	vld [tilespmem:$0x1F970];
	_ =	sdelay $0x4  }
0x64a: {  	[tilespmem:$0x1F960] =	vst v9;
	v9 =	vadd.f32 v11, v15;
	v15 =	vmul.f32 v0, v0;
	v0 =	vld [tilespmem:$0x1F980];
	_ =	sdelay $0x4  }
0x64b: {  	v13 =	vadd.f32 v28, v14;
	v14 =	vsub.f32 v1, v0;
	v0 =	vld [tilespmem:$0x1F990];
	_ =	sdelay $0x4  }
0x64c: {  	v1 =	vmul.f32 v0, v0;
	v0 =	vld [tilespmem:$0x1F9B0];
	_ =	sdelay $0x4  }
0x64d: {  	[tilespmem:$0x1F9A0] =	vst v1;
	v1 =	vmul.f32 v0, v0  }
0x64e: {  	v0 =	vld [tilespmem:$0x1F9E0]  }
0x64f: {  	[tilespmem:$0x1F9C0] =	vst v1;
	v1 =	vld [tilespmem:s20+$0x12880];
	_ =	sdelay $0x4  }
0x650: {  	[tilespmem:$0x1F9D0] =	vst v1;
	v1 =	vmul.f32 v0, v0  }
0x651: {  	v0 =	vld [tilespmem:$0x1FA10]  }
0x652: {  	[tilespmem:$0x1F9F0] =	vst v1;
	v1 =	vadd.f32 v15, v9;
	v9 =	vld [tilespmem:s20+$0xE880];
	_ =	sdelay $0x3  }
0x653: {  	v16 =	vmul.f32 v0, v0;
	v0 =	vld [tilespmem:$0x1FA30]  }
0x654: {  	[tilespmem:$0x1FA20] =	vst v9;
	v9 =	vld [tilespmem:$0x1FA40];
	_ =	sdelay $0x4  }
0x655: {  	[tilespmem:$0x1FA00] =	vst v15;
	v15 =	vadd.f32 v0, v9;
	v0 =	vld [tilespmem:$0x1FA50];
	_ =	sdelay $0x4  }
0x656: {  	v24 =	vmul.f32 v0, v0;
	v0 =	vld [tilespmem:$0x1FA60];
	_ =	sdelay $0x4  }
0x657: {  	v48 =	vmul.f32 v0, v0;
	v0 =	vld [tilespmem:$0x1FA70];
	_ =	sdelay $0x4  }
0x658: {  	v0 =	vmul.f32 v0, v0;
	_ =	sdelay $0x1  }
0x659: {  	[tilespmem:$0x1FA80] =	vst v0;
	v0 =	vld [tilespmem:$0x1FAA0];
	_ =	sdelay $0x4  }
0x65a: {  	v9 =	vmul.f32 v0, v0;
	v0 =	vld [tilespmem:$0x1FAC0];
	_ =	sdelay $0x2  }
0x65b: {  	v7 =	vld [tilespmem:s1+$0xC600];
	_ =	sdelay $0x1  }
0x65c: {  	v0 =	vmul.f32 v0, v0  }
0x65d: {  	v18 =	vld [tilespmem:s20+$0x12800]  }
0x65e: {  	[tilespmem:$0x1FAD0] =	vst v0;
	v0 =	vld [tilespmem:$0x1FAE0]  }
0x65f: {  	v41 =	vmov v7;
	v7 =	vld [tilespmem:$0x1FBB0];
	v1 =	vadd.f32 v16, v1  }
0x660: {  	v38 =	vld [tilespmem:s28+$0x14600]  }
0x661: {  	[tilespmem:$0x1FB20] =	vst v9;
	v1 =	vadd.f32 v9, v1;
	v9 =	vld [tilespmem:$0x1FB40]  }
0x662: {  	v35 =	vld [tilespmem:s28+$0xC600];
	s28 =	sor.u32 $0x2180, s26  }
0x663: {  	[tilespmem:$0x1FAB0] =	vst v18;
	v18 =	vld [tilespmem:s28+$0x10600];
	v0 =	vmul.f32 v0, v0  }
0x664: {  	v25 =	vmul.f32 v37, v43;
	v15 =	vsub.f32 v15, v7;
	v7 =	vld [tilespmem:$0x1FBC0]  }
0x665: {  	[tilespmem:$0x1FAF0] =	vst v0;
	v0 =	vld [tilespmem:$0x1FB00]  }
0x666: {  	v29 =	vsub.f32 v13, v24;
	v24 =	vadd.f32 v25, v9;
	v9 =	vld [tilespmem:$0x1FB50];
	_ =	sdelay $0x3  }
0x667: {  	[tilespmem:$0x1FB70] =	vst v18;
	v18 =	vmul.f32 v7, v7;
	v7 =	vld [tilespmem:$0x1FBD0];
	v0 =	vmul.f32 v0, v0  }
0x668: {  	v13 =	vmul.f32 v9, v9;
	v9 =	vld [tilespmem:$0x1FB60]  }
0x669: {  	[tilespmem:$0x1FB10] =	vst v0;
	v0 =	vld [tilespmem:$0x1FB30];
	_ =	sdelay $0x3  }
0x66a: {  	[tilespmem:$0x1FA90] =	vst v16;
	v16 =	vmul.f32 v9, v9;
	v9 =	vmul.f32 v7, v7;
	v7 =	vld [tilespmem:$0x1FBF0]  }
0x66b: {  	v0 =	vmul.f32 v0, v0;
	_ =	sdelay $0x1  }
0x66c: {  	v1 =	vadd.f32 v0, v1;
	_ =	sdelay $0x1  }
0x66d: {  	[tilespmem:$0x1FBE0] =	vst v13;
	v1 =	vadd.f32 v13, v1;
	v13 =	vmul.f32 v7, v7;
	v7 =	vld [tilespmem:$0x1FC00];
	_ =	sdelay $0x3  }
0x66e: {  	v22 =	vld [tilespmem:s20+$0x17680]  }
0x66f: {  	v32 =	vmul.f32 v7, v7;
	v7 =	vld [tilespmem:s20+$0x12700]  }
0x670: {  	v56 =	vld [tilespmem:s22+$0x14600]  }
0x671: {  	[tilespmem:$0x1FC90] =	vst v51;
	v51 =	vld [tilespmem:s20+$0xF700]  }
0x672: {  	v43 =	vld [tilespmem:s20+$0x17600]  }
0x673: {  	v12 =	vld [tilespmem:s20+$0xF600]  }
0x674: {  	[tilespmem:$0x1FC10] =	vst v7;
	v7 =	vadd.f32 v3, v29;
	v3 =	vld [tilespmem:$0x1FC20]  }
0x675: {  	[tilespmem:$0x1FD20] =	vst v22;
	v62 =	vld [tilespmem:s20+$0x17700]  }
0x676: {  	[tilespmem:$0x1FD90] =	vst v51;
	v50 =	vld [tilespmem:s20+$0xF680]  }
0x677: {  	[tilespmem:$0x1FE10] =	vst v56;
	v23 =	vld [tilespmem:s20+$0x16680]  }
0x678: {  	[tilespmem:$0x1FB80] =	vst v0;
	v0 =	vld [tilespmem:$0x1FB90]  }
0x679: {  	[tilespmem:$0x1FCE0] =	vst v12;
	v12 =	vmul.f32 v43, v12;
	v53 =	vmul.f32 v3, v3;
	v3 =	vadd.f32 v16, v1;
	v1 =	vld [tilespmem:$0x1FC40]  }
0x67a: {  	[tilespmem:$0x1FD50] =	vst v38;
	v31 =	vld [tilespmem:s20+$0xE800]  }
0x67b: {  	v33 =	vld [tilespmem:s20+$0x16800];
	v46 =	vmul.f32 v2, v2;
	[tilespmem:$0x1FD00] =	vst v12;
	v12 =	vsub.f32 v7, v48;
	v7 =	vmul.f32 v22, v50  }
0x67c: {  	[tilespmem:$0x1FDA0] =	vst v62;
	v2 =	vmul.f32 v8, v8;
	v26 =	vmul.f32 v30, v17;
	v30 =	vld [tilespmem:s28+$0x14600]  }
0x67d: {  	v37 =	vmul.f32 v0, v0;
	v0 =	vld [tilespmem:$0x1FBA0];
	[tilespmem:$0x1FD30] =	vst v7;
	v7 =	vmul.f32 v38, v35  }
0x67e: {  	[tilespmem:$0x1FF70] =	vst v23;
	v8 =	vsub.f32 v24, v1;
	v1 =	vmul.f32 v54, v54;
	v54 =	vmul.f32 v5, v5;
	v5 =	vld [tilespmem:s20+$0x12680]  }
0x67f: {  	[tilespmem:$0x1FE80] =	vst v31;
	v25 =	vld [tilespmem:s28+$0xC600];
	s28 =	sor.u32 $0x1380, s23  }
0x680: {  	[tilespmem:$0x1FD60] =	vst v7;
	v7 =	vld [tilespmem:s28+$0x10600]  }
0x681: {  	[tilespmem:$0x1FE90] =	vst v33;
	v17 =	vld [tilespmem:s20+$0xE900]  }
0x682: {  	[tilespmem:$0x1FD10] =	vst v50;
	v42 =	vld [tilespmem:s20+$0x16900]  }
0x683: {  	v0 =	vmul.f32 v0, v0;
	[tilespmem:$0x1FC50] =	vst v5;
	v5 =	vadd.f32 v37, v3  }
0x684: {  	[tilespmem:$0x1FCF0] =	vst v43;
	v43 =	vld [tilespmem:$0x1FE00]  }
0x685: {  	v60 =	vld [tilespmem:s20+$0xE700];
	[tilespmem:$0x1FD70] =	vst v7;
	v7 =	vmul.f32 v62, v51;
	v5 =	vadd.f32 v0, v5  }
0x686: {  	[tilespmem:$0x1FD40] =	vst v35  }
0x687: {  	v28 =	vld [tilespmem:s20+$0x16700];
	[tilespmem:$0x1FDB0] =	vst v7;
	v7 =	vmul.f32 v42, v17;
	v5 =	vadd.f32 v18, v5  }
0x688: {  	[tilespmem:$0x1FD80] =	vst v9;
	v3 =	vld [tilespmem:$0x1FC70]  }
0x689: {  	[tilespmem:$0x1FDE0] =	vst v7;
	v7 =	vld [tilespmem:$0x1FDF0];
	v5 =	vadd.f32 v9, v5;
	v9 =	vmul.f32 v56, v43  }
0x68a: {  	[tilespmem:$0x1FF00] =	vst v60;
	v56 =	vld [tilespmem:$0x1FE40]  }
0x68b: {  	[tilespmem:$0x1FE20] =	vst v9;
	v9 =	vld [tilespmem:$0x1FE30]  }
0x68c: {  	[tilespmem:$0x1FCA0] =	vst v0;
	v0 =	vld [tilespmem:s20+$0x12600]  }
0x68d: {  	[tilespmem:$0x1FDC0] =	vst v17  }
0x68e: {  	[tilespmem:$0x1FC30] =	vst v16;
	v16 =	vld [tilespmem:$0x1FCD0]  }
0x68f: {  	[tilespmem:$0x1FEC0] =	vst v30;
	v62 =	vld [tilespmem:$0x1FEE0]  }
0x690: {  	[tilespmem:$0x1FF10] =	vst v28;
	v63 =	vmul.f32 v3, v3;
	v3 =	vld [tilespmem:$0x1FC80];
	v7 =	vadd.f32 $5.000000000e-01, v7;
	v9 =	vmul.f32 v56, v9  }
0x691: {  	[tilespmem:$0x1FCB0] =	vst v0;
	v0 =	vld [tilespmem:$0x1FCC0]  }
0x692: {  	[tilespmem:$0x1FE60] =	vst v9;
	v9 =	vmul.f32 v33, v31;
	v31 =	vmax.f32 v7, $0.0e+00;
	v7 =	vld [tilespmem:$0x1FEF0]  }
0x693: {  	[tilespmem:$0x1FDD0] =	vst v42;
	v24 =	vld [tilespmem:s20+$0xE680];
	v5 =	vadd.f32 v13, v5  }
0x694: {  	[tilespmem:$0x1FEB0] =	vst v25;
	v17 =	vld [tilespmem:s28+$0xC600]  }
0x695: {  	[tilespmem:$0x1FC60] =	vst v37;
	v37 =	vmul.f32 v44, v44;
	v29 =	vmul.f32 v3, v3;
	v3 =	vld [tilespmem:$0x1FC90];
	v5 =	vadd.f32 v53, v5  }
0x696: {  	v44 =	vld [tilespmem:s20+$0xE600];
	v0 =	vsub.f32 v0, v20;
	v20 =	vmul.f32 v16, v16;
	[tilespmem:$0x1FEA0] =	vst v9;
	v9 =	vmul.f32 v30, v25  }
0x697: {  	[tilespmem:$0x1FE70] =	vst v13;
	v16 =	vld [tilespmem:s28+$0x14600];
	v30 =	vmul.f32 v7, v62;
	v7 =	vmul.f32 v28, v60  }
0x698: {  	v34 =	vmul.f32 v34, v47;
	[tilespmem:$0x1FF30] =	vst v5;
	v5 =	vld [tilespmem:$0x1FF40]  }
0x699: {  	[tilespmem:$0x1FF20] =	vst v7;
	v7 =	vld [tilespmem:$0x1FF50]  }
0x69a: {  	[tilespmem:$0x1FF60] =	vst v24;
	v3 =	vadd.f32 v34, v3;
	v34 =	vmul.f32 v19, v19;
	v19 =	vld [tilespmem:s20+$0x16600]  }
0x69b: {  	[tilespmem:$0x1FFC0] =	vst v17  }
0x69c: {  	[tilespmem:$0x1FF90] =	vst v44  }
0x69d: {  	v55 =	vmul.f32 v27, v27;
	v27 =	vmul.f32 v15, v15;
	v15 =	vld [tilespmem:s20+$0x15900];
	[tilespmem:$0x1FFD0] =	vst v16  }
0x69e: {  	v38 =	vld [tilespmem:s20+$0x11900];
	[tilespmem:$0x1FED0] =	vst v9;
	v56 =	vmul.f32 v5, v7;
	v5 =	vmul.f32 v23, v24  }
0x69f: {  	v42 =	vld [tilespmem:$0x1FE50];
	[tilespmem:$0x1FFA0] =	vst v19;
	v7 =	vmul.f32 v16, v17  }
0x6a0: {  	v13 =	vld [tilespmem:s20+$0xD900];
	[tilespmem:$0x1FF80] =	vst v5;
	v5 =	vmul.f32 v19, v44  }
0x6a1: {  	v47 =	vmul.f32 v45, v45;
	v60 =	vmov v53;
	v53 =	vld [tilespmem:s20+$0x15880];
	[tilespmem:$0x1FFE0] =	vst v7  }
0x6a2: {  	s22 =	simm.s32 $0x200;
	v45 =	vmul.f32 v52, v52;
	v14 =	vmul.f32 v14, v14;
	v43 =	vmovc v27;
	v44 =	vld [tilespmem:s20+$0x11880];
	[tilespmem:$0x1FFB0] =	vst v5;
	v5 =	vmov s21  }
.LBB2_2:
0x6a3: {  	v7 =	vmul.f32 v8, v8;
	_ =	sdelay $0x1  }
0x6a4: {  	[tilespmem:$0x1DA50] =	vst v7;
	v7 =	vld [tilespmem:$0x1F490];
	_ =	sdelay $0x4  }
0x6a5: {  	v3 =	vsub.f32 v3, v7;
	v7 =	vld [tilespmem:$0x1FFF0];
	_ =	sdelay $0x3  }
0x6a6: {  	v5 =	vshll.u32 v5, $0x5  }
0x6a7: {  	v50 =	vor.u32 v7, v5;
	v5 =	vld [tilespmem:$0x1F4D0];
	_ =	sdelay $0x4  }
0x6a8: {  	v0 =	vadd.f32 v5, v0;
	v5 =	vmov v18  }
0x6a9: {  	[tilespmem:$0x1F4D0] =	vst v5;
	v5 =	vmul.f32 v15, v13  }
0x6aa: {  	v9 =	vld [tilespmem:$0x1F540]  }
0x6ab: {  	[tilespmem:$0x1D8A0] =	vst v5;
	v5 =	vld [tilespmem:$0x1F890];
	_ =	sdelay $0x4  }
0x6ac: {  	v8 =	vadd.f32 v40, v12;
	v12 =	vadd.f32 v5, v9;
	v5 =	vmov v30  }
0x6ad: {  	[tilespmem:$0x1F890] =	vst v5;
	v5 =	vld [tilespmem:$0x1FA80];
	_ =	sdelay $0x3  }
0x6ae: {  	v9 =	vld [tilespmem:$0x1F960]  }
0x6af: {  	v8 =	vsub.f32 v8, v5;
	v5 =	vld [tilespmem:$0x1F4C0];
	_ =	sdelay $0x1  }
0x6b0: {  	v51 =	vld [tilespmem:s20+$0xD880];
	_ =	sdelay $0x1  }
0x6b1: {  	[tilespmem:$0x1D210] =	vst v13;
	v13 =	vsub.f32 v0, v9;
	v9 =	vld [tilespmem:$0x1F8E0]  }
0x6b2: {  	v12 =	vsub.f32 v12, v5;
	v5 =	vld [tilespmem:$0x1F5B0]  }
0x6b3: {  	v16 =	vmul.f32 v3, v3;
	v3 =	vmov v56  }
0x6b4: {  	[tilespmem:$0x1F8E0] =	vst v3;
	v3 =	vmul.f32 v53, v51;
	_ =	sdelay $0x1  }
0x6b5: {  	[tilespmem:$0x1D870] =	vst v3;
	v3 =	vld [tilespmem:$0x1F500]  }
0x6b6: {  	v18 =	vadd.f32 v9, v5;
	v5 =	vld [tilespmem:$0x1FD80];
	_ =	sdelay $0x4  }
0x6b7: {  	v13 =	vadd.f32 v3, v13;
	v3 =	vmov v5;
	v5 =	vld [tilespmem:$0x1FAD0];
	_ =	sdelay $0x2  }
0x6b8: {  	v23 =	vadd.f32 v36, v8  }
0x6b9: {  	v9 =	vmov v16  }
0x6ba: {  	[tilespmem:$0x1F960] =	vst v9;
	v9 =	vld [tilespmem:$0x1F9A0];
	v23 =	vsub.f32 v23, v5  }
0x6bb: {  	v5 =	vld [tilespmem:$0x1FE70]  }
0x6bc: {  	v16 =	vadd.f32 v4, v23;
	v4 =	vld [tilespmem:$0x1F520];
	_ =	sdelay $0x2  }
0x6bd: {  	v13 =	vsub.f32 v13, v9;
	_ =	sdelay $0x1  }
0x6be: {  	v13 =	vadd.f32 v4, v13;
	v4 =	vmov v5  }
0x6bf: {  	[tilespmem:$0x1F520] =	vst v4;
	v4 =	vld [tilespmem:$0x1E0C0];
	_ =	sdelay $0x4  }
0x6c0: {  	v4 =	vadd.f32 v31, v4;
	_ =	sdelay $0x1  }
0x6c1: {  	[tilespmem:$0x1E0C0] =	vst v4;
	v4 =	vld [tilespmem:$0x1FAF0]  }
0x6c2: {  	v8 =	vld [tilespmem:$0x1F590];
	_ =	sdelay $0x3  }
0x6c3: {  	v16 =	vsub.f32 v16, v4;
	v4 =	vld [tilespmem:$0x1F9C0]  }
0x6c4: {  	v24 =	vmul.f32 v12, v12;
	v12 =	vsub.f32 v18, v8;
	_ =	sdelay $0x1  }
0x6c5: {  	v18 =	vadd.f32 v26, v42;
	v26 =	vmul.f32 v12, v12  }
0x6c6: {  	v19 =	vld [tilespmem:s20+$0xD800]  }
0x6c7: {  	v7 =	vld [tilespmem:s20+$0x15800];
	v25 =	vor.u32 $0x1, v50;
	v13 =	vsub.f32 v13, v4;
	v4 =	vmov v26  }
0x6c8: {  	[tilespmem:$0x1F9C0] =	vst v4;
	v4 =	vld [tilespmem:$0x1F550];
	_ =	sdelay $0x2  }
0x6c9: {  	v28 =	vld [tilespmem:s20+$0xC680]  }
0x6ca: {  	[tilespmem:$0x1D230] =	vst v19;
	v56 =	vmov v19;
	v17 =	vmul.f32 v7, v19;
	v19 =	vld.idx.msk [tilespmem:v25+s17+$0x0], $0xffff  }
0x6cb: {  	v30 =	vld.idx.msk [tilespmem:v50+s17+$0x0], $0xffff;
	v13 =	vadd.f32 v4, v13;
	v4 =	vmov v60  }
0x6cc: {  	[tilespmem:$0x1F550] =	vst v4;
	v4 =	vld [tilespmem:$0x1FB10]  }
0x6cd: {  	v8 =	vld [tilespmem:s20+$0xC600]  }
0x6ce: {  	v12 =	vld [tilespmem:s20+$0x10600]  }
0x6cf: {  	v9 =	vld.idx.msk [tilespmem:v50+s18+$0x0], $0xffff;
	v16 =	vadd.f32 v6, v16  }
0x6d0: {  	[tilespmem:$0x1F500] =	vst v3;
	v3 =	vmov v24;
	v24 =	vld [tilespmem:s20+$0x14600]  }
0x6d1: {  	v16 =	vsub.f32 v16, v4;
	v4 =	vld [tilespmem:$0x1F9F0]  }
0x6d2: {  	v18 =	vsub.f32 v18, v10;
	v23 =	vld.idx.msk [tilespmem:v50+s19+$0x0], $0xffff  }
0x6d3: {  	v26 =	vsub.f32 v30, v8  }
0x6d4: {  	[tilespmem:$0x1D370] =	vst v28;
	v18 =	vmul.f32 v18, v18  }
0x6d5: {  	[tilespmem:$0x1F9A0] =	vst v3;
	v3 =	vld.idx.msk [tilespmem:v25+s18+$0x0], $0xffff;
	v22 =	vmul.f32 v26, v26;
	v26 =	vsub.f32 v9, v12  }
0x6d6: {  	v33 =	vor.u32 $0x2, v50;
	[tilespmem:$0x1D380] =	vst v19;
	v5 =	vld [tilespmem:s20+$0x10680];
	v13 =	vsub.f32 v13, v4  }
0x6d7: {  	v35 =	vld [tilespmem:s20+$0x14680];
	v4 =	vmovc v18;
	v18 =	vadd.f32 v22, v39;
	v22 =	vmul.f32 v26, v26;
	v26 =	vsub.f32 v23, v24  }
0x6d8: {  	[tilespmem:$0x1D220] =	vst v30;
	v25 =	vld.idx.msk [tilespmem:v25+s19+$0x0], $0xffff;
	v16 =	vadd.f32 v21, v16;
	v24 =	vmul.f32 v24, v8  }
0x6d9: {  	[tilespmem:$0x1D3B0] =	vst v9;
	v18 =	vadd.f32 v22, v18;
	v21 =	vmul.f32 v26, v26;
	v22 =	vsub.f32 v19, v28  }
0x6da: {  	s28 =	sor.u32 $0x1180, s26;
	s26 =	sor.u32 $0x180, s26;
	[tilespmem:$0x1D3D0] =	vst v3;
	v31 =	vld [tilespmem:s20+$0xC700];
	v16 =	vsub.f32 v16, v32;
	v24 =	vadd.f32 v24, v30  }
0x6db: {  	v27 =	vld [tilespmem:s26+$0x10600];
	v6 =	vmovc v19;
	v18 =	vadd.f32 v21, v18;
	v21 =	vmul.f32 v22, v22;
	v22 =	vsub.f32 v3, v5  }
0x6dc: {  	v9 =	vmovc v28;
	[tilespmem:$0x1F9F0] =	vst v4;
	v4 =	vadd.f32 v49, v16;
	v13 =	vadd.f32 $5.000000000e-01, v13;
	v19 =	vld.idx.msk [tilespmem:v33+s17+$0x0], $0xffff;
	v26 =	vor.u32 $0x3, v50  }
0x6dd: {  	v28 =	vld.idx.msk [tilespmem:v33+s18+$0x0], $0xffff;
	v23 =	vsub.f32 v24, v23;
	v16 =	vmul.f32 v22, v22;
	v22 =	vmul.f32 v35, v9  }
0x6de: {  	[tilespmem:$0x1D360] =	vst v5;
	v30 =	vld [tilespmem:s20+$0x10700];
	v5 =	vmax.f32 v13, $0.0e+00;
	v13 =	vadd.f32 v21, v18;
	v18 =	vsub.f32 v25, v35  }
0x6df: {  	[tilespmem:$0x1D3A0] =	vst v31;
	v4 =	vsub.f32 v4, v55;
	v21 =	vld.idx.msk [tilespmem:v33+s19+$0x0], $0xffff;
	v22 =	vadd.f32 v22, v6  }
0x6e0: {  	[tilespmem:$0x1D930] =	vst v5;
	v5 =	vmul.f32 v23, v23;
	v23 =	vld [tilespmem:s20+$0x14700];
	v13 =	vadd.f32 v16, v13;
	v16 =	vmul.f32 v18, v18  }
0x6e1: {  	v9 =	vmov v19;
	[tilespmem:$0x1D3C0] =	vst v19;
	v18 =	vsub.f32 v19, v31;
	v19 =	vld.idx.msk [tilespmem:v26+s17+$0x0], $0xffff;
	v22 =	vsub.f32 v22, v25  }
0x6e2: {  	v3 =	vmovc v31;
	v24 =	vor.u32 $0x4, v50;
	v4 =	vadd.f32 v58, v4;
	[tilespmem:$0x1D850] =	vst v5;
	v31 =	vld [tilespmem:s26+$0xC600];
	v13 =	vadd.f32 v16, v13  }
0x6e3: {  	v6 =	vld.idx.msk [tilespmem:v26+s18+$0x0], $0xffff;
	v16 =	vmul.f32 v18, v18;
	v18 =	vsub.f32 v28, v30;
	v5 =	vmul.f32 v22, v22  }
0x6e4: {  	v4 =	vsub.f32 v4, v46;
	v25 =	vld.idx.msk [tilespmem:v26+s19+$0x0], $0xffff  }
0x6e5: {  	v13 =	vadd.f32 v16, v13;
	v16 =	vmul.f32 v18, v18;
	v18 =	vsub.f32 v21, v23;
	[tilespmem:$0x1D880] =	vst v5;
	v5 =	vld [tilespmem:$0x1F870]  }
0x6e6: {  	v32 =	vmov v15;
	v4 =	vadd.f32 v57, v4;
	v22 =	vmul.f32 v23, v3;
	v23 =	vld [tilespmem:s26+$0x14600]  }
0x6e7: {  	[tilespmem:$0x1D3E0] =	vst v28;
	v28 =	vld [tilespmem:s20+$0xC800];
	v13 =	vadd.f32 v16, v13;
	v15 =	vmul.f32 v18, v18;
	v16 =	vsub.f32 v19, v31  }
0x6e8: {  	v2 =	vsub.f32 v4, v2;
	v3 =	vmov v19;
	[tilespmem:$0x1D3F0] =	vst v19;
	v19 =	vld.idx.msk [tilespmem:v24+s17+$0x0], $0xffff;
	v18 =	vadd.f32 v22, v9  }
0x6e9: {  	v10 =	vld [tilespmem:s20+$0x10800];
	v4 =	vadd.f32 v15, v13;
	v13 =	vmul.f32 v16, v16;
	v15 =	vsub.f32 v6, v27  }
0x6ea: {  	v22 =	vor.u32 $0x5, v50;
	v9 =	vld.idx.msk [tilespmem:v24+s18+$0x0], $0xffff;
	v16 =	vsub.f32 v18, v21;
	v2 =	vadd.f32 v5, v2  }
0x6eb: {  	v4 =	vadd.f32 v13, v4;
	v13 =	vmul.f32 v15, v15;
	v15 =	vsub.f32 v25, v23  }
0x6ec: {  	v21 =	vld.idx.msk [tilespmem:v24+s19+$0x0], $0xffff;
	v5 =	vmul.f32 v16, v16;
	v16 =	vmul.f32 v23, v31;
	v1 =	vsub.f32 v2, v1  }
0x6ed: {  	v23 =	vld [tilespmem:s20+$0x14800];
	v2 =	vadd.f32 v13, v4;
	v4 =	vmul.f32 v15, v15;
	v13 =	vsub.f32 v19, v28  }
0x6ee: {  	v15 =	vadd.f32 v16, v3  }
0x6ef: {  	[tilespmem:$0x1D340] =	vst v27;
	v27 =	vld [tilespmem:s20+$0xC880];
	v2 =	vadd.f32 v4, v2;
	v4 =	vmul.f32 v13, v13;
	v13 =	vsub.f32 v9, v10  }
0x6f0: {  	[tilespmem:$0x1D320] =	vst v10;
	v18 =	vld.idx.msk [tilespmem:v22+s17+$0x0], $0xffff;
	v15 =	vsub.f32 v15, v25  }
0x6f1: {  	[tilespmem:$0x1D400] =	vst v6;
	v24 =	vld.idx.msk [tilespmem:v22+s18+$0x0], $0xffff;
	v16 =	vor.u32 $0x6, v50;
	v2 =	vadd.f32 v4, v2;
	v4 =	vmul.f32 v13, v13  }
0x6f2: {  	[tilespmem:$0x1D8D0] =	vst v5;
	v25 =	vld [tilespmem:s20+$0x10880];
	v13 =	vsub.f32 v21, v23;
	v5 =	vmul.f32 v15, v15;
	v15 =	vmul.f32 v23, v28  }
0x6f3: {  	v6 =	vmov v19;
	[tilespmem:$0x1D410] =	vst v19;
	v1 =	vadd.f32 v59, v1;
	v23 =	vld [tilespmem:s20+$0x14880]  }
0x6f4: {  	v19 =	vld.idx.msk [tilespmem:v22+s19+$0x0], $0xffff;
	v2 =	vadd.f32 v4, v2;
	v4 =	vmul.f32 v13, v13;
	v13 =	vadd.f32 v15, v6  }
0x6f5: {  	[tilespmem:$0x1D420] =	vst v9;
	v22 =	vld [tilespmem:s20+$0xC900];
	v9 =	vsub.f32 v18, v27  }
0x6f6: {  	v3 =	vmov v18;
	[tilespmem:$0x1D430] =	vst v18;
	v1 =	vsub.f32 v1, v54;
	v18 =	vld.idx.msk [tilespmem:v16+s17+$0x0], $0xffff;
	v13 =	vsub.f32 v13, v21  }
0x6f7: {  	v6 =	vld.idx.msk [tilespmem:v16+s18+$0x0], $0xffff;
	v2 =	vadd.f32 v4, v2;
	v4 =	vmul.f32 v9, v9;
	v9 =	vsub.f32 v24, v25  }
0x6f8: {  	[tilespmem:$0x1D440] =	vst v24;
	v24 =	vld [tilespmem:s20+$0x10900];
	v10 =	vmul.f32 v13, v13;
	v13 =	vmul.f32 v23, v27  }
0x6f9: {  	v48 =	vld [tilespmem:s28+$0x10600];
	v1 =	vadd.f32 v61, v1;
	v2 =	vadd.f32 v4, v2;
	v4 =	vmul.f32 v9, v9  }
0x6fa: {  	v16 =	vld.idx.msk [tilespmem:v16+s19+$0x0], $0xffff;
	v9 =	vsub.f32 v19, v23;
	v13 =	vadd.f32 v13, v3  }
0x6fb: {  	v15 =	vor.u32 $0x7, v50;
	v1 =	vsub.f32 v1, v63;
	v21 =	vld [tilespmem:s20+$0x14900];
	v2 =	vadd.f32 v4, v2  }
0x6fc: {  	v4 =	vmul.f32 v9, v9;
	v9 =	vsub.f32 v18, v22;
	v3 =	vld [tilespmem:$0x1FA00];
	v13 =	vsub.f32 v13, v19  }
0x6fd: {  	v1 =	vadd.f32 v11, v1;
	v11 =	vsub.f32 v6, v24  }
0x6fe: {  	[tilespmem:$0x1D250] =	vst v48;
	v2 =	vadd.f32 v4, v2;
	v9 =	vmul.f32 v9, v9;
	v4 =	vmul.f32 v13, v13  }
0x6ff: {  	[tilespmem:$0x1D2F0] =	vst v22;
	v1 =	vsub.f32 v1, v29  }
0x700: {  	v2 =	vadd.f32 v9, v2;
	v9 =	vmul.f32 v11, v11;
	v11 =	vsub.f32 v16, v21;
	[tilespmem:$0x1D9B0] =	vst v4;
	v4 =	vld [tilespmem:$0x1FA90]  }
0x701: {  	s23 =	sor.u32 $0x380, s23;
	[tilespmem:$0x1D960] =	vst v10;
	v10 =	vld.idx.msk [tilespmem:v15+s17+$0x0], $0xffff;
	v1 =	vadd.f32 v3, v1  }
0x702: {  	[tilespmem:$0x1D910] =	vst v5;
	v5 =	vmov v22;
	v22 =	vld [tilespmem:s23+$0xC600];
	v2 =	vadd.f32 v9, v2;
	v9 =	vmul.f32 v11, v11  }
0x703: {  	[tilespmem:$0x1D2E0] =	vst v24;
	v24 =	vld [tilespmem:s23+$0x10600];
	v13 =	vmul.f32 v21, v5;
	v1 =	vsub.f32 v1, v34  }
0x704: {  	[tilespmem:$0x1D390] =	vst v30;
	v9 =	vadd.f32 v9, v2;
	v2 =	vld [tilespmem:$0x1FB20]  }
0x705: {  	[tilespmem:$0x1D350] =	vst v31;
	v23 =	vor.u32 $0x8, v50;
	v19 =	vld [tilespmem:s23+$0x14600];
	v13 =	vadd.f32 v13, v18;
	v1 =	vadd.f32 v4, v1  }
0x706: {  	[tilespmem:$0x1D460] =	vst v6;
	v6 =	vld.idx.msk [tilespmem:v15+s18+$0x0], $0xffff  }
0x707: {  	[tilespmem:$0x1D300] =	vst v25;
	v25 =	vld [tilespmem:s20+$0x11600];
	v13 =	vsub.f32 v13, v16;
	v1 =	vsub.f32 v1, v47  }
0x708: {  	[tilespmem:$0x1D330] =	vst v28;
	v15 =	vld.idx.msk [tilespmem:v15+s19+$0x0], $0xffff;
	v21 =	vor.u32 $0x9, v50  }
0x709: {  	[tilespmem:$0x1D450] =	vst v18;
	v11 =	vsub.f32 v10, v22;
	v18 =	vld [tilespmem:s20+$0xD600];
	v1 =	vadd.f32 v2, v1;
	v2 =	vmul.f32 v13, v13  }
0x70a: {  	[tilespmem:$0x1D2C0] =	vst v24;
	v4 =	vld.idx.msk [tilespmem:v23+s17+$0x0], $0xffff;
	v13 =	vmul.f32 v19, v22  }
0x70b: {  	v24 =	vsub.f32 v6, v24;
	v11 =	vmul.f32 v11, v11;
	[tilespmem:$0x1DA00] =	vst v2;
	v2 =	vld [tilespmem:$0x1FB80]  }
0x70c: {  	[tilespmem:$0x1D310] =	vst v27;
	v5 =	vld.idx.msk [tilespmem:v23+s18+$0x0], $0xffff;
	v13 =	vadd.f32 v13, v10  }
0x70d: {  	v16 =	vsub.f32 v15, v19;
	v3 =	vld.idx.msk [tilespmem:v21+s17+$0x0], $0xffff;
	v9 =	vadd.f32 v11, v9;
	v11 =	vmul.f32 v24, v24  }
0x70e: {  	[tilespmem:$0x1D2A0] =	vst v25;
	v23 =	vld.idx.msk [tilespmem:v23+s19+$0x0], $0xffff;
	v1 =	vsub.f32 v1, v45;
	v13 =	vsub.f32 v13, v15  }
0x70f: {  	[tilespmem:$0x1D470] =	vst v10;
	v9 =	vadd.f32 v11, v9;
	v11 =	vmul.f32 v16, v16;
	v19 =	vld [tilespmem:s20+$0x15600];
	v16 =	vsub.f32 v4, v18  }
0x710: {  	[tilespmem:$0x1D2D0] =	vst v22;
	v24 =	vor.u32 $0xA, v50;
	v22 =	vld [tilespmem:s20+$0x11680];
	v1 =	vadd.f32 v2, v1;
	v2 =	vmul.f32 v13, v13  }
0x711: {  	[tilespmem:$0x1D480] =	vst v6;
	v9 =	vadd.f32 v11, v9;
	v10 =	vld [tilespmem:s20+$0xD680];
	v11 =	vmul.f32 v16, v16;
	v16 =	vsub.f32 v5, v25  }
0x712: {  	[tilespmem:$0x1DA70] =	vst v2;
	v2 =	vld [tilespmem:$0x1FBE0]  }
0x713: {  	[tilespmem:$0x1D4A0] =	vst v5;
	v5 =	vld.idx.msk [tilespmem:v21+s18+$0x0], $0xffff;
	v9 =	vadd.f32 v11, v9;
	v6 =	vmul.f32 v16, v16  }
0x714: {  	[tilespmem:$0x1D2B0] =	vst v18;
	v15 =	vsub.f32 v23, v19;
	v16 =	vld.idx.msk [tilespmem:v21+s19+$0x0], $0xffff  }
0x715: {  	v13 =	vmul.f32 v19, v18;
	v9 =	vadd.f32 v6, v9;
	v6 =	vld.idx.msk [tilespmem:v24+s17+$0x0], $0xffff;
	v1 =	vsub.f32 v1, v37  }
0x716: {  	v15 =	vmul.f32 v15, v15;
	v11 =	vmov v10;
	[tilespmem:$0x1D290] =	vst v10;
	v21 =	vsub.f32 v3, v10;
	v10 =	vld.idx.msk [tilespmem:v24+s18+$0x0], $0xffff  }
0x717: {  	[tilespmem:$0x1D4B0] =	vst v3;
	v1 =	vadd.f32 v2, v1;
	v2 =	vld [tilespmem:$0x1FC30]  }
0x718: {  	[tilespmem:$0x1D490] =	vst v4;
	v13 =	vadd.f32 v13, v4;
	v9 =	vadd.f32 v15, v9;
	v15 =	vmul.f32 v21, v21;
	v21 =	vld [tilespmem:s20+$0x11700]  }
0x719: {  	[tilespmem:$0x1D280] =	vst v22;
	v19 =	vld [tilespmem:s20+$0x15680]  }
0x71a: {  	v18 =	vld [tilespmem:s20+$0xD700];
	[tilespmem:$0x1D4C0] =	vst v5;
	v13 =	vsub.f32 v13, v23;
	v1 =	vsub.f32 v1, v20  }
0x71b: {  	[tilespmem:$0x1D4E0] =	vst v10  }
0x71c: {  	v52 =	vld [tilespmem:s20+$0x11800];
	[tilespmem:$0x1D4D0] =	vst v6;
	v1 =	vadd.f32 v2, v1;
	v2 =	vmul.f32 v13, v13  }
0x71d: {  	v0 =	vld [tilespmem:s28+$0x14600];
	[tilespmem:$0x1D260] =	vst v21;
	v20 =	vsub.f32 v5, v22  }
0x71e: {  	v24 =	vld.idx.msk [tilespmem:v24+s19+$0x0], $0xffff;
	v9 =	vadd.f32 v15, v9;
	[tilespmem:$0x1FA80] =	vst v2  }
0x71f: {  	v15 =	vmul.f32 v20, v20;
	v20 =	vsub.f32 v16, v19;
	v13 =	vmul.f32 v19, v11;
	v19 =	vld [tilespmem:s20+$0x15700];
	[tilespmem:$0x1D270] =	vst v18  }
0x720: {  	v26 =	vor.u32 $0xB, v50;
	v2 =	vld [tilespmem:$0x1FC60]  }
0x721: {  	v13 =	vadd.f32 v13, v3  }
0x722: {  	v27 =	vor.u32 $0x1E, v50  }
0x723: {  	v1 =	vsub.f32 v1, v14;
	v13 =	vsub.f32 v13, v16  }
0x724: {  	v4 =	vor.u32 $0x1F, v50  }
0x725: {  	v11 =	vld.idx.msk [tilespmem:v26+s17+$0x0], $0xffff;
	v1 =	vadd.f32 v2, v1;
	v2 =	vmul.f32 v13, v13  }
0x726: {  	v9 =	vadd.f32 v15, v9;
	v15 =	vmul.f32 v20, v20;
	v20 =	vld [tilespmem:s28+$0xC600]  }
0x727: {  	v28 =	vsub.f32 v6, v18;
	[tilespmem:$0x1FAD0] =	vst v2;
	v2 =	vld.idx.msk [tilespmem:v27+s19+$0x0], $0xffff  }
0x728: {  	v5 =	vmov v6;
	v6 =	vadd.f32 v15, v9;
	v15 =	vsub.f32 v10, v21;
	v10 =	vld.idx.msk [tilespmem:v26+s18+$0x0], $0xffff  }
0x729: {  	v9 =	vmul.f32 v28, v28;
	v3 =	vld.idx.msk [tilespmem:v4+s18+$0x0], $0xffff;
	v13 =	vmul.f32 v19, v18  }
0x72a: {  	v29 =	vor.u32 $0xC, v50;
	[tilespmem:$0x1D7C0] =	vst v4;
	v26 =	vld.idx.msk [tilespmem:v26+s19+$0x0], $0xffff  }
0x72b: {  	v4 =	vld.idx.msk [tilespmem:v4+s17+$0x0], $0xffff;
	v6 =	vadd.f32 v9, v6;
	v28 =	vmul.f32 v0, v20;
	v13 =	vadd.f32 v13, v5  }
0x72c: {  	v62 =	vld.idx.msk [tilespmem:v27+s18+$0x0], $0xffff;
	v9 =	vmul.f32 v15, v15;
	v15 =	vsub.f32 v24, v19;
	[tilespmem:$0x1F590] =	vst v2;
	v2 =	vmov v11  }
0x72d: {  	v36 =	vld.idx.msk [tilespmem:v27+s17+$0x0], $0xffff;
	v13 =	vsub.f32 v13, v24;
	v24 =	vadd.f32 v28, v2  }
0x72e: {  	v14 =	vld [tilespmem:$0x1F800];
	v6 =	vadd.f32 v9, v6;
	v9 =	vmul.f32 v15, v15;
	v15 =	vsub.f32 v11, v20  }
0x72f: {  	v23 =	vld [tilespmem:$0x1F660];
	v2 =	vmul.f32 v13, v13;
	v13 =	vsub.f32 v24, v26  }
0x730: {  	v25 =	vld [tilespmem:$0x1FEE0];
	[tilespmem:$0x1D4F0] =	vst v11;
	v6 =	vadd.f32 v9, v6;
	v9 =	vmul.f32 v15, v15  }
0x731: {  	v15 =	vsub.f32 v10, v48;
	v11 =	vld.idx.msk [tilespmem:v29+s17+$0x0], $0xffff;
	[tilespmem:$0x1FAF0] =	vst v2;
	v2 =	vmul.f32 v13, v13  }
0x732: {  	v30 =	vor.u32 $0xD, v50;
	[tilespmem:$0x1D500] =	vst v10;
	v19 =	vor.u32 $0x1D, v50;
	v10 =	vld.idx.msk [tilespmem:v29+s18+$0x0], $0xffff  }
0x733: {  	v0 =	vsub.f32 v26, v0;
	v6 =	vadd.f32 v9, v6;
	v9 =	vmul.f32 v15, v15;
	[tilespmem:$0x1FB10] =	vst v2;
	v2 =	vld [tilespmem:$0x1FCA0]  }
0x734: {  	v55 =	vld [tilespmem:$0x1F7C0]  }
0x735: {  	v0 =	vmul.f32 v0, v0;
	v15 =	vld.idx.msk [tilespmem:v29+s19+$0x0], $0xffff;
	v6 =	vadd.f32 v9, v6  }
0x736: {  	v54 =	vld [tilespmem:$0x1FD90];
	v1 =	vsub.f32 v1, v43;
	v9 =	vsub.f32 v11, v56  }
0x737: {  	[tilespmem:$0x1FE50] =	vst v4;
	v4 =	vld.idx.msk [tilespmem:v30+s17+$0x0], $0xffff;
	v0 =	vadd.f32 v0, v6;
	v13 =	vor.u32 $0xE, v50  }
0x738: {  	v63 =	vld.idx.msk [tilespmem:v19+s19+$0x0], $0xffff;
	v6 =	vmul.f32 v9, v9;
	v9 =	vsub.f32 v10, v52;
	v1 =	vadd.f32 v2, v1  }
0x739: {  	v5 =	vmov v11;
	[tilespmem:$0x1D510] =	vst v11;
	v11 =	vld.idx.msk [tilespmem:v30+s18+$0x0], $0xffff  }
0x73a: {  	v40 =	vld [tilespmem:$0x1FE00];
	v0 =	vadd.f32 v6, v0;
	v6 =	vsub.f32 v15, v7;
	[tilespmem:$0x1DA60] =	vst v1;
	v1 =	vmul.f32 v9, v9  }
0x73b: {  	v47 =	vld.idx.msk [tilespmem:v19+s18+$0x0], $0xffff  }
0x73c: {  	v2 =	vld.idx.msk [tilespmem:v30+s19+$0x0], $0xffff;
	v0 =	vadd.f32 v1, v0;
	v1 =	vmul.f32 v6, v6;
	v6 =	vsub.f32 v4, v51  }
0x73d: {  	[tilespmem:$0x1D530] =	vst v4;
	v4 =	vld.idx.msk [tilespmem:v13+s17+$0x0], $0xffff  }
0x73e: {  	v0 =	vadd.f32 v1, v0;
	v1 =	vmul.f32 v6, v6;
	v6 =	vld [tilespmem:$0x1D210]  }
0x73f: {  	v49 =	vld.idx.msk [tilespmem:v19+s17+$0x0], $0xffff;
	v19 =	vsub.f32 v11, v44  }
0x740: {  	v33 =	vld [tilespmem:$0x1F750]  }
0x741: {  	v43 =	vld [tilespmem:$0x1F710];
	v19 =	vmul.f32 v19, v19;
	v0 =	vadd.f32 v1, v0  }
0x742: {  	v58 =	vmov v52;
	[tilespmem:$0x1D540] =	vst v11;
	v11 =	vld.idx.msk [tilespmem:v13+s18+$0x0], $0xffff;
	v27 =	vsub.f32 v2, v53  }
0x743: {  	v52 =	vld [tilespmem:$0x1FE30];
	[tilespmem:$0x1D550] =	vst v4;
	v0 =	vadd.f32 v19, v0;
	v19 =	vsub.f32 v4, v6;
	v4 =	vmul.f32 v55, v54  }
0x744: {  	v1 =	vld.idx.msk [tilespmem:v13+s19+$0x0], $0xffff;
	v13 =	vmul.f32 v27, v27  }
0x745: {  	v34 =	vld [tilespmem:$0x1F6B0];
	[tilespmem:$0x1D700] =	vst v4;
	v4 =	vmul.f32 v33, v40  }
0x746: {  	[tilespmem:$0x1D520] =	vst v10;
	v10 =	vadd.f32 v17, v5;
	v13 =	vadd.f32 v13, v0;
	v0 =	vld [tilespmem:$0x1F850]  }
0x747: {  	[tilespmem:$0x1D730] =	vst v4;
	v4 =	vld [tilespmem:$0x1FCE0]  }
0x748: {  	[tilespmem:$0x1F800] =	vst v14;
	v18 =	vld [tilespmem:$0x1FF50];
	v5 =	vsub.f32 v10, v15;
	v15 =	vor.u32 $0xF, v50  }
0x749: {  	[tilespmem:$0x1D890] =	vst v2;
	v2 =	vmul.f32 v43, v52;
	v53 =	vld [tilespmem:$0x1FD10]  }
0x74a: {  	v45 =	vld [tilespmem:$0x1F620];
	[tilespmem:$0x1D860] =	vst v5  }
0x74b: {  	v60 =	vld [tilespmem:$0x1FAB0];
	v24 =	vor.u32 $0x1C, v50;
	[tilespmem:$0x1D770] =	vst v2;
	v2 =	vmul.f32 v34, v25  }
0x74c: {  	v56 =	vld [tilespmem:$0x1FE80];
	[tilespmem:$0x1F850] =	vst v0;
	v0 =	vmul.f32 v0, v4  }
0x74d: {  	v5 =	vmul.f32 v23, v18;
	[tilespmem:$0x1D7A0] =	vst v2;
	v2 =	vld.idx.msk [tilespmem:v15+s17+$0x0], $0xffff  }
0x74e: {  	[tilespmem:$0x1D690] =	vst v0;
	v0 =	vmul.f32 v14, v53;
	v14 =	vld [tilespmem:$0x1FFC0]  }
0x74f: {  	v21 =	vld [tilespmem:$0x1FEB0];
	[tilespmem:$0x1D7E0] =	vst v5  }
0x750: {  	v37 =	vld.idx.msk [tilespmem:v24+s19+$0x0], $0xffff;
	[tilespmem:$0x1D570] =	vst v11;
	v28 =	vsub.f32 v11, v38;
	v19 =	vmul.f32 v19, v19  }
0x751: {  	v48 =	vld.idx.msk [tilespmem:v24+s18+$0x0], $0xffff;
	v5 =	vmul.f32 v45, v41;
	[tilespmem:$0x1D8B0] =	vst v1  }
0x752: {  	v11 =	vld.idx.msk [tilespmem:v15+s18+$0x0], $0xffff;
	[tilespmem:$0x1D580] =	vst v2;
	v13 =	vadd.f32 v19, v13;
	v19 =	vmul.f32 v28, v28  }
0x753: {  	v28 =	vsub.f32 v1, v32;
	v1 =	vld.idx.msk [tilespmem:v15+s19+$0x0], $0xffff;
	v15 =	vsub.f32 v2, v14;
	v2 =	vmul.f32 v60, v56  }
0x754: {  	v10 =	vor.u32 $0x1B, v50;
	[tilespmem:$0x1D810] =	vst v5;
	v5 =	vld [tilespmem:$0x1F9D0]  }
0x755: {  	[tilespmem:$0x1D620] =	vst v2;
	v2 =	vld [tilespmem:$0x1FA20]  }
0x756: {  	[tilespmem:$0x1FCE0] =	vst v4;
	v4 =	vld [tilespmem:$0x1FDC0]  }
0x757: {  	[tilespmem:$0x1D6C0] =	vst v0;
	v0 =	vld [tilespmem:$0x1F940]  }
0x758: {  	v46 =	vld.idx.msk [tilespmem:v24+s17+$0x0], $0xffff  }
0x759: {  	v35 =	vld.idx.msk [tilespmem:v10+s19+$0x0], $0xffff;
	[tilespmem:$0x1F9D0] =	vst v5  }
0x75a: {  	[tilespmem:$0x1FA20] =	vst v2;
	v5 =	vmul.f32 v5, v2;
	v2 =	vld [tilespmem:$0x1FD70]  }
0x75b: {  	v22 =	vld.idx.msk [tilespmem:v10+s18+$0x0], $0xffff  }
0x75c: {  	v27 =	vld.idx.msk [tilespmem:v10+s17+$0x0], $0xffff;
	[tilespmem:$0x1F940] =	vst v0;
	v0 =	vmul.f32 v0, v4  }
0x75d: {  	v24 =	vor.u32 $0x10, v50;
	v10 =	vadd.f32 v19, v13;
	v13 =	vmul.f32 v28, v28;
	[tilespmem:$0x1FDC0] =	vst v4;
	v4 =	vld [tilespmem:$0x1F8D0]  }
0x75e: {  	v9 =	vor.u32 $0x1A, v50;
	[tilespmem:$0x1D650] =	vst v0;
	v0 =	vld [tilespmem:$0x1FD40]  }
0x75f: {  	v59 =	vld [tilespmem:$0x1FF60];
	v10 =	vadd.f32 v13, v10;
	v13 =	vmul.f32 v15, v15;
	v15 =	vsub.f32 v11, v2  }
0x760: {  	v30 =	vld [tilespmem:$0x1FB70]  }
0x761: {  	v10 =	vadd.f32 v13, v10;
	v13 =	vmul.f32 v15, v15;
	v15 =	vld [tilespmem:$0x1FFD0]  }
0x762: {  	[tilespmem:$0x1D240] =	vst v20;
	v20 =	vld.idx.msk [tilespmem:v24+s18+$0x0], $0xffff  }
0x763: {  	v16 =	vld.idx.msk [tilespmem:v9+s19+$0x0], $0xffff;
	[tilespmem:$0x1FD40] =	vst v0;
	v0 =	vmul.f32 v4, v0  }
0x764: {  	v61 =	vld.idx.msk [tilespmem:v9+s17+$0x0], $0xffff  }
0x765: {  	[tilespmem:$0x1D670] =	vst v0;
	v0 =	vld.idx.msk [tilespmem:v24+s17+$0x0], $0xffff  }
0x766: {  	v19 =	vmul.f32 v30, v21;
	[tilespmem:$0x1D8C0] =	vst v1;
	v15 =	vsub.f32 v1, v15;
	v1 =	vld.idx.msk [tilespmem:v24+s19+$0x0], $0xffff  }
0x767: {  	v24 =	vld [tilespmem:$0x1FC50]  }
0x768: {  	[tilespmem:$0x1D610] =	vst v19;
	v19 =	vld.idx.msk [tilespmem:v9+s18+$0x0], $0xffff  }
0x769: {  	v9 =	vadd.f32 v13, v10;
	v13 =	vld [tilespmem:$0x1FF90];
	_ =	sdelay $0x1  }
0x76a: {  	[tilespmem:$0x1D640] =	vst v5;
	v5 =	vld [tilespmem:$0x1FF00]  }
0x76b: {  	v8 =	vmul.f32 v12, v8;
	[tilespmem:$0x1D5A0] =	vst v11;
	v11 =	vld [tilespmem:$0x1FC10];
	v12 =	vmul.f32 v24, v59  }
0x76c: {  	[tilespmem:$0x1D5B0] =	vst v0  }
0x76d: {  	[tilespmem:$0x1D5E0] =	vst v12;
	v12 =	vsub.f32 v0, v13;
	v0 =	vld [tilespmem:$0x1D220];
	_ =	sdelay $0x1  }
0x76e: {  	v42 =	vor.u32 $0x16, v50;
	v39 =	vor.u32 $0x15, v50  }
0x76f: {  	v31 =	vor.u32 $0x17, v50;
	v29 =	vor.u32 $0x12, v50;
	v17 =	vmul.f32 v11, v5  }
0x770: {  	v26 =	vor.u32 $0x19, v50;
	v7 =	vor.u32 $0x18, v50;
	v32 =	vor.u32 $0x14, v50  }
0x771: {  	v28 =	vor.u32 $0x11, v50;
	[tilespmem:$0x1D600] =	vst v17;
	v17 =	vor.u32 $0x13, v50;
	v50 =	vadd.f32 v8, v0;
	v8 =	vld [tilespmem:$0x1FCB0];
	_ =	sdelay $0x4  }
0x772: {  	v0 =	vmul.f32 v8, v13  }
0x773: {  	v10 =	vmul.f32 v15, v15  }
0x774: {  	[tilespmem:$0x1D5C0] =	vst v0;
	v0 =	vsub.f32 v3, v45  }
0x775: {  	[tilespmem:$0x1D830] =	vst v3;
	v3 =	vadd.f32 v10, v9;
	v9 =	vmul.f32 v12, v12;
	v12 =	vmov v2  }
0x776: {  	[tilespmem:$0x1D840] =	vst v0;
	v0 =	vmul.f32 v12, v14  }
0x777: {  	v10 =	vsub.f32 v20, v8;
	v8 =	vmov v4;
	v4 =	vld [tilespmem:$0x1F590]  }
0x778: {  	[tilespmem:$0x1D590] =	vst v0;
	v0 =	vld [tilespmem:$0x1FF40];
	_ =	sdelay $0x1  }
0x779: {  	v45 =	vld [tilespmem:$0x1FE50];
	_ =	sdelay $0x2  }
0x77a: {  	v0 =	vsub.f32 v4, v0;
	_ =	sdelay $0x1  }
0x77b: {  	[tilespmem:$0x1D7F0] =	vst v0;
	v0 =	vsub.f32 v45, v41;
	_ =	sdelay $0x1  }
0x77c: {  	[tilespmem:$0x1D820] =	vst v0;
	v0 =	vld [tilespmem:$0x1FFA0];
	_ =	sdelay $0x3  }
0x77d: {  	v3 =	vadd.f32 v9, v3  }
0x77e: {  	v9 =	vmul.f32 v10, v10;
	v10 =	vsub.f32 v1, v0;
	v0 =	vmul.f32 v38, v6;
	_ =	sdelay $0x1  }
0x77f: {  	[tilespmem:$0x1D560] =	vst v0;
	v0 =	vsub.f32 v36, v18;
	_ =	sdelay $0x1  }
0x780: {  	[tilespmem:$0x1D780] =	vst v0;
	v0 =	vsub.f32 v62, v23;
	_ =	sdelay $0x1  }
0x781: {  	[tilespmem:$0x1D7B0] =	vst v0;
	v0 =	vsub.f32 v47, v34;
	_ =	sdelay $0x1  }
0x782: {  	[tilespmem:$0x1D710] =	vst v0;
	v0 =	vld [tilespmem:$0x1FEF0];
	_ =	sdelay $0x4  }
0x783: {  	v0 =	vsub.f32 v63, v0;
	_ =	sdelay $0x1  }
0x784: {  	[tilespmem:$0x1D740] =	vst v0;
	v0 =	vld [tilespmem:$0x1D230];
	_ =	sdelay $0x4  }
0x785: {  	[tilespmem:$0x1D7D0] =	vst v47;
	v47 =	vmul.f32 v58, v0;
	v0 =	vld [tilespmem:$0x1FE40];
	_ =	sdelay $0x4  }
0x786: {  	v57 =	vld.idx.msk [tilespmem:v28+s17+$0x0], $0xffff;
	v0 =	vsub.f32 v37, v0;
	_ =	sdelay $0x1  }
0x787: {  	[tilespmem:$0x1D6A0] =	vst v0;
	v0 =	vsub.f32 v49, v25  }
0x788: {  	[tilespmem:$0x1D8E0] =	vst v1;
	v1 =	vld.idx.msk [tilespmem:v28+s19+$0x0], $0xffff  }
0x789: {  	[tilespmem:$0x1D6D0] =	vst v0;
	v0 =	vld [tilespmem:$0x1FF70]  }
0x78a: {  	v3 =	vadd.f32 v9, v3;
	v9 =	vmul.f32 v10, v10;
	v10 =	vsub.f32 v57, v59;
	_ =	sdelay $0x1  }
0x78b: {  	v3 =	vadd.f32 v9, v3;
	v9 =	vmul.f32 v10, v10;
	_ =	sdelay $0x1  }
0x78c: {  	v3 =	vadd.f32 v9, v3;
	v9 =	vsub.f32 v1, v0;
	v0 =	vld [tilespmem:$0x1D240]  }
0x78d: {  	[tilespmem:$0x1D900] =	vst v1;
	v1 =	vld [tilespmem:$0x1D250];
	_ =	sdelay $0x4  }
0x78e: {  	v34 =	vmul.f32 v1, v0;
	v0 =	vsub.f32 v46, v52;
	_ =	sdelay $0x1  }
0x78f: {  	[tilespmem:$0x1D660] =	vst v0;
	v0 =	vsub.f32 v48, v43  }
0x790: {  	v1 =	vld [tilespmem:$0x1D270]  }
0x791: {  	[tilespmem:$0x1D680] =	vst v0;
	v0 =	vld [tilespmem:$0x1D260];
	_ =	sdelay $0x2  }
0x792: {  	v15 =	vld.idx.msk [tilespmem:v26+s19+$0x0], $0xffff  }
0x793: {  	[tilespmem:$0x1D5D0] =	vst v20;
	v20 =	vld.idx.msk [tilespmem:v26+s18+$0x0], $0xffff  }
0x794: {  	v14 =	vld.idx.msk [tilespmem:v26+s17+$0x0], $0xffff;
	v26 =	vmul.f32 v0, v1;
	v0 =	vsub.f32 v22, v33;
	_ =	sdelay $0x1  }
0x795: {  	[tilespmem:$0x1D630] =	vst v0;
	v0 =	vld [tilespmem:$0x1FE10];
	_ =	sdelay $0x3  }
0x796: {  	v1 =	vld [tilespmem:$0x1D290]  }
0x797: {  	[tilespmem:$0x1F540] =	vst v49;
	v49 =	vsub.f32 v35, v0;
	v0 =	vld [tilespmem:$0x1D280];
	_ =	sdelay $0x1  }
0x798: {  	v2 =	vld.idx.msk [tilespmem:v28+s18+$0x0], $0xffff;
	_ =	sdelay $0x1  }
0x799: {  	v38 =	vld.idx.msk [tilespmem:v29+s17+$0x0], $0xffff  }
0x79a: {  	v43 =	vmul.f32 v0, v1;
	v1 =	vld [tilespmem:$0x1FDA0]  }
0x79b: {  	v28 =	vld.idx.msk [tilespmem:v29+s18+$0x0], $0xffff  }
0x79c: {  	v6 =	vld.idx.msk [tilespmem:v29+s19+$0x0], $0xffff;
	v10 =	vsub.f32 v2, v24  }
0x79d: {  	[tilespmem:$0x1F5B0] =	vst v36;
	v36 =	vld.idx.msk [tilespmem:v7+s19+$0x0], $0xffff  }
0x79e: {  	v12 =	vmov v5;
	[tilespmem:$0x1D5F0] =	vst v2;
	v2 =	vld.idx.msk [tilespmem:v7+s17+$0x0], $0xffff;
	v5 =	vmul.f32 v10, v10  }
0x79f: {  	v0 =	vmov v54;
	v54 =	vsub.f32 v16, v1;
	v1 =	vld [tilespmem:$0x1FF10]  }
0x7a0: {  	v3 =	vadd.f32 v5, v3;
	v58 =	vld.idx.msk [tilespmem:v7+s18+$0x0], $0xffff;
	v7 =	vsub.f32 v38, v12;
	v5 =	vmul.f32 v9, v9;
	_ =	sdelay $0x1  }
0x7a1: {  	v11 =	vsub.f32 v28, v11;
	v10 =	vmul.f32 v7, v7;
	v3 =	vadd.f32 v5, v3  }
0x7a2: {  	v5 =	vld [tilespmem:$0x1D2B0]  }
0x7a3: {  	v3 =	vadd.f32 v10, v3;
	v10 =	vmul.f32 v11, v11;
	v11 =	vsub.f32 v6, v1;
	v1 =	vld [tilespmem:$0x1D2A0];
	_ =	sdelay $0x3  }
0x7a4: {  	v59 =	vmul.f32 v44, v51;
	v51 =	vsub.f32 v61, v0;
	v0 =	vld [tilespmem:$0x1D2C0]  }
0x7a5: {  	[tilespmem:$0x1DA20] =	vst v16;
	v16 =	vmul.f32 v1, v5;
	v1 =	vld [tilespmem:$0x1D2D0];
	_ =	sdelay $0x1  }
0x7a6: {  	[tilespmem:$0x1D920] =	vst v6;
	v9 =	vld.idx.msk [tilespmem:v17+s17+$0x0], $0xffff;
	v3 =	vadd.f32 v10, v3;
	v6 =	vmul.f32 v11, v11;
	_ =	sdelay $0x1  }
0x7a7: {  	v25 =	vadd.f32 v6, v3;
	v3 =	vld [tilespmem:$0x1D2F0]  }
0x7a8: {  	v13 =	vmul.f32 v0, v1;
	v1 =	vld [tilespmem:$0x1D2E0];
	_ =	sdelay $0x1  }
0x7a9: {  	v7 =	vsub.f32 v9, v21;
	_ =	sdelay $0x1  }
0x7aa: {  	[tilespmem:$0x1DA40] =	vst v35;
	v35 =	vsub.f32 v27, v40;
	v40 =	vmul.f32 v7, v7;
	v7 =	vld [tilespmem:$0x1D310]  }
0x7ab: {  	v11 =	vmul.f32 v1, v3;
	v3 =	vld [tilespmem:$0x1D300];
	_ =	sdelay $0x3  }
0x7ac: {  	v0 =	vld [tilespmem:$0x1F800]  }
0x7ad: {  	[tilespmem:$0x1F490] =	vst v37;
	v37 =	vmul.f32 v3, v7;
	v3 =	vld [tilespmem:$0x1FCE0];
	_ =	sdelay $0x2  }
0x7ae: {  	v4 =	vld.idx.msk [tilespmem:v31+s19+$0x0], $0xffff  }
0x7af: {  	v52 =	vsub.f32 v19, v55;
	v18 =	vsub.f32 v20, v0;
	v0 =	vld [tilespmem:$0x1FD20]  }
0x7b0: {  	[tilespmem:$0x1D6B0] =	vst v14;
	v55 =	vsub.f32 v14, v53;
	v53 =	vmov v2;
	v14 =	vsub.f32 v2, v3;
	v2 =	vld [tilespmem:$0x1F850]  }
0x7b1: {  	v24 =	vld.idx.msk [tilespmem:v17+s18+$0x0], $0xffff  }
0x7b2: {  	v23 =	vld.idx.msk [tilespmem:v42+s18+$0x0], $0xffff  }
0x7b3: {  	v1 =	vld [tilespmem:$0x1FCF0]  }
0x7b4: {  	v3 =	vld [tilespmem:$0x1D330]  }
0x7b5: {  	[tilespmem:$0x1D9F0] =	vst v15;
	v29 =	vsub.f32 v15, v0;
	v15 =	vsub.f32 v58, v2;
	v2 =	vld [tilespmem:$0x1D320]  }
0x7b6: {  	v12 =	vld.idx.msk [tilespmem:v17+s19+$0x0], $0xffff  }
0x7b7: {  	v33 =	vld.idx.msk [tilespmem:v42+s17+$0x0], $0xffff  }
0x7b8: {  	[tilespmem:$0x1D6F0] =	vst v61;
	v61 =	vmov v9;
	v9 =	vld.idx.msk [tilespmem:v42+s19+$0x0], $0xffff  }
0x7b9: {  	v17 =	vsub.f32 v36, v1;
	v1 =	vld [tilespmem:$0x1FEC0]  }
0x7ba: {  	v42 =	vmul.f32 v2, v3;
	v2 =	vld [tilespmem:$0x1FD50];
	_ =	sdelay $0x2  }
0x7bb: {  	[tilespmem:$0x1DA10] =	vst v41;
	v41 =	vld.idx.msk [tilespmem:v32+s17+$0x0], $0xffff  }
0x7bc: {  	v3 =	vld [tilespmem:$0x1D350]  }
0x7bd: {  	[tilespmem:$0x1D940] =	vst v12;
	v1 =	vsub.f32 v12, v1;
	v12 =	vsub.f32 v4, v2;
	v2 =	vld [tilespmem:$0x1D340];
	_ =	sdelay $0x3  }
0x7be: {  	v44 =	vld.idx.msk [tilespmem:v31+s18+$0x0], $0xffff  }
0x7bf: {  	[tilespmem:$0x1D790] =	vst v48;
	v48 =	vsub.f32 v41, v56;
	v56 =	vmul.f32 v2, v3;
	v2 =	vld [tilespmem:$0x1FDD0];
	_ =	sdelay $0x1  }
0x7c0: {  	v0 =	vsub.f32 v24, v30;
	_ =	sdelay $0x1  }
0x7c1: {  	[tilespmem:$0x1D750] =	vst v22;
	v5 =	vld.idx.msk [tilespmem:v31+s17+$0x0], $0xffff;
	v22 =	vadd.f32 v40, v25;
	v0 =	vmul.f32 v0, v0  }
0x7c2: {  	v10 =	vsub.f32 v44, v8;
	v8 =	vsub.f32 v9, v2;
	v2 =	vld [tilespmem:$0x1FD40]  }
0x7c3: {  	v0 =	vadd.f32 v0, v22;
	v1 =	vmul.f32 v1, v1  }
0x7c4: {  	v6 =	vld.idx.msk [tilespmem:v32+s19+$0x0], $0xffff  }
0x7c5: {  	v31 =	vld.idx.msk [tilespmem:v32+s18+$0x0], $0xffff;
	v32 =	vmul.f32 v48, v48;
	v1 =	vadd.f32 v1, v0;
	_ =	sdelay $0x1  }
0x7c6: {  	[tilespmem:$0x1D990] =	vst v9;
	v9 =	vsub.f32 v5, v2;
	v2 =	vadd.f32 v32, v1;
	v1 =	vld [tilespmem:$0x1FE90];
	_ =	sdelay $0x3  }
0x7c7: {  	v3 =	vld [tilespmem:$0x1D370]  }
0x7c8: {  	[tilespmem:$0x1D6E0] =	vst v20;
	v20 =	vmov v58;
	v58 =	vsub.f32 v6, v1;
	v1 =	vld [tilespmem:$0x1D360];
	_ =	sdelay $0x4  }
0x7c9: {  	v1 =	vmul.f32 v1, v3;
	v3 =	vld [tilespmem:$0x1FDC0];
	_ =	sdelay $0x4  }
0x7ca: {  	[tilespmem:$0x1D970] =	vst v6;
	v6 =	vsub.f32 v33, v3;
	v3 =	vld [tilespmem:$0x1F940]  }
0x7cb: {  	v0 =	vsub.f32 v31, v60;
	_ =	sdelay $0x1  }
0x7cc: {  	[tilespmem:$0x1D720] =	vst v19;
	v19 =	vld.idx.msk [tilespmem:v39+s19+$0x0], $0xffff;
	v0 =	vmul.f32 v0, v0  }
0x7cd: {  	[tilespmem:$0x1D760] =	vst v46;
	v46 =	vmov v27;
	v27 =	vld [tilespmem:$0x1FA20]  }
0x7ce: {  	v7 =	vsub.f32 v23, v3;
	v3 =	vadd.f32 v0, v2;
	v0 =	vld [tilespmem:$0x1D380]  }
0x7cf: {  	v25 =	vld.idx.msk [tilespmem:v39+s17+$0x0], $0xffff  }
0x7d0: {  	v22 =	vld.idx.msk [tilespmem:v39+s18+$0x0], $0xffff  }
0x7d1: {  	v39 =	vmov v5;
	v5 =	vld [tilespmem:$0x1D3B0];
	_ =	sdelay $0x1  }
0x7d2: {  	[tilespmem:$0x1D9C0] =	vst v4;
	v4 =	vadd.f32 v1, v0;
	v0 =	vld [tilespmem:$0x1D390]  }
0x7d3: {  	[tilespmem:$0x1D9D0] =	vst v36;
	v36 =	vsub.f32 v25, v27;
	v2 =	vmul.f32 v58, v58;
	v1 =	vld [tilespmem:$0x1D3A0];
	_ =	sdelay $0x1  }
0x7d4: {  	v21 =	vsub.f32 v50, v5;
	v5 =	vld [tilespmem:$0x1D3C0];
	v2 =	vadd.f32 v2, v3;
	v3 =	vmul.f32 v36, v36;
	_ =	sdelay $0x1  }
0x7d5: {  	v2 =	vadd.f32 v3, v2;
	v3 =	vld [tilespmem:$0x1D3E0]  }
0x7d6: {  	v0 =	vmul.f32 v0, v1  }
0x7d7: {  	v1 =	vld [tilespmem:$0x1F9D0]  }
0x7d8: {  	v0 =	vadd.f32 v0, v5  }
0x7d9: {  	[tilespmem:$0x1F4C0] =	vst v63;
	v63 =	vld [tilespmem:s20+$0x16880]  }
0x7da: {  	v3 =	vsub.f32 v0, v3;
	v0 =	vld [tilespmem:$0x1D3F0];
	_ =	sdelay $0x1  }
0x7db: {  	v1 =	vsub.f32 v22, v1;
	_ =	sdelay $0x1  }
0x7dc: {  	[tilespmem:$0x1D980] =	vst v19;
	v5 =	vmul.f32 v1, v1;
	v1 =	vsub.f32 v19, v63;
	v19 =	vld [tilespmem:$0x1D3D0]  }
0x7dd: {  	v32 =	vmul.f32 v21, v21;
	v21 =	vadd.f32 v56, v0;
	v0 =	vld [tilespmem:$0x1FF30]  }
0x7de: {  	v1 =	vmul.f32 v1, v1;
	v2 =	vadd.f32 v5, v2;
	v5 =	vld [tilespmem:$0x1D410];
	_ =	sdelay $0x1  }
0x7df: {  	v2 =	vadd.f32 v1, v2;
	v1 =	vld [tilespmem:$0x1D420]  }
0x7e0: {  	v4 =	vsub.f32 v4, v19;
	_ =	sdelay $0x1  }
0x7e1: {  	v40 =	vadd.f32 v32, v0;
	v0 =	vmul.f32 v4, v4;
	v4 =	vld [tilespmem:$0x1D400];
	v5 =	vadd.f32 v42, v5;
	_ =	sdelay $0x1  }
0x7e2: {  	v48 =	vmul.f32 v3, v3;
	v3 =	vsub.f32 v5, v1;
	v1 =	vld [tilespmem:$0x1D430];
	_ =	sdelay $0x2  }
0x7e3: {  	v4 =	vsub.f32 v21, v4;
	_ =	sdelay $0x1  }
0x7e4: {  	v5 =	vadd.f32 v37, v1;
	v1 =	vmul.f32 v4, v4;
	v4 =	vld [tilespmem:$0x1D440];
	_ =	sdelay $0x4  }
0x7e5: {  	v4 =	vsub.f32 v5, v4;
	v5 =	vld [tilespmem:$0x1D450];
	_ =	sdelay $0x4  }
0x7e6: {  	v5 =	vadd.f32 v11, v5;
	v11 =	vmul.f32 v3, v3;
	v3 =	vld [tilespmem:$0x1D460]  }
0x7e7: {  	v21 =	vadd.f32 v0, v40  }
0x7e8: {  	v6 =	vmul.f32 v6, v6  }
0x7e9: {  	v21 =	vadd.f32 v48, v21  }
0x7ea: {  	v2 =	vadd.f32 v6, v2  }
0x7eb: {  	v6 =	vmul.f32 v8, v8;
	v8 =	vadd.f32 v1, v21;
	v3 =	vsub.f32 v5, v3;
	v5 =	vld [tilespmem:$0x1D470];
	_ =	sdelay $0x1  }
0x7ec: {  	[tilespmem:$0x1D950] =	vst v11;
	v8 =	vadd.f32 v11, v8;
	v11 =	vmul.f32 v4, v4;
	v4 =	vld [tilespmem:$0x1D480];
	_ =	sdelay $0x2  }
0x7ed: {  	v5 =	vadd.f32 v13, v5;
	_ =	sdelay $0x1  }
0x7ee: {  	v4 =	vsub.f32 v5, v4;
	v5 =	vld [tilespmem:$0x1D490]  }
0x7ef: {  	v7 =	vmul.f32 v7, v7;
	_ =	sdelay $0x1  }
0x7f0: {  	v2 =	vadd.f32 v7, v2;
	v7 =	vmul.f32 v9, v9  }
0x7f1: {  	v9 =	vmul.f32 v10, v10;
	v10 =	vmul.f32 v3, v3;
	v3 =	vld [tilespmem:$0x1D4A0]  }
0x7f2: {  	v2 =	vadd.f32 v6, v2;
	v6 =	vadd.f32 v16, v5;
	v5 =	vld [tilespmem:$0x1D4B0];
	_ =	sdelay $0x1  }
0x7f3: {  	v8 =	vadd.f32 v11, v8;
	_ =	sdelay $0x1  }
0x7f4: {  	[tilespmem:$0x1D9E0] =	vst v10;
	v10 =	vadd.f32 v10, v8;
	v8 =	vmul.f32 v4, v4;
	v4 =	vld [tilespmem:$0x1D4C0]  }
0x7f5: {  	v3 =	vsub.f32 v6, v3;
	v6 =	vadd.f32 v43, v5;
	v5 =	vld [tilespmem:$0x1D4D0];
	_ =	sdelay $0x3  }
0x7f6: {  	v40 =	vmul.f32 v3, v3;
	v3 =	vld [tilespmem:$0x1D4E0]  }
0x7f7: {  	v4 =	vsub.f32 v6, v4;
	v6 =	vadd.f32 v26, v5;
	v5 =	vld [tilespmem:$0x1D4F0];
	_ =	sdelay $0x1  }
0x7f8: {  	v36 =	vmul.f32 v4, v4;
	v4 =	vld [tilespmem:$0x1D500];
	_ =	sdelay $0x2  }
0x7f9: {  	v3 =	vsub.f32 v6, v3;
	v6 =	vadd.f32 v34, v5  }
0x7fa: {  	v2 =	vadd.f32 v7, v2  }
0x7fb: {  	v6 =	vsub.f32 v6, v4;
	v4 =	vld [tilespmem:$0x1D510]  }
0x7fc: {  	v7 =	vmul.f32 v12, v12;
	v2 =	vadd.f32 v9, v2;
	_ =	sdelay $0x1  }
0x7fd: {  	v9 =	vmul.f32 v14, v14;
	v2 =	vadd.f32 v7, v2;
	_ =	sdelay $0x1  }
0x7fe: {  	v2 =	vadd.f32 v9, v2;
	v9 =	vadd.f32 v47, v4;
	v47 =	vld [tilespmem:$0x1D530]  }
0x7ff: {  	v4 =	vmul.f32 v3, v3;
	v3 =	vld [tilespmem:$0x1D520]  }
0x800: {  	v5 =	vld [tilespmem:$0x1D540]  }
0x801: {  	v7 =	vmul.f32 v15, v15;
	_ =	sdelay $0x1  }
0x802: {  	v2 =	vadd.f32 v7, v2;
	v7 =	vadd.f32 v59, v47  }
0x803: {  	v3 =	vsub.f32 v9, v3;
	v9 =	vmul.f32 v55, v55;
	v55 =	vld [tilespmem:$0x1D550]  }
0x804: {  	v7 =	vsub.f32 v7, v5;
	v5 =	vld [tilespmem:$0x1D560];
	_ =	sdelay $0x2  }
0x805: {  	[tilespmem:$0x1D9A0] =	vst v11;
	v11 =	vmul.f32 v17, v17  }
0x806: {  	v59 =	vld [tilespmem:$0x1D580]  }
0x807: {  	v2 =	vadd.f32 v11, v2;
	v11 =	vadd.f32 v5, v55;
	v5 =	vld [tilespmem:$0x1D590];
	_ =	sdelay $0x4  }
0x808: {  	v2 =	vadd.f32 v9, v2;
	v9 =	vadd.f32 v5, v59;
	v5 =	vld [tilespmem:$0x1D5A0];
	_ =	sdelay $0x1  }
0x809: {  	[tilespmem:$0x1D800] =	vst v62;
	v62 =	vmul.f32 v3, v3;
	v3 =	vld [tilespmem:$0x1D570];
	_ =	sdelay $0x1  }
0x80a: {  	v56 =	vld [tilespmem:$0x1D5B0]  }
0x80b: {  	v21 =	vmul.f32 v7, v7;
	v7 =	vsub.f32 v9, v5;
	v5 =	vld [tilespmem:$0x1D5C0];
	_ =	sdelay $0x1  }
0x80c: {  	v3 =	vsub.f32 v11, v3;
	_ =	sdelay $0x1  }
0x80d: {  	v58 =	vmul.f32 v3, v3;
	v3 =	vld [tilespmem:$0x1D5D0]  }
0x80e: {  	v12 =	vmul.f32 v18, v18;
	v9 =	vadd.f32 v5, v56;
	v5 =	vld [tilespmem:$0x1D5E0];
	_ =	sdelay $0x1  }
0x80f: {  	v2 =	vadd.f32 v12, v2;
	v11 =	vmul.f32 v29, v29;
	_ =	sdelay $0x1  }
0x810: {  	[tilespmem:$0x1DA30] =	vst v8;
	v10 =	vadd.f32 v8, v10;
	v8 =	vld [tilespmem:$0x1D610];
	v2 =	vadd.f32 v11, v2  }
0x811: {  	v12 =	vmul.f32 v51, v51;
	v3 =	vsub.f32 v9, v3;
	v9 =	vadd.f32 v5, v57;
	v5 =	vld [tilespmem:$0x1D5F0];
	_ =	sdelay $0x1  }
0x812: {  	v11 =	vmul.f32 v52, v52;
	v2 =	vadd.f32 v12, v2;
	_ =	sdelay $0x1  }
0x813: {  	v10 =	vadd.f32 v40, v10;
	v2 =	vadd.f32 v11, v2  }
0x814: {  	[tilespmem:$0x1D8F0] =	vst v57;
	v11 =	vadd.f32 v8, v61;
	v57 =	vmul.f32 v7, v7;
	v7 =	vsub.f32 v9, v5;
	v5 =	vld [tilespmem:$0x1D600]  }
0x815: {  	v10 =	vadd.f32 v36, v10  }
0x816: {  	v12 =	vmul.f32 v54, v54;
	v54 =	vmul.f32 v7, v7;
	v7 =	vsub.f32 v11, v24;
	v11 =	vld [tilespmem:$0x1D620];
	_ =	sdelay $0x1  }
0x817: {  	v6 =	vmul.f32 v6, v6;
	v10 =	vadd.f32 v4, v10  }
0x818: {  	v9 =	vadd.f32 v5, v38  }
0x819: {  	v10 =	vadd.f32 v6, v10  }
0x81a: {  	v9 =	vsub.f32 v9, v28;
	v11 =	vadd.f32 v11, v41;
	_ =	sdelay $0x1  }
0x81b: {  	v10 =	vadd.f32 v62, v10;
	v8 =	vmovc v61;
	v61 =	vmul.f32 v9, v9;
	v9 =	vsub.f32 v11, v31;
	v11 =	vld [tilespmem:$0x1D640]  }
0x81c: {  	s21 =	sadd.s32 $0x10, s21  }
0x81d: {  	s23 =	sor.u32 s21, s22;
	v10 =	vadd.f32 v21, v10;
	v2 =	vadd.f32 v12, v2;
	v12 =	vld [tilespmem:$0x1D630]  }
0x81e: {  	v17 =	vld [tilespmem:s1+$0x14600];
	s1 =	sor.u32 $0x3380, s23;
	v13 =	vmul.f32 v35, v35  }
0x81f: {  	v14 =	vld [tilespmem:s1+$0x10600];
	v10 =	vadd.f32 v58, v10  }
0x820: {  	v2 =	vadd.f32 v13, v2;
	v13 =	vadd.f32 v11, v25;
	v11 =	vld [tilespmem:$0x1D650]  }
0x821: {  	v3 =	vmul.f32 v3, v3;
	v10 =	vadd.f32 v57, v10  }
0x822: {  	s26 =	sand.u32 $0x70, s21;
	s28 =	sand.u32 $0xC00, s22;
	v12 =	vmul.f32 v12, v12  }
0x823: {  	s20 =	sor.u32 s26, s28;
	v10 =	vadd.f32 v3, v10  }
0x824: {  	[tilespmem:$0x1F620] =	vst v14;
	v14 =	vmul.f32 v49, v49;
	v2 =	vadd.f32 v12, v2;
	v49 =	vmul.f32 v7, v7;
	v7 =	vld [tilespmem:s20+$0x13900]  }
0x825: {  	v10 =	vadd.f32 v54, v10;
	v12 =	vadd.f32 v11, v33;
	v11 =	vld [tilespmem:$0x1D660];
	_ =	sdelay $0x1  }
0x826: {  	v10 =	vadd.f32 v61, v10;
	_ =	sdelay $0x1  }
0x827: {  	v15 =	vadd.f32 v49, v10  }
0x828: {  	[tilespmem:$0x1F660] =	vst v7;
	v10 =	vmul.f32 v9, v9;
	v7 =	vsub.f32 v13, v22;
	v13 =	vmul.f32 v11, v11;
	v11 =	vld [tilespmem:$0x1D670]  }
0x829: {  	v16 =	vld [tilespmem:s20+$0x13880]  }
0x82a: {  	[tilespmem:$0x1FA00] =	vst v10;
	v15 =	vadd.f32 v10, v15;
	v10 =	vld [tilespmem:$0x1D690];
	_ =	sdelay $0x2  }
0x82b: {  	v9 =	vsub.f32 v12, v23;
	v12 =	vadd.f32 v11, v39;
	_ =	sdelay $0x1  }
0x82c: {  	[tilespmem:$0x1F6B0] =	vst v16;
	v16 =	vmul.f32 v7, v7;
	v7 =	vsub.f32 v12, v44;
	v12 =	vadd.f32 v10, v53;
	v10 =	vld [tilespmem:$0x1D6A0];
	_ =	sdelay $0x2  }
0x82d: {  	v2 =	vadd.f32 v14, v2;
	v22 =	vld [tilespmem:$0x1D6B0]  }
0x82e: {  	[tilespmem:$0x1FA90] =	vst v16;
	v15 =	vadd.f32 v16, v15;
	v16 =	vmul.f32 v9, v9;
	v9 =	vld [tilespmem:s20+$0x13800]  }
0x82f: {  	v2 =	vadd.f32 v13, v2;
	v13 =	vmul.f32 v10, v10;
	v10 =	vld [tilespmem:$0x1D6C0]  }
0x830: {  	s28 =	sand.u32 $0xFFFFFC00, s22  }
0x831: {  	s26 =	sadd.s32 s28, s21  }
0x832: {  	s28 =	sor.u32 $0x3180, s26;
	v11 =	vld [tilespmem:$0x1D680]  }
0x833: {  	[tilespmem:$0x1FB20] =	vst v16;
	v15 =	vadd.f32 v16, v15;
	v16 =	vmul.f32 v7, v7;
	v7 =	vld [tilespmem:s28+$0x10600]  }
0x834: {  	[tilespmem:$0x1F710] =	vst v9;
	v9 =	vsub.f32 v12, v20;
	v12 =	vadd.f32 v10, v22;
	v10 =	vld [tilespmem:$0x1D6D0];
	_ =	sdelay $0x2  }
0x835: {  	v14 =	vmul.f32 v11, v11;
	v11 =	vld [tilespmem:$0x1D6F0]  }
0x836: {  	[tilespmem:$0x1F750] =	vst v7;
	v7 =	vld [tilespmem:$0x1D6E0]  }
0x837: {  	v2 =	vadd.f32 v14, v2;
	v14 =	vmul.f32 v10, v10;
	v10 =	vld [tilespmem:$0x1D700];
	_ =	sdelay $0x4  }
0x838: {  	v7 =	vsub.f32 v12, v7;
	v12 =	vadd.f32 v10, v11;
	v10 =	vld [tilespmem:$0x1D710];
	_ =	sdelay $0x3  }
0x839: {  	v18 =	vmul.f32 v9, v9;
	v9 =	vld [tilespmem:$0x1D720]  }
0x83a: {  	v2 =	vadd.f32 v13, v2;
	v13 =	vmul.f32 v10, v10;
	v10 =	vld [tilespmem:$0x1D730];
	_ =	sdelay $0x3  }
0x83b: {  	[tilespmem:$0x1FB80] =	vst v16;
	v15 =	vadd.f32 v16, v15;
	v16 =	vld [tilespmem:s20+$0x13700]  }
0x83c: {  	v9 =	vsub.f32 v12, v9;
	v12 =	vadd.f32 v10, v46;
	v10 =	vld [tilespmem:$0x1D740];
	_ =	sdelay $0x2  }
0x83d: {  	v50 =	vld [tilespmem:$0x1D760]  }
0x83e: {  	[tilespmem:$0x1F7C0] =	vst v16;
	v16 =	vmul.f32 v7, v7;
	v7 =	vld [tilespmem:$0x1D750]  }
0x83f: {  	v2 =	vadd.f32 v14, v2;
	v14 =	vmul.f32 v10, v10;
	v10 =	vld [tilespmem:$0x1D770];
	_ =	sdelay $0x3  }
0x840: {  	[tilespmem:$0x1FBE0] =	vst v18;
	v15 =	vadd.f32 v18, v15;
	v18 =	vmul.f32 v9, v9;
	v9 =	vld [tilespmem:$0x1D790]  }
0x841: {  	v7 =	vsub.f32 v12, v7;
	v12 =	vadd.f32 v10, v50;
	v10 =	vld [tilespmem:$0x1D780];
	_ =	sdelay $0x3  }
0x842: {  	v9 =	vsub.f32 v12, v9;
	v12 =	vld [tilespmem:$0x1F540]  }
0x843: {  	v15 =	vadd.f32 v16, v15;
	v2 =	vadd.f32 v13, v2;
	v13 =	vmul.f32 v10, v10;
	v10 =	vld [tilespmem:$0x1D7A0];
	_ =	sdelay $0x1  }
0x844: {  	[tilespmem:$0x1FC60] =	vst v18;
	v15 =	vadd.f32 v18, v15;
	v18 =	vmul.f32 v7, v7;
	v7 =	vld [tilespmem:$0x1D7D0];
	_ =	sdelay $0x1  }
0x845: {  	[tilespmem:$0x1FCA0] =	vst v18;
	v15 =	vadd.f32 v18, v15;
	v2 =	vadd.f32 v14, v2;
	v18 =	vmul.f32 v9, v9;
	v9 =	vld [tilespmem:s20+$0x13600]  }
0x846: {  	v12 =	vadd.f32 v10, v12  }
0x847: {  	v2 =	vadd.f32 v13, v2;
	v13 =	vld [tilespmem:$0x1D7E0]  }
0x848: {  	v7 =	vsub.f32 v12, v7;
	v12 =	vld [tilespmem:$0x1F5B0];
	_ =	sdelay $0x1  }
0x849: {  	[tilespmem:$0x1F850] =	vst v9;
	v9 =	vld [tilespmem:$0x1D800];
	_ =	sdelay $0x1  }
0x84a: {  	[tilespmem:$0x1FC30] =	vst v16;
	v16 =	vld [tilespmem:$0x1D7C0]  }
0x84b: {  	v10 =	vld [tilespmem:$0x1D7B0];
	v12 =	vadd.f32 v13, v12;
	_ =	sdelay $0x1  }
0x84c: {  	v9 =	vsub.f32 v12, v9;
	v12 =	vld [tilespmem:$0x1D810];
	_ =	sdelay $0x1  }
0x84d: {  	v20 =	vmul.f32 v7, v7;
	v7 =	vld [tilespmem:$0x1D830]  }
0x84e: {  	v14 =	vmul.f32 v10, v10;
	v13 =	vld [tilespmem:$0x1D7F0]  }
0x84f: {  	v42 =	vmov v45  }
0x850: {  	v2 =	vadd.f32 v14, v2;
	v14 =	vld [tilespmem:$0x1D820];
	v12 =	vadd.f32 v12, v42  }
0x851: {  	v10 =	vld.idx.msk [tilespmem:v16+s19+$0x0], $0xffff  }
0x852: {  	v7 =	vsub.f32 v12, v7;
	v12 =	vld [tilespmem:$0x1D840]  }
0x853: {  	v13 =	vmul.f32 v13, v13;
	_ =	sdelay $0x1  }
0x854: {  	v31 =	vld [tilespmem:s20+$0xF600];
	v14 =	vmul.f32 v14, v14;
	v2 =	vadd.f32 v13, v2  }
0x855: {  	v37 =	vmov v39;
	v39 =	vld [tilespmem:s20+$0x17600]  }
0x856: {  	v13 =	vsub.f32 v10, v17;
	v2 =	vadd.f32 v14, v2;
	v12 =	vmul.f32 v12, v12;
	_ =	sdelay $0x1  }
0x857: {  	v13 =	vmul.f32 v13, v13;
	v2 =	vadd.f32 v12, v2  }
0x858: {  	v15 =	vadd.f32 v18, v15  }
0x859: {  	[tilespmem:$0x1FCF0] =	vst v39;
	v12 =	vmul.f32 v39, v31;
	v39 =	vadd.f32 v13, v2;
	v2 =	vld [tilespmem:s20+$0x12880]  }
0x85a: {  	[tilespmem:$0x1FD80] =	vst v20;
	v15 =	vadd.f32 v20, v15;
	v20 =	vmul.f32 v9, v9;
	v9 =	vld [tilespmem:$0x1D850];
	_ =	sdelay $0x1  }
0x85b: {  	v60 =	vmul.f32 v7, v7;
	v7 =	vld [tilespmem:s20+$0x12900]  }
0x85c: {  	v24 =	vld [tilespmem:s28+$0x14600]  }
0x85d: {  	[tilespmem:$0x1F9D0] =	vst v2;
	v2 =	vld [tilespmem:$0x1D880]  }
0x85e: {  	v23 =	vld [tilespmem:s28+$0xC600];
	s28 =	sor.u32 $0x2380, s23;
	v9 =	vsub.f32 v32, v9  }
0x85f: {  	v19 =	vld [tilespmem:s28+$0x10600]  }
0x860: {  	v0 =	vadd.f32 v0, v9;
	[tilespmem:$0x1F940] =	vst v7;
	v7 =	vld [tilespmem:$0x1D870]  }
0x861: {  	v14 =	vld [tilespmem:$0x1D860]  }
0x862: {  	v0 =	vsub.f32 v0, v2;
	v2 =	vld [tilespmem:$0x1D890];
	_ =	sdelay $0x2  }
0x863: {  	v52 =	vld [tilespmem:s28+$0x14600];
	v7 =	vadd.f32 v7, v47  }
0x864: {  	[tilespmem:$0x1F8D0] =	vst v19;
	v19 =	vld [tilespmem:s28+$0xC600];
	v32 =	vmul.f32 v14, v14;
	v14 =	vadd.f32 v20, v15  }
0x865: {  	v2 =	vsub.f32 v7, v2;
	v7 =	vld [tilespmem:s20+$0xE880]  }
0x866: {  	v14 =	vadd.f32 v60, v14;
	_ =	sdelay $0x1  }
0x867: {  	[tilespmem:$0x1FF30] =	vst v14;
	v14 =	vld [tilespmem:$0x1D8A0]  }
0x868: {  	[tilespmem:$0x1FD40] =	vst v19  }
0x869: {  	[tilespmem:$0x1FA20] =	vst v7;
	v7 =	vmul.f32 v52, v19;
	v19 =	vld [tilespmem:$0x1D8B0];
	_ =	sdelay $0x1  }
0x86a: {  	v51 =	vmov v53;
	v53 =	vmov v46;
	v46 =	vld [tilespmem:s20+$0x16900]  }
0x86b: {  	v15 =	vld [tilespmem:$0x1FFE0];
	v14 =	vadd.f32 v14, v55  }
0x86c: {  	[tilespmem:$0x1FE70] =	vst v20;
	v20 =	vld [tilespmem:s20+$0xE900]  }
0x86d: {  	v14 =	vsub.f32 v14, v19;
	v19 =	vld [tilespmem:$0x1D8C0];
	_ =	sdelay $0x2  }
0x86e: {  	v15 =	vadd.f32 v15, v59;
	_ =	sdelay $0x1  }
0x86f: {  	[tilespmem:$0x1FDC0] =	vst v20;
	v15 =	vsub.f32 v15, v19;
	v19 =	vmul.f32 v46, v20;
	v20 =	vld [tilespmem:$0x1D8D0];
	_ =	sdelay $0x2  }
0x870: {  	v0 =	vadd.f32 v48, v0;
	v55 =	vmul.f32 v2, v2;
	v2 =	vld [tilespmem:$0x1FFB0];
	_ =	sdelay $0x1  }
0x871: {  	v0 =	vsub.f32 v0, v20;
	v20 =	vld [tilespmem:$0x1D8E0];
	_ =	sdelay $0x2  }
0x872: {  	v2 =	vadd.f32 v2, v56  }
0x873: {  	[tilespmem:$0x1FDD0] =	vst v46;
	v46 =	vmul.f32 v14, v14;
	v14 =	vld [tilespmem:$0x1FF80]  }
0x874: {  	v20 =	vsub.f32 v2, v20;
	v2 =	vmul.f32 v15, v15;
	v15 =	vld [tilespmem:$0x1D8F0];
	_ =	sdelay $0x3  }
0x875: {  	s28 =	sor.u32 $0x2180, s26  }
0x876: {  	v14 =	vadd.f32 v14, v15;
	v15 =	vld [tilespmem:s28+$0x10600];
	_ =	sdelay $0x4  }
0x877: {  	[tilespmem:$0x1FB70] =	vst v15;
	v15 =	vld [tilespmem:$0x1FF20];
	_ =	sdelay $0x3  }
0x878: {  	v45 =	vld [tilespmem:s20+$0x17680];
	v5 =	vmov v38  }
0x879: {  	v15 =	vadd.f32 v15, v5;
	v5 =	vld [tilespmem:$0x1D900]  }
0x87a: {  	v43 =	vld [tilespmem:s20+$0x17700]  }
0x87b: {  	v16 =	vld [tilespmem:s20+$0x13680]  }
0x87c: {  	v26 =	vld [tilespmem:s20+$0xF800]  }
0x87d: {  	v29 =	vld [tilespmem:s20+$0x17800]  }
0x87e: {  	v14 =	vsub.f32 v14, v5;
	v5 =	vld [tilespmem:$0x1D920]  }
0x87f: {  	v28 =	vld [tilespmem:s20+$0xF700]  }
0x880: {  	[tilespmem:$0x1F800] =	vst v16;
	v16 =	vld [tilespmem:s20+$0xF680]  }
0x881: {  	[tilespmem:$0x1FE10] =	vst v24;
	v0 =	vadd.f32 v1, v0;
	v1 =	vmul.f32 v20, v20;
	v20 =	vld [tilespmem:$0x1FED0]  }
0x882: {  	[tilespmem:$0x1FE00] =	vst v23;
	v23 =	vmul.f32 v24, v23;
	v24 =	vld [tilespmem:$0x1D910]  }
0x883: {  	v15 =	vsub.f32 v15, v5;
	v5 =	vld [tilespmem:$0x1D940]  }
0x884: {  	v9 =	vmul.f32 v63, v27;
	v63 =	vld [tilespmem:s20+$0x16800]  }
0x885: {  	[tilespmem:$0x1FD10] =	vst v16;
	v13 =	vmul.f32 v45, v16;
	v16 =	vld [tilespmem:s20+$0x12800]  }
0x886: {  	[tilespmem:$0x1FCE0] =	vst v31;
	v31 =	vld [tilespmem:s20+$0xE800];
	v20 =	vadd.f32 v20, v8;
	_ =	sdelay $0x1  }
0x887: {  	[tilespmem:$0x1FE30] =	vst v26;
	v59 =	vmov v54;
	v54 =	vmul.f32 v14, v14;
	v14 =	vsub.f32 v20, v5;
	v5 =	vld [tilespmem:$0x1D950]  }
0x888: {  	[tilespmem:$0x1FD90] =	vst v28  }
0x889: {  	[tilespmem:$0x1FAB0] =	vst v16;
	v16 =	vmul.f32 v43, v28;
	v28 =	vmul.f32 v29, v26  }
0x88a: {  	[tilespmem:$0x1FE90] =	vst v63;
	v26 =	vmul.f32 v63, v31;
	v0 =	vsub.f32 v0, v24;
	v63 =	vmul.f32 v15, v15;
	v15 =	vld [tilespmem:$0x1FEA0];
	_ =	sdelay $0x1  }
0x88b: {  	v0 =	vadd.f32 v5, v0;
	v5 =	vld [tilespmem:$0x1D970];
	_ =	sdelay $0x1  }
0x88c: {  	[tilespmem:$0x1FD20] =	vst v45;
	v45 =	vld [tilespmem:s28+$0x14600]  }
0x88d: {  	[tilespmem:$0x1FDA0] =	vst v43;
	v43 =	vld [tilespmem:s28+$0xC600];
	v15 =	vadd.f32 v15, v41  }
0x88e: {  	v20 =	vmov v19;
	v19 =	vld [tilespmem:s20+$0x12680]  }
0x88f: {  	v15 =	vsub.f32 v15, v5;
	v5 =	vld [tilespmem:$0x1D980];
	_ =	sdelay $0x1  }
0x890: {  	v30 =	vld [tilespmem:s20+$0xF880]  }
0x891: {  	[tilespmem:$0x1FE40] =	vst v29;
	v9 =	vadd.f32 v9, v25;
	v29 =	vmul.f32 v14, v14;
	v14 =	vld [tilespmem:$0x1FDE0]  }
0x892: {  	v24 =	vld [tilespmem:s20+$0x12700];
	v8 =	vmov v26;
	[tilespmem:$0x1FC50] =	vst v19;
	v19 =	vmul.f32 v45, v43  }
0x893: {  	[tilespmem:$0x1FEA0] =	vst v8;
	v8 =	vsub.f32 v9, v5;
	v5 =	vld [tilespmem:$0x1D990]  }
0x894: {  	[tilespmem:$0x1FED0] =	vst v19;
	v19 =	vld [tilespmem:$0x1D960]  }
0x895: {  	v34 =	vld [tilespmem:s20+$0x17880]  }
0x896: {  	v48 =	vld [tilespmem:s20+$0x16700];
	v14 =	vadd.f32 v14, v33  }
0x897: {  	[tilespmem:$0x1FC10] =	vst v24;
	v24 =	vld [tilespmem:s20+$0xE700]  }
0x898: {  	v14 =	vsub.f32 v14, v5;
	v5 =	vld [tilespmem:$0x1D9A0]  }
0x899: {  	v0 =	vsub.f32 v0, v19;
	v19 =	vmov v7;
	v7 =	vld [tilespmem:s20+$0x12600]  }
0x89a: {  	[tilespmem:$0x1FEE0] =	vst v30  }
0x89b: {  	[tilespmem:$0x1FEF0] =	vst v34;
	v30 =	vmul.f32 v34, v30;
	v34 =	vmul.f32 v15, v15;
	v15 =	vld [tilespmem:$0x1FD60];
	_ =	sdelay $0x1  }
0x89c: {  	v0 =	vadd.f32 v5, v0;
	v5 =	vld [tilespmem:$0x1D9C0]  }
0x89d: {  	[tilespmem:$0x1FCB0] =	vst v7;
	v7 =	vmul.f32 v48, v24  }
0x89e: {  	[tilespmem:$0x1F870] =	vst v3;
	v3 =	vld [tilespmem:s1+$0xC600]  }
0x89f: {  	v15 =	vadd.f32 v15, v37;
	[tilespmem:$0x1FF20] =	vst v7;
	v7 =	vld [tilespmem:$0x1FD00]  }
0x8a0: {  	[tilespmem:$0x1FD50] =	vst v52;
	v52 =	vld [tilespmem:s20+$0x16680]  }
0x8a1: {  	v47 =	vmul.f32 v8, v8;
	v8 =	vsub.f32 v15, v5;
	v5 =	vld [tilespmem:$0x1D9D0]  }
0x8a2: {  	[tilespmem:$0x1FDE0] =	vst v20;
	v20 =	vld [tilespmem:s20+$0xE680];
	v9 =	vmov v12  }
0x8a3: {  	s28 =	sor.u32 $0x1380, s23;
	[tilespmem:$0x1FD00] =	vst v9;
	v9 =	vld [tilespmem:$0x1D9B0]  }
0x8a4: {  	[tilespmem:$0x1FEC0] =	vst v45;
	v45 =	vmul.f32 v14, v14;
	v7 =	vadd.f32 v7, v51;
	v14 =	vmov v13;
	v13 =	vld [tilespmem:s28+$0x10600]  }
0x8a5: {  	v25 =	vld [tilespmem:s20+$0x16600]  }
0x8a6: {  	v7 =	vsub.f32 v7, v5;
	v5 =	vld [tilespmem:$0x1D9E0]  }
0x8a7: {  	[tilespmem:$0x1FD60] =	vst v19;
	v19 =	vld [tilespmem:s20+$0xE600]  }
0x8a8: {  	[tilespmem:$0x1FF60] =	vst v20;
	v12 =	vld [tilespmem:$0x1FD30];
	v0 =	vsub.f32 v0, v9  }
0x8a9: {  	v9 =	vmov v16;
	[tilespmem:$0x1FD70] =	vst v13;
	v13 =	vmul.f32 v52, v20;
	v20 =	vmul.f32 v7, v7;
	v7 =	vld [tilespmem:$0x1FDB0]  }
0x8aa: {  	[tilespmem:$0x1FDB0] =	vst v9;
	v9 =	vld [tilespmem:$0x1DA00]  }
0x8ab: {  	v0 =	vadd.f32 v5, v0;
	v5 =	vld [tilespmem:$0x1D9F0];
	_ =	sdelay $0x1  }
0x8ac: {  	v41 =	vmov v3;
	v3 =	vmul.f32 v25, v19  }
0x8ad: {  	v12 =	vadd.f32 v12, v22  }
0x8ae: {  	[tilespmem:$0x1FFB0] =	vst v3;
	v3 =	vld [tilespmem:$0x1DA20]  }
0x8af: {  	v37 =	vmul.f32 v8, v8;
	v0 =	vsub.f32 v0, v9;
	v9 =	vld [tilespmem:$0x1FE20];
	v8 =	vsub.f32 v12, v5;
	v5 =	vmovc v23  }
0x8b0: {  	[tilespmem:$0x1FE20] =	vst v5;
	v5 =	vld [tilespmem:$0x1DA30];
	_ =	sdelay $0x1  }
0x8b1: {  	v35 =	vld [tilespmem:s20+$0x17900]  }
0x8b2: {  	v38 =	vld [tilespmem:s20+$0xF900];
	v7 =	vadd.f32 v7, v11;
	_ =	sdelay $0x1  }
0x8b3: {  	v3 =	vsub.f32 v7, v3;
	v7 =	vadd.f32 v5, v0;
	v0 =	vld [tilespmem:$0x1DA40];
	_ =	sdelay $0x1  }
0x8b4: {  	[tilespmem:$0x1FF40] =	vst v35  }
0x8b5: {  	[tilespmem:$0x1FF50] =	vst v38;
	v33 =	vld [tilespmem:s28+$0x14600];
	v9 =	vadd.f32 v9, v53  }
0x8b6: {  	[tilespmem:$0x1FF00] =	vst v24;
	v24 =	vld [tilespmem:s28+$0xC600]  }
0x8b7: {  	[tilespmem:$0x1FD30] =	vst v14;
	v14 =	vmul.f32 v8, v8;
	v8 =	vsub.f32 v9, v0;
	v0 =	vld [tilespmem:$0x1FE60]  }
0x8b8: {  	[tilespmem:$0x1FFA0] =	vst v25  }
0x8b9: {  	v44 =	vld [tilespmem:s20+$0x11880];
	[tilespmem:$0x1FE80] =	vst v31  }
0x8ba: {  	[tilespmem:$0x1FEB0] =	vst v43;
	v12 =	vld [tilespmem:$0x1DA10]  }
0x8bb: {  	[tilespmem:$0x1FF10] =	vst v48;
	v5 =	vld [tilespmem:$0x1DA60];
	v9 =	vmul.f32 v33, v24  }
0x8bc: {  	[tilespmem:$0x1FF70] =	vst v52;
	v43 =	vmul.f32 v3, v3;
	v3 =	vadd.f32 v0, v50;
	v0 =	vld [tilespmem:$0x1DA50]  }
0x8bd: {  	p0 =	sne.s32 s22, $0xF80;
	[tilespmem:$0x1FFE0] =	vst v9;
	v9 =	vld [tilespmem:$0x1DA70]  }
.Ltmp0:
0x8be: {  	v31 =	vld [tilespmem:$0x1D930];
	[tilespmem:$0x1FFD0] =	vst v33;
	(pc) =	sbr.rel @p0 .LBB2_2-.Ltmp0, $4  }
0x8bf: {  	v56 =	vmul.f32 v35, v38;
	v38 =	vld [tilespmem:s20+$0x11900];
	[tilespmem:$0x1FF90] =	vst v19  }
0x8c0: {  	[tilespmem:$0x1FFC0] =	vst v24;
	v15 =	vld [tilespmem:s20+$0x15900]  }
0x8c1: {  	[tilespmem:$0x1FF80] =	vst v13;
	v13 =	vld [tilespmem:s20+$0xD900];
	v11 =	vmov v49;
	v0 =	vsub.f32 v5, v0;
	v5 =	vmov v28  }
0x8c2: {  	s22 =	sadd.s32 $0x80, s22;
	v49 =	vmovc v21;
	v21 =	vmovc v62;
	v53 =	vld [tilespmem:s20+$0x15880];
	v26 =	vmul.f32 v17, v12;
	v12 =	vsub.f32 v7, v9;
	[tilespmem:$0x1FE60] =	vst v5;
	v5 =	vmov s21  }
0x8c3: {  	v7 =	vld [tilespmem:$0x1FFF0];
	_ =	sdelay $0x3  }
0x8c4: {  	v5 =	vshll.u32 v5, $0x5  }
0x8c5: {  	v50 =	vor.u32 v7, v5;
	_ =	sdelay $0x2  }
0x8c6: {  	v27 =	vld [tilespmem:s20+$0xC600]  }
0x8c7: {  	v19 =	vld [tilespmem:s20+$0x10600]  }
0x8c8: {  	v7 =	vld.idx.msk [tilespmem:v50+s17+$0x0], $0xffff  }
0x8c9: {  	v33 =	vld [tilespmem:s20+$0x14600];
	v5 =	vor.u32 $0x1, v50  }
0x8ca: {  	v16 =	vld.idx.msk [tilespmem:v50+s18+$0x0], $0xffff  }
0x8cb: {  	v22 =	vld.idx.msk [tilespmem:v50+s19+$0x0], $0xffff  }
0x8cc: {  	v17 =	vld [tilespmem:s20+$0xC680];
	[tilespmem:$0x1DA10] =	vst v41  }
0x8cd: {  	v41 =	vld [tilespmem:s20+$0x14800];
	v9 =	vor.u32 $0x2, v50;
	[tilespmem:$0x1CB40] =	vst v7;
	v7 =	vsub.f32 v7, v27  }
0x8ce: {  	v23 =	vld.idx.msk [tilespmem:v5+s17+$0x0], $0xffff  }
0x8cf: {  	v35 =	vld.idx.msk [tilespmem:v5+s18+$0x0], $0xffff;
	v28 =	vsub.f32 v16, v19;
	v7 =	vmul.f32 v7, v7  }
0x8d0: {  	[tilespmem:$0x1CB50] =	vst v22;
	v48 =	vsub.f32 v22, v33;
	v22 =	vld.idx.msk [tilespmem:v5+s19+$0x0], $0xffff  }
0x8d1: {  	[tilespmem:$0x1D210] =	vst v13;
	v13 =	vmul.f32 v28, v28;
	v7 =	vadd.f32 v7, v39;
	v39 =	vld [tilespmem:s20+$0x10680]  }
0x8d2: {  	[tilespmem:$0x1CD60] =	vst v16;
	v16 =	vld.idx.msk [tilespmem:v9+s18+$0x0], $0xffff  }
0x8d3: {  	[tilespmem:$0x1D0B0] =	vst v15;
	v52 =	vmul.f32 v48, v48;
	v28 =	vld [tilespmem:s20+$0x14680];
	v51 =	vadd.f32 v13, v7  }
0x8d4: {  	[tilespmem:$0x1CB70] =	vst v23;
	v62 =	vsub.f32 v23, v17;
	v23 =	vld.idx.msk [tilespmem:v9+s17+$0x0], $0xffff;
	v13 =	vor.u32 $0x3, v50  }
0x8d5: {  	[tilespmem:$0x1CD90] =	vst v35;
	v5 =	vadd.f32 v52, v51;
	v51 =	vld [tilespmem:s20+$0xC700]  }
0x8d6: {  	v25 =	vmul.f32 v62, v62;
	[tilespmem:$0x1CD30] =	vst v39;
	v35 =	vsub.f32 v35, v39;
	v39 =	vld [tilespmem:s20+$0x10700]  }
0x8d7: {  	v15 =	vld [tilespmem:s20+$0x14700];
	[tilespmem:$0x1CB60] =	vst v17  }
0x8d8: {  	v24 =	vld.idx.msk [tilespmem:v9+s19+$0x0], $0xffff;
	v52 =	vsub.f32 v22, v28;
	v5 =	vadd.f32 v25, v5;
	v48 =	vmul.f32 v35, v35  }
0x8d9: {  	s21 =	sor.u32 $0x180, s26;
	[tilespmem:$0x1CB80] =	vst v22;
	v22 =	vld.idx.msk [tilespmem:v13+s17+$0x0], $0xffff  }
0x8da: {  	[tilespmem:$0x1CDA0] =	vst v16;
	v62 =	vmul.f32 v52, v52;
	v35 =	vld [tilespmem:s21+$0xC600];
	v5 =	vadd.f32 v48, v5;
	v17 =	vsub.f32 v23, v51  }
0x8db: {  	v52 =	vld [tilespmem:s21+$0x10600];
	[tilespmem:$0x1CD50] =	vst v39;
	v39 =	vsub.f32 v16, v39;
	v16 =	vor.u32 $0x4, v50  }
0x8dc: {  	[tilespmem:$0x1CB90] =	vst v23;
	v23 =	vld [tilespmem:s20+$0xC800];
	v5 =	vadd.f32 v62, v5;
	v25 =	vmul.f32 v17, v17  }
0x8dd: {  	v17 =	vld.idx.msk [tilespmem:v13+s18+$0x0], $0xffff  }
0x8de: {  	[tilespmem:$0x1CBA0] =	vst v24;
	v62 =	vsub.f32 v24, v15;
	v24 =	vld [tilespmem:s21+$0x14600];
	v48 =	vmul.f32 v39, v39;
	v5 =	vadd.f32 v25, v5  }
0x8df: {  	[tilespmem:$0x1CBB0] =	vst v35;
	v35 =	vsub.f32 v22, v35;
	v25 =	vld.idx.msk [tilespmem:v13+s19+$0x0], $0xffff  }
0x8e0: {  	[tilespmem:$0x1CBC0] =	vst v22;
	v13 =	vmul.f32 v62, v62;
	v5 =	vadd.f32 v48, v5;
	v22 =	vld.idx.msk [tilespmem:v16+s17+$0x0], $0xffff  }
0x8e1: {  	[tilespmem:$0x1CD00] =	vst v43;
	v39 =	vmul.f32 v35, v35;
	v35 =	vld.idx.msk [tilespmem:v16+s19+$0x0], $0xffff  }
0x8e2: {  	[tilespmem:$0x1CD10] =	vst v19;
	v9 =	vor.u32 $0x5, v50;
	v48 =	vsub.f32 v17, v52;
	v5 =	vadd.f32 v13, v5;
	v13 =	vld [tilespmem:s20+$0x10800]  }
0x8e3: {  	[tilespmem:$0x1CDB0] =	vst v17;
	v17 =	vld.idx.msk [tilespmem:v16+s18+$0x0], $0xffff  }
0x8e4: {  	[tilespmem:$0x1CD40] =	vst v52;
	v52 =	vmul.f32 v48, v48;
	v62 =	vsub.f32 v25, v24;
	v5 =	vadd.f32 v39, v5  }
0x8e5: {  	[tilespmem:$0x1CBD0] =	vst v25  }
0x8e6: {  	v48 =	vld [tilespmem:s20+$0xC880];
	[tilespmem:$0x1CBF0] =	vst v22;
	v25 =	vmul.f32 v62, v62;
	v39 =	vsub.f32 v22, v23;
	v5 =	vadd.f32 v52, v5  }
0x8e7: {  	v16 =	vor.u32 $0x6, v50;
	v22 =	vld.idx.msk [tilespmem:v9+s17+$0x0], $0xffff;
	v19 =	vsub.f32 v35, v41;
	[tilespmem:$0x1CD80] =	vst v13  }
0x8e8: {  	v52 =	vmul.f32 v39, v39;
	v62 =	vsub.f32 v17, v13;
	v13 =	vld.idx.msk [tilespmem:v9+s18+$0x0], $0xffff;
	v5 =	vadd.f32 v25, v5  }
0x8e9: {  	[tilespmem:$0x1CC00] =	vst v35;
	v35 =	vmul.f32 v19, v19;
	v25 =	vld [tilespmem:s20+$0x10880]  }
0x8ea: {  	v43 =	vld [tilespmem:s20+$0x14880];
	[tilespmem:$0x1CDF0] =	vst v17;
	v19 =	vor.u32 $0x7, v50;
	v17 =	vmul.f32 v62, v62;
	v5 =	vadd.f32 v52, v5  }
0x8eb: {  	[tilespmem:$0x1CBE0] =	vst v23;
	v23 =	vld [tilespmem:s20+$0x10900]  }
0x8ec: {  	v39 =	vld.idx.msk [tilespmem:v9+s19+$0x0], $0xffff;
	[tilespmem:$0x1CC10] =	vst v48;
	v48 =	vsub.f32 v22, v48;
	v5 =	vadd.f32 v17, v5  }
0x8ed: {  	v17 =	vld.idx.msk [tilespmem:v16+s17+$0x0], $0xffff  }
0x8ee: {  	v62 =	vld [tilespmem:s20+$0xC900];
	v52 =	vmul.f32 v48, v48;
	[tilespmem:$0x1CD70] =	vst v25;
	v25 =	vsub.f32 v13, v25;
	v5 =	vadd.f32 v35, v5  }
0x8ef: {  	[tilespmem:$0x1CC20] =	vst v22;
	v22 =	vld.idx.msk [tilespmem:v19+s17+$0x0], $0xffff  }
0x8f0: {  	[tilespmem:$0x1CE00] =	vst v13;
	v13 =	vld.idx.msk [tilespmem:v16+s18+$0x0], $0xffff;
	v35 =	vmul.f32 v25, v25;
	v5 =	vadd.f32 v52, v5  }
0x8f1: {  	[tilespmem:$0x1CC30] =	vst v39;
	v39 =	vsub.f32 v39, v43;
	v25 =	vld.idx.msk [tilespmem:v16+s19+$0x0], $0xffff  }
0x8f2: {  	s23 =	sor.u32 $0x380, s23;
	v5 =	vadd.f32 v35, v5;
	v35 =	vld [tilespmem:s20+$0x14900]  }
0x8f3: {  	[tilespmem:$0x1CDC0] =	vst v23;
	v48 =	vmul.f32 v39, v39;
	v39 =	vld [tilespmem:s23+$0xC600];
	v16 =	vor.u32 $0x8, v50;
	v52 =	vsub.f32 v17, v62  }
0x8f4: {  	v9 =	vld.idx.msk [tilespmem:v19+s19+$0x0], $0xffff;
	[tilespmem:$0x1CC40] =	vst v62  }
0x8f5: {  	[tilespmem:$0x1CC50] =	vst v17;
	v17 =	vld [tilespmem:s23+$0x10600];
	v62 =	vmul.f32 v52, v52;
	v5 =	vadd.f32 v48, v5;
	v48 =	vsub.f32 v13, v23  }
0x8f6: {  	[tilespmem:$0x1CE10] =	vst v13;
	v13 =	vld.idx.msk [tilespmem:v19+s18+$0x0], $0xffff  }
0x8f7: {  	[tilespmem:$0x1CC60] =	vst v25;
	v23 =	vld [tilespmem:s20+$0xD600];
	v5 =	vadd.f32 v62, v5;
	v52 =	vmul.f32 v48, v48;
	v25 =	vsub.f32 v25, v35  }
0x8f8: {  	[tilespmem:$0x1CC80] =	vst v22;
	v48 =	vsub.f32 v22, v39;
	v22 =	vld.idx.msk [tilespmem:v16+s17+$0x0], $0xffff  }
0x8f9: {  	v5 =	vadd.f32 v52, v5;
	v62 =	vmul.f32 v25, v25;
	v25 =	vld [tilespmem:s23+$0x14600]  }
0x8fa: {  	[tilespmem:$0x1CC70] =	vst v39;
	v39 =	vld [tilespmem:s20+$0x11600]  }
0x8fb: {  	v52 =	vmul.f32 v48, v48;
	[tilespmem:$0x1CE40] =	vst v13;
	v13 =	vsub.f32 v13, v17;
	v5 =	vadd.f32 v62, v5;
	v62 =	vld [tilespmem:$0x1F490]  }
0x8fc: {  	[tilespmem:$0x1CDE0] =	vst v17;
	v17 =	vld.idx.msk [tilespmem:v16+s18+$0x0], $0xffff  }
0x8fd: {  	v7 =	vmul.f32 v13, v13;
	v5 =	vadd.f32 v52, v5  }
0x8fe: {  	v52 =	vld.idx.msk [tilespmem:v16+s19+$0x0], $0xffff;
	v13 =	vsub.f32 v9, v25  }
0x8ff: {  	[tilespmem:$0x1D040] =	vst v53;
	v48 =	vmov v53;
	v53 =	vadd.f32 v40, v12;
	v16 =	vld [tilespmem:s20+$0x15600];
	v5 =	vadd.f32 v7, v5  }
0x900: {  	[tilespmem:$0x1CC90] =	vst v23;
	v3 =	vsub.f32 v3, v62;
	v40 =	vmul.f32 v13, v13;
	v62 =	vsub.f32 v22, v23;
	v23 =	vld [tilespmem:$0x1FA80]  }
0x901: {  	v19 =	vor.u32 $0x9, v50;
	[tilespmem:$0x1CE20] =	vst v39;
	v12 =	vsub.f32 v17, v39;
	v39 =	vld [tilespmem:$0x1F890]  }
0x902: {  	[tilespmem:$0x1CCA0] =	vst v22;
	v22 =	vld [tilespmem:$0x1F4D0];
	v5 =	vadd.f32 v40, v5;
	v7 =	vmul.f32 v62, v62  }
0x903: {  	v40 =	vld [tilespmem:$0x1F540]  }
0x904: {  	[tilespmem:$0x1CCB0] =	vst v52;
	v62 =	vld [tilespmem:s20+$0xD680];
	v5 =	vadd.f32 v7, v5  }
0x905: {  	[tilespmem:$0x1D1A0] =	vst v3;
	v7 =	vmul.f32 v12, v12;
	v12 =	vsub.f32 v52, v16;
	v52 =	vld [tilespmem:$0x1F960];
	v3 =	vsub.f32 v53, v23  }
0x906: {  	v53 =	vld.idx.msk [tilespmem:v19+s17+$0x0], $0xffff  }
0x907: {  	v3 =	vadd.f32 v36, v3;
	v36 =	vld.idx.msk [tilespmem:v19+s18+$0x0], $0xffff  }
0x908: {  	v13 =	vadd.f32 v39, v40;
	v39 =	vld [tilespmem:s20+$0x11680]  }
0x909: {  	v40 =	vld [tilespmem:$0x1FAD0]  }
0x90a: {  	[tilespmem:$0x1D1D0] =	vst v60;
	v60 =	vld [tilespmem:s20+$0xD700]  }
0x90b: {  	v0 =	vadd.f32 v22, v0;
	v22 =	vld [tilespmem:$0x1F4C0]  }
0x90c: {  	v5 =	vadd.f32 v7, v5;
	v7 =	vld [tilespmem:$0x1F8E0];
	[tilespmem:$0x1CCC0] =	vst v62  }
0x90d: {  	v23 =	vor.u32 $0xA, v50;
	v0 =	vsub.f32 v0, v52;
	v52 =	vld.idx.msk [tilespmem:v19+s19+$0x0], $0xffff;
	[tilespmem:$0x1CCD0] =	vst v53;
	v53 =	vsub.f32 v53, v62  }
0x90e: {  	v12 =	vmul.f32 v12, v12;
	[tilespmem:$0x1CE50] =	vst v39;
	v3 =	vsub.f32 v3, v40;
	v62 =	vsub.f32 v36, v39;
	v39 =	vld [tilespmem:$0x1F500]  }
0x90f: {  	v40 =	vld [tilespmem:$0x1F5B0]  }
0x910: {  	v3 =	vadd.f32 v4, v3;
	v4 =	vadd.f32 v12, v5;
	v5 =	vmul.f32 v53, v53;
	v53 =	vld [tilespmem:$0x1FAF0]  }
0x911: {  	v13 =	vsub.f32 v13, v22;
	v22 =	vld [tilespmem:s20+$0x15680]  }
0x912: {  	[tilespmem:$0x1CEA0] =	vst v36;
	v36 =	vld.idx.msk [tilespmem:v23+s18+$0x0], $0xffff  }
0x913: {  	[tilespmem:$0x1D1B0] =	vst v13;
	v13 =	vadd.f32 v39, v0;
	v39 =	vld [tilespmem:$0x1F590]  }
0x914: {  	v19 =	vadd.f32 v7, v40;
	v40 =	vld [tilespmem:$0x1FF00]  }
0x915: {  	v7 =	vld.idx.msk [tilespmem:v23+s17+$0x0], $0xffff;
	v0 =	vsub.f32 v3, v53  }
0x916: {  	s28 =	sor.u32 $0x1180, s26;
	v53 =	vld [tilespmem:s20+$0x11700]  }
0x917: {  	v0 =	vadd.f32 v6, v0;
	v6 =	vld [tilespmem:s28+$0x10600]  }
0x918: {  	[tilespmem:$0x1CE80] =	vst v17;
	v3 =	vadd.f32 v5, v4;
	v17 =	vsub.f32 v19, v39;
	v39 =	vld.idx.msk [tilespmem:v23+s19+$0x0], $0xffff  }
0x919: {  	v4 =	vmul.f32 v62, v62;
	v62 =	vsub.f32 v52, v22;
	v19 =	vadd.f32 v26, v42;
	v42 =	vld [tilespmem:$0x1FB10]  }
0x91a: {  	v12 =	vor.u32 $0xB, v50;
	v23 =	vld [tilespmem:s20+$0x15700]  }
0x91b: {  	v3 =	vadd.f32 v4, v3;
	v62 =	vmul.f32 v62, v62;
	[tilespmem:$0x1CCE0] =	vst v7;
	v26 =	vld [tilespmem:$0x1F9A0]  }
0x91c: {  	v5 =	vsub.f32 v7, v60;
	v7 =	vld [tilespmem:$0x1FD70];
	[tilespmem:$0x1CE70] =	vst v53;
	v53 =	vsub.f32 v36, v53  }
0x91d: {  	v3 =	vadd.f32 v62, v3;
	v62 =	vld [tilespmem:s28+$0xC600]  }
0x91e: {  	v5 =	vmul.f32 v5, v5;
	v42 =	vsub.f32 v0, v42;
	v0 =	vmul.f32 v53, v53;
	v53 =	vld [tilespmem:$0x1F520]  }
0x91f: {  	[tilespmem:$0x1D1C0] =	vst v17;
	v17 =	vld.idx.msk [tilespmem:v12+s17+$0x0], $0xffff  }
0x920: {  	v19 =	vsub.f32 v19, v10;
	v10 =	vld.idx.msk [tilespmem:v12+s18+$0x0], $0xffff;
	v3 =	vadd.f32 v5, v3  }
0x921: {  	[tilespmem:$0x1CED0] =	vst v36;
	v5 =	vld.idx.msk [tilespmem:v12+s19+$0x0], $0xffff;
	v26 =	vsub.f32 v13, v26;
	v36 =	vadd.f32 v21, v42  }
0x922: {  	[tilespmem:$0x1CF20] =	vst v44;
	v13 =	vmovc v44;
	v44 =	vor.u32 $0xC, v50;
	v42 =	vsub.f32 v39, v23;
	v0 =	vadd.f32 v0, v3;
	v3 =	vld [tilespmem:s20+$0xD800]  }
0x923: {  	[tilespmem:$0x1D1E0] =	vst v19;
	v21 =	vadd.f32 v53, v26;
	v26 =	vld [tilespmem:$0x1E0C0]  }
0x924: {  	[tilespmem:$0x1CCF0] =	vst v17;
	v17 =	vsub.f32 v17, v62;
	v19 =	vsub.f32 v36, v32;
	v32 =	vld [tilespmem:s28+$0x14600];
	v12 =	vmul.f32 v42, v42  }
0x925: {  	v42 =	vld [tilespmem:s20+$0x11800]  }
0x926: {  	v36 =	vadd.f32 v49, v19;
	v0 =	vadd.f32 v12, v0;
	v49 =	vmul.f32 v17, v17;
	v19 =	vld [tilespmem:$0x1F9C0]  }
0x927: {  	[tilespmem:$0x1CEF0] =	vst v10;
	v10 =	vsub.f32 v10, v6;
	v12 =	vld.idx.msk [tilespmem:v44+s19+$0x0], $0xffff  }
0x928: {  	v0 =	vadd.f32 v49, v0;
	v4 =	vadd.f32 v31, v26;
	v26 =	vld.idx.msk [tilespmem:v44+s17+$0x0], $0xffff  }
0x929: {  	v49 =	vsub.f32 v5, v32;
	v31 =	vsub.f32 v36, v55;
	v36 =	vmul.f32 v10, v10;
	v55 =	vld [tilespmem:$0x1F550]  }
0x92a: {  	[tilespmem:$0x1CEB0] =	vst v6;
	v6 =	vor.u32 $0xD, v50;
	v10 =	vld [tilespmem:$0x1F9F0]  }
0x92b: {  	v21 =	vsub.f32 v21, v19;
	v19 =	vld.idx.msk [tilespmem:v44+s18+$0x0], $0xffff;
	v53 =	vmul.f32 v49, v49;
	v0 =	vadd.f32 v36, v0  }
0x92c: {  	v36 =	vld [tilespmem:s20+$0xD880]  }
0x92d: {  	v0 =	vadd.f32 v53, v0;
	v53 =	vld [tilespmem:$0x1CB40]  }
0x92e: {  	[tilespmem:$0x1D200] =	vst v4;
	v31 =	vadd.f32 v58, v31;
	v4 =	vadd.f32 v55, v21;
	v21 =	vld [tilespmem:s20+$0x15800]  }
0x92f: {  	v58 =	vsub.f32 v26, v3;
	v55 =	vld.idx.msk [tilespmem:v6+s18+$0x0], $0xffff  }
0x930: {  	v31 =	vsub.f32 v31, v46;
	v4 =	vsub.f32 v4, v10;
	v10 =	vld.idx.msk [tilespmem:v6+s17+$0x0], $0xffff  }
0x931: {  	v44 =	vsub.f32 v19, v42;
	v17 =	vmul.f32 v58, v58;
	v58 =	vld [tilespmem:$0x1CB50]  }
0x932: {  	v33 =	vmul.f32 v33, v27;
	v31 =	vadd.f32 v57, v31;
	v6 =	vld.idx.msk [tilespmem:v6+s19+$0x0], $0xffff  }
0x933: {  	[tilespmem:$0x1CD20] =	vst v26;
	v26 =	vmov v27;
	v27 =	vor.u32 $0xE, v50;
	v49 =	vmul.f32 v44, v44;
	v44 =	vld [tilespmem:$0x1CB60]  }
0x934: {  	[tilespmem:$0x1CF50] =	vst v19;
	v2 =	vsub.f32 v31, v2;
	v31 =	vld [tilespmem:$0x1D210];
	v33 =	vadd.f32 v33, v53  }
0x935: {  	[tilespmem:$0x1D1F0] =	vst v4;
	v0 =	vadd.f32 v17, v0;
	v4 =	vld [tilespmem:$0x1CB70]  }
0x936: {  	[tilespmem:$0x1CF10] =	vst v36;
	v17 =	vld [tilespmem:$0x1D0B0];
	v57 =	vsub.f32 v12, v21;
	v19 =	vsub.f32 v33, v58  }
0x937: {  	[tilespmem:$0x1CF30] =	vst v10;
	v33 =	vld [tilespmem:$0x1F870];
	v36 =	vsub.f32 v10, v36  }
0x938: {  	v0 =	vadd.f32 v49, v0;
	v10 =	vld.idx.msk [tilespmem:v27+s17+$0x0], $0xffff;
	[tilespmem:$0x1CE30] =	vst v19;
	v19 =	vmul.f32 v57, v57  }
0x939: {  	v58 =	vld.idx.msk [tilespmem:v27+s18+$0x0], $0xffff;
	v49 =	vmul.f32 v36, v36;
	v36 =	vor.u32 $0xF, v50  }
0x93a: {  	v46 =	vsub.f32 v6, v48;
	v48 =	vld [tilespmem:$0x1CB90];
	v0 =	vadd.f32 v19, v0  }
0x93b: {  	v57 =	vld [tilespmem:$0x1CB80]  }
0x93c: {  	[tilespmem:$0x1CDD0] =	vst v42;
	v0 =	vadd.f32 v49, v0;
	v49 =	vld.idx.msk [tilespmem:v27+s19+$0x0], $0xffff  }
0x93d: {  	[tilespmem:$0x1CF60] =	vst v55;
	v28 =	vmul.f32 v28, v44;
	v27 =	vld [tilespmem:$0x1CC10]  }
0x93e: {  	v55 =	vsub.f32 v55, v13;
	v19 =	vmul.f32 v46, v46;
	v42 =	vadd.f32 v33, v2;
	v46 =	vld.idx.msk [tilespmem:v36+s17+$0x0], $0xffff  }
0x93f: {  	v28 =	vadd.f32 v28, v4;
	v13 =	vld.idx.msk [tilespmem:v36+s18+$0x0], $0xffff  }
0x940: {  	[tilespmem:$0x1CF70] =	vst v38;
	v1 =	vsub.f32 v42, v1;
	v42 =	vmul.f32 v55, v55;
	v55 =	vsub.f32 v58, v38;
	v38 =	vld [tilespmem:$0x1FFC0]  }
0x941: {  	[tilespmem:$0x1CFB0] =	vst v58;
	v58 =	vld [tilespmem:$0x1CBE0]  }
0x942: {  	v2 =	vsub.f32 v28, v57;
	v57 =	vld [tilespmem:$0x1CBF0]  }
0x943: {  	v33 =	vsub.f32 v10, v31;
	v31 =	vor.u32 $0x10, v50;
	v28 =	vld [tilespmem:$0x1FFD0]  }
0x944: {  	v0 =	vadd.f32 v42, v0;
	v42 =	vld [tilespmem:$0x1CBA0]  }
0x945: {  	v1 =	vadd.f32 v59, v1;
	v59 =	vld [tilespmem:$0x1CBB0]  }
0x946: {  	v15 =	vmul.f32 v15, v51;
	[tilespmem:$0x1D0D0] =	vst v49;
	v0 =	vadd.f32 v19, v0;
	v19 =	vsub.f32 v49, v17;
	v49 =	vld [tilespmem:$0x1CBC0]  }
0x947: {  	v1 =	vsub.f32 v1, v54;
	v54 =	vmul.f32 v33, v33;
	v33 =	vld.idx.msk [tilespmem:v36+s19+$0x0], $0xffff  }
0x948: {  	v15 =	vadd.f32 v15, v48;
	v36 =	vld.idx.msk [tilespmem:v31+s18+$0x0], $0xffff;
	[tilespmem:$0x1CFC0] =	vst v13;
	v17 =	vsub.f32 v13, v7  }
0x949: {  	v13 =	vld.idx.msk [tilespmem:v31+s19+$0x0], $0xffff;
	v1 =	vadd.f32 v61, v1;
	v0 =	vadd.f32 v54, v0;
	v61 =	vmul.f32 v55, v55  }
0x94a: {  	[tilespmem:$0x1CF90] =	vst v46;
	v46 =	vsub.f32 v46, v38;
	v54 =	vld [tilespmem:$0x1CBD0];
	v55 =	vmul.f32 v41, v58;
	v24 =	vmul.f32 v24, v59  }
0x94b: {  	[tilespmem:$0x1CE60] =	vst v2;
	v41 =	vld [tilespmem:$0x1CC00];
	v2 =	vsub.f32 v15, v42;
	v42 =	vmul.f32 v19, v19;
	v0 =	vadd.f32 v61, v0  }
0x94c: {  	v1 =	vsub.f32 v1, v63;
	v63 =	vld.idx.msk [tilespmem:v31+s17+$0x0], $0xffff;
	v24 =	vadd.f32 v24, v49  }
0x94d: {  	v61 =	vmul.f32 v46, v46;
	[tilespmem:$0x1D0E0] =	vst v33;
	v33 =	vsub.f32 v33, v28;
	v0 =	vadd.f32 v42, v0;
	v42 =	vld [tilespmem:$0x1FA00]  }
0x94e: {  	v28 =	vor.u32 $0x12, v50;
	v1 =	vadd.f32 v11, v1;
	v11 =	vadd.f32 v55, v57;
	v55 =	vld [tilespmem:$0x1FF90]  }
0x94f: {  	v19 =	vmul.f32 v17, v17;
	v17 =	vld [tilespmem:$0x1CC40]  }
0x950: {  	v46 =	vmul.f32 v43, v27;
	v43 =	vld [tilespmem:$0x1FCB0];
	[tilespmem:$0x1CE90] =	vst v2;
	v2 =	vsub.f32 v24, v54;
	v0 =	vadd.f32 v61, v0  }
0x951: {  	[tilespmem:$0x1D0C0] =	vst v6;
	v1 =	vsub.f32 v1, v29;
	v29 =	vor.u32 $0x11, v50;
	v61 =	vld [tilespmem:$0x1FFA0]  }
0x952: {  	[tilespmem:$0x1CEC0] =	vst v2;
	v2 =	vsub.f32 v11, v41;
	v41 =	vld [tilespmem:$0x1CC30];
	v0 =	vadd.f32 v19, v0  }
0x953: {  	v19 =	vmul.f32 v33, v33;
	v6 =	vld.idx.msk [tilespmem:v28+s17+$0x0], $0xffff;
	v1 =	vadd.f32 v42, v1;
	v33 =	vsub.f32 v63, v55  }
0x954: {  	[tilespmem:$0x1CFE0] =	vst v63;
	v63 =	vld [tilespmem:$0x1CC20]  }
0x955: {  	v42 =	vld [tilespmem:$0x1FA90];
	v0 =	vadd.f32 v19, v0;
	v1 =	vsub.f32 v1, v34;
	v34 =	vmul.f32 v33, v33  }
0x956: {  	v11 =	vld.idx.msk [tilespmem:v29+s17+$0x0], $0xffff  }
0x957: {  	v0 =	vadd.f32 v34, v0;
	v34 =	vld [tilespmem:$0x1FF60]  }
0x958: {  	v19 =	vld [tilespmem:$0x1CC50]  }
0x959: {  	[tilespmem:$0x1CF80] =	vst v10;
	v7 =	vld.idx.msk [tilespmem:v29+s18+$0x0], $0xffff;
	v10 =	vadd.f32 v46, v63  }
0x95a: {  	[tilespmem:$0x1D000] =	vst v36;
	v36 =	vsub.f32 v36, v43;
	v1 =	vadd.f32 v42, v1;
	v42 =	vld [tilespmem:$0x1FB20]  }
0x95b: {  	[tilespmem:$0x1CEE0] =	vst v2;
	v33 =	vld [tilespmem:$0x1FC50];
	v2 =	vsub.f32 v10, v41  }
0x95c: {  	[tilespmem:$0x1D0F0] =	vst v13;
	v54 =	vmul.f32 v36, v36;
	v41 =	vld [tilespmem:$0x1CC60];
	v36 =	vsub.f32 v11, v34  }
0x95d: {  	v13 =	vsub.f32 v13, v61;
	v1 =	vsub.f32 v1, v47;
	[tilespmem:$0x1CF00] =	vst v2;
	v2 =	vld.idx.msk [tilespmem:v29+s19+$0x0], $0xffff  }
0x95e: {  	v46 =	vmul.f32 v35, v17;
	v47 =	vmul.f32 v36, v36;
	v36 =	vld [tilespmem:$0x1FF70]  }
0x95f: {  	v15 =	vmul.f32 v13, v13;
	v24 =	vadd.f32 v54, v0;
	v1 =	vadd.f32 v42, v1;
	v42 =	vld [tilespmem:$0x1FB80]  }
0x960: {  	v13 =	vld [tilespmem:$0x1CC70];
	v10 =	vadd.f32 v46, v19  }
0x961: {  	[tilespmem:$0x1D010] =	vst v7;
	v54 =	vsub.f32 v7, v33;
	v7 =	vld.idx.msk [tilespmem:v28+s18+$0x0], $0xffff;
	v46 =	vadd.f32 v15, v24  }
0x962: {  	[tilespmem:$0x1CFF0] =	vst v11;
	v11 =	vld [tilespmem:$0x1CCC0];
	v0 =	vsub.f32 v10, v41;
	v61 =	vsub.f32 v1, v45  }
0x963: {  	v10 =	vadd.f32 v47, v46;
	[tilespmem:$0x1D100] =	vst v2;
	v41 =	vsub.f32 v2, v36;
	v2 =	vld [tilespmem:$0x1CC80]  }
0x964: {  	v46 =	vsub.f32 v6, v40;
	v31 =	vadd.f32 v42, v61;
	v61 =	vld [tilespmem:$0x1FC10]  }
0x965: {  	v1 =	vld.idx.msk [tilespmem:v28+s19+$0x0], $0xffff  }
0x966: {  	v25 =	vmul.f32 v25, v13;
	v36 =	vmul.f32 v46, v46;
	v46 =	vld [tilespmem:$0x1FF10]  }
0x967: {  	v15 =	vmul.f32 v54, v54;
	v54 =	vsub.f32 v31, v37;
	v37 =	vld [tilespmem:$0x1CC90]  }
0x968: {  	v35 =	vor.u32 $0x13, v50;
	v42 =	vld [tilespmem:$0x1FBE0];
	v25 =	vadd.f32 v25, v2  }
0x969: {  	v24 =	vadd.f32 v15, v10;
	v15 =	vld [tilespmem:$0x1CCA0];
	v45 =	vmul.f32 v41, v41;
	v41 =	vmovc v40;
	v40 =	vsub.f32 v7, v61  }
0x96a: {  	v47 =	vsub.f32 v25, v9  }
0x96b: {  	v24 =	vadd.f32 v45, v24;
	v45 =	vmul.f32 v40, v40;
	v40 =	vld [tilespmem:$0x1CCB0]  }
0x96c: {  	v16 =	vmul.f32 v16, v37;
	[tilespmem:$0x1CFA0] =	vst v47;
	v47 =	vsub.f32 v1, v46  }
0x96d: {  	[tilespmem:$0x1D030] =	vst v6;
	v6 =	vld.idx.msk [tilespmem:v35+s17+$0x0], $0xffff;
	v9 =	vadd.f32 v42, v54  }
0x96e: {  	v54 =	vmul.f32 v22, v11;
	v16 =	vadd.f32 v16, v15;
	v22 =	vmul.f32 v47, v47;
	v47 =	vld [tilespmem:$0x1FEB0];
	_ =	sdelay $0x1  }
0x96f: {  	[tilespmem:$0x1CF40] =	vst v0;
	v0 =	vsub.f32 v16, v40;
	v16 =	vld [tilespmem:$0x1CCD0]  }
0x970: {  	v24 =	vadd.f32 v36, v24;
	_ =	sdelay $0x1  }
0x971: {  	v36 =	vld.idx.msk [tilespmem:v35+s18+$0x0], $0xffff;
	v42 =	vadd.f32 v45, v24;
	v31 =	vsub.f32 v6, v47  }
0x972: {  	v9 =	vsub.f32 v9, v20;
	v20 =	vld [tilespmem:$0x1FB70]  }
0x973: {  	[tilespmem:$0x1D050] =	vst v7;
	v28 =	vld [tilespmem:$0x1FC30];
	v24 =	vadd.f32 v22, v42;
	v7 =	vadd.f32 v54, v16;
	v25 =	vmul.f32 v31, v31  }
0x974: {  	[tilespmem:$0x1D110] =	vst v1;
	v1 =	vld.idx.msk [tilespmem:v35+s19+$0x0], $0xffff  }
0x975: {  	v40 =	vsub.f32 v7, v52;
	v52 =	vadd.f32 v25, v24;
	v25 =	vld [tilespmem:$0x1FEC0]  }
0x976: {  	v29 =	vor.u32 $0x14, v50  }
0x977: {  	v22 =	vld [tilespmem:$0x1CCE0];
	v35 =	vsub.f32 v36, v20;
	_ =	sdelay $0x1  }
0x978: {  	v54 =	vmul.f32 v35, v35;
	v35 =	vld [tilespmem:$0x1FC60]  }
0x979: {  	v9 =	vadd.f32 v28, v9;
	v42 =	vmul.f32 v23, v60;
	v31 =	vsub.f32 v1, v25  }
0x97a: {  	v10 =	vld.idx.msk [tilespmem:v29+s17+$0x0], $0xffff  }
0x97b: {  	[tilespmem:$0x1D070] =	vst v6;
	v9 =	vsub.f32 v9, v14;
	v6 =	vadd.f32 v42, v22;
	v42 =	vmul.f32 v31, v31;
	v31 =	vld [tilespmem:$0x1FE80];
	_ =	sdelay $0x1  }
0x97c: {  	v9 =	vadd.f32 v35, v9;
	v35 =	vld [tilespmem:$0x1CCF0];
	_ =	sdelay $0x1  }
0x97d: {  	[tilespmem:$0x1D090] =	vst v10  }
0x97e: {  	v46 =	vld.idx.msk [tilespmem:v29+s18+$0x0], $0xffff;
	v28 =	vor.u32 $0x15, v50;
	[tilespmem:$0x1D020] =	vst v40;
	v40 =	vmul.f32 v32, v62;
	v45 =	vsub.f32 v10, v31  }
0x97f: {  	[tilespmem:$0x1D120] =	vst v1;
	v1 =	vld.idx.msk [tilespmem:v29+s19+$0x0], $0xffff  }
0x980: {  	[tilespmem:$0x1CFD0] =	vst v0;
	v7 =	vadd.f32 v54, v52;
	v0 =	vadd.f32 v40, v35;
	v10 =	vmul.f32 v45, v45;
	v45 =	vld [tilespmem:$0x1FE90]  }
0x981: {  	v24 =	vld [tilespmem:$0x1CD00];
	v54 =	vsub.f32 v6, v39  }
0x982: {  	v25 =	vsub.f32 v0, v5;
	v7 =	vadd.f32 v42, v7;
	v42 =	vld [tilespmem:$0x1FAB0]  }
0x983: {  	[tilespmem:$0x1D060] =	vst v54;
	v54 =	vld.idx.msk [tilespmem:v28+s17+$0x0], $0xffff  }
0x984: {  	[tilespmem:$0x1D080] =	vst v25;
	v25 =	vld [tilespmem:$0x1CD10]  }
0x985: {  	v52 =	vsub.f32 v1, v45;
	v45 =	vld.idx.msk [tilespmem:v28+s18+$0x0], $0xffff  }
0x986: {  	[tilespmem:$0x1D140] =	vst v1;
	v1 =	vld.idx.msk [tilespmem:v28+s19+$0x0], $0xffff  }
0x987: {  	v23 =	vsub.f32 v46, v42;
	v28 =	vld [tilespmem:$0x1CD40];
	_ =	sdelay $0x1  }
0x988: {  	v39 =	vld [tilespmem:$0x1CD20];
	v7 =	vadd.f32 v10, v7;
	v32 =	vmul.f32 v23, v23  }
0x989: {  	v9 =	vsub.f32 v9, v24;
	v24 =	vmul.f32 v25, v26;
	v25 =	vld [tilespmem:$0x1CD30]  }
0x98a: {  	v7 =	vadd.f32 v32, v7;
	v32 =	vld [tilespmem:$0x1FA20]  }
0x98b: {  	v14 =	vmul.f32 v28, v59;
	v28 =	vld [tilespmem:$0x1F9D0]  }
0x98c: {  	v29 =	vmul.f32 v21, v3;
	_ =	sdelay $0x1  }
0x98d: {  	v5 =	vadd.f32 v29, v39;
	v29 =	vmul.f32 v52, v52  }
0x98e: {  	v6 =	vor.u32 $0x16, v50;
	v10 =	vld [tilespmem:s20+$0x16880];
	v40 =	vsub.f32 v54, v32  }
0x98f: {  	v26 =	vmul.f32 v25, v44;
	v52 =	vld [tilespmem:$0x1FCA0];
	v7 =	vadd.f32 v29, v7;
	v29 =	vsub.f32 v45, v28  }
0x990: {  	v23 =	vsub.f32 v5, v12;
	v12 =	vmul.f32 v40, v40;
	v40 =	vld [tilespmem:$0x1CD50]  }
0x991: {  	v5 =	vadd.f32 v26, v4;
	v4 =	vmul.f32 v29, v29;
	v29 =	vld [tilespmem:$0x1CD70]  }
0x992: {  	[tilespmem:$0x1D0A0] =	vst v23  }
0x993: {  	[tilespmem:$0x1D130] =	vst v10;
	v23 =	vsub.f32 v1, v10;
	v10 =	vld.idx.msk [tilespmem:v6+s19+$0x0], $0xffff  }
0x994: {  	v0 =	vadd.f32 v52, v9;
	v9 =	vadd.f32 v24, v53;
	v53 =	vld.idx.msk [tilespmem:v6+s17+$0x0], $0xffff  }
0x995: {  	v44 =	vmul.f32 v40, v51;
	v40 =	vld.idx.msk [tilespmem:v6+s18+$0x0], $0xffff  }
0x996: {  	[tilespmem:$0x1D190] =	vst v0;
	v0 =	vmul.f32 v29, v27;
	v27 =	vld [tilespmem:$0x1FDC0]  }
0x997: {  	v6 =	vmul.f32 v23, v23;
	v23 =	vld [tilespmem:$0x1CD90]  }
0x998: {  	v29 =	vld [tilespmem:$0x1CDC0]  }
0x999: {  	v7 =	vadd.f32 v12, v7  }
0x99a: {  	v24 =	vld [tilespmem:$0x1CDA0];
	v25 =	vadd.f32 v44, v48  }
0x99b: {  	v7 =	vadd.f32 v4, v7;
	v44 =	vsub.f32 v53, v27  }
0x99c: {  	v4 =	vsub.f32 v5, v23  }
0x99d: {  	v5 =	vadd.f32 v6, v7;
	v6 =	vmul.f32 v44, v44;
	v44 =	vmul.f32 v29, v17;
	v29 =	vld [tilespmem:$0x1FDD0];
	_ =	sdelay $0x1  }
0x99e: {  	v12 =	vsub.f32 v25, v24;
	v24 =	vld [tilespmem:$0x1F940];
	_ =	sdelay $0x1  }
0x99f: {  	v26 =	vld [tilespmem:$0x1CDB0];
	v5 =	vadd.f32 v6, v5  }
0x9a0: {  	[tilespmem:$0x1D160] =	vst v10;
	v6 =	vadd.f32 v44, v19;
	v44 =	vsub.f32 v10, v29;
	v10 =	vld [tilespmem:$0x1CDE0]  }
0x9a1: {  	v14 =	vadd.f32 v14, v49;
	v49 =	vld [tilespmem:$0x1CD80]  }
0x9a2: {  	v23 =	vsub.f32 v40, v24  }
0x9a3: {  	v59 =	vld [tilespmem:$0x1CD60]  }
0x9a4: {  	v14 =	vsub.f32 v14, v26;
	v26 =	vadd.f32 v0, v63;
	v63 =	vmul.f32 v23, v23;
	v23 =	vld [tilespmem:$0x1CE00]  }
0x9a5: {  	v0 =	vmul.f32 v10, v13;
	v13 =	vld [tilespmem:$0x1CDF0]  }
0x9a6: {  	v52 =	vmul.f32 v49, v58  }
0x9a7: {  	v21 =	vor.u32 $0x17, v50  }
0x9a8: {  	v51 =	vadd.f32 v52, v57  }
0x9a9: {  	v9 =	vsub.f32 v9, v59  }
0x9aa: {  	v59 =	vsub.f32 v51, v13;
	v51 =	vsub.f32 v26, v23;
	v26 =	vld [tilespmem:$0x1CE10];
	_ =	sdelay $0x1  }
0x9ab: {  	v52 =	vld.idx.msk [tilespmem:v21+s17+$0x0], $0xffff  }
0x9ac: {  	v57 =	vld [tilespmem:$0x1FD40]  }
0x9ad: {  	v25 =	vld [tilespmem:$0x1CDD0]  }
0x9ae: {  	v10 =	vsub.f32 v6, v26;
	v6 =	vld [tilespmem:$0x1CE30]  }
0x9af: {  	v29 =	vmul.f32 v44, v44;
	v44 =	vld [tilespmem:$0x1CE20]  }
0x9b0: {  	v26 =	vld [tilespmem:$0x1FF30];
	_ =	sdelay $0x1  }
0x9b1: {  	v9 =	vmul.f32 v9, v9  }
0x9b2: {  	v17 =	vmul.f32 v25, v3;
	v23 =	vld [tilespmem:$0x1CE40];
	v13 =	vmul.f32 v6, v6  }
0x9b3: {  	v25 =	vadd.f32 v63, v5;
	v63 =	vsub.f32 v52, v57;
	v48 =	vmul.f32 v44, v37;
	v44 =	vld [tilespmem:$0x1CE50]  }
0x9b4: {  	[tilespmem:$0x1D150] =	vst v1;
	v1 =	vadd.f32 v9, v26;
	v9 =	vsub.f32 v9, v13;
	v13 =	vld [tilespmem:$0x1CE60]  }
0x9b5: {  	v5 =	vld.idx.msk [tilespmem:v21+s19+$0x0], $0xffff;
	v49 =	vadd.f32 v0, v2  }
0x9b6: {  	v3 =	vadd.f32 v29, v25;
	v25 =	vmul.f32 v63, v63;
	v37 =	vld.idx.msk [tilespmem:v21+s18+$0x0], $0xffff  }
0x9b7: {  	v29 =	vmul.f32 v4, v4;
	v0 =	vor.u32 $0x18, v50;
	v19 =	vsub.f32 v49, v23;
	v49 =	vld [tilespmem:$0x1CE80]  }
0x9b8: {  	v7 =	vadd.f32 v48, v15;
	v4 =	vmul.f32 v44, v11;
	v6 =	vadd.f32 v25, v3;
	v25 =	vld [tilespmem:$0x1F8D0]  }
0x9b9: {  	v1 =	vadd.f32 v29, v1;
	v48 =	vadd.f32 v29, v9;
	v29 =	vld [tilespmem:$0x1CE70];
	v15 =	vmul.f32 v13, v13  }
0x9ba: {  	v63 =	vadd.f32 v4, v16;
	v16 =	vld [tilespmem:$0x1CE90]  }
0x9bb: {  	v3 =	vsub.f32 v48, v15;
	v15 =	vld [tilespmem:$0x1FD50]  }
0x9bc: {  	v26 =	vld [tilespmem:$0x1CEA0]  }
0x9bd: {  	v9 =	vld.idx.msk [tilespmem:v0+s19+$0x0], $0xffff;
	v58 =	vsub.f32 v37, v25;
	v13 =	vmul.f32 v12, v12  }
0x9be: {  	v44 =	vmul.f32 v29, v60;
	v60 =	vsub.f32 v7, v49;
	v49 =	vld.idx.msk [tilespmem:v0+s17+$0x0], $0xffff  }
0x9bf: {  	v7 =	vmul.f32 v58, v58;
	v48 =	vld [tilespmem:$0x1CEB0];
	v3 =	vadd.f32 v13, v3  }
0x9c0: {  	[tilespmem:$0x1D170] =	vst v5;
	v2 =	vsub.f32 v5, v15;
	v5 =	vadd.f32 v13, v1;
	v1 =	vmul.f32 v16, v16;
	v16 =	vld [tilespmem:$0x1CEC0]  }
0x9c1: {  	v6 =	vadd.f32 v7, v6;
	v7 =	vsub.f32 v63, v26;
	v63 =	vld [tilespmem:$0x1FCE0]  }
0x9c2: {  	v21 =	vadd.f32 v44, v22;
	v22 =	vld [tilespmem:$0x1CED0]  }
0x9c3: {  	v29 =	vld.idx.msk [tilespmem:v0+s18+$0x0], $0xffff;
	v44 =	vmul.f32 v14, v14;
	v1 =	vsub.f32 v3, v1  }
0x9c4: {  	v4 =	vor.u32 $0x19, v50;
	v26 =	vmul.f32 v59, v59;
	v59 =	vld [tilespmem:$0x1CEE0];
	v58 =	vmul.f32 v48, v62  }
0x9c5: {  	v0 =	vadd.f32 v44, v1;
	v1 =	vmul.f32 v16, v16;
	v16 =	vld [tilespmem:$0x1F850]  }
0x9c6: {  	v11 =	vsub.f32 v49, v63;
	v13 =	vadd.f32 v58, v35;
	v35 =	vld [tilespmem:$0x1FCF0]  }
0x9c7: {  	v2 =	vmul.f32 v2, v2;
	v5 =	vadd.f32 v44, v5;
	v15 =	vsub.f32 v21, v22;
	v22 =	vld [tilespmem:$0x1CEF0]  }
0x9c8: {  	v58 =	vld [tilespmem:$0x1FD10]  }
0x9c9: {  	v2 =	vadd.f32 v2, v6;
	v44 =	vld.idx.msk [tilespmem:v4+s17+$0x0], $0xffff;
	v6 =	vmul.f32 v11, v11;
	v48 =	vadd.f32 v26, v5  }
0x9ca: {  	v11 =	vadd.f32 v17, v39;
	v23 =	vsub.f32 v29, v16  }
0x9cb: {  	v3 =	vld [tilespmem:$0x1CF10];
	v2 =	vadd.f32 v6, v2;
	v0 =	vsub.f32 v0, v1  }
0x9cc: {  	v13 =	vsub.f32 v13, v22;
	v22 =	vld [tilespmem:$0x1F800];
	v14 =	vmul.f32 v23, v23;
	v23 =	vmul.f32 v51, v51  }
0x9cd: {  	v6 =	vsub.f32 v9, v35;
	v1 =	vmul.f32 v59, v59;
	v0 =	vadd.f32 v26, v0;
	v51 =	vld [tilespmem:$0x1CF20]  }
0x9ce: {  	v10 =	vmul.f32 v10, v10;
	v26 =	vld.idx.msk [tilespmem:v4+s18+$0x0], $0xffff;
	v62 =	vsub.f32 v44, v58;
	v39 =	vadd.f32 v23, v48  }
0x9cf: {  	v6 =	vmul.f32 v6, v6;
	v0 =	vsub.f32 v0, v1;
	v2 =	vadd.f32 v14, v2;
	v48 =	vld [tilespmem:$0x1CF00]  }
0x9d0: {  	v14 =	vadd.f32 v10, v39;
	v39 =	vld [tilespmem:$0x1CF30]  }
0x9d1: {  	v35 =	vmul.f32 v62, v62;
	v0 =	vadd.f32 v23, v0;
	v23 =	vld [tilespmem:$0x1FD70];
	v2 =	vadd.f32 v6, v2  }
0x9d2: {  	v59 =	vmul.f32 v51, v3;
	v51 =	vld [tilespmem:$0x1CF60]  }
0x9d3: {  	v2 =	vadd.f32 v35, v2;
	v35 =	vld [tilespmem:$0x1CF40]  }
0x9d4: {  	v17 =	vsub.f32 v26, v22;
	v1 =	vmul.f32 v48, v48  }
0x9d5: {  	[tilespmem:$0x1D180] =	vst v9;
	v9 =	vld [tilespmem:$0x1FD20];
	v21 =	vadd.f32 v59, v39  }
0x9d6: {  	v62 =	vld.idx.msk [tilespmem:v4+s19+$0x0], $0xffff;
	v4 =	vmul.f32 v17, v17;
	v0 =	vsub.f32 v0, v1  }
0x9d7: {  	v17 =	vsub.f32 v21, v51;
	v51 =	vmul.f32 v61, v41;
	v61 =	vmul.f32 v33, v34;
	v34 =	vld [tilespmem:$0x1CFA0]  }
0x9d8: {  	v5 =	vld [tilespmem:$0x1D210];
	v23 =	vmul.f32 v23, v38;
	v0 =	vadd.f32 v10, v0;
	v38 =	vmul.f32 v35, v35  }
0x9d9: {  	v19 =	vmul.f32 v19, v19;
	v59 =	vld [tilespmem:$0x1CF70]  }
0x9da: {  	v2 =	vadd.f32 v4, v2;
	v1 =	vor.u32 $0x1A, v50;
	v4 =	vsub.f32 v0, v38  }
0x9db: {  	v55 =	vmul.f32 v43, v55;
	v43 =	vld [tilespmem:$0x1CFD0];
	v12 =	vsub.f32 v62, v9  }
0x9dc: {  	v33 =	vld [tilespmem:$0x1CF80];
	v4 =	vadd.f32 v19, v4;
	v35 =	vmul.f32 v34, v34  }
0x9dd: {  	v48 =	vld [tilespmem:$0x1CF50];
	v21 =	vmul.f32 v12, v12;
	v12 =	vmul.f32 v60, v60  }
0x9de: {  	v41 =	vld [tilespmem:$0x1CFB0];
	v6 =	vmul.f32 v59, v5;
	v59 =	vadd.f32 v19, v14;
	v4 =	vsub.f32 v4, v35  }
0x9df: {  	v38 =	vld.idx.msk [tilespmem:v1+s17+$0x0], $0xffff  }
0x9e0: {  	v19 =	vadd.f32 v12, v59;
	v4 =	vadd.f32 v12, v4;
	v12 =	vld [tilespmem:$0x1CFF0]  }
0x9e1: {  	v10 =	vadd.f32 v6, v33;
	v6 =	vld [tilespmem:$0x1CF90]  }
0x9e2: {  	v35 =	vld [tilespmem:$0x1FD90]  }
0x9e3: {  	v11 =	vsub.f32 v11, v48;
	v48 =	vld [tilespmem:$0x1CFC0]  }
0x9e4: {  	v14 =	vld.idx.msk [tilespmem:v1+s18+$0x0], $0xffff  }
0x9e5: {  	v2 =	vadd.f32 v21, v2;
	v21 =	vadd.f32 v61, v12;
	v61 =	vld [tilespmem:$0x1F7C0]  }
0x9e6: {  	v9 =	vld [tilespmem:$0x1CFE0]  }
0x9e7: {  	v0 =	vadd.f32 v23, v6;
	v34 =	vsub.f32 v38, v35  }
0x9e8: {  	v23 =	vmul.f32 v43, v43;
	v43 =	vld [tilespmem:$0x1D000]  }
0x9e9: {  	v10 =	vsub.f32 v10, v41;
	v41 =	vsub.f32 v0, v48;
	v48 =	vmul.f32 v34, v34  }
0x9ea: {  	v60 =	vld.idx.msk [tilespmem:v1+s19+$0x0], $0xffff;
	v59 =	vsub.f32 v14, v61  }
0x9eb: {  	v55 =	vadd.f32 v55, v9;
	v1 =	vadd.f32 v48, v2;
	v48 =	vld [tilespmem:$0x1D010]  }
0x9ec: {  	v34 =	vld [tilespmem:$0x1D020];
	v59 =	vmul.f32 v59, v59  }
0x9ed: {  	v55 =	vsub.f32 v55, v43;
	v43 =	vld [tilespmem:$0x1D040]  }
0x9ee: {  	v1 =	vadd.f32 v59, v1;
	v59 =	vld [tilespmem:$0x1D030]  }
0x9ef: {  	v2 =	vmul.f32 v15, v15;
	v15 =	vld [tilespmem:$0x1D050]  }
0x9f0: {  	v7 =	vmul.f32 v7, v7;
	v4 =	vsub.f32 v4, v23;
	v23 =	vsub.f32 v21, v48;
	v48 =	vld [tilespmem:$0x1FDA0]  }
0x9f1: {  	v47 =	vmul.f32 v20, v47;
	v20 =	vld [tilespmem:$0x1D060];
	v0 =	vor.u32 $0x1B, v50  }
0x9f2: {  	v19 =	vadd.f32 v7, v19;
	v4 =	vadd.f32 v7, v4;
	v7 =	vmul.f32 v34, v34  }
0x9f3: {  	v34 =	vadd.f32 v51, v59  }
0x9f4: {  	v43 =	vmul.f32 v43, v3;
	v3 =	vld [tilespmem:$0x1FE00];
	v4 =	vsub.f32 v4, v7  }
0x9f5: {  	v51 =	vsub.f32 v60, v48;
	v48 =	vmul.f32 v42, v31;
	v42 =	vld [tilespmem:$0x1D080];
	v34 =	vsub.f32 v34, v15  }
0x9f6: {  	v21 =	vld.idx.msk [tilespmem:v0+s17+$0x0], $0xffff;
	v15 =	vadd.f32 v2, v19;
	v2 =	vadd.f32 v2, v4;
	v4 =	vmul.f32 v20, v20  }
0x9f7: {  	v7 =	vmul.f32 v51, v51;
	v51 =	vld [tilespmem:$0x1D070]  }
0x9f8: {  	v13 =	vmul.f32 v13, v13;
	v31 =	vld [tilespmem:$0x1D090];
	v2 =	vsub.f32 v2, v4  }
0x9f9: {  	v20 =	vld.idx.msk [tilespmem:v0+s18+$0x0], $0xffff;
	v1 =	vadd.f32 v7, v1  }
0x9fa: {  	v7 =	vadd.f32 v13, v15;
	v2 =	vadd.f32 v13, v2;
	v13 =	vmul.f32 v42, v42;
	v42 =	vld [tilespmem:$0x1F750];
	_ =	sdelay $0x1  }
0x9fb: {  	v19 =	vadd.f32 v47, v51  }
0x9fc: {  	v47 =	vsub.f32 v21, v3  }
0x9fd: {  	v4 =	vsub.f32 v19, v36  }
0x9fe: {  	v36 =	vmul.f32 v47, v47;
	v47 =	vadd.f32 v48, v31;
	v48 =	vsub.f32 v20, v42;
	_ =	sdelay $0x1  }
0x9ff: {  	v2 =	vsub.f32 v2, v13;
	v13 =	vadd.f32 v43, v39;
	v43 =	vmul.f32 v48, v48;
	v48 =	vld [tilespmem:$0x1D0B0];
	_ =	sdelay $0x3  }
0xa00: {  	v19 =	vsub.f32 v47, v46;
	v46 =	vld [tilespmem:$0x1D0A0]  }
0xa01: {  	v39 =	vmul.f32 v28, v32;
	v28 =	vmul.f32 v48, v5;
	v5 =	vld [tilespmem:$0x1D0C0];
	_ =	sdelay $0x1  }
0xa02: {  	v11 =	vmul.f32 v11, v11  }
0xa03: {  	v15 =	vadd.f32 v36, v1  }
0xa04: {  	v2 =	vadd.f32 v11, v2;
	v36 =	vor.u32 $0x1C, v50;
	v47 =	vmul.f32 v46, v46  }
0xa05: {  	v15 =	vadd.f32 v43, v15;
	v43 =	vsub.f32 v13, v5;
	v5 =	vmul.f32 v24, v27;
	v27 =	vld [tilespmem:$0x1D0D0]  }
0xa06: {  	v17 =	vmul.f32 v17, v17;
	v2 =	vsub.f32 v2, v47;
	v47 =	vmul.f32 v16, v63;
	v16 =	vld [tilespmem:$0x1FFE0]  }
0xa07: {  	v7 =	vadd.f32 v11, v7  }
0xa08: {  	v1 =	vld.idx.msk [tilespmem:v0+s19+$0x0], $0xffff;
	v28 =	vadd.f32 v28, v33;
	v2 =	vadd.f32 v17, v2;
	v63 =	vmul.f32 v43, v43  }
0xa09: {  	v7 =	vadd.f32 v17, v7;
	v39 =	vadd.f32 v39, v54;
	v17 =	vld [tilespmem:$0x1FE10]  }
0xa0a: {  	v10 =	vmul.f32 v10, v10;
	v13 =	vld.idx.msk [tilespmem:v36+s17+$0x0], $0xffff;
	v2 =	vsub.f32 v2, v63;
	v28 =	vsub.f32 v28, v27  }
0xa0b: {  	v48 =	vsub.f32 v39, v45;
	v43 =	vadd.f32 v16, v6;
	v16 =	vld [tilespmem:$0x1FE30]  }
0xa0c: {  	v39 =	vadd.f32 v5, v53;
	v2 =	vadd.f32 v10, v2;
	v5 =	vmul.f32 v28, v28  }
0xa0d: {  	v7 =	vadd.f32 v10, v7;
	v46 =	vmul.f32 v25, v57;
	v57 =	vld [tilespmem:$0x1FFB0];
	v45 =	vmul.f32 v41, v41  }
0xa0e: {  	v24 =	vsub.f32 v1, v17;
	v27 =	vld [tilespmem:$0x1D0E0];
	v2 =	vsub.f32 v2, v5  }
0xa0f: {  	v7 =	vadd.f32 v45, v7;
	v28 =	vld.idx.msk [tilespmem:v36+s18+$0x0], $0xffff  }
0xa10: {  	v33 =	vmul.f32 v24, v24;
	v63 =	vsub.f32 v13, v16;
	v2 =	vadd.f32 v45, v2;
	v45 =	vld [tilespmem:$0x1F710];
	_ =	sdelay $0x1  }
0xa11: {  	v11 =	vadd.f32 v33, v15;
	v6 =	vmul.f32 v63, v63  }
0xa12: {  	v63 =	vadd.f32 v57, v9;
	v57 =	vld [tilespmem:$0x1D0F0];
	v33 =	vsub.f32 v43, v27  }
0xa13: {  	v11 =	vadd.f32 v6, v11  }
0xa14: {  	v17 =	vld [tilespmem:$0x1FF80];
	v6 =	vmul.f32 v33, v33;
	v33 =	vadd.f32 v46, v52;
	v46 =	vsub.f32 v28, v45;
	_ =	sdelay $0x1  }
0xa15: {  	v41 =	vmul.f32 v46, v46;
	v46 =	vld [tilespmem:$0x1D100]  }
0xa16: {  	v15 =	vsub.f32 v63, v57;
	v2 =	vsub.f32 v2, v6  }
0xa17: {  	v63 =	vmul.f32 v55, v55;
	v27 =	vsub.f32 v33, v37;
	v37 =	vadd.f32 v47, v49;
	v47 =	vld [tilespmem:$0x1FF20]  }
0xa18: {  	v23 =	vmul.f32 v23, v23;
	v24 =	vsub.f32 v39, v40;
	v25 =	vadd.f32 v17, v12;
	v12 =	vld [tilespmem:$0x1FE40]  }
0xa19: {  	v39 =	vor.u32 $0x1D, v50;
	v10 =	vadd.f32 v63, v2;
	v2 =	vld.idx.msk [tilespmem:v36+s19+$0x0], $0xffff;
	v15 =	vmul.f32 v15, v15  }
0xa1a: {  	v43 =	vmul.f32 v42, v3;
	v7 =	vadd.f32 v63, v7;
	v33 =	vsub.f32 v25, v46;
	v25 =	vld [tilespmem:$0x1D110]  }
0xa1b: {  	v36 =	vmul.f32 v61, v35;
	v9 =	vsub.f32 v37, v29;
	v61 =	vld [tilespmem:$0x1FED0];
	v10 =	vsub.f32 v10, v15  }
0xa1c: {  	v3 =	vld [tilespmem:$0x1FEE0];
	v29 =	vmul.f32 v34, v34;
	v7 =	vadd.f32 v23, v7;
	v55 =	vadd.f32 v47, v59  }
0xa1d: {  	v6 =	vld [tilespmem:$0x1FD60];
	v47 =	vadd.f32 v43, v21;
	v10 =	vadd.f32 v23, v10;
	v57 =	vmul.f32 v33, v33  }
0xa1e: {  	v59 =	vmul.f32 v22, v58;
	v58 =	vld [tilespmem:$0x1D120];
	v11 =	vadd.f32 v41, v11;
	v17 =	vsub.f32 v2, v12  }
0xa1f: {  	v15 =	vld.idx.msk [tilespmem:v39+s17+$0x0], $0xffff;
	v10 =	vsub.f32 v10, v57;
	v41 =	vsub.f32 v55, v25  }
0xa20: {  	v7 =	vadd.f32 v29, v7;
	v63 =	vadd.f32 v61, v51;
	v37 =	vmul.f32 v17, v17;
	v17 =	vld [tilespmem:$0x1FEA0]  }
0xa21: {  	v35 =	vld [tilespmem:$0x1D140];
	v20 =	vsub.f32 v47, v20;
	v10 =	vadd.f32 v29, v10;
	v55 =	vmul.f32 v41, v41  }
0xa22: {  	v4 =	vmul.f32 v4, v4;
	v61 =	vld [tilespmem:$0x1D130];
	v12 =	vadd.f32 v6, v52;
	v33 =	vadd.f32 v59, v44  }
0xa23: {  	v43 =	vld [tilespmem:$0x1FD00];
	v59 =	vsub.f32 v63, v58;
	v10 =	vsub.f32 v10, v55  }
0xa24: {  	v34 =	vor.u32 $0x1E, v50;
	v7 =	vadd.f32 v4, v7;
	v51 =	vsub.f32 v15, v3  }
0xa25: {  	v40 =	vld [tilespmem:$0x1F6B0];
	v22 =	vmul.f32 v59, v59;
	v31 =	vadd.f32 v17, v31;
	v4 =	vadd.f32 v4, v10  }
0xa26: {  	v11 =	vadd.f32 v37, v11;
	v37 =	vmul.f32 v19, v19;
	v57 =	vmul.f32 v51, v51;
	v51 =	vld [tilespmem:$0x1D150]  }
0xa27: {  	v63 =	vmul.f32 v61, v32;
	v61 =	vld [tilespmem:$0x1FEF0];
	v31 =	vsub.f32 v31, v35;
	v4 =	vsub.f32 v4, v22  }
0xa28: {  	v58 =	vmul.f32 v45, v16;
	v45 =	vadd.f32 v43, v49;
	v5 =	vsub.f32 v33, v26;
	v55 =	vld [tilespmem:$0x1FDE0]  }
0xa29: {  	v42 =	vadd.f32 v63, v54;
	v41 =	vld.idx.msk [tilespmem:v39+s18+$0x0], $0xffff;
	v31 =	vmul.f32 v31, v31;
	v4 =	vadd.f32 v37, v4  }
0xa2a: {  	v7 =	vadd.f32 v37, v7;
	v59 =	vld [tilespmem:$0x1D160];
	v25 =	vadd.f32 v36, v38;
	v54 =	vmul.f32 v48, v48  }
0xa2b: {  	v19 =	vsub.f32 v42, v51;
	v10 =	vld.idx.msk [tilespmem:v39+s19+$0x0], $0xffff;
	v4 =	vsub.f32 v4, v31  }
0xa2c: {  	v24 =	vmul.f32 v24, v24;
	v32 =	vld [tilespmem:$0x1FF50];
	v11 =	vadd.f32 v57, v11;
	v7 =	vadd.f32 v54, v7  }
0xa2d: {  	v19 =	vmul.f32 v19, v19;
	v57 =	vadd.f32 v55, v53;
	v31 =	vld.idx.msk [tilespmem:v34+s17+$0x0], $0xffff;
	v4 =	vadd.f32 v54, v4  }
0xa2e: {  	v9 =	vmul.f32 v9, v9;
	v36 =	vld [tilespmem:$0x1D170];
	v7 =	vadd.f32 v24, v7;
	v26 =	vsub.f32 v41, v40  }
0xa2f: {  	v39 =	vmul.f32 v27, v27;
	v23 =	vsub.f32 v57, v59;
	v4 =	vsub.f32 v4, v19  }
0xa30: {  	v29 =	vadd.f32 v58, v13;
	v46 =	vmul.f32 v26, v26;
	v63 =	vsub.f32 v10, v61  }
0xa31: {  	v58 =	vld [tilespmem:$0x1FDB0];
	v7 =	vadd.f32 v39, v7;
	v23 =	vmul.f32 v23, v23;
	v4 =	vadd.f32 v24, v4  }
0xa32: {  	v48 =	vld [tilespmem:$0x1D180];
	v11 =	vadd.f32 v46, v11;
	v26 =	vmul.f32 v63, v63;
	v33 =	vsub.f32 v31, v32  }
0xa33: {  	v5 =	vmul.f32 v5, v5;
	v37 =	vsub.f32 v12, v36;
	v4 =	vsub.f32 v4, v23  }
0xa34: {  	v49 =	vld [tilespmem:$0x1FD30];
	v14 =	vsub.f32 v25, v14;
	v11 =	vadd.f32 v26, v11;
	v19 =	vmul.f32 v33, v33  }
0xa35: {  	v35 =	vld.idx.msk [tilespmem:v34+s18+$0x0], $0xffff;
	v7 =	vadd.f32 v9, v7;
	v12 =	vmul.f32 v37, v37;
	v4 =	vadd.f32 v39, v4  }
0xa36: {  	v42 =	vmul.f32 v40, v3;
	v46 =	vld [tilespmem:$0x1F660];
	v59 =	vadd.f32 v58, v38;
	v11 =	vadd.f32 v19, v11  }
0xa37: {  	v38 =	vld [tilespmem:$0x1D190];
	v19 =	vsub.f32 v45, v48;
	v4 =	vsub.f32 v4, v12  }
0xa38: {  	v25 =	vadd.f32 v42, v15;
	v7 =	vadd.f32 v5, v7;
	v37 =	vld [tilespmem:$0x1FE60];
	v23 =	vor.u32 $0x1F, v50  }
0xa39: {  	v27 =	vld.idx.msk [tilespmem:v34+s19+$0x0], $0xffff;
	v50 =	vadd.f32 v49, v44;
	v52 =	vmul.f32 v19, v19;
	v4 =	vadd.f32 v9, v4  }
0xa3a: {  	v8 =	vmul.f32 v8, v8;
	v0 =	vsub.f32 v59, v60;
	v54 =	vld [tilespmem:$0x1FF40];
	v26 =	vsub.f32 v29, v28  }
0xa3b: {  	v3 =	vsub.f32 v50, v62;
	v4 =	vsub.f32 v4, v52  }
0xa3c: {  	v47 =	vsub.f32 v35, v46;
	v53 =	vmul.f32 v46, v32;
	v8 =	vsub.f32 v38, v8;
	v33 =	vld [tilespmem:$0x1FE20]  }
0xa3d: {  	v13 =	vadd.f32 v37, v13;
	v3 =	vmul.f32 v3, v3;
	v4 =	vadd.f32 v5, v4  }
0xa3e: {  	v32 =	vmul.f32 v14, v14;
	v43 =	vadd.f32 v56, v31;
	v61 =	vadd.f32 v53, v31  }
0xa3f: {  	v40 =	vld [tilespmem:$0x1D1A0];
	v55 =	vsub.f32 v27, v54;
	v3 =	vsub.f32 v4, v3  }
0xa40: {  	v22 =	vld [tilespmem:$0x1F620];
	v36 =	vmul.f32 v20, v20;
	v7 =	vadd.f32 v32, v7;
	v2 =	vsub.f32 v13, v2  }
0xa41: {  	v28 =	vld [tilespmem:$0x1DA10];
	v0 =	vmul.f32 v0, v0;
	v14 =	vadd.f32 v33, v21;
	v3 =	vadd.f32 v32, v3  }
0xa42: {  	v46 =	vld [tilespmem:$0x1D1B0];
	v51 =	vmul.f32 v47, v47;
	v7 =	vadd.f32 v36, v7;
	v39 =	vadd.f32 v18, v8  }
0xa43: {  	v42 =	vmul.f32 v26, v26;
	v48 =	vld [tilespmem:s1+$0x14600];
	v1 =	vsub.f32 v14, v1;
	v0 =	vsub.f32 v3, v0  }
0xa44: {  	v62 =	vmul.f32 v55, v55;
	v11 =	vadd.f32 v51, v11;
	v12 =	vsub.f32 v25, v41;
	v57 =	vld.idx.msk [tilespmem:v23+s17+$0x0], $0xffff  }
0xa45: {  	v7 =	vadd.f32 v42, v7;
	v63 =	vld.idx.msk [tilespmem:v23+s18+$0x0], $0xffff;
	v1 =	vmul.f32 v1, v1;
	v0 =	vadd.f32 v36, v0  }
0xa46: {  	v47 =	vld [tilespmem:$0x1FD80];
	v41 =	vadd.f32 v30, v15;
	v11 =	vadd.f32 v62, v11;
	v49 =	vmul.f32 v12, v12  }
0xa47: {  	v8 =	vmul.f32 v40, v40;
	v9 =	vsub.f32 v61, v35;
	v0 =	vsub.f32 v0, v1  }
0xa48: {  	v53 =	vld [tilespmem:$0x1D1C0];
	v29 =	vmul.f32 v22, v28;
	v45 =	vsub.f32 v41, v10;
	v7 =	vadd.f32 v49, v7  }
0xa49: {  	v44 =	vmul.f32 v2, v2;
	v51 =	vld.idx.msk [tilespmem:v23+s19+$0x0], $0xffff;
	v3 =	vsub.f32 v39, v8;
	v0 =	vadd.f32 v42, v0  }
0xa4a: {  	v55 =	vmul.f32 v48, v28;
	v52 =	vld [tilespmem:$0x1FE70];
	v34 =	vadd.f32 v29, v57;
	v35 =	vsub.f32 v63, v22  }
0xa4b: {  	v10 =	vmul.f32 v46, v46;
	v3 =	vadd.f32 v47, v3;
	v0 =	vsub.f32 v0, v44  }
0xa4c: {  	v50 =	vsub.f32 v57, v28;
	v6 =	vadd.f32 v55, v57  }
0xa4d: {  	v56 =	vld [tilespmem:$0x1D1D0];
	v2 =	vmul.f32 v45, v45;
	v3 =	vsub.f32 v3, v10;
	v0 =	vadd.f32 v49, v0  }
0xa4e: {  	v12 =	vmul.f32 v53, v53;
	v57 =	vld [tilespmem:$0x1D1E0];
	v58 =	vsub.f32 v51, v48;
	v8 =	vsub.f32 v43, v27  }
0xa4f: {  	v59 =	vld [tilespmem:$0x1D1F0];
	v54 =	vmul.f32 v9, v9;
	v3 =	vadd.f32 v52, v3;
	v0 =	vsub.f32 v0, v2  }
0xa50: {  	v5 =	vsub.f32 v34, v63;
	v4 =	vmul.f32 v35, v35;
	v10 =	vmul.f32 v50, v50  }
0xa51: {  	v8 =	vmul.f32 v8, v8;
	v3 =	vsub.f32 v3, v12;
	v0 =	vadd.f32 v54, v0  }
0xa52: {  	v5 =	vmul.f32 v5, v5;
	v1 =	vsub.f32 v6, v51;
	v10 =	vadd.f32 v10, v11  }
0xa53: {  	v62 =	vld [tilespmem:$0x1D200];
	v9 =	vmul.f32 v57, v57;
	v3 =	vadd.f32 v56, v3;
	v0 =	vsub.f32 v0, v8  }
0xa54: {  	v60 =	vmul.f32 v58, v58;
	v6 =	vadd.f32 $5.000000000e-01, v59;
	v4 =	vadd.f32 v4, v10  }
0xa55: {  	v1 =	vmul.f32 v1, v1;
	v3 =	vsub.f32 v3, v9;
	v0 =	vadd.f32 v5, v0  }
0xa56: {  	v4 =	vadd.f32 v60, v4;
	v2 =	vadd.f32 v54, v7  }
0xa57: {  	v61 =	vmax.f32 v6, $0.0e+00;
	v3 =	vadd.f32 $5.000000000e-01, v3;
	v0 =	vsub.f32 v0, v1  }
0xa58: {  	v2 =	vadd.f32 v5, v2;
	v1 =	vadd.f32 v61, v62  }
0xa59: {  	v3 =	vmax.f32 v3, $0.0e+00;
	v0 =	vadd.f32 $5.000000000e-01, v0  }
0xa5a: {  	v2 =	vadd.f32 v2, v4;
	v1 =	vadd.f32 v3, v1  }
0xa5b: {  	v0 =	vmax.f32 v0, $0.0e+00  }
0xa5c: {  	v63 =	vmul.f32 $1.000000010e-01, v2;
	v0 =	vadd.f32 v0, v1;
	_ =	sdelay $0x1  }
0xa5d: {  	s0 =	sadd.s32 $0x1, s0;
	v0 =	vadd.f32 v63, v0  }
0xa5e: {  	p0 =	sne.s32 s0, s12  }
.Ltmp1:
0xa5f: {  	[tilespmem:$0x18600] =	vst v0;
	(pc) =	sbr.rel @p0 .LBB2_1-.Ltmp1, $4  }
0xa60: {  	[hbm4b:s11+s2] =	stream.linear.scatter [tilespmem:s31], [sflag:$0x2], $0x10, $0x38;
	[tilespmem:$0x18610] =	vst v63  }
0xa61: {  	_ =	swait.ge [sflag:s13], $0x10  }
0xa62: {  	[sflag:s13] =	ssyncset.done $0x0  }
0xa63: {  	[sflag:s13] =	ssyncadd.s32 $0xFFFFFFF0  }
0xa64: {  	_ =	sfence.sel $0x180000  }
0xa65: {  	[bflag:$0x0] =	sbarrier.arrive $0xFFFF  }
0xa66: {  	_ =	strace $0x90000047  }
0xa67: {  	s0 =	stileid.u32;
	[bflag:$0x2] =	sbarrier.arrive $0xFFFF  }
0xa68: {  	p0 =	sne.s32 s0, $0x0;
	s0 =	rddreg [dreg:$0x7]  }
0xa69: {  	s0 =	sadd.s32 @!p0 $0x100000, s0  }
0xa6a: {  	[sflag:s0] =	ssyncadd.tile.s32 @!p0 $0x1;
	_ =	shalt  }
.Lfunc_end2:
_tile_overlayer_lowered:
.L_overlay_start_2:
0xa6b: {  	(tag) =	ssettag $0x2  }
0xa6c: {  	s0 =	rddreg [dreg:$0x0];
	s2 =	stileid.u32  }
0xa6d: {  	s1 =	rddreg [dreg:$0x1];
	p0 =	sne.s32 s2, $0x0  }
0xa6e: {  	s3 =	rddreg [dreg:$0x2];
	[bflag:$0x3] =	sbarrier.arrive $0xFFFF;
	s2 =	simm.s32 @!p0 $0x1C02  }
0xa6f: {  	[timem:s3], [sflag:s2] =	dma.local @!p0 [hbm:s0], s1  }
0xa70: {  	s0 =	simm.s32 @!p0 $0x2  }
0xa71: {  	_ =	swait.ge @!p0 [sflag:s0], s1  }
0xa72: {  	s1 =	ssub.s32 @!p0 $0x0, s1;
	[sflag:s0] =	ssyncset.done @!p0 $0x0  }
0xa73: {  	[sflag:s0] =	ssyncadd.s32 @!p0 s1  }
0xa74: {  	[bflag:$0x3] =	sbarrier.arrive $0xFFFF  }
0xa75: {  	_ =	shalt  }

</sc_bundles>
